<compile_context>
chip_gen: v7x
topology: tpu7x:2x2x1
jax: 0.10.2.dev20260603
libtpu: 0.0.44.dev20260713+nightly
codegen_flags: <defaults>
</compile_context>

<pallas_src>
import functools

import numpy as np
import jax
import jax.numpy as jnp
from jax import lax
from jax.experimental import pallas as pl
from jax.experimental.pallas import tpu as pltpu
from jax.experimental.pallas import tpu_sc as plsc

_TOPK_RATIO = 0.3
_TEMPERATURE = 10.0
_MIN_WEIGHT = 0.1
_SPATIAL_SCALE = 2.0


_BISECT_ITERS = 18


def _sc_mask_kernel(rank, B, al_hbm, ar_hbm, out_hbm, al_v, ar_v, aw_v, u_v, m_v):
    nc = 2
    wid = lax.axis_index("s") * nc + lax.axis_index("c")

    @pl.when(wid < B)
    def _():
        pltpu.sync_copy(al_hbm.at[wid], al_v)
        pltpu.sync_copy(ar_hbm.at[wid], ar_v)

        iota = lax.iota(jnp.int32, 16)
        w0s = [
            0.25 + 0.5 * (((iota + 16 * c) & 1).astype(jnp.float32))
            for c in range(3)
        ]

        def wpass(k, _):
            for c in range(3):
                sl = pl.ds(k * 48 + 16 * c, 16)
                aw_v[sl] = w0s[c] * al_v[sl] + (1.0 - w0s[c]) * ar_v[sl]
            return 0

        lax.fori_loop(0, 24, wpass, 0)

        for h in range(48):
            j = h // 2
            if h % 2 == 0:
                k0, wh0, k1, wh1 = max(j - 1, 0), 0.25, j, 0.75
            else:
                k0, wh0, k1, wh1 = j, 0.75, min(j + 1, 23), 0.25
            for c in range(3):
                u_v[pl.ds(h * 48 + 16 * c, 16)] = (
                    wh0 * aw_v[pl.ds(k0 * 48 + 16 * c, 16)]
                    + wh1 * aw_v[pl.ds(k1 * 48 + 16 * c, 16)]
                )

        def mmbody(i, c):
            mn, mx = c
            for q in range(6):
                uc = u_v[pl.ds(i * 96 + q * 16, 16)]
                mn = jnp.minimum(mn, uc)
                mx = jnp.maximum(mx, uc)
            return mn, mx

        mnv, mxv = lax.fori_loop(
            0, 24, mmbody, (u_v[pl.ds(0, 16)], u_v[pl.ds(0, 16)])
        )
        lo = mnv[0]
        hi = mxv[0]
        for j in range(1, 16):
            lo = jnp.minimum(lo, mnv[j])
            hi = jnp.maximum(hi, mxv[j])

        rankf = jnp.float32(rank)

        def bis(_, c):
            lo, hi = c
            mid = 0.5 * (lo + hi)

            def cnt(i, acc):
                for q in range(12):
                    uc = u_v[pl.ds(i * 192 + q * 16, 16)]
                    acc = acc + jnp.where(uc < mid, 1.0, 0.0)
                return acc

            acc = lax.fori_loop(0, 12, cnt, jnp.zeros((16,), jnp.float32))
            s = acc[0]
            for j in range(1, 16):
                s = s + acc[j]
            ok = s <= rankf
            return jnp.where(ok, mid, lo), jnp.where(ok, hi, mid)

        lo, hi = lax.fori_loop(0, _BISECT_ITERS, bis, (lo, hi))
        thr = lo

        def sbody(i, _):
            for q in range(6):
                sl = pl.ds(i * 96 + q * 16, 16)
                m_v[sl] = 1.0 / (1.0 + jnp.exp(-_TEMPERATURE * (u_v[sl] - thr)))
            return 0

        lax.fori_loop(0, 24, sbody, 0)
        pltpu.sync_copy(m_v, out_hbm.at[wid])


def _sc_mask(al, ar, rank):
    B, _ = al.shape
    mesh = plsc.VectorSubcoreMesh(core_axis_name="c", subcore_axis_name="s")
    return pl.kernel(
        functools.partial(_sc_mask_kernel, rank, B),
        out_type=jax.ShapeDtypeStruct((B, 2304), jnp.float32),
        mesh=mesh,
        scratch_types=[
            pltpu.VMEM((1152,), jnp.float32),
            pltpu.VMEM((1152,), jnp.float32),
            pltpu.VMEM((1152,), jnp.float32),
            pltpu.VMEM((2304,), jnp.float32),
            pltpu.VMEM((2304,), jnp.float32),
        ],
    )(al, ar)


def _mul_kernel(H, mt_ref, f_ref, o_ref):
    for h in range(H):
        col = mt_ref[0, :, h : h + 1] + _MIN_WEIGHT
        o_ref[0, h] = f_ref[0, h] * col


def kernel(local_feat, attention_map):
    B, C, H, W = local_feat.shape
    Bb, C1, Hg, Wg = attention_map.shape
    Hu = int(Hg * _SPATIAL_SCALE)
    Wu = int(Wg * _SPATIAL_SCALE)
    assert (Hu, Wu) == (H, W) and C1 == 1 and Bb == B
    N = Hu * Wu
    k = int(_TOPK_RATIO * N)
    rank = N - k - 1

    wv = np.arange(Wu)
    l0 = np.maximum((wv - 1) >> 1, 0)
    l1 = np.minimum((wv + 1) >> 1, Wg - 1)
    att3 = attention_map.reshape(B, Hg, Wg)
    al = att3[:, :, l0].reshape(B, Hg * Wu)
    ar = att3[:, :, l1].reshape(B, Hg * Wu)

    mask_flat = _sc_mask(al, ar, rank)
    mask = mask_flat.reshape(B, 1, Hu, Wu)
    mask_t = mask_flat.reshape(B, Hu, Wu).transpose(0, 2, 1)

    feat_t = jnp.transpose(local_feat, (0, 2, 3, 1))
    weighted_t = pl.pallas_call(
        functools.partial(_mul_kernel, H),
        grid=(B,),
        in_specs=[
            pl.BlockSpec((1, W, H), lambda b: (b, 0, 0)),
            pl.BlockSpec((1, H, W, C), lambda b: (b, 0, 0, 0)),
        ],
        out_specs=pl.BlockSpec((1, H, W, C), lambda b: (b, 0, 0, 0)),
        out_shape=jax.ShapeDtypeStruct((B, H, W, C), jnp.float32),
    )(mask_t, feat_t)
    weighted = jnp.transpose(weighted_t, (0, 3, 1, 2))

    return weighted, mask

# --- scband reference (transcript-rebuilt; emitter-appended) ---
"""Pipeline reference for scband-soft-top-kregion-selection-74517682585705 (READ-ONLY COPY).

The authoritative reference and input builder live on the scoring server;
editing this copy changes nothing except your own understanding.
"""

import jax, jax.numpy as jnp
import numpy as np

TOPK_RATIO = 0.3
TEMPERATURE = 10.0
MIN_WEIGHT = 0.1
SPATIAL_SCALE = 2.0


def setup_inputs(seed: int = 0) -> dict:
    key = jax.random.key(seed)
    k1, k2 = jax.random.split(key)
    local_feat = jax.random.normal(k1, (16, 384, 48, 48), dtype=jnp.float32)
    attention_map = jax.random.normal(k2, (16, 1, 24, 24), dtype=jnp.float32)
    return {"local_feat": local_feat, "attention_map": attention_map}


def _differentiable_topk(importance_scores):
    # training-path DifferentiableTopK (torch modules default to training=True)
    B, C, H, W = importance_scores.shape
    N = H * W
    flat = importance_scores.reshape(B, C, -1)
    # importance_normalization: sort is computed in the original code; its scatter
    # writes ranks[0,0,0] == 0.0 everywhere so the result is all-zeros and unused.
    sorted_desc = jnp.sort(flat, axis=-1)[..., ::-1]
    normalized_importance = jnp.zeros_like(flat).reshape(B, C, H, W)
    _ = (sorted_desc, normalized_importance)
    # soft_mask_generation: threshold = kthvalue(N - k) == (N-k)-th smallest (1-indexed)
    k = int(TOPK_RATIO * N)
    sorted_asc = jnp.sort(flat, axis=-1)
    threshold = sorted_asc[..., N - k - 1]
    threshold = threshold.reshape(B, C, 1, 1)
    soft_mask = jax.nn.sigmoid(TEMPERATURE * (importance_scores - threshold))
    return soft_mask


def reference(local_feat, attention_map):
    B, C1, Hg, Wg = attention_map.shape
    Hu = int(Hg * SPATIAL_SCALE)
    Wu = int(Wg * SPATIAL_SCALE)
    # F.interpolate(mode='bilinear', align_corners=False) == jax.image.resize bilinear (half-pixel centers)
    upsampled_attention = jax.image.resize(attention_map, (B, C1, Hu, Wu), method='bilinear')
    selection_mask = _differentiable_topk(upsampled_attention)
    weighted_local_feat = local_feat * (selection_mask + MIN_WEIGHT)
    return (weighted_local_feat, selection_mask)

if __name__ == "__main__":
    import jax
    _d = setup_inputs()
    print(jax.jit(kernel)(*tuple(_d.values())))

</pallas_src>

<mosaic_0001>
#map = affine_map<(d0, d1) -> (0, 0)>
module attributes {stable_mosaic.version = 14 : i64} {
  func.func @_sc_mask_kernel(%arg0: i32, %arg1: i32, %arg2: memref<16x1152xf32, #tpu.memory_space<hbm>>, %arg3: memref<16x1152xf32, #tpu.memory_space<hbm>>, %arg4: memref<16x2304xf32, #tpu.memory_space<hbm>>, %arg5: memref<1152xf32, #tpu.memory_space<vmem>>, %arg6: memref<1152xf32, #tpu.memory_space<vmem>>, %arg7: memref<1152xf32, #tpu.memory_space<vmem>>, %arg8: memref<2304xf32, #tpu.memory_space<vmem>>, %arg9: memref<2304xf32, #tpu.memory_space<vmem>>) attributes {dimension_semantics = [#tpu.dimension_semantics<core_parallel>, #tpu.dimension_semantics<subcore_parallel>], iteration_bounds = array<i64: 2, 16>, scalar_prefetch = 0 : i64, scratch_operands = 5 : i64, tpu.core_type = #tpu.core_type<sc_vector_subcore>, window_params = [{transform_indices = #map}, {transform_indices = #map}, {transform_indices = #map}]} {
    %mul3A = arith.constant 2 : i32
    %mul3A_0 = arith.muli %arg1, %mul3A : i32
    %add3A = arith.addi %mul3A_0, %arg0 : i32
    %lt3A = arith.constant 16 : i32
    %lt3A_1 = arith.cmpi slt, %add3A, %lt3A : i32
    %convert_element_type3A = arith.extui %lt3A_1 : i1 to i32
    %cond3A = arith.constant 0 : i32
    %cond3A_2 = arith.cmpi ne, %convert_element_type3A, %cond3A : i32
    scf.if %cond3A_2 {
      "tpu.region"() ({
        %run_scoped3A = tpu.sem_alloc : memref<!tpu.dma_semaphore, #tpu.memory_space<semaphore_mem>>
        %dma_start3A = arith.constant 0 : i32
        %dma_start3A_2609 = tpu.memref_slice %arg2[%add3A, %dma_start3A] : memref<16x1152xf32, #tpu.memory_space<hbm>> -> memref<1x1152xf32, #tpu.memory_space<hbm>>
        %dma_start3A_2610 = tpu.memref_squeeze %dma_start3A_2609 : memref<1x1152xf32, #tpu.memory_space<hbm>> -> memref<1152xf32, #tpu.memory_space<hbm>>
        %dma_start3A_2611 = arith.constant 0 : i32
        %dma_start3A_2612 = tpu.memref_slice %arg2[%add3A, %dma_start3A_2611] : memref<16x1152xf32, #tpu.memory_space<hbm>> -> memref<1x1152xf32, #tpu.memory_space<hbm>>
        %dma_start3A_2613 = tpu.memref_squeeze %dma_start3A_2612 : memref<1x1152xf32, #tpu.memory_space<hbm>> -> memref<1152xf32, #tpu.memory_space<hbm>>
        tpu.enqueue_dma source(%dma_start3A_2613 : memref<1152xf32, #tpu.memory_space<hbm>>) target(%arg5 : memref<1152xf32, #tpu.memory_space<vmem>>) target_semaphore(%run_scoped3A : memref<!tpu.dma_semaphore, #tpu.memory_space<semaphore_mem>>)
        %dma_wait3A = arith.constant 0 : i32
        %dma_wait3A_2614 = tpu.memref_slice %arg2[%add3A, %dma_wait3A] : memref<16x1152xf32, #tpu.memory_space<hbm>> -> memref<1x1152xf32, #tpu.memory_space<hbm>>
        %dma_wait3A_2615 = tpu.memref_squeeze %dma_wait3A_2614 : memref<1x1152xf32, #tpu.memory_space<hbm>> -> memref<1152xf32, #tpu.memory_space<hbm>>
        %dma_wait3A_2616 = arith.constant 0 : i32
        %dma_wait3A_2617 = tpu.memref_slice %arg2[%add3A, %dma_wait3A_2616] : memref<16x1152xf32, #tpu.memory_space<hbm>> -> memref<1x1152xf32, #tpu.memory_space<hbm>>
        %dma_wait3A_2618 = tpu.memref_squeeze %dma_wait3A_2617 : memref<1x1152xf32, #tpu.memory_space<hbm>> -> memref<1152xf32, #tpu.memory_space<hbm>>
        tpu.wait_dma2 semaphore(%run_scoped3A : memref<!tpu.dma_semaphore, #tpu.memory_space<semaphore_mem>>) src(%dma_wait3A_2618 : memref<1152xf32, #tpu.memory_space<hbm>>) dst(%arg5 : memref<1152xf32, #tpu.memory_space<vmem>>)
        tpu.yield
      }) : () -> ()
      "tpu.region"() ({
        %run_scoped3A = tpu.sem_alloc : memref<!tpu.dma_semaphore, #tpu.memory_space<semaphore_mem>>
        %dma_start3A = arith.constant 0 : i32
        %dma_start3A_2609 = tpu.memref_slice %arg3[%add3A, %dma_start3A] : memref<16x1152xf32, #tpu.memory_space<hbm>> -> memref<1x1152xf32, #tpu.memory_space<hbm>>
        %dma_start3A_2610 = tpu.memref_squeeze %dma_start3A_2609 : memref<1x1152xf32, #tpu.memory_space<hbm>> -> memref<1152xf32, #tpu.memory_space<hbm>>
        %dma_start3A_2611 = arith.constant 0 : i32
        %dma_start3A_2612 = tpu.memref_slice %arg3[%add3A, %dma_start3A_2611] : memref<16x1152xf32, #tpu.memory_space<hbm>> -> memref<1x1152xf32, #tpu.memory_space<hbm>>
        %dma_start3A_2613 = tpu.memref_squeeze %dma_start3A_2612 : memref<1x1152xf32, #tpu.memory_space<hbm>> -> memref<1152xf32, #tpu.memory_space<hbm>>
        tpu.enqueue_dma source(%dma_start3A_2613 : memref<1152xf32, #tpu.memory_space<hbm>>) target(%arg6 : memref<1152xf32, #tpu.memory_space<vmem>>) target_semaphore(%run_scoped3A : memref<!tpu.dma_semaphore, #tpu.memory_space<semaphore_mem>>)
        %dma_wait3A = arith.constant 0 : i32
        %dma_wait3A_2614 = tpu.memref_slice %arg3[%add3A, %dma_wait3A] : memref<16x1152xf32, #tpu.memory_space<hbm>> -> memref<1x1152xf32, #tpu.memory_space<hbm>>
        %dma_wait3A_2615 = tpu.memref_squeeze %dma_wait3A_2614 : memref<1x1152xf32, #tpu.memory_space<hbm>> -> memref<1152xf32, #tpu.memory_space<hbm>>
        %dma_wait3A_2616 = arith.constant 0 : i32
        %dma_wait3A_2617 = tpu.memref_slice %arg3[%add3A, %dma_wait3A_2616] : memref<16x1152xf32, #tpu.memory_space<hbm>> -> memref<1x1152xf32, #tpu.memory_space<hbm>>
        %dma_wait3A_2618 = tpu.memref_squeeze %dma_wait3A_2617 : memref<1x1152xf32, #tpu.memory_space<hbm>> -> memref<1152xf32, #tpu.memory_space<hbm>>
        tpu.wait_dma2 semaphore(%run_scoped3A : memref<!tpu.dma_semaphore, #tpu.memory_space<semaphore_mem>>) src(%dma_wait3A_2618 : memref<1152xf32, #tpu.memory_space<hbm>>) dst(%arg6 : memref<1152xf32, #tpu.memory_space<vmem>>)
        tpu.yield
      }) : () -> ()
      %iota3A = tpu.iota {dimensions = array<i32: 0>} : vector<16xi32>
      %add3A_3 = arith.constant 0 : i32
      %add3A_4 = vector.broadcast %add3A_3 : i32 to vector<16xi32>
      %add3A_5 = arith.addi %iota3A, %add3A_4 : vector<16xi32>
      %and3A = arith.constant 1 : i32
      %and3A_6 = vector.broadcast %and3A : i32 to vector<16xi32>
      %and3A_7 = arith.andi %add3A_5, %and3A_6 : vector<16xi32>
      %convert_element_type3A_8 = arith.sitofp %and3A_7 : vector<16xi32> to vector<16xf32>
      %mul3A_9 = arith.constant 5.000000e-01 : f32
      %mul3A_10 = vector.broadcast %mul3A_9 : f32 to vector<16xf32>
      %mul3A_11 = arith.mulf %mul3A_10, %convert_element_type3A_8 : vector<16xf32>
      %add3A_12 = arith.constant 2.500000e-01 : f32
      %add3A_13 = vector.broadcast %add3A_12 : f32 to vector<16xf32>
      %add3A_14 = arith.addf %add3A_13, %mul3A_11 : vector<16xf32>
      %add3A_15 = arith.constant 16 : i32
      %add3A_16 = vector.broadcast %add3A_15 : i32 to vector<16xi32>
      %add3A_17 = arith.addi %iota3A, %add3A_16 : vector<16xi32>
      %and3A_18 = arith.constant 1 : i32
      %and3A_19 = vector.broadcast %and3A_18 : i32 to vector<16xi32>
      %and3A_20 = arith.andi %add3A_17, %and3A_19 : vector<16xi32>
      %convert_element_type3A_21 = arith.sitofp %and3A_20 : vector<16xi32> to vector<16xf32>
      %mul3A_22 = arith.constant 5.000000e-01 : f32
      %mul3A_23 = vector.broadcast %mul3A_22 : f32 to vector<16xf32>
      %mul3A_24 = arith.mulf %mul3A_23, %convert_element_type3A_21 : vector<16xf32>
      %add3A_25 = arith.constant 2.500000e-01 : f32
      %add3A_26 = vector.broadcast %add3A_25 : f32 to vector<16xf32>
      %add3A_27 = arith.addf %add3A_26, %mul3A_24 : vector<16xf32>
      %add3A_28 = arith.constant 32 : i32
      %add3A_29 = vector.broadcast %add3A_28 : i32 to vector<16xi32>
      %add3A_30 = arith.addi %iota3A, %add3A_29 : vector<16xi32>
      %and3A_31 = arith.constant 1 : i32
      %and3A_32 = vector.broadcast %and3A_31 : i32 to vector<16xi32>
      %and3A_33 = arith.andi %add3A_30, %and3A_32 : vector<16xi32>
      %convert_element_type3A_34 = arith.sitofp %and3A_33 : vector<16xi32> to vector<16xf32>
      %mul3A_35 = arith.constant 5.000000e-01 : f32
      %mul3A_36 = vector.broadcast %mul3A_35 : f32 to vector<16xf32>
      %mul3A_37 = arith.mulf %mul3A_36, %convert_element_type3A_34 : vector<16xf32>
      %add3A_38 = arith.constant 2.500000e-01 : f32
      %add3A_39 = vector.broadcast %add3A_38 : f32 to vector<16xf32>
      %add3A_40 = arith.addf %add3A_39, %mul3A_37 : vector<16xf32>
      %scan3A = arith.constant 0 : i32
      %scan3A_41 = arith.constant 0 : i32
      %scan3A_42 = arith.constant 24 : i32
      %scan3A_43 = arith.addi %scan3A_41, %scan3A_42 : i32
      %scan3A_44 = arith.constant 1 : i32
      %scan3A_45 = scf.for %scan3A_2609 = %scan3A_41 to %scan3A_43 step %scan3A_44 iter_args(%scan3A_2610 = %scan3A) -> (i32)  : i32 {
        %mul3A_2611 = arith.constant 48 : i32
        %mul3A_2612 = arith.muli %scan3A_2609, %mul3A_2611 : i32
        %add3A_2613 = arith.constant 0 : i32
        %add3A_2614 = arith.addi %mul3A_2612, %add3A_2613 : i32
        %get3A_2615 = arith.index_cast %add3A_2614 : i32 to index
        %get3A_2616 = tpu.vector_load %arg5[%get3A_2615] {strides = array<i32>} : memref<1152xf32, #tpu.memory_space<vmem>>, vector<16xf32>,
        %get3A_2617 = vector.shape_cast %get3A_2616 : vector<16xf32> to vector<16xf32>
        %mul3A_2618 = arith.mulf %add3A_14, %get3A_2617 : vector<16xf32>
        %sub3A = arith.constant 1.000000e+00 : f32
        %sub3A_2619 = vector.broadcast %sub3A : f32 to vector<16xf32>
        %sub3A_2620 = arith.subf %sub3A_2619, %add3A_14 : vector<16xf32>
        %get3A_2621 = arith.index_cast %add3A_2614 : i32 to index
        %get3A_2622 = tpu.vector_load %arg6[%get3A_2621] {strides = array<i32>} : memref<1152xf32, #tpu.memory_space<vmem>>, vector<16xf32>,
        %get3A_2623 = vector.shape_cast %get3A_2622 : vector<16xf32> to vector<16xf32>
        %mul3A_2624 = arith.mulf %sub3A_2620, %get3A_2623 : vector<16xf32>
        %add3A_2625 = arith.addf %mul3A_2618, %mul3A_2624 : vector<16xf32>
        %swap3A_2626 = arith.index_cast %add3A_2614 : i32 to index
        %swap3A_2627 = tpu.vector_load %arg7[%swap3A_2626] {strides = array<i32>} : memref<1152xf32, #tpu.memory_space<vmem>>, vector<16xf32>,
        %swap3A_2628 = vector.shape_cast %swap3A_2627 : vector<16xf32> to vector<16xf32>
        %swap3A_2629 = vector.shape_cast %add3A_2625 : vector<16xf32> to vector<16xf32>
        tpu.vector_store %arg7[%swap3A_2626], %swap3A_2629 {strides = array<i32>} : memref<1152xf32, #tpu.memory_space<vmem>>, vector<16xf32>,
        %mul3A_2630 = arith.constant 48 : i32
        %mul3A_2631 = arith.muli %scan3A_2609, %mul3A_2630 : i32
        %add3A_2632 = arith.constant 16 : i32
        %add3A_2633 = arith.addi %mul3A_2631, %add3A_2632 : i32
        %get3A_2634 = arith.index_cast %add3A_2633 : i32 to index
        %get3A_2635 = tpu.vector_load %arg5[%get3A_2634] {strides = array<i32>} : memref<1152xf32, #tpu.memory_space<vmem>>, vector<16xf32>,
        %get3A_2636 = vector.shape_cast %get3A_2635 : vector<16xf32> to vector<16xf32>
        %mul3A_2637 = arith.mulf %add3A_27, %get3A_2636 : vector<16xf32>
        %sub3A_2638 = arith.constant 1.000000e+00 : f32
        %sub3A_2639 = vector.broadcast %sub3A_2638 : f32 to vector<16xf32>
        %sub3A_2640 = arith.subf %sub3A_2639, %add3A_27 : vector<16xf32>
        %get3A_2641 = arith.index_cast %add3A_2633 : i32 to index
        %get3A_2642 = tpu.vector_load %arg6[%get3A_2641] {strides = array<i32>} : memref<1152xf32, #tpu.memory_space<vmem>>, vector<16xf32>,
        %get3A_2643 = vector.shape_cast %get3A_2642 : vector<16xf32> to vector<16xf32>
        %mul3A_2644 = arith.mulf %sub3A_2640, %get3A_2643 : vector<16xf32>
        %add3A_2645 = arith.addf %mul3A_2637, %mul3A_2644 : vector<16xf32>
        %swap3A_2646 = arith.index_cast %add3A_2633 : i32 to index
        %swap3A_2647 = tpu.vector_load %arg7[%swap3A_2646] {strides = array<i32>} : memref<1152xf32, #tpu.memory_space<vmem>>, vector<16xf32>,
        %swap3A_2648 = vector.shape_cast %swap3A_2647 : vector<16xf32> to vector<16xf32>
        %swap3A_2649 = vector.shape_cast %add3A_2645 : vector<16xf32> to vector<16xf32>
        tpu.vector_store %arg7[%swap3A_2646], %swap3A_2649 {strides = array<i32>} : memref<1152xf32, #tpu.memory_space<vmem>>, vector<16xf32>,
        %mul3A_2650 = arith.constant 48 : i32
        %mul3A_2651 = arith.muli %scan3A_2609, %mul3A_2650 : i32
        %add3A_2652 = arith.constant 32 : i32
        %add3A_2653 = arith.addi %mul3A_2651, %add3A_2652 : i32
        %get3A_2654 = arith.index_cast %add3A_2653 : i32 to index
        %get3A_2655 = tpu.vector_load %arg5[%get3A_2654] {strides = array<i32>} : memref<1152xf32, #tpu.memory_space<vmem>>, vector<16xf32>,
        %get3A_2656 = vector.shape_cast %get3A_2655 : vector<16xf32> to vector<16xf32>
        %mul3A_2657 = arith.mulf %add3A_40, %get3A_2656 : vector<16xf32>
        %sub3A_2658 = arith.constant 1.000000e+00 : f32
        %sub3A_2659 = vector.broadcast %sub3A_2658 : f32 to vector<16xf32>
        %sub3A_2660 = arith.subf %sub3A_2659, %add3A_40 : vector<16xf32>
        %get3A_2661 = arith.index_cast %add3A_2653 : i32 to index
        %get3A_2662 = tpu.vector_load %arg6[%get3A_2661] {strides = array<i32>} : memref<1152xf32, #tpu.memory_space<vmem>>, vector<16xf32>,
        %get3A_2663 = vector.shape_cast %get3A_2662 : vector<16xf32> to vector<16xf32>
        %mul3A_2664 = arith.mulf %sub3A_2660, %get3A_2663 : vector<16xf32>
        %add3A_2665 = arith.addf %mul3A_2657, %mul3A_2664 : vector<16xf32>
        %swap3A_2666 = arith.index_cast %add3A_2653 : i32 to index
        %swap3A_2667 = tpu.vector_load %arg7[%swap3A_2666] {strides = array<i32>} : memref<1152xf32, #tpu.memory_space<vmem>>, vector<16xf32>,
        %swap3A_2668 = vector.shape_cast %swap3A_2667 : vector<16xf32> to vector<16xf32>
        %swap3A_2669 = vector.shape_cast %add3A_2665 : vector<16xf32> to vector<16xf32>
        tpu.vector_store %arg7[%swap3A_2666], %swap3A_2669 {strides = array<i32>} : memref<1152xf32, #tpu.memory_space<vmem>>, vector<16xf32>,
        %scan3A_2670 = arith.constant 0 : i32
        scf.yield %scan3A_2670 : i32
      }
      %scan3A_46 = arith.constant 24 : i32
      %get3A = arith.constant 0 : index
      %get3A_47 = tpu.vector_load %arg7[%get3A] {strides = array<i32>} : memref<1152xf32, #tpu.memory_space<vmem>>, vector<16xf32>,
      %get3A_48 = vector.shape_cast %get3A_47 : vector<16xf32> to vector<16xf32>
      %mul3A_49 = arith.constant 2.500000e-01 : f32
      %mul3A_50 = vector.broadcast %mul3A_49 : f32 to vector<16xf32>
      %mul3A_51 = arith.mulf %mul3A_50, %get3A_48 : vector<16xf32>
      %get3A_52 = arith.constant 0 : index
      %get3A_53 = tpu.vector_load %arg7[%get3A_52] {strides = array<i32>} : memref<1152xf32, #tpu.memory_space<vmem>>, vector<16xf32>,
      %get3A_54 = vector.shape_cast %get3A_53 : vector<16xf32> to vector<16xf32>
      %mul3A_55 = arith.constant 7.500000e-01 : f32
      %mul3A_56 = vector.broadcast %mul3A_55 : f32 to vector<16xf32>
      %mul3A_57 = arith.mulf %mul3A_56, %get3A_54 : vector<16xf32>
      %add3A_58 = arith.addf %mul3A_51, %mul3A_57 : vector<16xf32>
      %swap3A = arith.constant 0 : index
      %swap3A_59 = tpu.vector_load %arg8[%swap3A] {strides = array<i32>} : memref<2304xf32, #tpu.memory_space<vmem>>, vector<16xf32>,
      %swap3A_60 = vector.shape_cast %swap3A_59 : vector<16xf32> to vector<16xf32>
      %swap3A_61 = vector.shape_cast %add3A_58 : vector<16xf32> to vector<16xf32>
      tpu.vector_store %arg8[%swap3A], %swap3A_61 {strides = array<i32>} : memref<2304xf32, #tpu.memory_space<vmem>>, vector<16xf32>,
      %get3A_62 = arith.constant 16 : index
      %get3A_63 = tpu.vector_load %arg7[%get3A_62] {strides = array<i32>} : memref<1152xf32, #tpu.memory_space<vmem>>, vector<16xf32>,
      %get3A_64 = vector.shape_cast %get3A_63 : vector<16xf32> to vector<16xf32>
      %mul3A_65 = arith.constant 2.500000e-01 : f32
      %mul3A_66 = vector.broadcast %mul3A_65 : f32 to vector<16xf32>
      %mul3A_67 = arith.mulf %mul3A_66, %get3A_64 : vector<16xf32>
      %get3A_68 = arith.constant 16 : index
      %get3A_69 = tpu.vector_load %arg7[%get3A_68] {strides = array<i32>} : memref<1152xf32, #tpu.memory_space<vmem>>, vector<16xf32>,
      %get3A_70 = vector.shape_cast %get3A_69 : vector<16xf32> to vector<16xf32>
      %mul3A_71 = arith.constant 7.500000e-01 : f32
      %mul3A_72 = vector.broadcast %mul3A_71 : f32 to vector<16xf32>
      %mul3A_73 = arith.mulf %mul3A_72, %get3A_70 : vector<16xf32>
      %add3A_74 = arith.addf %mul3A_67, %mul3A_73 : vector<16xf32>
      %swap3A_75 = arith.constant 16 : index
      %swap3A_76 = tpu.vector_load %arg8[%swap3A_75] {strides = array<i32>} : memref<2304xf32, #tpu.memory_space<vmem>>, vector<16xf32>,
      %swap3A_77 = vector.shape_cast %swap3A_76 : vector<16xf32> to vector<16xf32>
      %swap3A_78 = vector.shape_cast %add3A_74 : vector<16xf32> to vector<16xf32>
      tpu.vector_store %arg8[%swap3A_75], %swap3A_78 {strides = array<i32>} : memref<2304xf32, #tpu.memory_space<vmem>>, vector<16xf32>,
      %get3A_79 = arith.constant 32 : index
      %get3A_80 = tpu.vector_load %arg7[%get3A_79] {strides = array<i32>} : memref<1152xf32, #tpu.memory_space<vmem>>, vector<16xf32>,
      %get3A_81 = vector.shape_cast %get3A_80 : vector<16xf32> to vector<16xf32>
      %mul3A_82 = arith.constant 2.500000e-01 : f32
      %mul3A_83 = vector.broadcast %mul3A_82 : f32 to vector<16xf32>
      %mul3A_84 = arith.mulf %mul3A_83, %get3A_81 : vector<16xf32>
      %get3A_85 = arith.constant 32 : index
      %get3A_86 = tpu.vector_load %arg7[%get3A_85] {strides = array<i32>} : memref<1152xf32, #tpu.memory_space<vmem>>, vector<16xf32>,
      %get3A_87 = vector.shape_cast %get3A_86 : vector<16xf32> to vector<16xf32>
      %mul3A_88 = arith.constant 7.500000e-01 : f32
      %mul3A_89 = vector.broadcast %mul3A_88 : f32 to vector<16xf32>
      %mul3A_90 = arith.mulf %mul3A_89, %get3A_87 : vector<16xf32>
      %add3A_91 = arith.addf %mul3A_84, %mul3A_90 : vector<16xf32>
      %swap3A_92 = arith.constant 32 : index
      %swap3A_93 = tpu.vector_load %arg8[%swap3A_92] {strides = array<i32>} : memref<2304xf32, #tpu.memory_space<vmem>>, vector<16xf32>,
      %swap3A_94 = vector.shape_cast %swap3A_93 : vector<16xf32> to vector<16xf32>
      %swap3A_95 = vector.shape_cast %add3A_91 : vector<16xf32> to vector<16xf32>
      tpu.vector_store %arg8[%swap3A_92], %swap3A_95 {strides = array<i32>} : memref<2304xf32, #tpu.memory_space<vmem>>, vector<16xf32>,
      %get3A_96 = arith.constant 0 : index
      %get3A_97 = tpu.vector_load %arg7[%get3A_96] {strides = array<i32>} : memref<1152xf32, #tpu.memory_space<vmem>>, vector<16xf32>,
      %get3A_98 = vector.shape_cast %get3A_97 : vector<16xf32> to vector<16xf32>
      %mul3A_99 = arith.constant 7.500000e-01 : f32
      %mul3A_100 = vector.broadcast %mul3A_99 : f32 to vector<16xf32>
      %mul3A_101 = arith.mulf %mul3A_100, %get3A_98 : vector<16xf32>
      %get3A_102 = arith.constant 48 : index
      %get3A_103 = tpu.vector_load %arg7[%get3A_102] {strides = array<i32>} : memref<1152xf32, #tpu.memory_space<vmem>>, vector<16xf32>,
      %get3A_104 = vector.shape_cast %get3A_103 : vector<16xf32> to vector<16xf32>
      %mul3A_105 = arith.constant 2.500000e-01 : f32
      %mul3A_106 = vector.broadcast %mul3A_105 : f32 to vector<16xf32>
      %mul3A_107 = arith.mulf %mul3A_106, %get3A_104 : vector<16xf32>
      %add3A_108 = arith.addf %mul3A_101, %mul3A_107 : vector<16xf32>
      %swap3A_109 = arith.constant 48 : index
      %swap3A_110 = tpu.vector_load %arg8[%swap3A_109] {strides = array<i32>} : memref<2304xf32, #tpu.memory_space<vmem>>, vector<16xf32>,
      %swap3A_111 = vector.shape_cast %swap3A_110 : vector<16xf32> to vector<16xf32>
      %swap3A_112 = vector.shape_cast %add3A_108 : vector<16xf32> to vector<16xf32>
      tpu.vector_store %arg8[%swap3A_109], %swap3A_112 {strides = array<i32>} : memref<2304xf32, #tpu.memory_space<vmem>>, vector<16xf32>,
      %get3A_113 = arith.constant 16 : index
      %get3A_114 = tpu.vector_load %arg7[%get3A_113] {strides = array<i32>} : memref<1152xf32, #tpu.memory_space<vmem>>, vector<16xf32>,
      %get3A_115 = vector.shape_cast %get3A_114 : vector<16xf32> to vector<16xf32>
      %mul3A_116 = arith.constant 7.500000e-01 : f32
      %mul3A_117 = vector.broadcast %mul3A_116 : f32 to vector<16xf32>
      %mul3A_118 = arith.mulf %mul3A_117, %get3A_115 : vector<16xf32>
      %get3A_119 = arith.constant 64 : index
      %get3A_120 = tpu.vector_load %arg7[%get3A_119] {strides = array<i32>} : memref<1152xf32, #tpu.memory_space<vmem>>, vector<16xf32>,
      %get3A_121 = vector.shape_cast %get3A_120 : vector<16xf32> to vector<16xf32>
      %mul3A_122 = arith.constant 2.500000e-01 : f32
      %mul3A_123 = vector.broadcast %mul3A_122 : f32 to vector<16xf32>
      %mul3A_124 = arith.mulf %mul3A_123, %get3A_121 : vector<16xf32>
      %add3A_125 = arith.addf %mul3A_118, %mul3A_124 : vector<16xf32>
      %swap3A_126 = arith.constant 64 : index
      %swap3A_127 = tpu.vector_load %arg8[%swap3A_126] {strides = array<i32>} : memref<2304xf32, #tpu.memory_space<vmem>>, vector<16xf32>,
      %swap3A_128 = vector.shape_cast %swap3A_127 : vector<16xf32> to vector<16xf32>
      %swap3A_129 = vector.shape_cast %add3A_125 : vector<16xf32> to vector<16xf32>
      tpu.vector_store %arg8[%swap3A_126], %swap3A_129 {strides = array<i32>} : memref<2304xf32, #tpu.memory_space<vmem>>, vector<16xf32>,
      %get3A_130 = arith.constant 32 : index
      %get3A_131 = tpu.vector_load %arg7[%get3A_130] {strides = array<i32>} : memref<1152xf32, #tpu.memory_space<vmem>>, vector<16xf32>,
      %get3A_132 = vector.shape_cast %get3A_131 : vector<16xf32> to vector<16xf32>
      %mul3A_133 = arith.constant 7.500000e-01 : f32
      %mul3A_134 = vector.broadcast %mul3A_133 : f32 to vector<16xf32>
      %mul3A_135 = arith.mulf %mul3A_134, %get3A_132 : vector<16xf32>
      %get3A_136 = arith.constant 80 : index
      %get3A_137 = tpu.vector_load %arg7[%get3A_136] {strides = array<i32>} : memref<1152xf32, #tpu.memory_space<vmem>>, vector<16xf32>,
      %get3A_138 = vector.shape_cast %get3A_137 : vector<16xf32> to vector<16xf32>
      %mul3A_139 = arith.constant 2.500000e-01 : f32
      %mul3A_140 = vector.broadcast %mul3A_139 : f32 to vector<16xf32>
      %mul3A_141 = arith.mulf %mul3A_140, %get3A_138 : vector<16xf32>
      %add3A_142 = arith.addf %mul3A_135, %mul3A_141 : vector<16xf32>
      %swap3A_143 = arith.constant 80 : index
      %swap3A_144 = tpu.vector_load %arg8[%swap3A_143] {strides = array<i32>} : memref<2304xf32, #tpu.memory_space<vmem>>, vector<16xf32>,
      %swap3A_145 = vector.shape_cast %swap3A_144 : vector<16xf32> to vector<16xf32>
      %swap3A_146 = vector.shape_cast %add3A_142 : vector<16xf32> to vector<16xf32>
      tpu.vector_store %arg8[%swap3A_143], %swap3A_146 {strides = array<i32>} : memref<2304xf32, #tpu.memory_space<vmem>>, vector<16xf32>,
      %get3A_147 = arith.constant 0 : index
      %get3A_148 = tpu.vector_load %arg7[%get3A_147] {strides = array<i32>} : memref<1152xf32, #tpu.memory_space<vmem>>, vector<16xf32>,
      %get3A_149 = vector.shape_cast %get3A_148 : vector<16xf32> to vector<16xf32>
      %mul3A_150 = arith.constant 2.500000e-01 : f32
      %mul3A_151 = vector.broadcast %mul3A_150 : f32 to vector<16xf32>
      %mul3A_152 = arith.mulf %mul3A_151, %get3A_149 : vector<16xf32>
      %get3A_153 = arith.constant 48 : index
      %get3A_154 = tpu.vector_load %arg7[%get3A_153] {strides = array<i32>} : memref<1152xf32, #tpu.memory_space<vmem>>, vector<16xf32>,
      %get3A_155 = vector.shape_cast %get3A_154 : vector<16xf32> to vector<16xf32>
      %mul3A_156 = arith.constant 7.500000e-01 : f32
      %mul3A_157 = vector.broadcast %mul3A_156 : f32 to vector<16xf32>
      %mul3A_158 = arith.mulf %mul3A_157, %get3A_155 : vector<16xf32>
      %add3A_159 = arith.addf %mul3A_152, %mul3A_158 : vector<16xf32>
      %swap3A_160 = arith.constant 96 : index
      %swap3A_161 = tpu.vector_load %arg8[%swap3A_160] {strides = array<i32>} : memref<2304xf32, #tpu.memory_space<vmem>>, vector<16xf32>,
      %swap3A_162 = vector.shape_cast %swap3A_161 : vector<16xf32> to vector<16xf32>
      %swap3A_163 = vector.shape_cast %add3A_159 : vector<16xf32> to vector<16xf32>
      tpu.vector_store %arg8[%swap3A_160], %swap3A_163 {strides = array<i32>} : memref<2304xf32, #tpu.memory_space<vmem>>, vector<16xf32>,
      %get3A_164 = arith.constant 16 : index
      %get3A_165 = tpu.vector_load %arg7[%get3A_164] {strides = array<i32>} : memref<1152xf32, #tpu.memory_space<vmem>>, vector<16xf32>,
      %get3A_166 = vector.shape_cast %get3A_165 : vector<16xf32> to vector<16xf32>
      %mul3A_167 = arith.constant 2.500000e-01 : f32
      %mul3A_168 = vector.broadcast %mul3A_167 : f32 to vector<16xf32>
      %mul3A_169 = arith.mulf %mul3A_168, %get3A_166 : vector<16xf32>
      %get3A_170 = arith.constant 64 : index
      %get3A_171 = tpu.vector_load %arg7[%get3A_170] {strides = array<i32>} : memref<1152xf32, #tpu.memory_space<vmem>>, vector<16xf32>,
      %get3A_172 = vector.shape_cast %get3A_171 : vector<16xf32> to vector<16xf32>
      %mul3A_173 = arith.constant 7.500000e-01 : f32
      %mul3A_174 = vector.broadcast %mul3A_173 : f32 to vector<16xf32>
      %mul3A_175 = arith.mulf %mul3A_174, %get3A_172 : vector<16xf32>
      %add3A_176 = arith.addf %mul3A_169, %mul3A_175 : vector<16xf32>
      %swap3A_177 = arith.constant 112 : index
      %swap3A_178 = tpu.vector_load %arg8[%swap3A_177] {strides = array<i32>} : memref<2304xf32, #tpu.memory_space<vmem>>, vector<16xf32>,
      %swap3A_179 = vector.shape_cast %swap3A_178 : vector<16xf32> to vector<16xf32>
      %swap3A_180 = vector.shape_cast %add3A_176 : vector<16xf32> to vector<16xf32>
      tpu.vector_store %arg8[%swap3A_177], %swap3A_180 {strides = array<i32>} : memref<2304xf32, #tpu.memory_space<vmem>>, vector<16xf32>,
      %get3A_181 = arith.constant 32 : index
      %get3A_182 = tpu.vector_load %arg7[%get3A_181] {strides = array<i32>} : memref<1152xf32, #tpu.memory_space<vmem>>, vector<16xf32>,
      %get3A_183 = vector.shape_cast %get3A_182 : vector<16xf32> to vector<16xf32>
      %mul3A_184 = arith.constant 2.500000e-01 : f32
      %mul3A_185 = vector.broadcast %mul3A_184 : f32 to vector<16xf32>
      %mul3A_186 = arith.mulf %mul3A_185, %get3A_183 : vector<16xf32>
      %get3A_187 = arith.constant 80 : index
      %get3A_188 = tpu.vector_load %arg7[%get3A_187] {strides = array<i32>} : memref<1152xf32, #tpu.memory_space<vmem>>, vector<16xf32>,
      %get3A_189 = vector.shape_cast %get3A_188 : vector<16xf32> to vector<16xf32>
      %mul3A_190 = arith.constant 7.500000e-01 : f32
      %mul3A_191 = vector.broadcast %mul3A_190 : f32 to vector<16xf32>
      %mul3A_192 = arith.mulf %mul3A_191, %get3A_189 : vector<16xf32>
      %add3A_193 = arith.addf %mul3A_186, %mul3A_192 : vector<16xf32>
      %swap3A_194 = arith.constant 128 : index
      %swap3A_195 = tpu.vector_load %arg8[%swap3A_194] {strides = array<i32>} : memref<2304xf32, #tpu.memory_space<vmem>>, vector<16xf32>,
      %swap3A_196 = vector.shape_cast %swap3A_195 : vector<16xf32> to vector<16xf32>
      %swap3A_197 = vector.shape_cast %add3A_193 : vector<16xf32> to vector<16xf32>
      tpu.vector_store %arg8[%swap3A_194], %swap3A_197 {strides = array<i32>} : memref<2304xf32, #tpu.memory_space<vmem>>, vector<16xf32>,
      %get3A_198 = arith.constant 48 : index
      %get3A_199 = tpu.vector_load %arg7[%get3A_198] {strides = array<i32>} : memref<1152xf32, #tpu.memory_space<vmem>>, vector<16xf32>,
      %get3A_200 = vector.shape_cast %get3A_199 : vector<16xf32> to vector<16xf32>
      %mul3A_201 = arith.constant 7.500000e-01 : f32
      %mul3A_202 = vector.broadcast %mul3A_201 : f32 to vector<16xf32>
      %mul3A_203 = arith.mulf %mul3A_202, %get3A_200 : vector<16xf32>
      %get3A_204 = arith.constant 96 : index
      %get3A_205 = tpu.vector_load %arg7[%get3A_204] {strides = array<i32>} : memref<1152xf32, #tpu.memory_space<vmem>>, vector<16xf32>,
      %get3A_206 = vector.shape_cast %get3A_205 : vector<16xf32> to vector<16xf32>
      %mul3A_207 = arith.constant 2.500000e-01 : f32
      %mul3A_208 = vector.broadcast %mul3A_207 : f32 to vector<16xf32>
      %mul3A_209 = arith.mulf %mul3A_208, %get3A_206 : vector<16xf32>
      %add3A_210 = arith.addf %mul3A_203, %mul3A_209 : vector<16xf32>
      %swap3A_211 = arith.constant 144 : index
      %swap3A_212 = tpu.vector_load %arg8[%swap3A_211] {strides = array<i32>} : memref<2304xf32, #tpu.memory_space<vmem>>, vector<16xf32>,
      %swap3A_213 = vector.shape_cast %swap3A_212 : vector<16xf32> to vector<16xf32>
      %swap3A_214 = vector.shape_cast %add3A_210 : vector<16xf32> to vector<16xf32>
      tpu.vector_store %arg8[%swap3A_211], %swap3A_214 {strides = array<i32>} : memref<2304xf32, #tpu.memory_space<vmem>>, vector<16xf32>,
      %get3A_215 = arith.constant 64 : index
      %get3A_216 = tpu.vector_load %arg7[%get3A_215] {strides = array<i32>} : memref<1152xf32, #tpu.memory_space<vmem>>, vector<16xf32>,
      %get3A_217 = vector.shape_cast %get3A_216 : vector<16xf32> to vector<16xf32>
      %mul3A_218 = arith.constant 7.500000e-01 : f32
      %mul3A_219 = vector.broadcast %mul3A_218 : f32 to vector<16xf32>
      %mul3A_220 = arith.mulf %mul3A_219, %get3A_217 : vector<16xf32>
      %get3A_221 = arith.constant 112 : index
      %get3A_222 = tpu.vector_load %arg7[%get3A_221] {strides = array<i32>} : memref<1152xf32, #tpu.memory_space<vmem>>, vector<16xf32>,
      %get3A_223 = vector.shape_cast %get3A_222 : vector<16xf32> to vector<16xf32>
      %mul3A_224 = arith.constant 2.500000e-01 : f32
      %mul3A_225 = vector.broadcast %mul3A_224 : f32 to vector<16xf32>
      %mul3A_226 = arith.mulf %mul3A_225, %get3A_223 : vector<16xf32>
      %add3A_227 = arith.addf %mul3A_220, %mul3A_226 : vector<16xf32>
      %swap3A_228 = arith.constant 160 : index
      %swap3A_229 = tpu.vector_load %arg8[%swap3A_228] {strides = array<i32>} : memref<2304xf32, #tpu.memory_space<vmem>>, vector<16xf32>,
      %swap3A_230 = vector.shape_cast %swap3A_229 : vector<16xf32> to vector<16xf32>
      %swap3A_231 = vector.shape_cast %add3A_227 : vector<16xf32> to vector<16xf32>
      tpu.vector_store %arg8[%swap3A_228], %swap3A_231 {strides = array<i32>} : memref<2304xf32, #tpu.memory_space<vmem>>, vector<16xf32>,
      %get3A_232 = arith.constant 80 : index
      %get3A_233 = tpu.vector_load %arg7[%get3A_232] {strides = array<i32>} : memref<1152xf32, #tpu.memory_space<vmem>>, vector<16xf32>,
      %get3A_234 = vector.shape_cast %get3A_233 : vector<16xf32> to vector<16xf32>
      %mul3A_235 = arith.constant 7.500000e-01 : f32
      %mul3A_236 = vector.broadcast %mul3A_235 : f32 to vector<16xf32>
      %mul3A_237 = arith.mulf %mul3A_236, %get3A_234 : vector<16xf32>
      %get3A_238 = arith.constant 128 : index
      %get3A_239 = tpu.vector_load %arg7[%get3A_238] {strides = array<i32>} : memref<1152xf32, #tpu.memory_space<vmem>>, vector<16xf32>,
      %get3A_240 = vector.shape_cast %get3A_239 : vector<16xf32> to vector<16xf32>
      %mul3A_241 = arith.constant 2.500000e-01 : f32
      %mul3A_242 = vector.broadcast %mul3A_241 : f32 to vector<16xf32>
      %mul3A_243 = arith.mulf %mul3A_242, %get3A_240 : vector<16xf32>
      %add3A_244 = arith.addf %mul3A_237, %mul3A_243 : vector<16xf32>
      %swap3A_245 = arith.constant 176 : index
      %swap3A_246 = tpu.vector_load %arg8[%swap3A_245] {strides = array<i32>} : memref<2304xf32, #tpu.memory_space<vmem>>, vector<16xf32>,
      %swap3A_247 = vector.shape_cast %swap3A_246 : vector<16xf32> to vector<16xf32>
      %swap3A_248 = vector.shape_cast %add3A_244 : vector<16xf32> to vector<16xf32>
      tpu.vector_store %arg8[%swap3A_245], %swap3A_248 {strides = array<i32>} : memref<2304xf32, #tpu.memory_space<vmem>>, vector<16xf32>,
      %get3A_249 = arith.constant 48 : index
      %get3A_250 = tpu.vector_load %arg7[%get3A_249] {strides = array<i32>} : memref<1152xf32, #tpu.memory_space<vmem>>, vector<16xf32>,
      %get3A_251 = vector.shape_cast %get3A_250 : vector<16xf32> to vector<16xf32>
      %mul3A_252 = arith.constant 2.500000e-01 : f32
      %mul3A_253 = vector.broadcast %mul3A_252 : f32 to vector<16xf32>
      %mul3A_254 = arith.mulf %mul3A_253, %get3A_251 : vector<16xf32>
      %get3A_255 = arith.constant 96 : index
      %get3A_256 = tpu.vector_load %arg7[%get3A_255] {strides = array<i32>} : memref<1152xf32, #tpu.memory_space<vmem>>, vector<16xf32>,
      %get3A_257 = vector.shape_cast %get3A_256 : vector<16xf32> to vector<16xf32>
      %mul3A_258 = arith.constant 7.500000e-01 : f32
      %mul3A_259 = vector.broadcast %mul3A_258 : f32 to vector<16xf32>
      %mul3A_260 = arith.mulf %mul3A_259, %get3A_257 : vector<16xf32>
      %add3A_261 = arith.addf %mul3A_254, %mul3A_260 : vector<16xf32>
      %swap3A_262 = arith.constant 192 : index
      %swap3A_263 = tpu.vector_load %arg8[%swap3A_262] {strides = array<i32>} : memref<2304xf32, #tpu.memory_space<vmem>>, vector<16xf32>,
      %swap3A_264 = vector.shape_cast %swap3A_263 : vector<16xf32> to vector<16xf32>
      %swap3A_265 = vector.shape_cast %add3A_261 : vector<16xf32> to vector<16xf32>
      tpu.vector_store %arg8[%swap3A_262], %swap3A_265 {strides = array<i32>} : memref<2304xf32, #tpu.memory_space<vmem>>, vector<16xf32>,
      %get3A_266 = arith.constant 64 : index
      %get3A_267 = tpu.vector_load %arg7[%get3A_266] {strides = array<i32>} : memref<1152xf32, #tpu.memory_space<vmem>>, vector<16xf32>,
      %get3A_268 = vector.shape_cast %get3A_267 : vector<16xf32> to vector<16xf32>
      %mul3A_269 = arith.constant 2.500000e-01 : f32
      %mul3A_270 = vector.broadcast %mul3A_269 : f32 to vector<16xf32>
      %mul3A_271 = arith.mulf %mul3A_270, %get3A_268 : vector<16xf32>
      %get3A_272 = arith.constant 112 : index
      %get3A_273 = tpu.vector_load %arg7[%get3A_272] {strides = array<i32>} : memref<1152xf32, #tpu.memory_space<vmem>>, vector<16xf32>,
      %get3A_274 = vector.shape_cast %get3A_273 : vector<16xf32> to vector<16xf32>
      %mul3A_275 = arith.constant 7.500000e-01 : f32
      %mul3A_276 = vector.broadcast %mul3A_275 : f32 to vector<16xf32>
      %mul3A_277 = arith.mulf %mul3A_276, %get3A_274 : vector<16xf32>
      %add3A_278 = arith.addf %mul3A_271, %mul3A_277 : vector<16xf32>
      %swap3A_279 = arith.constant 208 : index
      %swap3A_280 = tpu.vector_load %arg8[%swap3A_279] {strides = array<i32>} : memref<2304xf32, #tpu.memory_space<vmem>>, vector<16xf32>,
      %swap3A_281 = vector.shape_cast %swap3A_280 : vector<16xf32> to vector<16xf32>
      %swap3A_282 = vector.shape_cast %add3A_278 : vector<16xf32> to vector<16xf32>
      tpu.vector_store %arg8[%swap3A_279], %swap3A_282 {strides = array<i32>} : memref<2304xf32, #tpu.memory_space<vmem>>, vector<16xf32>,
      %get3A_283 = arith.constant 80 : index
      %get3A_284 = tpu.vector_load %arg7[%get3A_283] {strides = array<i32>} : memref<1152xf32, #tpu.memory_space<vmem>>, vector<16xf32>,
      %get3A_285 = vector.shape_cast %get3A_284 : vector<16xf32> to vector<16xf32>
      %mul3A_286 = arith.constant 2.500000e-01 : f32
      %mul3A_287 = vector.broadcast %mul3A_286 : f32 to vector<16xf32>
      %mul3A_288 = arith.mulf %mul3A_287, %get3A_285 : vector<16xf32>
      %get3A_289 = arith.constant 128 : index
      %get3A_290 = tpu.vector_load %arg7[%get3A_289] {strides = array<i32>} : memref<1152xf32, #tpu.memory_space<vmem>>, vector<16xf32>,
      %get3A_291 = vector.shape_cast %get3A_290 : vector<16xf32> to vector<16xf32>
      %mul3A_292 = arith.constant 7.500000e-01 : f32
      %mul3A_293 = vector.broadcast %mul3A_292 : f32 to vector<16xf32>
      %mul3A_294 = arith.mulf %mul3A_293, %get3A_291 : vector<16xf32>
      %add3A_295 = arith.addf %mul3A_288, %mul3A_294 : vector<16xf32>
      %swap3A_296 = arith.constant 224 : index
      %swap3A_297 = tpu.vector_load %arg8[%swap3A_296] {strides = array<i32>} : memref<2304xf32, #tpu.memory_space<vmem>>, vector<16xf32>,
      %swap3A_298 = vector.shape_cast %swap3A_297 : vector<16xf32> to vector<16xf32>
      %swap3A_299 = vector.shape_cast %add3A_295 : vector<16xf32> to vector<16xf32>
      tpu.vector_store %arg8[%swap3A_296], %swap3A_299 {strides = array<i32>} : memref<2304xf32, #tpu.memory_space<vmem>>, vector<16xf32>,
      %get3A_300 = arith.constant 96 : index
      %get3A_301 = tpu.vector_load %arg7[%get3A_300] {strides = array<i32>} : memref<1152xf32, #tpu.memory_space<vmem>>, vector<16xf32>,
      %get3A_302 = vector.shape_cast %get3A_301 : vector<16xf32> to vector<16xf32>
      %mul3A_303 = arith.constant 7.500000e-01 : f32
      %mul3A_304 = vector.broadcast %mul3A_303 : f32 to vector<16xf32>
      %mul3A_305 = arith.mulf %mul3A_304, %get3A_302 : vector<16xf32>
      %get3A_306 = arith.constant 144 : index
      %get3A_307 = tpu.vector_load %arg7[%get3A_306] {strides = array<i32>} : memref<1152xf32, #tpu.memory_space<vmem>>, vector<16xf32>,
      %get3A_308 = vector.shape_cast %get3A_307 : vector<16xf32> to vector<16xf32>
      %mul3A_309 = arith.constant 2.500000e-01 : f32
      %mul3A_310 = vector.broadcast %mul3A_309 : f32 to vector<16xf32>
      %mul3A_311 = arith.mulf %mul3A_310, %get3A_308 : vector<16xf32>
      %add3A_312 = arith.addf %mul3A_305, %mul3A_311 : vector<16xf32>
      %swap3A_313 = arith.constant 240 : index
      %swap3A_314 = tpu.vector_load %arg8[%swap3A_313] {strides = array<i32>} : memref<2304xf32, #tpu.memory_space<vmem>>, vector<16xf32>,
      %swap3A_315 = vector.shape_cast %swap3A_314 : vector<16xf32> to vector<16xf32>
      %swap3A_316 = vector.shape_cast %add3A_312 : vector<16xf32> to vector<16xf32>
      tpu.vector_store %arg8[%swap3A_313], %swap3A_316 {strides = array<i32>} : memref<2304xf32, #tpu.memory_space<vmem>>, vector<16xf32>,
      %get3A_317 = arith.constant 112 : index
      %get3A_318 = tpu.vector_load %arg7[%get3A_317] {strides = array<i32>} : memref<1152xf32, #tpu.memory_space<vmem>>, vector<16xf32>,
      %get3A_319 = vector.shape_cast %get3A_318 : vector<16xf32> to vector<16xf32>
      %mul3A_320 = arith.constant 7.500000e-01 : f32
      %mul3A_321 = vector.broadcast %mul3A_320 : f32 to vector<16xf32>
      %mul3A_322 = arith.mulf %mul3A_321, %get3A_319 : vector<16xf32>
      %get3A_323 = arith.constant 160 : index
      %get3A_324 = tpu.vector_load %arg7[%get3A_323] {strides = array<i32>} : memref<1152xf32, #tpu.memory_space<vmem>>, vector<16xf32>,
      %get3A_325 = vector.shape_cast %get3A_324 : vector<16xf32> to vector<16xf32>
      %mul3A_326 = arith.constant 2.500000e-01 : f32
      %mul3A_327 = vector.broadcast %mul3A_326 : f32 to vector<16xf32>
      %mul3A_328 = arith.mulf %mul3A_327, %get3A_325 : vector<16xf32>
      %add3A_329 = arith.addf %mul3A_322, %mul3A_328 : vector<16xf32>
      %swap3A_330 = arith.constant 256 : index
      %swap3A_331 = tpu.vector_load %arg8[%swap3A_330] {strides = array<i32>} : memref<2304xf32, #tpu.memory_space<vmem>>, vector<16xf32>,
      %swap3A_332 = vector.shape_cast %swap3A_331 : vector<16xf32> to vector<16xf32>
      %swap3A_333 = vector.shape_cast %add3A_329 : vector<16xf32> to vector<16xf32>
      tpu.vector_store %arg8[%swap3A_330], %swap3A_333 {strides = array<i32>} : memref<2304xf32, #tpu.memory_space<vmem>>, vector<16xf32>,
      %get3A_334 = arith.constant 128 : index
      %get3A_335 = tpu.vector_load %arg7[%get3A_334] {strides = array<i32>} : memref<1152xf32, #tpu.memory_space<vmem>>, vector<16xf32>,
      %get3A_336 = vector.shape_cast %get3A_335 : vector<16xf32> to vector<16xf32>
      %mul3A_337 = arith.constant 7.500000e-01 : f32
      %mul3A_338 = vector.broadcast %mul3A_337 : f32 to vector<16xf32>
      %mul3A_339 = arith.mulf %mul3A_338, %get3A_336 : vector<16xf32>
      %get3A_340 = arith.constant 176 : index
      %get3A_341 = tpu.vector_load %arg7[%get3A_340] {strides = array<i32>} : memref<1152xf32, #tpu.memory_space<vmem>>, vector<16xf32>,
      %get3A_342 = vector.shape_cast %get3A_341 : vector<16xf32> to vector<16xf32>
      %mul3A_343 = arith.constant 2.500000e-01 : f32
      %mul3A_344 = vector.broadcast %mul3A_343 : f32 to vector<16xf32>
      %mul3A_345 = arith.mulf %mul3A_344, %get3A_342 : vector<16xf32>
      %add3A_346 = arith.addf %mul3A_339, %mul3A_345 : vector<16xf32>
      %swap3A_347 = arith.constant 272 : index
      %swap3A_348 = tpu.vector_load %arg8[%swap3A_347] {strides = array<i32>} : memref<2304xf32, #tpu.memory_space<vmem>>, vector<16xf32>,
      %swap3A_349 = vector.shape_cast %swap3A_348 : vector<16xf32> to vector<16xf32>
      %swap3A_350 = vector.shape_cast %add3A_346 : vector<16xf32> to vector<16xf32>
      tpu.vector_store %arg8[%swap3A_347], %swap3A_350 {strides = array<i32>} : memref<2304xf32, #tpu.memory_space<vmem>>, vector<16xf32>,
      %get3A_351 = arith.constant 96 : index
      %get3A_352 = tpu.vector_load %arg7[%get3A_351] {strides = array<i32>} : memref<1152xf32, #tpu.memory_space<vmem>>, vector<16xf32>,
      %get3A_353 = vector.shape_cast %get3A_352 : vector<16xf32> to vector<16xf32>
      %mul3A_354 = arith.constant 2.500000e-01 : f32
      %mul3A_355 = vector.broadcast %mul3A_354 : f32 to vector<16xf32>
      %mul3A_356 = arith.mulf %mul3A_355, %get3A_353 : vector<16xf32>
      %get3A_357 = arith.constant 144 : index
      %get3A_358 = tpu.vector_load %arg7[%get3A_357] {strides = array<i32>} : memref<1152xf32, #tpu.memory_space<vmem>>, vector<16xf32>,
      %get3A_359 = vector.shape_cast %get3A_358 : vector<16xf32> to vector<16xf32>
      %mul3A_360 = arith.constant 7.500000e-01 : f32
      %mul3A_361 = vector.broadcast %mul3A_360 : f32 to vector<16xf32>
      %mul3A_362 = arith.mulf %mul3A_361, %get3A_359 : vector<16xf32>
      %add3A_363 = arith.addf %mul3A_356, %mul3A_362 : vector<16xf32>
      %swap3A_364 = arith.constant 288 : index
      %swap3A_365 = tpu.vector_load %arg8[%swap3A_364] {strides = array<i32>} : memref<2304xf32, #tpu.memory_space<vmem>>, vector<16xf32>,
      %swap3A_366 = vector.shape_cast %swap3A_365 : vector<16xf32> to vector<16xf32>
      %swap3A_367 = vector.shape_cast %add3A_363 : vector<16xf32> to vector<16xf32>
      tpu.vector_store %arg8[%swap3A_364], %swap3A_367 {strides = array<i32>} : memref<2304xf32, #tpu.memory_space<vmem>>, vector<16xf32>,
      %get3A_368 = arith.constant 112 : index
      %get3A_369 = tpu.vector_load %arg7[%get3A_368] {strides = array<i32>} : memref<1152xf32, #tpu.memory_space<vmem>>, vector<16xf32>,
      %get3A_370 = vector.shape_cast %get3A_369 : vector<16xf32> to vector<16xf32>
      %mul3A_371 = arith.constant 2.500000e-01 : f32
      %mul3A_372 = vector.broadcast %mul3A_371 : f32 to vector<16xf32>
      %mul3A_373 = arith.mulf %mul3A_372, %get3A_370 : vector<16xf32>
      %get3A_374 = arith.constant 160 : index
      %get3A_375 = tpu.vector_load %arg7[%get3A_374] {strides = array<i32>} : memref<1152xf32, #tpu.memory_space<vmem>>, vector<16xf32>,
      %get3A_376 = vector.shape_cast %get3A_375 : vector<16xf32> to vector<16xf32>
      %mul3A_377 = arith.constant 7.500000e-01 : f32
      %mul3A_378 = vector.broadcast %mul3A_377 : f32 to vector<16xf32>
      %mul3A_379 = arith.mulf %mul3A_378, %get3A_376 : vector<16xf32>
      %add3A_380 = arith.addf %mul3A_373, %mul3A_379 : vector<16xf32>
      %swap3A_381 = arith.constant 304 : index
      %swap3A_382 = tpu.vector_load %arg8[%swap3A_381] {strides = array<i32>} : memref<2304xf32, #tpu.memory_space<vmem>>, vector<16xf32>,
      %swap3A_383 = vector.shape_cast %swap3A_382 : vector<16xf32> to vector<16xf32>
      %swap3A_384 = vector.shape_cast %add3A_380 : vector<16xf32> to vector<16xf32>
      tpu.vector_store %arg8[%swap3A_381], %swap3A_384 {strides = array<i32>} : memref<2304xf32, #tpu.memory_space<vmem>>, vector<16xf32>,
      %get3A_385 = arith.constant 128 : index
      %get3A_386 = tpu.vector_load %arg7[%get3A_385] {strides = array<i32>} : memref<1152xf32, #tpu.memory_space<vmem>>, vector<16xf32>,
      %get3A_387 = vector.shape_cast %get3A_386 : vector<16xf32> to vector<16xf32>
      %mul3A_388 = arith.constant 2.500000e-01 : f32
      %mul3A_389 = vector.broadcast %mul3A_388 : f32 to vector<16xf32>
      %mul3A_390 = arith.mulf %mul3A_389, %get3A_387 : vector<16xf32>
      %get3A_391 = arith.constant 176 : index
      %get3A_392 = tpu.vector_load %arg7[%get3A_391] {strides = array<i32>} : memref<1152xf32, #tpu.memory_space<vmem>>, vector<16xf32>,
      %get3A_393 = vector.shape_cast %get3A_392 : vector<16xf32> to vector<16xf32>
      %mul3A_394 = arith.constant 7.500000e-01 : f32
      %mul3A_395 = vector.broadcast %mul3A_394 : f32 to vector<16xf32>
      %mul3A_396 = arith.mulf %mul3A_395, %get3A_393 : vector<16xf32>
      %add3A_397 = arith.addf %mul3A_390, %mul3A_396 : vector<16xf32>
      %swap3A_398 = arith.constant 320 : index
      %swap3A_399 = tpu.vector_load %arg8[%swap3A_398] {strides = array<i32>} : memref<2304xf32, #tpu.memory_space<vmem>>, vector<16xf32>,
      %swap3A_400 = vector.shape_cast %swap3A_399 : vector<16xf32> to vector<16xf32>
      %swap3A_401 = vector.shape_cast %add3A_397 : vector<16xf32> to vector<16xf32>
      tpu.vector_store %arg8[%swap3A_398], %swap3A_401 {strides = array<i32>} : memref<2304xf32, #tpu.memory_space<vmem>>, vector<16xf32>,
      %get3A_402 = arith.constant 144 : index
      %get3A_403 = tpu.vector_load %arg7[%get3A_402] {strides = array<i32>} : memref<1152xf32, #tpu.memory_space<vmem>>, vector<16xf32>,
      %get3A_404 = vector.shape_cast %get3A_403 : vector<16xf32> to vector<16xf32>
      %mul3A_405 = arith.constant 7.500000e-01 : f32
      %mul3A_406 = vector.broadcast %mul3A_405 : f32 to vector<16xf32>
      %mul3A_407 = arith.mulf %mul3A_406, %get3A_404 : vector<16xf32>
      %get3A_408 = arith.constant 192 : index
      %get3A_409 = tpu.vector_load %arg7[%get3A_408] {strides = array<i32>} : memref<1152xf32, #tpu.memory_space<vmem>>, vector<16xf32>,
      %get3A_410 = vector.shape_cast %get3A_409 : vector<16xf32> to vector<16xf32>
      %mul3A_411 = arith.constant 2.500000e-01 : f32
      %mul3A_412 = vector.broadcast %mul3A_411 : f32 to vector<16xf32>
      %mul3A_413 = arith.mulf %mul3A_412, %get3A_410 : vector<16xf32>
      %add3A_414 = arith.addf %mul3A_407, %mul3A_413 : vector<16xf32>
      %swap3A_415 = arith.constant 336 : index
      %swap3A_416 = tpu.vector_load %arg8[%swap3A_415] {strides = array<i32>} : memref<2304xf32, #tpu.memory_space<vmem>>, vector<16xf32>,
      %swap3A_417 = vector.shape_cast %swap3A_416 : vector<16xf32> to vector<16xf32>
      %swap3A_418 = vector.shape_cast %add3A_414 : vector<16xf32> to vector<16xf32>
      tpu.vector_store %arg8[%swap3A_415], %swap3A_418 {strides = array<i32>} : memref<2304xf32, #tpu.memory_space<vmem>>, vector<16xf32>,
      %get3A_419 = arith.constant 160 : index
      %get3A_420 = tpu.vector_load %arg7[%get3A_419] {strides = array<i32>} : memref<1152xf32, #tpu.memory_space<vmem>>, vector<16xf32>,
      %get3A_421 = vector.shape_cast %get3A_420 : vector<16xf32> to vector<16xf32>
      %mul3A_422 = arith.constant 7.500000e-01 : f32
      %mul3A_423 = vector.broadcast %mul3A_422 : f32 to vector<16xf32>
      %mul3A_424 = arith.mulf %mul3A_423, %get3A_421 : vector<16xf32>
      %get3A_425 = arith.constant 208 : index
      %get3A_426 = tpu.vector_load %arg7[%get3A_425] {strides = array<i32>} : memref<1152xf32, #tpu.memory_space<vmem>>, vector<16xf32>,
      %get3A_427 = vector.shape_cast %get3A_426 : vector<16xf32> to vector<16xf32>
      %mul3A_428 = arith.constant 2.500000e-01 : f32
      %mul3A_429 = vector.broadcast %mul3A_428 : f32 to vector<16xf32>
      %mul3A_430 = arith.mulf %mul3A_429, %get3A_427 : vector<16xf32>
      %add3A_431 = arith.addf %mul3A_424, %mul3A_430 : vector<16xf32>
      %swap3A_432 = arith.constant 352 : index
      %swap3A_433 = tpu.vector_load %arg8[%swap3A_432] {strides = array<i32>} : memref<2304xf32, #tpu.memory_space<vmem>>, vector<16xf32>,
      %swap3A_434 = vector.shape_cast %swap3A_433 : vector<16xf32> to vector<16xf32>
      %swap3A_435 = vector.shape_cast %add3A_431 : vector<16xf32> to vector<16xf32>
      tpu.vector_store %arg8[%swap3A_432], %swap3A_435 {strides = array<i32>} : memref<2304xf32, #tpu.memory_space<vmem>>, vector<16xf32>,
      %get3A_436 = arith.constant 176 : index
      %get3A_437 = tpu.vector_load %arg7[%get3A_436] {strides = array<i32>} : memref<1152xf32, #tpu.memory_space<vmem>>, vector<16xf32>,
      %get3A_438 = vector.shape_cast %get3A_437 : vector<16xf32> to vector<16xf32>
      %mul3A_439 = arith.constant 7.500000e-01 : f32
      %mul3A_440 = vector.broadcast %mul3A_439 : f32 to vector<16xf32>
      %mul3A_441 = arith.mulf %mul3A_440, %get3A_438 : vector<16xf32>
      %get3A_442 = arith.constant 224 : index
      %get3A_443 = tpu.vector_load %arg7[%get3A_442] {strides = array<i32>} : memref<1152xf32, #tpu.memory_space<vmem>>, vector<16xf32>,
      %get3A_444 = vector.shape_cast %get3A_443 : vector<16xf32> to vector<16xf32>
      %mul3A_445 = arith.constant 2.500000e-01 : f32
      %mul3A_446 = vector.broadcast %mul3A_445 : f32 to vector<16xf32>
      %mul3A_447 = arith.mulf %mul3A_446, %get3A_444 : vector<16xf32>
      %add3A_448 = arith.addf %mul3A_441, %mul3A_447 : vector<16xf32>
      %swap3A_449 = arith.constant 368 : index
      %swap3A_450 = tpu.vector_load %arg8[%swap3A_449] {strides = array<i32>} : memref<2304xf32, #tpu.memory_space<vmem>>, vector<16xf32>,
      %swap3A_451 = vector.shape_cast %swap3A_450 : vector<16xf32> to vector<16xf32>
      %swap3A_452 = vector.shape_cast %add3A_448 : vector<16xf32> to vector<16xf32>
      tpu.vector_store %arg8[%swap3A_449], %swap3A_452 {strides = array<i32>} : memref<2304xf32, #tpu.memory_space<vmem>>, vector<16xf32>,
      %get3A_453 = arith.constant 144 : index
      %get3A_454 = tpu.vector_load %arg7[%get3A_453] {strides = array<i32>} : memref<1152xf32, #tpu.memory_space<vmem>>, vector<16xf32>,
      %get3A_455 = vector.shape_cast %get3A_454 : vector<16xf32> to vector<16xf32>
      %mul3A_456 = arith.constant 2.500000e-01 : f32
      %mul3A_457 = vector.broadcast %mul3A_456 : f32 to vector<16xf32>
      %mul3A_458 = arith.mulf %mul3A_457, %get3A_455 : vector<16xf32>
      %get3A_459 = arith.constant 192 : index
      %get3A_460 = tpu.vector_load %arg7[%get3A_459] {strides = array<i32>} : memref<1152xf32, #tpu.memory_space<vmem>>, vector<16xf32>,
      %get3A_461 = vector.shape_cast %get3A_460 : vector<16xf32> to vector<16xf32>
      %mul3A_462 = arith.constant 7.500000e-01 : f32
      %mul3A_463 = vector.broadcast %mul3A_462 : f32 to vector<16xf32>
      %mul3A_464 = arith.mulf %mul3A_463, %get3A_461 : vector<16xf32>
      %add3A_465 = arith.addf %mul3A_458, %mul3A_464 : vector<16xf32>
      %swap3A_466 = arith.constant 384 : index
      %swap3A_467 = tpu.vector_load %arg8[%swap3A_466] {strides = array<i32>} : memref<2304xf32, #tpu.memory_space<vmem>>, vector<16xf32>,
      %swap3A_468 = vector.shape_cast %swap3A_467 : vector<16xf32> to vector<16xf32>
      %swap3A_469 = vector.shape_cast %add3A_465 : vector<16xf32> to vector<16xf32>
      tpu.vector_store %arg8[%swap3A_466], %swap3A_469 {strides = array<i32>} : memref<2304xf32, #tpu.memory_space<vmem>>, vector<16xf32>,
      %get3A_470 = arith.constant 160 : index
      %get3A_471 = tpu.vector_load %arg7[%get3A_470] {strides = array<i32>} : memref<1152xf32, #tpu.memory_space<vmem>>, vector<16xf32>,
      %get3A_472 = vector.shape_cast %get3A_471 : vector<16xf32> to vector<16xf32>
      %mul3A_473 = arith.constant 2.500000e-01 : f32
      %mul3A_474 = vector.broadcast %mul3A_473 : f32 to vector<16xf32>
      %mul3A_475 = arith.mulf %mul3A_474, %get3A_472 : vector<16xf32>
      %get3A_476 = arith.constant 208 : index
      %get3A_477 = tpu.vector_load %arg7[%get3A_476] {strides = array<i32>} : memref<1152xf32, #tpu.memory_space<vmem>>, vector<16xf32>,
      %get3A_478 = vector.shape_cast %get3A_477 : vector<16xf32> to vector<16xf32>
      %mul3A_479 = arith.constant 7.500000e-01 : f32
      %mul3A_480 = vector.broadcast %mul3A_479 : f32 to vector<16xf32>
      %mul3A_481 = arith.mulf %mul3A_480, %get3A_478 : vector<16xf32>
      %add3A_482 = arith.addf %mul3A_475, %mul3A_481 : vector<16xf32>
      %swap3A_483 = arith.constant 400 : index
      %swap3A_484 = tpu.vector_load %arg8[%swap3A_483] {strides = array<i32>} : memref<2304xf32, #tpu.memory_space<vmem>>, vector<16xf32>,
      %swap3A_485 = vector.shape_cast %swap3A_484 : vector<16xf32> to vector<16xf32>
      %swap3A_486 = vector.shape_cast %add3A_482 : vector<16xf32> to vector<16xf32>
      tpu.vector_store %arg8[%swap3A_483], %swap3A_486 {strides = array<i32>} : memref<2304xf32, #tpu.memory_space<vmem>>, vector<16xf32>,
      %get3A_487 = arith.constant 176 : index
      %get3A_488 = tpu.vector_load %arg7[%get3A_487] {strides = array<i32>} : memref<1152xf32, #tpu.memory_space<vmem>>, vector<16xf32>,
      %get3A_489 = vector.shape_cast %get3A_488 : vector<16xf32> to vector<16xf32>
      %mul3A_490 = arith.constant 2.500000e-01 : f32
      %mul3A_491 = vector.broadcast %mul3A_490 : f32 to vector<16xf32>
      %mul3A_492 = arith.mulf %mul3A_491, %get3A_489 : vector<16xf32>
      %get3A_493 = arith.constant 224 : index
      %get3A_494 = tpu.vector_load %arg7[%get3A_493] {strides = array<i32>} : memref<1152xf32, #tpu.memory_space<vmem>>, vector<16xf32>,
      %get3A_495 = vector.shape_cast %get3A_494 : vector<16xf32> to vector<16xf32>
      %mul3A_496 = arith.constant 7.500000e-01 : f32
      %mul3A_497 = vector.broadcast %mul3A_496 : f32 to vector<16xf32>
      %mul3A_498 = arith.mulf %mul3A_497, %get3A_495 : vector<16xf32>
      %add3A_499 = arith.addf %mul3A_492, %mul3A_498 : vector<16xf32>
      %swap3A_500 = arith.constant 416 : index
      %swap3A_501 = tpu.vector_load %arg8[%swap3A_500] {strides = array<i32>} : memref<2304xf32, #tpu.memory_space<vmem>>, vector<16xf32>,
      %swap3A_502 = vector.shape_cast %swap3A_501 : vector<16xf32> to vector<16xf32>
      %swap3A_503 = vector.shape_cast %add3A_499 : vector<16xf32> to vector<16xf32>
      tpu.vector_store %arg8[%swap3A_500], %swap3A_503 {strides = array<i32>} : memref<2304xf32, #tpu.memory_space<vmem>>, vector<16xf32>,
      %get3A_504 = arith.constant 192 : index
      %get3A_505 = tpu.vector_load %arg7[%get3A_504] {strides = array<i32>} : memref<1152xf32, #tpu.memory_space<vmem>>, vector<16xf32>,
      %get3A_506 = vector.shape_cast %get3A_505 : vector<16xf32> to vector<16xf32>
      %mul3A_507 = arith.constant 7.500000e-01 : f32
      %mul3A_508 = vector.broadcast %mul3A_507 : f32 to vector<16xf32>
      %mul3A_509 = arith.mulf %mul3A_508, %get3A_506 : vector<16xf32>
      %get3A_510 = arith.constant 240 : index
      %get3A_511 = tpu.vector_load %arg7[%get3A_510] {strides = array<i32>} : memref<1152xf32, #tpu.memory_space<vmem>>, vector<16xf32>,
      %get3A_512 = vector.shape_cast %get3A_511 : vector<16xf32> to vector<16xf32>
      %mul3A_513 = arith.constant 2.500000e-01 : f32
      %mul3A_514 = vector.broadcast %mul3A_513 : f32 to vector<16xf32>
      %mul3A_515 = arith.mulf %mul3A_514, %get3A_512 : vector<16xf32>
      %add3A_516 = arith.addf %mul3A_509, %mul3A_515 : vector<16xf32>
      %swap3A_517 = arith.constant 432 : index
      %swap3A_518 = tpu.vector_load %arg8[%swap3A_517] {strides = array<i32>} : memref<2304xf32, #tpu.memory_space<vmem>>, vector<16xf32>,
      %swap3A_519 = vector.shape_cast %swap3A_518 : vector<16xf32> to vector<16xf32>
      %swap3A_520 = vector.shape_cast %add3A_516 : vector<16xf32> to vector<16xf32>
      tpu.vector_store %arg8[%swap3A_517], %swap3A_520 {strides = array<i32>} : memref<2304xf32, #tpu.memory_space<vmem>>, vector<16xf32>,
      %get3A_521 = arith.constant 208 : index
      %get3A_522 = tpu.vector_load %arg7[%get3A_521] {strides = array<i32>} : memref<1152xf32, #tpu.memory_space<vmem>>, vector<16xf32>,
      %get3A_523 = vector.shape_cast %get3A_522 : vector<16xf32> to vector<16xf32>
      %mul3A_524 = arith.constant 7.500000e-01 : f32
      %mul3A_525 = vector.broadcast %mul3A_524 : f32 to vector<16xf32>
      %mul3A_526 = arith.mulf %mul3A_525, %get3A_523 : vector<16xf32>
      %get3A_527 = arith.constant 256 : index
      %get3A_528 = tpu.vector_load %arg7[%get3A_527] {strides = array<i32>} : memref<1152xf32, #tpu.memory_space<vmem>>, vector<16xf32>,
      %get3A_529 = vector.shape_cast %get3A_528 : vector<16xf32> to vector<16xf32>
      %mul3A_530 = arith.constant 2.500000e-01 : f32
      %mul3A_531 = vector.broadcast %mul3A_530 : f32 to vector<16xf32>
      %mul3A_532 = arith.mulf %mul3A_531, %get3A_529 : vector<16xf32>
      %add3A_533 = arith.addf %mul3A_526, %mul3A_532 : vector<16xf32>
      %swap3A_534 = arith.constant 448 : index
      %swap3A_535 = tpu.vector_load %arg8[%swap3A_534] {strides = array<i32>} : memref<2304xf32, #tpu.memory_space<vmem>>, vector<16xf32>,
      %swap3A_536 = vector.shape_cast %swap3A_535 : vector<16xf32> to vector<16xf32>
      %swap3A_537 = vector.shape_cast %add3A_533 : vector<16xf32> to vector<16xf32>
      tpu.vector_store %arg8[%swap3A_534], %swap3A_537 {strides = array<i32>} : memref<2304xf32, #tpu.memory_space<vmem>>, vector<16xf32>,
      %get3A_538 = arith.constant 224 : index
      %get3A_539 = tpu.vector_load %arg7[%get3A_538] {strides = array<i32>} : memref<1152xf32, #tpu.memory_space<vmem>>, vector<16xf32>,
      %get3A_540 = vector.shape_cast %get3A_539 : vector<16xf32> to vector<16xf32>
      %mul3A_541 = arith.constant 7.500000e-01 : f32
      %mul3A_542 = vector.broadcast %mul3A_541 : f32 to vector<16xf32>
      %mul3A_543 = arith.mulf %mul3A_542, %get3A_540 : vector<16xf32>
      %get3A_544 = arith.constant 272 : index
      %get3A_545 = tpu.vector_load %arg7[%get3A_544] {strides = array<i32>} : memref<1152xf32, #tpu.memory_space<vmem>>, vector<16xf32>,
      %get3A_546 = vector.shape_cast %get3A_545 : vector<16xf32> to vector<16xf32>
      %mul3A_547 = arith.constant 2.500000e-01 : f32
      %mul3A_548 = vector.broadcast %mul3A_547 : f32 to vector<16xf32>
      %mul3A_549 = arith.mulf %mul3A_548, %get3A_546 : vector<16xf32>
      %add3A_550 = arith.addf %mul3A_543, %mul3A_549 : vector<16xf32>
      %swap3A_551 = arith.constant 464 : index
      %swap3A_552 = tpu.vector_load %arg8[%swap3A_551] {strides = array<i32>} : memref<2304xf32, #tpu.memory_space<vmem>>, vector<16xf32>,
      %swap3A_553 = vector.shape_cast %swap3A_552 : vector<16xf32> to vector<16xf32>
      %swap3A_554 = vector.shape_cast %add3A_550 : vector<16xf32> to vector<16xf32>
      tpu.vector_store %arg8[%swap3A_551], %swap3A_554 {strides = array<i32>} : memref<2304xf32, #tpu.memory_space<vmem>>, vector<16xf32>,
      %get3A_555 = arith.constant 192 : index
      %get3A_556 = tpu.vector_load %arg7[%get3A_555] {strides = array<i32>} : memref<1152xf32, #tpu.memory_space<vmem>>, vector<16xf32>,
      %get3A_557 = vector.shape_cast %get3A_556 : vector<16xf32> to vector<16xf32>
      %mul3A_558 = arith.constant 2.500000e-01 : f32
      %mul3A_559 = vector.broadcast %mul3A_558 : f32 to vector<16xf32>
      %mul3A_560 = arith.mulf %mul3A_559, %get3A_557 : vector<16xf32>
      %get3A_561 = arith.constant 240 : index
      %get3A_562 = tpu.vector_load %arg7[%get3A_561] {strides = array<i32>} : memref<1152xf32, #tpu.memory_space<vmem>>, vector<16xf32>,
      %get3A_563 = vector.shape_cast %get3A_562 : vector<16xf32> to vector<16xf32>
      %mul3A_564 = arith.constant 7.500000e-01 : f32
      %mul3A_565 = vector.broadcast %mul3A_564 : f32 to vector<16xf32>
      %mul3A_566 = arith.mulf %mul3A_565, %get3A_563 : vector<16xf32>
      %add3A_567 = arith.addf %mul3A_560, %mul3A_566 : vector<16xf32>
      %swap3A_568 = arith.constant 480 : index
      %swap3A_569 = tpu.vector_load %arg8[%swap3A_568] {strides = array<i32>} : memref<2304xf32, #tpu.memory_space<vmem>>, vector<16xf32>,
      %swap3A_570 = vector.shape_cast %swap3A_569 : vector<16xf32> to vector<16xf32>
      %swap3A_571 = vector.shape_cast %add3A_567 : vector<16xf32> to vector<16xf32>
      tpu.vector_store %arg8[%swap3A_568], %swap3A_571 {strides = array<i32>} : memref<2304xf32, #tpu.memory_space<vmem>>, vector<16xf32>,
      %get3A_572 = arith.constant 208 : index
      %get3A_573 = tpu.vector_load %arg7[%get3A_572] {strides = array<i32>} : memref<1152xf32, #tpu.memory_space<vmem>>, vector<16xf32>,
      %get3A_574 = vector.shape_cast %get3A_573 : vector<16xf32> to vector<16xf32>
      %mul3A_575 = arith.constant 2.500000e-01 : f32
      %mul3A_576 = vector.broadcast %mul3A_575 : f32 to vector<16xf32>
      %mul3A_577 = arith.mulf %mul3A_576, %get3A_574 : vector<16xf32>
      %get3A_578 = arith.constant 256 : index
      %get3A_579 = tpu.vector_load %arg7[%get3A_578] {strides = array<i32>} : memref<1152xf32, #tpu.memory_space<vmem>>, vector<16xf32>,
      %get3A_580 = vector.shape_cast %get3A_579 : vector<16xf32> to vector<16xf32>
      %mul3A_581 = arith.constant 7.500000e-01 : f32
      %mul3A_582 = vector.broadcast %mul3A_581 : f32 to vector<16xf32>
      %mul3A_583 = arith.mulf %mul3A_582, %get3A_580 : vector<16xf32>
      %add3A_584 = arith.addf %mul3A_577, %mul3A_583 : vector<16xf32>
      %swap3A_585 = arith.constant 496 : index
      %swap3A_586 = tpu.vector_load %arg8[%swap3A_585] {strides = array<i32>} : memref<2304xf32, #tpu.memory_space<vmem>>, vector<16xf32>,
      %swap3A_587 = vector.shape_cast %swap3A_586 : vector<16xf32> to vector<16xf32>
      %swap3A_588 = vector.shape_cast %add3A_584 : vector<16xf32> to vector<16xf32>
      tpu.vector_store %arg8[%swap3A_585], %swap3A_588 {strides = array<i32>} : memref<2304xf32, #tpu.memory_space<vmem>>, vector<16xf32>,
      %get3A_589 = arith.constant 224 : index
      %get3A_590 = tpu.vector_load %arg7[%get3A_589] {strides = array<i32>} : memref<1152xf32, #tpu.memory_space<vmem>>, vector<16xf32>,
      %get3A_591 = vector.shape_cast %get3A_590 : vector<16xf32> to vector<16xf32>
      %mul3A_592 = arith.constant 2.500000e-01 : f32
      %mul3A_593 = vector.broadcast %mul3A_592 : f32 to vector<16xf32>
      %mul3A_594 = arith.mulf %mul3A_593, %get3A_591 : vector<16xf32>
      %get3A_595 = arith.constant 272 : index
      %get3A_596 = tpu.vector_load %arg7[%get3A_595] {strides = array<i32>} : memref<1152xf32, #tpu.memory_space<vmem>>, vector<16xf32>,
      %get3A_597 = vector.shape_cast %get3A_596 : vector<16xf32> to vector<16xf32>
      %mul3A_598 = arith.constant 7.500000e-01 : f32
      %mul3A_599 = vector.broadcast %mul3A_598 : f32 to vector<16xf32>
      %mul3A_600 = arith.mulf %mul3A_599, %get3A_597 : vector<16xf32>
      %add3A_601 = arith.addf %mul3A_594, %mul3A_600 : vector<16xf32>
      %swap3A_602 = arith.constant 512 : index
      %swap3A_603 = tpu.vector_load %arg8[%swap3A_602] {strides = array<i32>} : memref<2304xf32, #tpu.memory_space<vmem>>, vector<16xf32>,
      %swap3A_604 = vector.shape_cast %swap3A_603 : vector<16xf32> to vector<16xf32>
      %swap3A_605 = vector.shape_cast %add3A_601 : vector<16xf32> to vector<16xf32>
      tpu.vector_store %arg8[%swap3A_602], %swap3A_605 {strides = array<i32>} : memref<2304xf32, #tpu.memory_space<vmem>>, vector<16xf32>,
      %get3A_606 = arith.constant 240 : index
      %get3A_607 = tpu.vector_load %arg7[%get3A_606] {strides = array<i32>} : memref<1152xf32, #tpu.memory_space<vmem>>, vector<16xf32>,
      %get3A_608 = vector.shape_cast %get3A_607 : vector<16xf32> to vector<16xf32>
      %mul3A_609 = arith.constant 7.500000e-01 : f32
      %mul3A_610 = vector.broadcast %mul3A_609 : f32 to vector<16xf32>
      %mul3A_611 = arith.mulf %mul3A_610, %get3A_608 : vector<16xf32>
      %get3A_612 = arith.constant 288 : index
      %get3A_613 = tpu.vector_load %arg7[%get3A_612] {strides = array<i32>} : memref<1152xf32, #tpu.memory_space<vmem>>, vector<16xf32>,
      %get3A_614 = vector.shape_cast %get3A_613 : vector<16xf32> to vector<16xf32>
      %mul3A_615 = arith.constant 2.500000e-01 : f32
      %mul3A_616 = vector.broadcast %mul3A_615 : f32 to vector<16xf32>
      %mul3A_617 = arith.mulf %mul3A_616, %get3A_614 : vector<16xf32>
      %add3A_618 = arith.addf %mul3A_611, %mul3A_617 : vector<16xf32>
      %swap3A_619 = arith.constant 528 : index
      %swap3A_620 = tpu.vector_load %arg8[%swap3A_619] {strides = array<i32>} : memref<2304xf32, #tpu.memory_space<vmem>>, vector<16xf32>,
      %swap3A_621 = vector.shape_cast %swap3A_620 : vector<16xf32> to vector<16xf32>
      %swap3A_622 = vector.shape_cast %add3A_618 : vector<16xf32> to vector<16xf32>
      tpu.vector_store %arg8[%swap3A_619], %swap3A_622 {strides = array<i32>} : memref<2304xf32, #tpu.memory_space<vmem>>, vector<16xf32>,
      %get3A_623 = arith.constant 256 : index
      %get3A_624 = tpu.vector_load %arg7[%get3A_623] {strides = array<i32>} : memref<1152xf32, #tpu.memory_space<vmem>>, vector<16xf32>,
      %get3A_625 = vector.shape_cast %get3A_624 : vector<16xf32> to vector<16xf32>
      %mul3A_626 = arith.constant 7.500000e-01 : f32
      %mul3A_627 = vector.broadcast %mul3A_626 : f32 to vector<16xf32>
      %mul3A_628 = arith.mulf %mul3A_627, %get3A_625 : vector<16xf32>
      %get3A_629 = arith.constant 304 : index
      %get3A_630 = tpu.vector_load %arg7[%get3A_629] {strides = array<i32>} : memref<1152xf32, #tpu.memory_space<vmem>>, vector<16xf32>,
      %get3A_631 = vector.shape_cast %get3A_630 : vector<16xf32> to vector<16xf32>
      %mul3A_632 = arith.constant 2.500000e-01 : f32
      %mul3A_633 = vector.broadcast %mul3A_632 : f32 to vector<16xf32>
      %mul3A_634 = arith.mulf %mul3A_633, %get3A_631 : vector<16xf32>
      %add3A_635 = arith.addf %mul3A_628, %mul3A_634 : vector<16xf32>
      %swap3A_636 = arith.constant 544 : index
      %swap3A_637 = tpu.vector_load %arg8[%swap3A_636] {strides = array<i32>} : memref<2304xf32, #tpu.memory_space<vmem>>, vector<16xf32>,
      %swap3A_638 = vector.shape_cast %swap3A_637 : vector<16xf32> to vector<16xf32>
      %swap3A_639 = vector.shape_cast %add3A_635 : vector<16xf32> to vector<16xf32>
      tpu.vector_store %arg8[%swap3A_636], %swap3A_639 {strides = array<i32>} : memref<2304xf32, #tpu.memory_space<vmem>>, vector<16xf32>,
      %get3A_640 = arith.constant 272 : index
      %get3A_641 = tpu.vector_load %arg7[%get3A_640] {strides = array<i32>} : memref<1152xf32, #tpu.memory_space<vmem>>, vector<16xf32>,
      %get3A_642 = vector.shape_cast %get3A_641 : vector<16xf32> to vector<16xf32>
      %mul3A_643 = arith.constant 7.500000e-01 : f32
      %mul3A_644 = vector.broadcast %mul3A_643 : f32 to vector<16xf32>
      %mul3A_645 = arith.mulf %mul3A_644, %get3A_642 : vector<16xf32>
      %get3A_646 = arith.constant 320 : index
      %get3A_647 = tpu.vector_load %arg7[%get3A_646] {strides = array<i32>} : memref<1152xf32, #tpu.memory_space<vmem>>, vector<16xf32>,
      %get3A_648 = vector.shape_cast %get3A_647 : vector<16xf32> to vector<16xf32>
      %mul3A_649 = arith.constant 2.500000e-01 : f32
      %mul3A_650 = vector.broadcast %mul3A_649 : f32 to vector<16xf32>
      %mul3A_651 = arith.mulf %mul3A_650, %get3A_648 : vector<16xf32>
      %add3A_652 = arith.addf %mul3A_645, %mul3A_651 : vector<16xf32>
      %swap3A_653 = arith.constant 560 : index
      %swap3A_654 = tpu.vector_load %arg8[%swap3A_653] {strides = array<i32>} : memref<2304xf32, #tpu.memory_space<vmem>>, vector<16xf32>,
      %swap3A_655 = vector.shape_cast %swap3A_654 : vector<16xf32> to vector<16xf32>
      %swap3A_656 = vector.shape_cast %add3A_652 : vector<16xf32> to vector<16xf32>
      tpu.vector_store %arg8[%swap3A_653], %swap3A_656 {strides = array<i32>} : memref<2304xf32, #tpu.memory_space<vmem>>, vector<16xf32>,
      %get3A_657 = arith.constant 240 : index
      %get3A_658 = tpu.vector_load %arg7[%get3A_657] {strides = array<i32>} : memref<1152xf32, #tpu.memory_space<vmem>>, vector<16xf32>,
      %get3A_659 = vector.shape_cast %get3A_658 : vector<16xf32> to vector<16xf32>
      %mul3A_660 = arith.constant 2.500000e-01 : f32
      %mul3A_661 = vector.broadcast %mul3A_660 : f32 to vector<16xf32>
      %mul3A_662 = arith.mulf %mul3A_661, %get3A_659 : vector<16xf32>
      %get3A_663 = arith.constant 288 : index
      %get3A_664 = tpu.vector_load %arg7[%get3A_663] {strides = array<i32>} : memref<1152xf32, #tpu.memory_space<vmem>>, vector<16xf32>,
      %get3A_665 = vector.shape_cast %get3A_664 : vector<16xf32> to vector<16xf32>
      %mul3A_666 = arith.constant 7.500000e-01 : f32
      %mul3A_667 = vector.broadcast %mul3A_666 : f32 to vector<16xf32>
      %mul3A_668 = arith.mulf %mul3A_667, %get3A_665 : vector<16xf32>
      %add3A_669 = arith.addf %mul3A_662, %mul3A_668 : vector<16xf32>
      %swap3A_670 = arith.constant 576 : index
      %swap3A_671 = tpu.vector_load %arg8[%swap3A_670] {strides = array<i32>} : memref<2304xf32, #tpu.memory_space<vmem>>, vector<16xf32>,
      %swap3A_672 = vector.shape_cast %swap3A_671 : vector<16xf32> to vector<16xf32>
      %swap3A_673 = vector.shape_cast %add3A_669 : vector<16xf32> to vector<16xf32>
      tpu.vector_store %arg8[%swap3A_670], %swap3A_673 {strides = array<i32>} : memref<2304xf32, #tpu.memory_space<vmem>>, vector<16xf32>,
      %get3A_674 = arith.constant 256 : index
      %get3A_675 = tpu.vector_load %arg7[%get3A_674] {strides = array<i32>} : memref<1152xf32, #tpu.memory_space<vmem>>, vector<16xf32>,
      %get3A_676 = vector.shape_cast %get3A_675 : vector<16xf32> to vector<16xf32>
      %mul3A_677 = arith.constant 2.500000e-01 : f32
      %mul3A_678 = vector.broadcast %mul3A_677 : f32 to vector<16xf32>
      %mul3A_679 = arith.mulf %mul3A_678, %get3A_676 : vector<16xf32>
      %get3A_680 = arith.constant 304 : index
      %get3A_681 = tpu.vector_load %arg7[%get3A_680] {strides = array<i32>} : memref<1152xf32, #tpu.memory_space<vmem>>, vector<16xf32>,
      %get3A_682 = vector.shape_cast %get3A_681 : vector<16xf32> to vector<16xf32>
      %mul3A_683 = arith.constant 7.500000e-01 : f32
      %mul3A_684 = vector.broadcast %mul3A_683 : f32 to vector<16xf32>
      %mul3A_685 = arith.mulf %mul3A_684, %get3A_682 : vector<16xf32>
      %add3A_686 = arith.addf %mul3A_679, %mul3A_685 : vector<16xf32>
      %swap3A_687 = arith.constant 592 : index
      %swap3A_688 = tpu.vector_load %arg8[%swap3A_687] {strides = array<i32>} : memref<2304xf32, #tpu.memory_space<vmem>>, vector<16xf32>,
      %swap3A_689 = vector.shape_cast %swap3A_688 : vector<16xf32> to vector<16xf32>
      %swap3A_690 = vector.shape_cast %add3A_686 : vector<16xf32> to vector<16xf32>
      tpu.vector_store %arg8[%swap3A_687], %swap3A_690 {strides = array<i32>} : memref<2304xf32, #tpu.memory_space<vmem>>, vector<16xf32>,
      %get3A_691 = arith.constant 272 : index
      %get3A_692 = tpu.vector_load %arg7[%get3A_691] {strides = array<i32>} : memref<1152xf32, #tpu.memory_space<vmem>>, vector<16xf32>,
      %get3A_693 = vector.shape_cast %get3A_692 : vector<16xf32> to vector<16xf32>
      %mul3A_694 = arith.constant 2.500000e-01 : f32
      %mul3A_695 = vector.broadcast %mul3A_694 : f32 to vector<16xf32>
      %mul3A_696 = arith.mulf %mul3A_695, %get3A_693 : vector<16xf32>
      %get3A_697 = arith.constant 320 : index
      %get3A_698 = tpu.vector_load %arg7[%get3A_697] {strides = array<i32>} : memref<1152xf32, #tpu.memory_space<vmem>>, vector<16xf32>,
      %get3A_699 = vector.shape_cast %get3A_698 : vector<16xf32> to vector<16xf32>
      %mul3A_700 = arith.constant 7.500000e-01 : f32
      %mul3A_701 = vector.broadcast %mul3A_700 : f32 to vector<16xf32>
      %mul3A_702 = arith.mulf %mul3A_701, %get3A_699 : vector<16xf32>
      %add3A_703 = arith.addf %mul3A_696, %mul3A_702 : vector<16xf32>
      %swap3A_704 = arith.constant 608 : index
      %swap3A_705 = tpu.vector_load %arg8[%swap3A_704] {strides = array<i32>} : memref<2304xf32, #tpu.memory_space<vmem>>, vector<16xf32>,
      %swap3A_706 = vector.shape_cast %swap3A_705 : vector<16xf32> to vector<16xf32>
      %swap3A_707 = vector.shape_cast %add3A_703 : vector<16xf32> to vector<16xf32>
      tpu.vector_store %arg8[%swap3A_704], %swap3A_707 {strides = array<i32>} : memref<2304xf32, #tpu.memory_space<vmem>>, vector<16xf32>,
      %get3A_708 = arith.constant 288 : index
      %get3A_709 = tpu.vector_load %arg7[%get3A_708] {strides = array<i32>} : memref<1152xf32, #tpu.memory_space<vmem>>, vector<16xf32>,
      %get3A_710 = vector.shape_cast %get3A_709 : vector<16xf32> to vector<16xf32>
      %mul3A_711 = arith.constant 7.500000e-01 : f32
      %mul3A_712 = vector.broadcast %mul3A_711 : f32 to vector<16xf32>
      %mul3A_713 = arith.mulf %mul3A_712, %get3A_710 : vector<16xf32>
      %get3A_714 = arith.constant 336 : index
      %get3A_715 = tpu.vector_load %arg7[%get3A_714] {strides = array<i32>} : memref<1152xf32, #tpu.memory_space<vmem>>, vector<16xf32>,
      %get3A_716 = vector.shape_cast %get3A_715 : vector<16xf32> to vector<16xf32>
      %mul3A_717 = arith.constant 2.500000e-01 : f32
      %mul3A_718 = vector.broadcast %mul3A_717 : f32 to vector<16xf32>
      %mul3A_719 = arith.mulf %mul3A_718, %get3A_716 : vector<16xf32>
      %add3A_720 = arith.addf %mul3A_713, %mul3A_719 : vector<16xf32>
      %swap3A_721 = arith.constant 624 : index
      %swap3A_722 = tpu.vector_load %arg8[%swap3A_721] {strides = array<i32>} : memref<2304xf32, #tpu.memory_space<vmem>>, vector<16xf32>,
      %swap3A_723 = vector.shape_cast %swap3A_722 : vector<16xf32> to vector<16xf32>
      %swap3A_724 = vector.shape_cast %add3A_720 : vector<16xf32> to vector<16xf32>
      tpu.vector_store %arg8[%swap3A_721], %swap3A_724 {strides = array<i32>} : memref<2304xf32, #tpu.memory_space<vmem>>, vector<16xf32>,
      %get3A_725 = arith.constant 304 : index
      %get3A_726 = tpu.vector_load %arg7[%get3A_725] {strides = array<i32>} : memref<1152xf32, #tpu.memory_space<vmem>>, vector<16xf32>,
      %get3A_727 = vector.shape_cast %get3A_726 : vector<16xf32> to vector<16xf32>
      %mul3A_728 = arith.constant 7.500000e-01 : f32
      %mul3A_729 = vector.broadcast %mul3A_728 : f32 to vector<16xf32>
      %mul3A_730 = arith.mulf %mul3A_729, %get3A_727 : vector<16xf32>
      %get3A_731 = arith.constant 352 : index
      %get3A_732 = tpu.vector_load %arg7[%get3A_731] {strides = array<i32>} : memref<1152xf32, #tpu.memory_space<vmem>>, vector<16xf32>,
      %get3A_733 = vector.shape_cast %get3A_732 : vector<16xf32> to vector<16xf32>
      %mul3A_734 = arith.constant 2.500000e-01 : f32
      %mul3A_735 = vector.broadcast %mul3A_734 : f32 to vector<16xf32>
      %mul3A_736 = arith.mulf %mul3A_735, %get3A_733 : vector<16xf32>
      %add3A_737 = arith.addf %mul3A_730, %mul3A_736 : vector<16xf32>
      %swap3A_738 = arith.constant 640 : index
      %swap3A_739 = tpu.vector_load %arg8[%swap3A_738] {strides = array<i32>} : memref<2304xf32, #tpu.memory_space<vmem>>, vector<16xf32>,
      %swap3A_740 = vector.shape_cast %swap3A_739 : vector<16xf32> to vector<16xf32>
      %swap3A_741 = vector.shape_cast %add3A_737 : vector<16xf32> to vector<16xf32>
      tpu.vector_store %arg8[%swap3A_738], %swap3A_741 {strides = array<i32>} : memref<2304xf32, #tpu.memory_space<vmem>>, vector<16xf32>,
      %get3A_742 = arith.constant 320 : index
      %get3A_743 = tpu.vector_load %arg7[%get3A_742] {strides = array<i32>} : memref<1152xf32, #tpu.memory_space<vmem>>, vector<16xf32>,
      %get3A_744 = vector.shape_cast %get3A_743 : vector<16xf32> to vector<16xf32>
      %mul3A_745 = arith.constant 7.500000e-01 : f32
      %mul3A_746 = vector.broadcast %mul3A_745 : f32 to vector<16xf32>
      %mul3A_747 = arith.mulf %mul3A_746, %get3A_744 : vector<16xf32>
      %get3A_748 = arith.constant 368 : index
      %get3A_749 = tpu.vector_load %arg7[%get3A_748] {strides = array<i32>} : memref<1152xf32, #tpu.memory_space<vmem>>, vector<16xf32>,
      %get3A_750 = vector.shape_cast %get3A_749 : vector<16xf32> to vector<16xf32>
      %mul3A_751 = arith.constant 2.500000e-01 : f32
      %mul3A_752 = vector.broadcast %mul3A_751 : f32 to vector<16xf32>
      %mul3A_753 = arith.mulf %mul3A_752, %get3A_750 : vector<16xf32>
      %add3A_754 = arith.addf %mul3A_747, %mul3A_753 : vector<16xf32>
      %swap3A_755 = arith.constant 656 : index
      %swap3A_756 = tpu.vector_load %arg8[%swap3A_755] {strides = array<i32>} : memref<2304xf32, #tpu.memory_space<vmem>>, vector<16xf32>,
      %swap3A_757 = vector.shape_cast %swap3A_756 : vector<16xf32> to vector<16xf32>
      %swap3A_758 = vector.shape_cast %add3A_754 : vector<16xf32> to vector<16xf32>
      tpu.vector_store %arg8[%swap3A_755], %swap3A_758 {strides = array<i32>} : memref<2304xf32, #tpu.memory_space<vmem>>, vector<16xf32>,
      %get3A_759 = arith.constant 288 : index
      %get3A_760 = tpu.vector_load %arg7[%get3A_759] {strides = array<i32>} : memref<1152xf32, #tpu.memory_space<vmem>>, vector<16xf32>,
      %get3A_761 = vector.shape_cast %get3A_760 : vector<16xf32> to vector<16xf32>
      %mul3A_762 = arith.constant 2.500000e-01 : f32
      %mul3A_763 = vector.broadcast %mul3A_762 : f32 to vector<16xf32>
      %mul3A_764 = arith.mulf %mul3A_763, %get3A_761 : vector<16xf32>
      %get3A_765 = arith.constant 336 : index
      %get3A_766 = tpu.vector_load %arg7[%get3A_765] {strides = array<i32>} : memref<1152xf32, #tpu.memory_space<vmem>>, vector<16xf32>,
      %get3A_767 = vector.shape_cast %get3A_766 : vector<16xf32> to vector<16xf32>
      %mul3A_768 = arith.constant 7.500000e-01 : f32
      %mul3A_769 = vector.broadcast %mul3A_768 : f32 to vector<16xf32>
      %mul3A_770 = arith.mulf %mul3A_769, %get3A_767 : vector<16xf32>
      %add3A_771 = arith.addf %mul3A_764, %mul3A_770 : vector<16xf32>
      %swap3A_772 = arith.constant 672 : index
      %swap3A_773 = tpu.vector_load %arg8[%swap3A_772] {strides = array<i32>} : memref<2304xf32, #tpu.memory_space<vmem>>, vector<16xf32>,
      %swap3A_774 = vector.shape_cast %swap3A_773 : vector<16xf32> to vector<16xf32>
      %swap3A_775 = vector.shape_cast %add3A_771 : vector<16xf32> to vector<16xf32>
      tpu.vector_store %arg8[%swap3A_772], %swap3A_775 {strides = array<i32>} : memref<2304xf32, #tpu.memory_space<vmem>>, vector<16xf32>,
      %get3A_776 = arith.constant 304 : index
      %get3A_777 = tpu.vector_load %arg7[%get3A_776] {strides = array<i32>} : memref<1152xf32, #tpu.memory_space<vmem>>, vector<16xf32>,
      %get3A_778 = vector.shape_cast %get3A_777 : vector<16xf32> to vector<16xf32>
      %mul3A_779 = arith.constant 2.500000e-01 : f32
      %mul3A_780 = vector.broadcast %mul3A_779 : f32 to vector<16xf32>
      %mul3A_781 = arith.mulf %mul3A_780, %get3A_778 : vector<16xf32>
      %get3A_782 = arith.constant 352 : index
      %get3A_783 = tpu.vector_load %arg7[%get3A_782] {strides = array<i32>} : memref<1152xf32, #tpu.memory_space<vmem>>, vector<16xf32>,
      %get3A_784 = vector.shape_cast %get3A_783 : vector<16xf32> to vector<16xf32>
      %mul3A_785 = arith.constant 7.500000e-01 : f32
      %mul3A_786 = vector.broadcast %mul3A_785 : f32 to vector<16xf32>
      %mul3A_787 = arith.mulf %mul3A_786, %get3A_784 : vector<16xf32>
      %add3A_788 = arith.addf %mul3A_781, %mul3A_787 : vector<16xf32>
      %swap3A_789 = arith.constant 688 : index
      %swap3A_790 = tpu.vector_load %arg8[%swap3A_789] {strides = array<i32>} : memref<2304xf32, #tpu.memory_space<vmem>>, vector<16xf32>,
      %swap3A_791 = vector.shape_cast %swap3A_790 : vector<16xf32> to vector<16xf32>
      %swap3A_792 = vector.shape_cast %add3A_788 : vector<16xf32> to vector<16xf32>
      tpu.vector_store %arg8[%swap3A_789], %swap3A_792 {strides = array<i32>} : memref<2304xf32, #tpu.memory_space<vmem>>, vector<16xf32>,
      %get3A_793 = arith.constant 320 : index
      %get3A_794 = tpu.vector_load %arg7[%get3A_793] {strides = array<i32>} : memref<1152xf32, #tpu.memory_space<vmem>>, vector<16xf32>,
      %get3A_795 = vector.shape_cast %get3A_794 : vector<16xf32> to vector<16xf32>
      %mul3A_796 = arith.constant 2.500000e-01 : f32
      %mul3A_797 = vector.broadcast %mul3A_796 : f32 to vector<16xf32>
      %mul3A_798 = arith.mulf %mul3A_797, %get3A_795 : vector<16xf32>
      %get3A_799 = arith.constant 368 : index
      %get3A_800 = tpu.vector_load %arg7[%get3A_799] {strides = array<i32>} : memref<1152xf32, #tpu.memory_space<vmem>>, vector<16xf32>,
      %get3A_801 = vector.shape_cast %get3A_800 : vector<16xf32> to vector<16xf32>
      %mul3A_802 = arith.constant 7.500000e-01 : f32
      %mul3A_803 = vector.broadcast %mul3A_802 : f32 to vector<16xf32>
      %mul3A_804 = arith.mulf %mul3A_803, %get3A_801 : vector<16xf32>
      %add3A_805 = arith.addf %mul3A_798, %mul3A_804 : vector<16xf32>
      %swap3A_806 = arith.constant 704 : index
      %swap3A_807 = tpu.vector_load %arg8[%swap3A_806] {strides = array<i32>} : memref<2304xf32, #tpu.memory_space<vmem>>, vector<16xf32>,
      %swap3A_808 = vector.shape_cast %swap3A_807 : vector<16xf32> to vector<16xf32>
      %swap3A_809 = vector.shape_cast %add3A_805 : vector<16xf32> to vector<16xf32>
      tpu.vector_store %arg8[%swap3A_806], %swap3A_809 {strides = array<i32>} : memref<2304xf32, #tpu.memory_space<vmem>>, vector<16xf32>,
      %get3A_810 = arith.constant 336 : index
      %get3A_811 = tpu.vector_load %arg7[%get3A_810] {strides = array<i32>} : memref<1152xf32, #tpu.memory_space<vmem>>, vector<16xf32>,
      %get3A_812 = vector.shape_cast %get3A_811 : vector<16xf32> to vector<16xf32>
      %mul3A_813 = arith.constant 7.500000e-01 : f32
      %mul3A_814 = vector.broadcast %mul3A_813 : f32 to vector<16xf32>
      %mul3A_815 = arith.mulf %mul3A_814, %get3A_812 : vector<16xf32>
      %get3A_816 = arith.constant 384 : index
      %get3A_817 = tpu.vector_load %arg7[%get3A_816] {strides = array<i32>} : memref<1152xf32, #tpu.memory_space<vmem>>, vector<16xf32>,
      %get3A_818 = vector.shape_cast %get3A_817 : vector<16xf32> to vector<16xf32>
      %mul3A_819 = arith.constant 2.500000e-01 : f32
      %mul3A_820 = vector.broadcast %mul3A_819 : f32 to vector<16xf32>
      %mul3A_821 = arith.mulf %mul3A_820, %get3A_818 : vector<16xf32>
      %add3A_822 = arith.addf %mul3A_815, %mul3A_821 : vector<16xf32>
      %swap3A_823 = arith.constant 720 : index
      %swap3A_824 = tpu.vector_load %arg8[%swap3A_823] {strides = array<i32>} : memref<2304xf32, #tpu.memory_space<vmem>>, vector<16xf32>,
      %swap3A_825 = vector.shape_cast %swap3A_824 : vector<16xf32> to vector<16xf32>
      %swap3A_826 = vector.shape_cast %add3A_822 : vector<16xf32> to vector<16xf32>
      tpu.vector_store %arg8[%swap3A_823], %swap3A_826 {strides = array<i32>} : memref<2304xf32, #tpu.memory_space<vmem>>, vector<16xf32>,
      %get3A_827 = arith.constant 352 : index
      %get3A_828 = tpu.vector_load %arg7[%get3A_827] {strides = array<i32>} : memref<1152xf32, #tpu.memory_space<vmem>>, vector<16xf32>,
      %get3A_829 = vector.shape_cast %get3A_828 : vector<16xf32> to vector<16xf32>
      %mul3A_830 = arith.constant 7.500000e-01 : f32
      %mul3A_831 = vector.broadcast %mul3A_830 : f32 to vector<16xf32>
      %mul3A_832 = arith.mulf %mul3A_831, %get3A_829 : vector<16xf32>
      %get3A_833 = arith.constant 400 : index
      %get3A_834 = tpu.vector_load %arg7[%get3A_833] {strides = array<i32>} : memref<1152xf32, #tpu.memory_space<vmem>>, vector<16xf32>,
      %get3A_835 = vector.shape_cast %get3A_834 : vector<16xf32> to vector<16xf32>
      %mul3A_836 = arith.constant 2.500000e-01 : f32
      %mul3A_837 = vector.broadcast %mul3A_836 : f32 to vector<16xf32>
      %mul3A_838 = arith.mulf %mul3A_837, %get3A_835 : vector<16xf32>
      %add3A_839 = arith.addf %mul3A_832, %mul3A_838 : vector<16xf32>
      %swap3A_840 = arith.constant 736 : index
      %swap3A_841 = tpu.vector_load %arg8[%swap3A_840] {strides = array<i32>} : memref<2304xf32, #tpu.memory_space<vmem>>, vector<16xf32>,
      %swap3A_842 = vector.shape_cast %swap3A_841 : vector<16xf32> to vector<16xf32>
      %swap3A_843 = vector.shape_cast %add3A_839 : vector<16xf32> to vector<16xf32>
      tpu.vector_store %arg8[%swap3A_840], %swap3A_843 {strides = array<i32>} : memref<2304xf32, #tpu.memory_space<vmem>>, vector<16xf32>,
      %get3A_844 = arith.constant 368 : index
      %get3A_845 = tpu.vector_load %arg7[%get3A_844] {strides = array<i32>} : memref<1152xf32, #tpu.memory_space<vmem>>, vector<16xf32>,
      %get3A_846 = vector.shape_cast %get3A_845 : vector<16xf32> to vector<16xf32>
      %mul3A_847 = arith.constant 7.500000e-01 : f32
      %mul3A_848 = vector.broadcast %mul3A_847 : f32 to vector<16xf32>
      %mul3A_849 = arith.mulf %mul3A_848, %get3A_846 : vector<16xf32>
      %get3A_850 = arith.constant 416 : index
      %get3A_851 = tpu.vector_load %arg7[%get3A_850] {strides = array<i32>} : memref<1152xf32, #tpu.memory_space<vmem>>, vector<16xf32>,
      %get3A_852 = vector.shape_cast %get3A_851 : vector<16xf32> to vector<16xf32>
      %mul3A_853 = arith.constant 2.500000e-01 : f32
      %mul3A_854 = vector.broadcast %mul3A_853 : f32 to vector<16xf32>
      %mul3A_855 = arith.mulf %mul3A_854, %get3A_852 : vector<16xf32>
      %add3A_856 = arith.addf %mul3A_849, %mul3A_855 : vector<16xf32>
      %swap3A_857 = arith.constant 752 : index
      %swap3A_858 = tpu.vector_load %arg8[%swap3A_857] {strides = array<i32>} : memref<2304xf32, #tpu.memory_space<vmem>>, vector<16xf32>,
      %swap3A_859 = vector.shape_cast %swap3A_858 : vector<16xf32> to vector<16xf32>
      %swap3A_860 = vector.shape_cast %add3A_856 : vector<16xf32> to vector<16xf32>
      tpu.vector_store %arg8[%swap3A_857], %swap3A_860 {strides = array<i32>} : memref<2304xf32, #tpu.memory_space<vmem>>, vector<16xf32>,
      %get3A_861 = arith.constant 336 : index
      %get3A_862 = tpu.vector_load %arg7[%get3A_861] {strides = array<i32>} : memref<1152xf32, #tpu.memory_space<vmem>>, vector<16xf32>,
      %get3A_863 = vector.shape_cast %get3A_862 : vector<16xf32> to vector<16xf32>
      %mul3A_864 = arith.constant 2.500000e-01 : f32
      %mul3A_865 = vector.broadcast %mul3A_864 : f32 to vector<16xf32>
      %mul3A_866 = arith.mulf %mul3A_865, %get3A_863 : vector<16xf32>
      %get3A_867 = arith.constant 384 : index
      %get3A_868 = tpu.vector_load %arg7[%get3A_867] {strides = array<i32>} : memref<1152xf32, #tpu.memory_space<vmem>>, vector<16xf32>,
      %get3A_869 = vector.shape_cast %get3A_868 : vector<16xf32> to vector<16xf32>
      %mul3A_870 = arith.constant 7.500000e-01 : f32
      %mul3A_871 = vector.broadcast %mul3A_870 : f32 to vector<16xf32>
      %mul3A_872 = arith.mulf %mul3A_871, %get3A_869 : vector<16xf32>
      %add3A_873 = arith.addf %mul3A_866, %mul3A_872 : vector<16xf32>
      %swap3A_874 = arith.constant 768 : index
      %swap3A_875 = tpu.vector_load %arg8[%swap3A_874] {strides = array<i32>} : memref<2304xf32, #tpu.memory_space<vmem>>, vector<16xf32>,
      %swap3A_876 = vector.shape_cast %swap3A_875 : vector<16xf32> to vector<16xf32>
      %swap3A_877 = vector.shape_cast %add3A_873 : vector<16xf32> to vector<16xf32>
      tpu.vector_store %arg8[%swap3A_874], %swap3A_877 {strides = array<i32>} : memref<2304xf32, #tpu.memory_space<vmem>>, vector<16xf32>,
      %get3A_878 = arith.constant 352 : index
      %get3A_879 = tpu.vector_load %arg7[%get3A_878] {strides = array<i32>} : memref<1152xf32, #tpu.memory_space<vmem>>, vector<16xf32>,
      %get3A_880 = vector.shape_cast %get3A_879 : vector<16xf32> to vector<16xf32>
      %mul3A_881 = arith.constant 2.500000e-01 : f32
      %mul3A_882 = vector.broadcast %mul3A_881 : f32 to vector<16xf32>
      %mul3A_883 = arith.mulf %mul3A_882, %get3A_880 : vector<16xf32>
      %get3A_884 = arith.constant 400 : index
      %get3A_885 = tpu.vector_load %arg7[%get3A_884] {strides = array<i32>} : memref<1152xf32, #tpu.memory_space<vmem>>, vector<16xf32>,
      %get3A_886 = vector.shape_cast %get3A_885 : vector<16xf32> to vector<16xf32>
      %mul3A_887 = arith.constant 7.500000e-01 : f32
      %mul3A_888 = vector.broadcast %mul3A_887 : f32 to vector<16xf32>
      %mul3A_889 = arith.mulf %mul3A_888, %get3A_886 : vector<16xf32>
      %add3A_890 = arith.addf %mul3A_883, %mul3A_889 : vector<16xf32>
      %swap3A_891 = arith.constant 784 : index
      %swap3A_892 = tpu.vector_load %arg8[%swap3A_891] {strides = array<i32>} : memref<2304xf32, #tpu.memory_space<vmem>>, vector<16xf32>,
      %swap3A_893 = vector.shape_cast %swap3A_892 : vector<16xf32> to vector<16xf32>
      %swap3A_894 = vector.shape_cast %add3A_890 : vector<16xf32> to vector<16xf32>
      tpu.vector_store %arg8[%swap3A_891], %swap3A_894 {strides = array<i32>} : memref<2304xf32, #tpu.memory_space<vmem>>, vector<16xf32>,
      %get3A_895 = arith.constant 368 : index
      %get3A_896 = tpu.vector_load %arg7[%get3A_895] {strides = array<i32>} : memref<1152xf32, #tpu.memory_space<vmem>>, vector<16xf32>,
      %get3A_897 = vector.shape_cast %get3A_896 : vector<16xf32> to vector<16xf32>
      %mul3A_898 = arith.constant 2.500000e-01 : f32
      %mul3A_899 = vector.broadcast %mul3A_898 : f32 to vector<16xf32>
      %mul3A_900 = arith.mulf %mul3A_899, %get3A_897 : vector<16xf32>
      %get3A_901 = arith.constant 416 : index
      %get3A_902 = tpu.vector_load %arg7[%get3A_901] {strides = array<i32>} : memref<1152xf32, #tpu.memory_space<vmem>>, vector<16xf32>,
      %get3A_903 = vector.shape_cast %get3A_902 : vector<16xf32> to vector<16xf32>
      %mul3A_904 = arith.constant 7.500000e-01 : f32
      %mul3A_905 = vector.broadcast %mul3A_904 : f32 to vector<16xf32>
      %mul3A_906 = arith.mulf %mul3A_905, %get3A_903 : vector<16xf32>
      %add3A_907 = arith.addf %mul3A_900, %mul3A_906 : vector<16xf32>
      %swap3A_908 = arith.constant 800 : index
      %swap3A_909 = tpu.vector_load %arg8[%swap3A_908] {strides = array<i32>} : memref<2304xf32, #tpu.memory_space<vmem>>, vector<16xf32>,
      %swap3A_910 = vector.shape_cast %swap3A_909 : vector<16xf32> to vector<16xf32>
      %swap3A_911 = vector.shape_cast %add3A_907 : vector<16xf32> to vector<16xf32>
      tpu.vector_store %arg8[%swap3A_908], %swap3A_911 {strides = array<i32>} : memref<2304xf32, #tpu.memory_space<vmem>>, vector<16xf32>,
      %get3A_912 = arith.constant 384 : index
      %get3A_913 = tpu.vector_load %arg7[%get3A_912] {strides = array<i32>} : memref<1152xf32, #tpu.memory_space<vmem>>, vector<16xf32>,
      %get3A_914 = vector.shape_cast %get3A_913 : vector<16xf32> to vector<16xf32>
      %mul3A_915 = arith.constant 7.500000e-01 : f32
      %mul3A_916 = vector.broadcast %mul3A_915 : f32 to vector<16xf32>
      %mul3A_917 = arith.mulf %mul3A_916, %get3A_914 : vector<16xf32>
      %get3A_918 = arith.constant 432 : index
      %get3A_919 = tpu.vector_load %arg7[%get3A_918] {strides = array<i32>} : memref<1152xf32, #tpu.memory_space<vmem>>, vector<16xf32>,
      %get3A_920 = vector.shape_cast %get3A_919 : vector<16xf32> to vector<16xf32>
      %mul3A_921 = arith.constant 2.500000e-01 : f32
      %mul3A_922 = vector.broadcast %mul3A_921 : f32 to vector<16xf32>
      %mul3A_923 = arith.mulf %mul3A_922, %get3A_920 : vector<16xf32>
      %add3A_924 = arith.addf %mul3A_917, %mul3A_923 : vector<16xf32>
      %swap3A_925 = arith.constant 816 : index
      %swap3A_926 = tpu.vector_load %arg8[%swap3A_925] {strides = array<i32>} : memref<2304xf32, #tpu.memory_space<vmem>>, vector<16xf32>,
      %swap3A_927 = vector.shape_cast %swap3A_926 : vector<16xf32> to vector<16xf32>
      %swap3A_928 = vector.shape_cast %add3A_924 : vector<16xf32> to vector<16xf32>
      tpu.vector_store %arg8[%swap3A_925], %swap3A_928 {strides = array<i32>} : memref<2304xf32, #tpu.memory_space<vmem>>, vector<16xf32>,
      %get3A_929 = arith.constant 400 : index
      %get3A_930 = tpu.vector_load %arg7[%get3A_929] {strides = array<i32>} : memref<1152xf32, #tpu.memory_space<vmem>>, vector<16xf32>,
      %get3A_931 = vector.shape_cast %get3A_930 : vector<16xf32> to vector<16xf32>
      %mul3A_932 = arith.constant 7.500000e-01 : f32
      %mul3A_933 = vector.broadcast %mul3A_932 : f32 to vector<16xf32>
      %mul3A_934 = arith.mulf %mul3A_933, %get3A_931 : vector<16xf32>
      %get3A_935 = arith.constant 448 : index
      %get3A_936 = tpu.vector_load %arg7[%get3A_935] {strides = array<i32>} : memref<1152xf32, #tpu.memory_space<vmem>>, vector<16xf32>,
      %get3A_937 = vector.shape_cast %get3A_936 : vector<16xf32> to vector<16xf32>
      %mul3A_938 = arith.constant 2.500000e-01 : f32
      %mul3A_939 = vector.broadcast %mul3A_938 : f32 to vector<16xf32>
      %mul3A_940 = arith.mulf %mul3A_939, %get3A_937 : vector<16xf32>
      %add3A_941 = arith.addf %mul3A_934, %mul3A_940 : vector<16xf32>
      %swap3A_942 = arith.constant 832 : index
      %swap3A_943 = tpu.vector_load %arg8[%swap3A_942] {strides = array<i32>} : memref<2304xf32, #tpu.memory_space<vmem>>, vector<16xf32>,
      %swap3A_944 = vector.shape_cast %swap3A_943 : vector<16xf32> to vector<16xf32>
      %swap3A_945 = vector.shape_cast %add3A_941 : vector<16xf32> to vector<16xf32>
      tpu.vector_store %arg8[%swap3A_942], %swap3A_945 {strides = array<i32>} : memref<2304xf32, #tpu.memory_space<vmem>>, vector<16xf32>,
      %get3A_946 = arith.constant 416 : index
      %get3A_947 = tpu.vector_load %arg7[%get3A_946] {strides = array<i32>} : memref<1152xf32, #tpu.memory_space<vmem>>, vector<16xf32>,
      %get3A_948 = vector.shape_cast %get3A_947 : vector<16xf32> to vector<16xf32>
      %mul3A_949 = arith.constant 7.500000e-01 : f32
      %mul3A_950 = vector.broadcast %mul3A_949 : f32 to vector<16xf32>
      %mul3A_951 = arith.mulf %mul3A_950, %get3A_948 : vector<16xf32>
      %get3A_952 = arith.constant 464 : index
      %get3A_953 = tpu.vector_load %arg7[%get3A_952] {strides = array<i32>} : memref<1152xf32, #tpu.memory_space<vmem>>, vector<16xf32>,
      %get3A_954 = vector.shape_cast %get3A_953 : vector<16xf32> to vector<16xf32>
      %mul3A_955 = arith.constant 2.500000e-01 : f32
      %mul3A_956 = vector.broadcast %mul3A_955 : f32 to vector<16xf32>
      %mul3A_957 = arith.mulf %mul3A_956, %get3A_954 : vector<16xf32>
      %add3A_958 = arith.addf %mul3A_951, %mul3A_957 : vector<16xf32>
      %swap3A_959 = arith.constant 848 : index
      %swap3A_960 = tpu.vector_load %arg8[%swap3A_959] {strides = array<i32>} : memref<2304xf32, #tpu.memory_space<vmem>>, vector<16xf32>,
      %swap3A_961 = vector.shape_cast %swap3A_960 : vector<16xf32> to vector<16xf32>
      %swap3A_962 = vector.shape_cast %add3A_958 : vector<16xf32> to vector<16xf32>
      tpu.vector_store %arg8[%swap3A_959], %swap3A_962 {strides = array<i32>} : memref<2304xf32, #tpu.memory_space<vmem>>, vector<16xf32>,
      %get3A_963 = arith.constant 384 : index
      %get3A_964 = tpu.vector_load %arg7[%get3A_963] {strides = array<i32>} : memref<1152xf32, #tpu.memory_space<vmem>>, vector<16xf32>,
      %get3A_965 = vector.shape_cast %get3A_964 : vector<16xf32> to vector<16xf32>
      %mul3A_966 = arith.constant 2.500000e-01 : f32
      %mul3A_967 = vector.broadcast %mul3A_966 : f32 to vector<16xf32>
      %mul3A_968 = arith.mulf %mul3A_967, %get3A_965 : vector<16xf32>
      %get3A_969 = arith.constant 432 : index
      %get3A_970 = tpu.vector_load %arg7[%get3A_969] {strides = array<i32>} : memref<1152xf32, #tpu.memory_space<vmem>>, vector<16xf32>,
      %get3A_971 = vector.shape_cast %get3A_970 : vector<16xf32> to vector<16xf32>
      %mul3A_972 = arith.constant 7.500000e-01 : f32
      %mul3A_973 = vector.broadcast %mul3A_972 : f32 to vector<16xf32>
      %mul3A_974 = arith.mulf %mul3A_973, %get3A_971 : vector<16xf32>
      %add3A_975 = arith.addf %mul3A_968, %mul3A_974 : vector<16xf32>
      %swap3A_976 = arith.constant 864 : index
      %swap3A_977 = tpu.vector_load %arg8[%swap3A_976] {strides = array<i32>} : memref<2304xf32, #tpu.memory_space<vmem>>, vector<16xf32>,
      %swap3A_978 = vector.shape_cast %swap3A_977 : vector<16xf32> to vector<16xf32>
      %swap3A_979 = vector.shape_cast %add3A_975 : vector<16xf32> to vector<16xf32>
      tpu.vector_store %arg8[%swap3A_976], %swap3A_979 {strides = array<i32>} : memref<2304xf32, #tpu.memory_space<vmem>>, vector<16xf32>,
      %get3A_980 = arith.constant 400 : index
      %get3A_981 = tpu.vector_load %arg7[%get3A_980] {strides = array<i32>} : memref<1152xf32, #tpu.memory_space<vmem>>, vector<16xf32>,
      %get3A_982 = vector.shape_cast %get3A_981 : vector<16xf32> to vector<16xf32>
      %mul3A_983 = arith.constant 2.500000e-01 : f32
      %mul3A_984 = vector.broadcast %mul3A_983 : f32 to vector<16xf32>
      %mul3A_985 = arith.mulf %mul3A_984, %get3A_982 : vector<16xf32>
      %get3A_986 = arith.constant 448 : index
      %get3A_987 = tpu.vector_load %arg7[%get3A_986] {strides = array<i32>} : memref<1152xf32, #tpu.memory_space<vmem>>, vector<16xf32>,
      %get3A_988 = vector.shape_cast %get3A_987 : vector<16xf32> to vector<16xf32>
      %mul3A_989 = arith.constant 7.500000e-01 : f32
      %mul3A_990 = vector.broadcast %mul3A_989 : f32 to vector<16xf32>
      %mul3A_991 = arith.mulf %mul3A_990, %get3A_988 : vector<16xf32>
      %add3A_992 = arith.addf %mul3A_985, %mul3A_991 : vector<16xf32>
      %swap3A_993 = arith.constant 880 : index
      %swap3A_994 = tpu.vector_load %arg8[%swap3A_993] {strides = array<i32>} : memref<2304xf32, #tpu.memory_space<vmem>>, vector<16xf32>,
      %swap3A_995 = vector.shape_cast %swap3A_994 : vector<16xf32> to vector<16xf32>
      %swap3A_996 = vector.shape_cast %add3A_992 : vector<16xf32> to vector<16xf32>
      tpu.vector_store %arg8[%swap3A_993], %swap3A_996 {strides = array<i32>} : memref<2304xf32, #tpu.memory_space<vmem>>, vector<16xf32>,
      %get3A_997 = arith.constant 416 : index
      %get3A_998 = tpu.vector_load %arg7[%get3A_997] {strides = array<i32>} : memref<1152xf32, #tpu.memory_space<vmem>>, vector<16xf32>,
      %get3A_999 = vector.shape_cast %get3A_998 : vector<16xf32> to vector<16xf32>
      %mul3A_1000 = arith.constant 2.500000e-01 : f32
      %mul3A_1001 = vector.broadcast %mul3A_1000 : f32 to vector<16xf32>
      %mul3A_1002 = arith.mulf %mul3A_1001, %get3A_999 : vector<16xf32>
      %get3A_1003 = arith.constant 464 : index
      %get3A_1004 = tpu.vector_load %arg7[%get3A_1003] {strides = array<i32>} : memref<1152xf32, #tpu.memory_space<vmem>>, vector<16xf32>,
      %get3A_1005 = vector.shape_cast %get3A_1004 : vector<16xf32> to vector<16xf32>
      %mul3A_1006 = arith.constant 7.500000e-01 : f32
      %mul3A_1007 = vector.broadcast %mul3A_1006 : f32 to vector<16xf32>
      %mul3A_1008 = arith.mulf %mul3A_1007, %get3A_1005 : vector<16xf32>
      %add3A_1009 = arith.addf %mul3A_1002, %mul3A_1008 : vector<16xf32>
      %swap3A_1010 = arith.constant 896 : index
      %swap3A_1011 = tpu.vector_load %arg8[%swap3A_1010] {strides = array<i32>} : memref<2304xf32, #tpu.memory_space<vmem>>, vector<16xf32>,
      %swap3A_1012 = vector.shape_cast %swap3A_1011 : vector<16xf32> to vector<16xf32>
      %swap3A_1013 = vector.shape_cast %add3A_1009 : vector<16xf32> to vector<16xf32>
      tpu.vector_store %arg8[%swap3A_1010], %swap3A_1013 {strides = array<i32>} : memref<2304xf32, #tpu.memory_space<vmem>>, vector<16xf32>,
      %get3A_1014 = arith.constant 432 : index
      %get3A_1015 = tpu.vector_load %arg7[%get3A_1014] {strides = array<i32>} : memref<1152xf32, #tpu.memory_space<vmem>>, vector<16xf32>,
      %get3A_1016 = vector.shape_cast %get3A_1015 : vector<16xf32> to vector<16xf32>
      %mul3A_1017 = arith.constant 7.500000e-01 : f32
      %mul3A_1018 = vector.broadcast %mul3A_1017 : f32 to vector<16xf32>
      %mul3A_1019 = arith.mulf %mul3A_1018, %get3A_1016 : vector<16xf32>
      %get3A_1020 = arith.constant 480 : index
      %get3A_1021 = tpu.vector_load %arg7[%get3A_1020] {strides = array<i32>} : memref<1152xf32, #tpu.memory_space<vmem>>, vector<16xf32>,
      %get3A_1022 = vector.shape_cast %get3A_1021 : vector<16xf32> to vector<16xf32>
      %mul3A_1023 = arith.constant 2.500000e-01 : f32
      %mul3A_1024 = vector.broadcast %mul3A_1023 : f32 to vector<16xf32>
      %mul3A_1025 = arith.mulf %mul3A_1024, %get3A_1022 : vector<16xf32>
      %add3A_1026 = arith.addf %mul3A_1019, %mul3A_1025 : vector<16xf32>
      %swap3A_1027 = arith.constant 912 : index
      %swap3A_1028 = tpu.vector_load %arg8[%swap3A_1027] {strides = array<i32>} : memref<2304xf32, #tpu.memory_space<vmem>>, vector<16xf32>,
      %swap3A_1029 = vector.shape_cast %swap3A_1028 : vector<16xf32> to vector<16xf32>
      %swap3A_1030 = vector.shape_cast %add3A_1026 : vector<16xf32> to vector<16xf32>
      tpu.vector_store %arg8[%swap3A_1027], %swap3A_1030 {strides = array<i32>} : memref<2304xf32, #tpu.memory_space<vmem>>, vector<16xf32>,
      %get3A_1031 = arith.constant 448 : index
      %get3A_1032 = tpu.vector_load %arg7[%get3A_1031] {strides = array<i32>} : memref<1152xf32, #tpu.memory_space<vmem>>, vector<16xf32>,
      %get3A_1033 = vector.shape_cast %get3A_1032 : vector<16xf32> to vector<16xf32>
      %mul3A_1034 = arith.constant 7.500000e-01 : f32
      %mul3A_1035 = vector.broadcast %mul3A_1034 : f32 to vector<16xf32>
      %mul3A_1036 = arith.mulf %mul3A_1035, %get3A_1033 : vector<16xf32>
      %get3A_1037 = arith.constant 496 : index
      %get3A_1038 = tpu.vector_load %arg7[%get3A_1037] {strides = array<i32>} : memref<1152xf32, #tpu.memory_space<vmem>>, vector<16xf32>,
      %get3A_1039 = vector.shape_cast %get3A_1038 : vector<16xf32> to vector<16xf32>
      %mul3A_1040 = arith.constant 2.500000e-01 : f32
      %mul3A_1041 = vector.broadcast %mul3A_1040 : f32 to vector<16xf32>
      %mul3A_1042 = arith.mulf %mul3A_1041, %get3A_1039 : vector<16xf32>
      %add3A_1043 = arith.addf %mul3A_1036, %mul3A_1042 : vector<16xf32>
      %swap3A_1044 = arith.constant 928 : index
      %swap3A_1045 = tpu.vector_load %arg8[%swap3A_1044] {strides = array<i32>} : memref<2304xf32, #tpu.memory_space<vmem>>, vector<16xf32>,
      %swap3A_1046 = vector.shape_cast %swap3A_1045 : vector<16xf32> to vector<16xf32>
      %swap3A_1047 = vector.shape_cast %add3A_1043 : vector<16xf32> to vector<16xf32>
      tpu.vector_store %arg8[%swap3A_1044], %swap3A_1047 {strides = array<i32>} : memref<2304xf32, #tpu.memory_space<vmem>>, vector<16xf32>,
      %get3A_1048 = arith.constant 464 : index
      %get3A_1049 = tpu.vector_load %arg7[%get3A_1048] {strides = array<i32>} : memref<1152xf32, #tpu.memory_space<vmem>>, vector<16xf32>,
      %get3A_1050 = vector.shape_cast %get3A_1049 : vector<16xf32> to vector<16xf32>
      %mul3A_1051 = arith.constant 7.500000e-01 : f32
      %mul3A_1052 = vector.broadcast %mul3A_1051 : f32 to vector<16xf32>
      %mul3A_1053 = arith.mulf %mul3A_1052, %get3A_1050 : vector<16xf32>
      %get3A_1054 = arith.constant 512 : index
      %get3A_1055 = tpu.vector_load %arg7[%get3A_1054] {strides = array<i32>} : memref<1152xf32, #tpu.memory_space<vmem>>, vector<16xf32>,
      %get3A_1056 = vector.shape_cast %get3A_1055 : vector<16xf32> to vector<16xf32>
      %mul3A_1057 = arith.constant 2.500000e-01 : f32
      %mul3A_1058 = vector.broadcast %mul3A_1057 : f32 to vector<16xf32>
      %mul3A_1059 = arith.mulf %mul3A_1058, %get3A_1056 : vector<16xf32>
      %add3A_1060 = arith.addf %mul3A_1053, %mul3A_1059 : vector<16xf32>
      %swap3A_1061 = arith.constant 944 : index
      %swap3A_1062 = tpu.vector_load %arg8[%swap3A_1061] {strides = array<i32>} : memref<2304xf32, #tpu.memory_space<vmem>>, vector<16xf32>,
      %swap3A_1063 = vector.shape_cast %swap3A_1062 : vector<16xf32> to vector<16xf32>
      %swap3A_1064 = vector.shape_cast %add3A_1060 : vector<16xf32> to vector<16xf32>
      tpu.vector_store %arg8[%swap3A_1061], %swap3A_1064 {strides = array<i32>} : memref<2304xf32, #tpu.memory_space<vmem>>, vector<16xf32>,
      %get3A_1065 = arith.constant 432 : index
      %get3A_1066 = tpu.vector_load %arg7[%get3A_1065] {strides = array<i32>} : memref<1152xf32, #tpu.memory_space<vmem>>, vector<16xf32>,
      %get3A_1067 = vector.shape_cast %get3A_1066 : vector<16xf32> to vector<16xf32>
      %mul3A_1068 = arith.constant 2.500000e-01 : f32
      %mul3A_1069 = vector.broadcast %mul3A_1068 : f32 to vector<16xf32>
      %mul3A_1070 = arith.mulf %mul3A_1069, %get3A_1067 : vector<16xf32>
      %get3A_1071 = arith.constant 480 : index
      %get3A_1072 = tpu.vector_load %arg7[%get3A_1071] {strides = array<i32>} : memref<1152xf32, #tpu.memory_space<vmem>>, vector<16xf32>,
      %get3A_1073 = vector.shape_cast %get3A_1072 : vector<16xf32> to vector<16xf32>
      %mul3A_1074 = arith.constant 7.500000e-01 : f32
      %mul3A_1075 = vector.broadcast %mul3A_1074 : f32 to vector<16xf32>
      %mul3A_1076 = arith.mulf %mul3A_1075, %get3A_1073 : vector<16xf32>
      %add3A_1077 = arith.addf %mul3A_1070, %mul3A_1076 : vector<16xf32>
      %swap3A_1078 = arith.constant 960 : index
      %swap3A_1079 = tpu.vector_load %arg8[%swap3A_1078] {strides = array<i32>} : memref<2304xf32, #tpu.memory_space<vmem>>, vector<16xf32>,
      %swap3A_1080 = vector.shape_cast %swap3A_1079 : vector<16xf32> to vector<16xf32>
      %swap3A_1081 = vector.shape_cast %add3A_1077 : vector<16xf32> to vector<16xf32>
      tpu.vector_store %arg8[%swap3A_1078], %swap3A_1081 {strides = array<i32>} : memref<2304xf32, #tpu.memory_space<vmem>>, vector<16xf32>,
      %get3A_1082 = arith.constant 448 : index
      %get3A_1083 = tpu.vector_load %arg7[%get3A_1082] {strides = array<i32>} : memref<1152xf32, #tpu.memory_space<vmem>>, vector<16xf32>,
      %get3A_1084 = vector.shape_cast %get3A_1083 : vector<16xf32> to vector<16xf32>
      %mul3A_1085 = arith.constant 2.500000e-01 : f32
      %mul3A_1086 = vector.broadcast %mul3A_1085 : f32 to vector<16xf32>
      %mul3A_1087 = arith.mulf %mul3A_1086, %get3A_1084 : vector<16xf32>
      %get3A_1088 = arith.constant 496 : index
      %get3A_1089 = tpu.vector_load %arg7[%get3A_1088] {strides = array<i32>} : memref<1152xf32, #tpu.memory_space<vmem>>, vector<16xf32>,
      %get3A_1090 = vector.shape_cast %get3A_1089 : vector<16xf32> to vector<16xf32>
      %mul3A_1091 = arith.constant 7.500000e-01 : f32
      %mul3A_1092 = vector.broadcast %mul3A_1091 : f32 to vector<16xf32>
      %mul3A_1093 = arith.mulf %mul3A_1092, %get3A_1090 : vector<16xf32>
      %add3A_1094 = arith.addf %mul3A_1087, %mul3A_1093 : vector<16xf32>
      %swap3A_1095 = arith.constant 976 : index
      %swap3A_1096 = tpu.vector_load %arg8[%swap3A_1095] {strides = array<i32>} : memref<2304xf32, #tpu.memory_space<vmem>>, vector<16xf32>,
      %swap3A_1097 = vector.shape_cast %swap3A_1096 : vector<16xf32> to vector<16xf32>
      %swap3A_1098 = vector.shape_cast %add3A_1094 : vector<16xf32> to vector<16xf32>
      tpu.vector_store %arg8[%swap3A_1095], %swap3A_1098 {strides = array<i32>} : memref<2304xf32, #tpu.memory_space<vmem>>, vector<16xf32>,
      %get3A_1099 = arith.constant 464 : index
      %get3A_1100 = tpu.vector_load %arg7[%get3A_1099] {strides = array<i32>} : memref<1152xf32, #tpu.memory_space<vmem>>, vector<16xf32>,
      %get3A_1101 = vector.shape_cast %get3A_1100 : vector<16xf32> to vector<16xf32>
      %mul3A_1102 = arith.constant 2.500000e-01 : f32
      %mul3A_1103 = vector.broadcast %mul3A_1102 : f32 to vector<16xf32>
      %mul3A_1104 = arith.mulf %mul3A_1103, %get3A_1101 : vector<16xf32>
      %get3A_1105 = arith.constant 512 : index
      %get3A_1106 = tpu.vector_load %arg7[%get3A_1105] {strides = array<i32>} : memref<1152xf32, #tpu.memory_space<vmem>>, vector<16xf32>,
      %get3A_1107 = vector.shape_cast %get3A_1106 : vector<16xf32> to vector<16xf32>
      %mul3A_1108 = arith.constant 7.500000e-01 : f32
      %mul3A_1109 = vector.broadcast %mul3A_1108 : f32 to vector<16xf32>
      %mul3A_1110 = arith.mulf %mul3A_1109, %get3A_1107 : vector<16xf32>
      %add3A_1111 = arith.addf %mul3A_1104, %mul3A_1110 : vector<16xf32>
      %swap3A_1112 = arith.constant 992 : index
      %swap3A_1113 = tpu.vector_load %arg8[%swap3A_1112] {strides = array<i32>} : memref<2304xf32, #tpu.memory_space<vmem>>, vector<16xf32>,
      %swap3A_1114 = vector.shape_cast %swap3A_1113 : vector<16xf32> to vector<16xf32>
      %swap3A_1115 = vector.shape_cast %add3A_1111 : vector<16xf32> to vector<16xf32>
      tpu.vector_store %arg8[%swap3A_1112], %swap3A_1115 {strides = array<i32>} : memref<2304xf32, #tpu.memory_space<vmem>>, vector<16xf32>,
      %get3A_1116 = arith.constant 480 : index
      %get3A_1117 = tpu.vector_load %arg7[%get3A_1116] {strides = array<i32>} : memref<1152xf32, #tpu.memory_space<vmem>>, vector<16xf32>,
      %get3A_1118 = vector.shape_cast %get3A_1117 : vector<16xf32> to vector<16xf32>
      %mul3A_1119 = arith.constant 7.500000e-01 : f32
      %mul3A_1120 = vector.broadcast %mul3A_1119 : f32 to vector<16xf32>
      %mul3A_1121 = arith.mulf %mul3A_1120, %get3A_1118 : vector<16xf32>
      %get3A_1122 = arith.constant 528 : index
      %get3A_1123 = tpu.vector_load %arg7[%get3A_1122] {strides = array<i32>} : memref<1152xf32, #tpu.memory_space<vmem>>, vector<16xf32>,
      %get3A_1124 = vector.shape_cast %get3A_1123 : vector<16xf32> to vector<16xf32>
      %mul3A_1125 = arith.constant 2.500000e-01 : f32
      %mul3A_1126 = vector.broadcast %mul3A_1125 : f32 to vector<16xf32>
      %mul3A_1127 = arith.mulf %mul3A_1126, %get3A_1124 : vector<16xf32>
      %add3A_1128 = arith.addf %mul3A_1121, %mul3A_1127 : vector<16xf32>
      %swap3A_1129 = arith.constant 1008 : index
      %swap3A_1130 = tpu.vector_load %arg8[%swap3A_1129] {strides = array<i32>} : memref<2304xf32, #tpu.memory_space<vmem>>, vector<16xf32>,
      %swap3A_1131 = vector.shape_cast %swap3A_1130 : vector<16xf32> to vector<16xf32>
      %swap3A_1132 = vector.shape_cast %add3A_1128 : vector<16xf32> to vector<16xf32>
      tpu.vector_store %arg8[%swap3A_1129], %swap3A_1132 {strides = array<i32>} : memref<2304xf32, #tpu.memory_space<vmem>>, vector<16xf32>,
      %get3A_1133 = arith.constant 496 : index
      %get3A_1134 = tpu.vector_load %arg7[%get3A_1133] {strides = array<i32>} : memref<1152xf32, #tpu.memory_space<vmem>>, vector<16xf32>,
      %get3A_1135 = vector.shape_cast %get3A_1134 : vector<16xf32> to vector<16xf32>
      %mul3A_1136 = arith.constant 7.500000e-01 : f32
      %mul3A_1137 = vector.broadcast %mul3A_1136 : f32 to vector<16xf32>
      %mul3A_1138 = arith.mulf %mul3A_1137, %get3A_1135 : vector<16xf32>
      %get3A_1139 = arith.constant 544 : index
      %get3A_1140 = tpu.vector_load %arg7[%get3A_1139] {strides = array<i32>} : memref<1152xf32, #tpu.memory_space<vmem>>, vector<16xf32>,
      %get3A_1141 = vector.shape_cast %get3A_1140 : vector<16xf32> to vector<16xf32>
      %mul3A_1142 = arith.constant 2.500000e-01 : f32
      %mul3A_1143 = vector.broadcast %mul3A_1142 : f32 to vector<16xf32>
      %mul3A_1144 = arith.mulf %mul3A_1143, %get3A_1141 : vector<16xf32>
      %add3A_1145 = arith.addf %mul3A_1138, %mul3A_1144 : vector<16xf32>
      %swap3A_1146 = arith.constant 1024 : index
      %swap3A_1147 = tpu.vector_load %arg8[%swap3A_1146] {strides = array<i32>} : memref<2304xf32, #tpu.memory_space<vmem>>, vector<16xf32>,
      %swap3A_1148 = vector.shape_cast %swap3A_1147 : vector<16xf32> to vector<16xf32>
      %swap3A_1149 = vector.shape_cast %add3A_1145 : vector<16xf32> to vector<16xf32>
      tpu.vector_store %arg8[%swap3A_1146], %swap3A_1149 {strides = array<i32>} : memref<2304xf32, #tpu.memory_space<vmem>>, vector<16xf32>,
      %get3A_1150 = arith.constant 512 : index
      %get3A_1151 = tpu.vector_load %arg7[%get3A_1150] {strides = array<i32>} : memref<1152xf32, #tpu.memory_space<vmem>>, vector<16xf32>,
      %get3A_1152 = vector.shape_cast %get3A_1151 : vector<16xf32> to vector<16xf32>
      %mul3A_1153 = arith.constant 7.500000e-01 : f32
      %mul3A_1154 = vector.broadcast %mul3A_1153 : f32 to vector<16xf32>
      %mul3A_1155 = arith.mulf %mul3A_1154, %get3A_1152 : vector<16xf32>
      %get3A_1156 = arith.constant 560 : index
      %get3A_1157 = tpu.vector_load %arg7[%get3A_1156] {strides = array<i32>} : memref<1152xf32, #tpu.memory_space<vmem>>, vector<16xf32>,
      %get3A_1158 = vector.shape_cast %get3A_1157 : vector<16xf32> to vector<16xf32>
      %mul3A_1159 = arith.constant 2.500000e-01 : f32
      %mul3A_1160 = vector.broadcast %mul3A_1159 : f32 to vector<16xf32>
      %mul3A_1161 = arith.mulf %mul3A_1160, %get3A_1158 : vector<16xf32>
      %add3A_1162 = arith.addf %mul3A_1155, %mul3A_1161 : vector<16xf32>
      %swap3A_1163 = arith.constant 1040 : index
      %swap3A_1164 = tpu.vector_load %arg8[%swap3A_1163] {strides = array<i32>} : memref<2304xf32, #tpu.memory_space<vmem>>, vector<16xf32>,
      %swap3A_1165 = vector.shape_cast %swap3A_1164 : vector<16xf32> to vector<16xf32>
      %swap3A_1166 = vector.shape_cast %add3A_1162 : vector<16xf32> to vector<16xf32>
      tpu.vector_store %arg8[%swap3A_1163], %swap3A_1166 {strides = array<i32>} : memref<2304xf32, #tpu.memory_space<vmem>>, vector<16xf32>,
      %get3A_1167 = arith.constant 480 : index
      %get3A_1168 = tpu.vector_load %arg7[%get3A_1167] {strides = array<i32>} : memref<1152xf32, #tpu.memory_space<vmem>>, vector<16xf32>,
      %get3A_1169 = vector.shape_cast %get3A_1168 : vector<16xf32> to vector<16xf32>
      %mul3A_1170 = arith.constant 2.500000e-01 : f32
      %mul3A_1171 = vector.broadcast %mul3A_1170 : f32 to vector<16xf32>
      %mul3A_1172 = arith.mulf %mul3A_1171, %get3A_1169 : vector<16xf32>
      %get3A_1173 = arith.constant 528 : index
      %get3A_1174 = tpu.vector_load %arg7[%get3A_1173] {strides = array<i32>} : memref<1152xf32, #tpu.memory_space<vmem>>, vector<16xf32>,
      %get3A_1175 = vector.shape_cast %get3A_1174 : vector<16xf32> to vector<16xf32>
      %mul3A_1176 = arith.constant 7.500000e-01 : f32
      %mul3A_1177 = vector.broadcast %mul3A_1176 : f32 to vector<16xf32>
      %mul3A_1178 = arith.mulf %mul3A_1177, %get3A_1175 : vector<16xf32>
      %add3A_1179 = arith.addf %mul3A_1172, %mul3A_1178 : vector<16xf32>
      %swap3A_1180 = arith.constant 1056 : index
      %swap3A_1181 = tpu.vector_load %arg8[%swap3A_1180] {strides = array<i32>} : memref<2304xf32, #tpu.memory_space<vmem>>, vector<16xf32>,
      %swap3A_1182 = vector.shape_cast %swap3A_1181 : vector<16xf32> to vector<16xf32>
      %swap3A_1183 = vector.shape_cast %add3A_1179 : vector<16xf32> to vector<16xf32>
      tpu.vector_store %arg8[%swap3A_1180], %swap3A_1183 {strides = array<i32>} : memref<2304xf32, #tpu.memory_space<vmem>>, vector<16xf32>,
      %get3A_1184 = arith.constant 496 : index
      %get3A_1185 = tpu.vector_load %arg7[%get3A_1184] {strides = array<i32>} : memref<1152xf32, #tpu.memory_space<vmem>>, vector<16xf32>,
      %get3A_1186 = vector.shape_cast %get3A_1185 : vector<16xf32> to vector<16xf32>
      %mul3A_1187 = arith.constant 2.500000e-01 : f32
      %mul3A_1188 = vector.broadcast %mul3A_1187 : f32 to vector<16xf32>
      %mul3A_1189 = arith.mulf %mul3A_1188, %get3A_1186 : vector<16xf32>
      %get3A_1190 = arith.constant 544 : index
      %get3A_1191 = tpu.vector_load %arg7[%get3A_1190] {strides = array<i32>} : memref<1152xf32, #tpu.memory_space<vmem>>, vector<16xf32>,
      %get3A_1192 = vector.shape_cast %get3A_1191 : vector<16xf32> to vector<16xf32>
      %mul3A_1193 = arith.constant 7.500000e-01 : f32
      %mul3A_1194 = vector.broadcast %mul3A_1193 : f32 to vector<16xf32>
      %mul3A_1195 = arith.mulf %mul3A_1194, %get3A_1192 : vector<16xf32>
      %add3A_1196 = arith.addf %mul3A_1189, %mul3A_1195 : vector<16xf32>
      %swap3A_1197 = arith.constant 1072 : index
      %swap3A_1198 = tpu.vector_load %arg8[%swap3A_1197] {strides = array<i32>} : memref<2304xf32, #tpu.memory_space<vmem>>, vector<16xf32>,
      %swap3A_1199 = vector.shape_cast %swap3A_1198 : vector<16xf32> to vector<16xf32>
      %swap3A_1200 = vector.shape_cast %add3A_1196 : vector<16xf32> to vector<16xf32>
      tpu.vector_store %arg8[%swap3A_1197], %swap3A_1200 {strides = array<i32>} : memref<2304xf32, #tpu.memory_space<vmem>>, vector<16xf32>,
      %get3A_1201 = arith.constant 512 : index
      %get3A_1202 = tpu.vector_load %arg7[%get3A_1201] {strides = array<i32>} : memref<1152xf32, #tpu.memory_space<vmem>>, vector<16xf32>,
      %get3A_1203 = vector.shape_cast %get3A_1202 : vector<16xf32> to vector<16xf32>
      %mul3A_1204 = arith.constant 2.500000e-01 : f32
      %mul3A_1205 = vector.broadcast %mul3A_1204 : f32 to vector<16xf32>
      %mul3A_1206 = arith.mulf %mul3A_1205, %get3A_1203 : vector<16xf32>
      %get3A_1207 = arith.constant 560 : index
      %get3A_1208 = tpu.vector_load %arg7[%get3A_1207] {strides = array<i32>} : memref<1152xf32, #tpu.memory_space<vmem>>, vector<16xf32>,
      %get3A_1209 = vector.shape_cast %get3A_1208 : vector<16xf32> to vector<16xf32>
      %mul3A_1210 = arith.constant 7.500000e-01 : f32
      %mul3A_1211 = vector.broadcast %mul3A_1210 : f32 to vector<16xf32>
      %mul3A_1212 = arith.mulf %mul3A_1211, %get3A_1209 : vector<16xf32>
      %add3A_1213 = arith.addf %mul3A_1206, %mul3A_1212 : vector<16xf32>
      %swap3A_1214 = arith.constant 1088 : index
      %swap3A_1215 = tpu.vector_load %arg8[%swap3A_1214] {strides = array<i32>} : memref<2304xf32, #tpu.memory_space<vmem>>, vector<16xf32>,
      %swap3A_1216 = vector.shape_cast %swap3A_1215 : vector<16xf32> to vector<16xf32>
      %swap3A_1217 = vector.shape_cast %add3A_1213 : vector<16xf32> to vector<16xf32>
      tpu.vector_store %arg8[%swap3A_1214], %swap3A_1217 {strides = array<i32>} : memref<2304xf32, #tpu.memory_space<vmem>>, vector<16xf32>,
      %get3A_1218 = arith.constant 528 : index
      %get3A_1219 = tpu.vector_load %arg7[%get3A_1218] {strides = array<i32>} : memref<1152xf32, #tpu.memory_space<vmem>>, vector<16xf32>,
      %get3A_1220 = vector.shape_cast %get3A_1219 : vector<16xf32> to vector<16xf32>
      %mul3A_1221 = arith.constant 7.500000e-01 : f32
      %mul3A_1222 = vector.broadcast %mul3A_1221 : f32 to vector<16xf32>
      %mul3A_1223 = arith.mulf %mul3A_1222, %get3A_1220 : vector<16xf32>
      %get3A_1224 = arith.constant 576 : index
      %get3A_1225 = tpu.vector_load %arg7[%get3A_1224] {strides = array<i32>} : memref<1152xf32, #tpu.memory_space<vmem>>, vector<16xf32>,
      %get3A_1226 = vector.shape_cast %get3A_1225 : vector<16xf32> to vector<16xf32>
      %mul3A_1227 = arith.constant 2.500000e-01 : f32
      %mul3A_1228 = vector.broadcast %mul3A_1227 : f32 to vector<16xf32>
      %mul3A_1229 = arith.mulf %mul3A_1228, %get3A_1226 : vector<16xf32>
      %add3A_1230 = arith.addf %mul3A_1223, %mul3A_1229 : vector<16xf32>
      %swap3A_1231 = arith.constant 1104 : index
      %swap3A_1232 = tpu.vector_load %arg8[%swap3A_1231] {strides = array<i32>} : memref<2304xf32, #tpu.memory_space<vmem>>, vector<16xf32>,
      %swap3A_1233 = vector.shape_cast %swap3A_1232 : vector<16xf32> to vector<16xf32>
      %swap3A_1234 = vector.shape_cast %add3A_1230 : vector<16xf32> to vector<16xf32>
      tpu.vector_store %arg8[%swap3A_1231], %swap3A_1234 {strides = array<i32>} : memref<2304xf32, #tpu.memory_space<vmem>>, vector<16xf32>,
      %get3A_1235 = arith.constant 544 : index
      %get3A_1236 = tpu.vector_load %arg7[%get3A_1235] {strides = array<i32>} : memref<1152xf32, #tpu.memory_space<vmem>>, vector<16xf32>,
      %get3A_1237 = vector.shape_cast %get3A_1236 : vector<16xf32> to vector<16xf32>
      %mul3A_1238 = arith.constant 7.500000e-01 : f32
      %mul3A_1239 = vector.broadcast %mul3A_1238 : f32 to vector<16xf32>
      %mul3A_1240 = arith.mulf %mul3A_1239, %get3A_1237 : vector<16xf32>
      %get3A_1241 = arith.constant 592 : index
      %get3A_1242 = tpu.vector_load %arg7[%get3A_1241] {strides = array<i32>} : memref<1152xf32, #tpu.memory_space<vmem>>, vector<16xf32>,
      %get3A_1243 = vector.shape_cast %get3A_1242 : vector<16xf32> to vector<16xf32>
      %mul3A_1244 = arith.constant 2.500000e-01 : f32
      %mul3A_1245 = vector.broadcast %mul3A_1244 : f32 to vector<16xf32>
      %mul3A_1246 = arith.mulf %mul3A_1245, %get3A_1243 : vector<16xf32>
      %add3A_1247 = arith.addf %mul3A_1240, %mul3A_1246 : vector<16xf32>
      %swap3A_1248 = arith.constant 1120 : index
      %swap3A_1249 = tpu.vector_load %arg8[%swap3A_1248] {strides = array<i32>} : memref<2304xf32, #tpu.memory_space<vmem>>, vector<16xf32>,
      %swap3A_1250 = vector.shape_cast %swap3A_1249 : vector<16xf32> to vector<16xf32>
      %swap3A_1251 = vector.shape_cast %add3A_1247 : vector<16xf32> to vector<16xf32>
      tpu.vector_store %arg8[%swap3A_1248], %swap3A_1251 {strides = array<i32>} : memref<2304xf32, #tpu.memory_space<vmem>>, vector<16xf32>,
      %get3A_1252 = arith.constant 560 : index
      %get3A_1253 = tpu.vector_load %arg7[%get3A_1252] {strides = array<i32>} : memref<1152xf32, #tpu.memory_space<vmem>>, vector<16xf32>,
      %get3A_1254 = vector.shape_cast %get3A_1253 : vector<16xf32> to vector<16xf32>
      %mul3A_1255 = arith.constant 7.500000e-01 : f32
      %mul3A_1256 = vector.broadcast %mul3A_1255 : f32 to vector<16xf32>
      %mul3A_1257 = arith.mulf %mul3A_1256, %get3A_1254 : vector<16xf32>
      %get3A_1258 = arith.constant 608 : index
      %get3A_1259 = tpu.vector_load %arg7[%get3A_1258] {strides = array<i32>} : memref<1152xf32, #tpu.memory_space<vmem>>, vector<16xf32>,
      %get3A_1260 = vector.shape_cast %get3A_1259 : vector<16xf32> to vector<16xf32>
      %mul3A_1261 = arith.constant 2.500000e-01 : f32
      %mul3A_1262 = vector.broadcast %mul3A_1261 : f32 to vector<16xf32>
      %mul3A_1263 = arith.mulf %mul3A_1262, %get3A_1260 : vector<16xf32>
      %add3A_1264 = arith.addf %mul3A_1257, %mul3A_1263 : vector<16xf32>
      %swap3A_1265 = arith.constant 1136 : index
      %swap3A_1266 = tpu.vector_load %arg8[%swap3A_1265] {strides = array<i32>} : memref<2304xf32, #tpu.memory_space<vmem>>, vector<16xf32>,
      %swap3A_1267 = vector.shape_cast %swap3A_1266 : vector<16xf32> to vector<16xf32>
      %swap3A_1268 = vector.shape_cast %add3A_1264 : vector<16xf32> to vector<16xf32>
      tpu.vector_store %arg8[%swap3A_1265], %swap3A_1268 {strides = array<i32>} : memref<2304xf32, #tpu.memory_space<vmem>>, vector<16xf32>,
      %get3A_1269 = arith.constant 528 : index
      %get3A_1270 = tpu.vector_load %arg7[%get3A_1269] {strides = array<i32>} : memref<1152xf32, #tpu.memory_space<vmem>>, vector<16xf32>,
      %get3A_1271 = vector.shape_cast %get3A_1270 : vector<16xf32> to vector<16xf32>
      %mul3A_1272 = arith.constant 2.500000e-01 : f32
      %mul3A_1273 = vector.broadcast %mul3A_1272 : f32 to vector<16xf32>
      %mul3A_1274 = arith.mulf %mul3A_1273, %get3A_1271 : vector<16xf32>
      %get3A_1275 = arith.constant 576 : index
      %get3A_1276 = tpu.vector_load %arg7[%get3A_1275] {strides = array<i32>} : memref<1152xf32, #tpu.memory_space<vmem>>, vector<16xf32>,
      %get3A_1277 = vector.shape_cast %get3A_1276 : vector<16xf32> to vector<16xf32>
      %mul3A_1278 = arith.constant 7.500000e-01 : f32
      %mul3A_1279 = vector.broadcast %mul3A_1278 : f32 to vector<16xf32>
      %mul3A_1280 = arith.mulf %mul3A_1279, %get3A_1277 : vector<16xf32>
      %add3A_1281 = arith.addf %mul3A_1274, %mul3A_1280 : vector<16xf32>
      %swap3A_1282 = arith.constant 1152 : index
      %swap3A_1283 = tpu.vector_load %arg8[%swap3A_1282] {strides = array<i32>} : memref<2304xf32, #tpu.memory_space<vmem>>, vector<16xf32>,
      %swap3A_1284 = vector.shape_cast %swap3A_1283 : vector<16xf32> to vector<16xf32>
      %swap3A_1285 = vector.shape_cast %add3A_1281 : vector<16xf32> to vector<16xf32>
      tpu.vector_store %arg8[%swap3A_1282], %swap3A_1285 {strides = array<i32>} : memref<2304xf32, #tpu.memory_space<vmem>>, vector<16xf32>,
      %get3A_1286 = arith.constant 544 : index
      %get3A_1287 = tpu.vector_load %arg7[%get3A_1286] {strides = array<i32>} : memref<1152xf32, #tpu.memory_space<vmem>>, vector<16xf32>,
      %get3A_1288 = vector.shape_cast %get3A_1287 : vector<16xf32> to vector<16xf32>
      %mul3A_1289 = arith.constant 2.500000e-01 : f32
      %mul3A_1290 = vector.broadcast %mul3A_1289 : f32 to vector<16xf32>
      %mul3A_1291 = arith.mulf %mul3A_1290, %get3A_1288 : vector<16xf32>
      %get3A_1292 = arith.constant 592 : index
      %get3A_1293 = tpu.vector_load %arg7[%get3A_1292] {strides = array<i32>} : memref<1152xf32, #tpu.memory_space<vmem>>, vector<16xf32>,
      %get3A_1294 = vector.shape_cast %get3A_1293 : vector<16xf32> to vector<16xf32>
      %mul3A_1295 = arith.constant 7.500000e-01 : f32
      %mul3A_1296 = vector.broadcast %mul3A_1295 : f32 to vector<16xf32>
      %mul3A_1297 = arith.mulf %mul3A_1296, %get3A_1294 : vector<16xf32>
      %add3A_1298 = arith.addf %mul3A_1291, %mul3A_1297 : vector<16xf32>
      %swap3A_1299 = arith.constant 1168 : index
      %swap3A_1300 = tpu.vector_load %arg8[%swap3A_1299] {strides = array<i32>} : memref<2304xf32, #tpu.memory_space<vmem>>, vector<16xf32>,
      %swap3A_1301 = vector.shape_cast %swap3A_1300 : vector<16xf32> to vector<16xf32>
      %swap3A_1302 = vector.shape_cast %add3A_1298 : vector<16xf32> to vector<16xf32>
      tpu.vector_store %arg8[%swap3A_1299], %swap3A_1302 {strides = array<i32>} : memref<2304xf32, #tpu.memory_space<vmem>>, vector<16xf32>,
      %get3A_1303 = arith.constant 560 : index
      %get3A_1304 = tpu.vector_load %arg7[%get3A_1303] {strides = array<i32>} : memref<1152xf32, #tpu.memory_space<vmem>>, vector<16xf32>,
      %get3A_1305 = vector.shape_cast %get3A_1304 : vector<16xf32> to vector<16xf32>
      %mul3A_1306 = arith.constant 2.500000e-01 : f32
      %mul3A_1307 = vector.broadcast %mul3A_1306 : f32 to vector<16xf32>
      %mul3A_1308 = arith.mulf %mul3A_1307, %get3A_1305 : vector<16xf32>
      %get3A_1309 = arith.constant 608 : index
      %get3A_1310 = tpu.vector_load %arg7[%get3A_1309] {strides = array<i32>} : memref<1152xf32, #tpu.memory_space<vmem>>, vector<16xf32>,
      %get3A_1311 = vector.shape_cast %get3A_1310 : vector<16xf32> to vector<16xf32>
      %mul3A_1312 = arith.constant 7.500000e-01 : f32
      %mul3A_1313 = vector.broadcast %mul3A_1312 : f32 to vector<16xf32>
      %mul3A_1314 = arith.mulf %mul3A_1313, %get3A_1311 : vector<16xf32>
      %add3A_1315 = arith.addf %mul3A_1308, %mul3A_1314 : vector<16xf32>
      %swap3A_1316 = arith.constant 1184 : index
      %swap3A_1317 = tpu.vector_load %arg8[%swap3A_1316] {strides = array<i32>} : memref<2304xf32, #tpu.memory_space<vmem>>, vector<16xf32>,
      %swap3A_1318 = vector.shape_cast %swap3A_1317 : vector<16xf32> to vector<16xf32>
      %swap3A_1319 = vector.shape_cast %add3A_1315 : vector<16xf32> to vector<16xf32>
      tpu.vector_store %arg8[%swap3A_1316], %swap3A_1319 {strides = array<i32>} : memref<2304xf32, #tpu.memory_space<vmem>>, vector<16xf32>,
      %get3A_1320 = arith.constant 576 : index
      %get3A_1321 = tpu.vector_load %arg7[%get3A_1320] {strides = array<i32>} : memref<1152xf32, #tpu.memory_space<vmem>>, vector<16xf32>,
      %get3A_1322 = vector.shape_cast %get3A_1321 : vector<16xf32> to vector<16xf32>
      %mul3A_1323 = arith.constant 7.500000e-01 : f32
      %mul3A_1324 = vector.broadcast %mul3A_1323 : f32 to vector<16xf32>
      %mul3A_1325 = arith.mulf %mul3A_1324, %get3A_1322 : vector<16xf32>
      %get3A_1326 = arith.constant 624 : index
      %get3A_1327 = tpu.vector_load %arg7[%get3A_1326] {strides = array<i32>} : memref<1152xf32, #tpu.memory_space<vmem>>, vector<16xf32>,
      %get3A_1328 = vector.shape_cast %get3A_1327 : vector<16xf32> to vector<16xf32>
      %mul3A_1329 = arith.constant 2.500000e-01 : f32
      %mul3A_1330 = vector.broadcast %mul3A_1329 : f32 to vector<16xf32>
      %mul3A_1331 = arith.mulf %mul3A_1330, %get3A_1328 : vector<16xf32>
      %add3A_1332 = arith.addf %mul3A_1325, %mul3A_1331 : vector<16xf32>
      %swap3A_1333 = arith.constant 1200 : index
      %swap3A_1334 = tpu.vector_load %arg8[%swap3A_1333] {strides = array<i32>} : memref<2304xf32, #tpu.memory_space<vmem>>, vector<16xf32>,
      %swap3A_1335 = vector.shape_cast %swap3A_1334 : vector<16xf32> to vector<16xf32>
      %swap3A_1336 = vector.shape_cast %add3A_1332 : vector<16xf32> to vector<16xf32>
      tpu.vector_store %arg8[%swap3A_1333], %swap3A_1336 {strides = array<i32>} : memref<2304xf32, #tpu.memory_space<vmem>>, vector<16xf32>,
      %get3A_1337 = arith.constant 592 : index
      %get3A_1338 = tpu.vector_load %arg7[%get3A_1337] {strides = array<i32>} : memref<1152xf32, #tpu.memory_space<vmem>>, vector<16xf32>,
      %get3A_1339 = vector.shape_cast %get3A_1338 : vector<16xf32> to vector<16xf32>
      %mul3A_1340 = arith.constant 7.500000e-01 : f32
      %mul3A_1341 = vector.broadcast %mul3A_1340 : f32 to vector<16xf32>
      %mul3A_1342 = arith.mulf %mul3A_1341, %get3A_1339 : vector<16xf32>
      %get3A_1343 = arith.constant 640 : index
      %get3A_1344 = tpu.vector_load %arg7[%get3A_1343] {strides = array<i32>} : memref<1152xf32, #tpu.memory_space<vmem>>, vector<16xf32>,
      %get3A_1345 = vector.shape_cast %get3A_1344 : vector<16xf32> to vector<16xf32>
      %mul3A_1346 = arith.constant 2.500000e-01 : f32
      %mul3A_1347 = vector.broadcast %mul3A_1346 : f32 to vector<16xf32>
      %mul3A_1348 = arith.mulf %mul3A_1347, %get3A_1345 : vector<16xf32>
      %add3A_1349 = arith.addf %mul3A_1342, %mul3A_1348 : vector<16xf32>
      %swap3A_1350 = arith.constant 1216 : index
      %swap3A_1351 = tpu.vector_load %arg8[%swap3A_1350] {strides = array<i32>} : memref<2304xf32, #tpu.memory_space<vmem>>, vector<16xf32>,
      %swap3A_1352 = vector.shape_cast %swap3A_1351 : vector<16xf32> to vector<16xf32>
      %swap3A_1353 = vector.shape_cast %add3A_1349 : vector<16xf32> to vector<16xf32>
      tpu.vector_store %arg8[%swap3A_1350], %swap3A_1353 {strides = array<i32>} : memref<2304xf32, #tpu.memory_space<vmem>>, vector<16xf32>,
      %get3A_1354 = arith.constant 608 : index
      %get3A_1355 = tpu.vector_load %arg7[%get3A_1354] {strides = array<i32>} : memref<1152xf32, #tpu.memory_space<vmem>>, vector<16xf32>,
      %get3A_1356 = vector.shape_cast %get3A_1355 : vector<16xf32> to vector<16xf32>
      %mul3A_1357 = arith.constant 7.500000e-01 : f32
      %mul3A_1358 = vector.broadcast %mul3A_1357 : f32 to vector<16xf32>
      %mul3A_1359 = arith.mulf %mul3A_1358, %get3A_1356 : vector<16xf32>
      %get3A_1360 = arith.constant 656 : index
      %get3A_1361 = tpu.vector_load %arg7[%get3A_1360] {strides = array<i32>} : memref<1152xf32, #tpu.memory_space<vmem>>, vector<16xf32>,
      %get3A_1362 = vector.shape_cast %get3A_1361 : vector<16xf32> to vector<16xf32>
      %mul3A_1363 = arith.constant 2.500000e-01 : f32
      %mul3A_1364 = vector.broadcast %mul3A_1363 : f32 to vector<16xf32>
      %mul3A_1365 = arith.mulf %mul3A_1364, %get3A_1362 : vector<16xf32>
      %add3A_1366 = arith.addf %mul3A_1359, %mul3A_1365 : vector<16xf32>
      %swap3A_1367 = arith.constant 1232 : index
      %swap3A_1368 = tpu.vector_load %arg8[%swap3A_1367] {strides = array<i32>} : memref<2304xf32, #tpu.memory_space<vmem>>, vector<16xf32>,
      %swap3A_1369 = vector.shape_cast %swap3A_1368 : vector<16xf32> to vector<16xf32>
      %swap3A_1370 = vector.shape_cast %add3A_1366 : vector<16xf32> to vector<16xf32>
      tpu.vector_store %arg8[%swap3A_1367], %swap3A_1370 {strides = array<i32>} : memref<2304xf32, #tpu.memory_space<vmem>>, vector<16xf32>,
      %get3A_1371 = arith.constant 576 : index
      %get3A_1372 = tpu.vector_load %arg7[%get3A_1371] {strides = array<i32>} : memref<1152xf32, #tpu.memory_space<vmem>>, vector<16xf32>,
      %get3A_1373 = vector.shape_cast %get3A_1372 : vector<16xf32> to vector<16xf32>
      %mul3A_1374 = arith.constant 2.500000e-01 : f32
      %mul3A_1375 = vector.broadcast %mul3A_1374 : f32 to vector<16xf32>
      %mul3A_1376 = arith.mulf %mul3A_1375, %get3A_1373 : vector<16xf32>
      %get3A_1377 = arith.constant 624 : index
      %get3A_1378 = tpu.vector_load %arg7[%get3A_1377] {strides = array<i32>} : memref<1152xf32, #tpu.memory_space<vmem>>, vector<16xf32>,
      %get3A_1379 = vector.shape_cast %get3A_1378 : vector<16xf32> to vector<16xf32>
      %mul3A_1380 = arith.constant 7.500000e-01 : f32
      %mul3A_1381 = vector.broadcast %mul3A_1380 : f32 to vector<16xf32>
      %mul3A_1382 = arith.mulf %mul3A_1381, %get3A_1379 : vector<16xf32>
      %add3A_1383 = arith.addf %mul3A_1376, %mul3A_1382 : vector<16xf32>
      %swap3A_1384 = arith.constant 1248 : index
      %swap3A_1385 = tpu.vector_load %arg8[%swap3A_1384] {strides = array<i32>} : memref<2304xf32, #tpu.memory_space<vmem>>, vector<16xf32>,
      %swap3A_1386 = vector.shape_cast %swap3A_1385 : vector<16xf32> to vector<16xf32>
      %swap3A_1387 = vector.shape_cast %add3A_1383 : vector<16xf32> to vector<16xf32>
      tpu.vector_store %arg8[%swap3A_1384], %swap3A_1387 {strides = array<i32>} : memref<2304xf32, #tpu.memory_space<vmem>>, vector<16xf32>,
      %get3A_1388 = arith.constant 592 : index
      %get3A_1389 = tpu.vector_load %arg7[%get3A_1388] {strides = array<i32>} : memref<1152xf32, #tpu.memory_space<vmem>>, vector<16xf32>,
      %get3A_1390 = vector.shape_cast %get3A_1389 : vector<16xf32> to vector<16xf32>
      %mul3A_1391 = arith.constant 2.500000e-01 : f32
      %mul3A_1392 = vector.broadcast %mul3A_1391 : f32 to vector<16xf32>
      %mul3A_1393 = arith.mulf %mul3A_1392, %get3A_1390 : vector<16xf32>
      %get3A_1394 = arith.constant 640 : index
      %get3A_1395 = tpu.vector_load %arg7[%get3A_1394] {strides = array<i32>} : memref<1152xf32, #tpu.memory_space<vmem>>, vector<16xf32>,
      %get3A_1396 = vector.shape_cast %get3A_1395 : vector<16xf32> to vector<16xf32>
      %mul3A_1397 = arith.constant 7.500000e-01 : f32
      %mul3A_1398 = vector.broadcast %mul3A_1397 : f32 to vector<16xf32>
      %mul3A_1399 = arith.mulf %mul3A_1398, %get3A_1396 : vector<16xf32>
      %add3A_1400 = arith.addf %mul3A_1393, %mul3A_1399 : vector<16xf32>
      %swap3A_1401 = arith.constant 1264 : index
      %swap3A_1402 = tpu.vector_load %arg8[%swap3A_1401] {strides = array<i32>} : memref<2304xf32, #tpu.memory_space<vmem>>, vector<16xf32>,
      %swap3A_1403 = vector.shape_cast %swap3A_1402 : vector<16xf32> to vector<16xf32>
      %swap3A_1404 = vector.shape_cast %add3A_1400 : vector<16xf32> to vector<16xf32>
      tpu.vector_store %arg8[%swap3A_1401], %swap3A_1404 {strides = array<i32>} : memref<2304xf32, #tpu.memory_space<vmem>>, vector<16xf32>,
      %get3A_1405 = arith.constant 608 : index
      %get3A_1406 = tpu.vector_load %arg7[%get3A_1405] {strides = array<i32>} : memref<1152xf32, #tpu.memory_space<vmem>>, vector<16xf32>,
      %get3A_1407 = vector.shape_cast %get3A_1406 : vector<16xf32> to vector<16xf32>
      %mul3A_1408 = arith.constant 2.500000e-01 : f32
      %mul3A_1409 = vector.broadcast %mul3A_1408 : f32 to vector<16xf32>
      %mul3A_1410 = arith.mulf %mul3A_1409, %get3A_1407 : vector<16xf32>
      %get3A_1411 = arith.constant 656 : index
      %get3A_1412 = tpu.vector_load %arg7[%get3A_1411] {strides = array<i32>} : memref<1152xf32, #tpu.memory_space<vmem>>, vector<16xf32>,
      %get3A_1413 = vector.shape_cast %get3A_1412 : vector<16xf32> to vector<16xf32>
      %mul3A_1414 = arith.constant 7.500000e-01 : f32
      %mul3A_1415 = vector.broadcast %mul3A_1414 : f32 to vector<16xf32>
      %mul3A_1416 = arith.mulf %mul3A_1415, %get3A_1413 : vector<16xf32>
      %add3A_1417 = arith.addf %mul3A_1410, %mul3A_1416 : vector<16xf32>
      %swap3A_1418 = arith.constant 1280 : index
      %swap3A_1419 = tpu.vector_load %arg8[%swap3A_1418] {strides = array<i32>} : memref<2304xf32, #tpu.memory_space<vmem>>, vector<16xf32>,
      %swap3A_1420 = vector.shape_cast %swap3A_1419 : vector<16xf32> to vector<16xf32>
      %swap3A_1421 = vector.shape_cast %add3A_1417 : vector<16xf32> to vector<16xf32>
      tpu.vector_store %arg8[%swap3A_1418], %swap3A_1421 {strides = array<i32>} : memref<2304xf32, #tpu.memory_space<vmem>>, vector<16xf32>,
      %get3A_1422 = arith.constant 624 : index
      %get3A_1423 = tpu.vector_load %arg7[%get3A_1422] {strides = array<i32>} : memref<1152xf32, #tpu.memory_space<vmem>>, vector<16xf32>,
      %get3A_1424 = vector.shape_cast %get3A_1423 : vector<16xf32> to vector<16xf32>
      %mul3A_1425 = arith.constant 7.500000e-01 : f32
      %mul3A_1426 = vector.broadcast %mul3A_1425 : f32 to vector<16xf32>
      %mul3A_1427 = arith.mulf %mul3A_1426, %get3A_1424 : vector<16xf32>
      %get3A_1428 = arith.constant 672 : index
      %get3A_1429 = tpu.vector_load %arg7[%get3A_1428] {strides = array<i32>} : memref<1152xf32, #tpu.memory_space<vmem>>, vector<16xf32>,
      %get3A_1430 = vector.shape_cast %get3A_1429 : vector<16xf32> to vector<16xf32>
      %mul3A_1431 = arith.constant 2.500000e-01 : f32
      %mul3A_1432 = vector.broadcast %mul3A_1431 : f32 to vector<16xf32>
      %mul3A_1433 = arith.mulf %mul3A_1432, %get3A_1430 : vector<16xf32>
      %add3A_1434 = arith.addf %mul3A_1427, %mul3A_1433 : vector<16xf32>
      %swap3A_1435 = arith.constant 1296 : index
      %swap3A_1436 = tpu.vector_load %arg8[%swap3A_1435] {strides = array<i32>} : memref<2304xf32, #tpu.memory_space<vmem>>, vector<16xf32>,
      %swap3A_1437 = vector.shape_cast %swap3A_1436 : vector<16xf32> to vector<16xf32>
      %swap3A_1438 = vector.shape_cast %add3A_1434 : vector<16xf32> to vector<16xf32>
      tpu.vector_store %arg8[%swap3A_1435], %swap3A_1438 {strides = array<i32>} : memref<2304xf32, #tpu.memory_space<vmem>>, vector<16xf32>,
      %get3A_1439 = arith.constant 640 : index
      %get3A_1440 = tpu.vector_load %arg7[%get3A_1439] {strides = array<i32>} : memref<1152xf32, #tpu.memory_space<vmem>>, vector<16xf32>,
      %get3A_1441 = vector.shape_cast %get3A_1440 : vector<16xf32> to vector<16xf32>
      %mul3A_1442 = arith.constant 7.500000e-01 : f32
      %mul3A_1443 = vector.broadcast %mul3A_1442 : f32 to vector<16xf32>
      %mul3A_1444 = arith.mulf %mul3A_1443, %get3A_1441 : vector<16xf32>
      %get3A_1445 = arith.constant 688 : index
      %get3A_1446 = tpu.vector_load %arg7[%get3A_1445] {strides = array<i32>} : memref<1152xf32, #tpu.memory_space<vmem>>, vector<16xf32>,
      %get3A_1447 = vector.shape_cast %get3A_1446 : vector<16xf32> to vector<16xf32>
      %mul3A_1448 = arith.constant 2.500000e-01 : f32
      %mul3A_1449 = vector.broadcast %mul3A_1448 : f32 to vector<16xf32>
      %mul3A_1450 = arith.mulf %mul3A_1449, %get3A_1447 : vector<16xf32>
      %add3A_1451 = arith.addf %mul3A_1444, %mul3A_1450 : vector<16xf32>
      %swap3A_1452 = arith.constant 1312 : index
      %swap3A_1453 = tpu.vector_load %arg8[%swap3A_1452] {strides = array<i32>} : memref<2304xf32, #tpu.memory_space<vmem>>, vector<16xf32>,
      %swap3A_1454 = vector.shape_cast %swap3A_1453 : vector<16xf32> to vector<16xf32>
      %swap3A_1455 = vector.shape_cast %add3A_1451 : vector<16xf32> to vector<16xf32>
      tpu.vector_store %arg8[%swap3A_1452], %swap3A_1455 {strides = array<i32>} : memref<2304xf32, #tpu.memory_space<vmem>>, vector<16xf32>,
      %get3A_1456 = arith.constant 656 : index
      %get3A_1457 = tpu.vector_load %arg7[%get3A_1456] {strides = array<i32>} : memref<1152xf32, #tpu.memory_space<vmem>>, vector<16xf32>,
      %get3A_1458 = vector.shape_cast %get3A_1457 : vector<16xf32> to vector<16xf32>
      %mul3A_1459 = arith.constant 7.500000e-01 : f32
      %mul3A_1460 = vector.broadcast %mul3A_1459 : f32 to vector<16xf32>
      %mul3A_1461 = arith.mulf %mul3A_1460, %get3A_1458 : vector<16xf32>
      %get3A_1462 = arith.constant 704 : index
      %get3A_1463 = tpu.vector_load %arg7[%get3A_1462] {strides = array<i32>} : memref<1152xf32, #tpu.memory_space<vmem>>, vector<16xf32>,
      %get3A_1464 = vector.shape_cast %get3A_1463 : vector<16xf32> to vector<16xf32>
      %mul3A_1465 = arith.constant 2.500000e-01 : f32
      %mul3A_1466 = vector.broadcast %mul3A_1465 : f32 to vector<16xf32>
      %mul3A_1467 = arith.mulf %mul3A_1466, %get3A_1464 : vector<16xf32>
      %add3A_1468 = arith.addf %mul3A_1461, %mul3A_1467 : vector<16xf32>
      %swap3A_1469 = arith.constant 1328 : index
      %swap3A_1470 = tpu.vector_load %arg8[%swap3A_1469] {strides = array<i32>} : memref<2304xf32, #tpu.memory_space<vmem>>, vector<16xf32>,
      %swap3A_1471 = vector.shape_cast %swap3A_1470 : vector<16xf32> to vector<16xf32>
      %swap3A_1472 = vector.shape_cast %add3A_1468 : vector<16xf32> to vector<16xf32>
      tpu.vector_store %arg8[%swap3A_1469], %swap3A_1472 {strides = array<i32>} : memref<2304xf32, #tpu.memory_space<vmem>>, vector<16xf32>,
      %get3A_1473 = arith.constant 624 : index
      %get3A_1474 = tpu.vector_load %arg7[%get3A_1473] {strides = array<i32>} : memref<1152xf32, #tpu.memory_space<vmem>>, vector<16xf32>,
      %get3A_1475 = vector.shape_cast %get3A_1474 : vector<16xf32> to vector<16xf32>
      %mul3A_1476 = arith.constant 2.500000e-01 : f32
      %mul3A_1477 = vector.broadcast %mul3A_1476 : f32 to vector<16xf32>
      %mul3A_1478 = arith.mulf %mul3A_1477, %get3A_1475 : vector<16xf32>
      %get3A_1479 = arith.constant 672 : index
      %get3A_1480 = tpu.vector_load %arg7[%get3A_1479] {strides = array<i32>} : memref<1152xf32, #tpu.memory_space<vmem>>, vector<16xf32>,
      %get3A_1481 = vector.shape_cast %get3A_1480 : vector<16xf32> to vector<16xf32>
      %mul3A_1482 = arith.constant 7.500000e-01 : f32
      %mul3A_1483 = vector.broadcast %mul3A_1482 : f32 to vector<16xf32>
      %mul3A_1484 = arith.mulf %mul3A_1483, %get3A_1481 : vector<16xf32>
      %add3A_1485 = arith.addf %mul3A_1478, %mul3A_1484 : vector<16xf32>
      %swap3A_1486 = arith.constant 1344 : index
      %swap3A_1487 = tpu.vector_load %arg8[%swap3A_1486] {strides = array<i32>} : memref<2304xf32, #tpu.memory_space<vmem>>, vector<16xf32>,
      %swap3A_1488 = vector.shape_cast %swap3A_1487 : vector<16xf32> to vector<16xf32>
      %swap3A_1489 = vector.shape_cast %add3A_1485 : vector<16xf32> to vector<16xf32>
      tpu.vector_store %arg8[%swap3A_1486], %swap3A_1489 {strides = array<i32>} : memref<2304xf32, #tpu.memory_space<vmem>>, vector<16xf32>,
      %get3A_1490 = arith.constant 640 : index
      %get3A_1491 = tpu.vector_load %arg7[%get3A_1490] {strides = array<i32>} : memref<1152xf32, #tpu.memory_space<vmem>>, vector<16xf32>,
      %get3A_1492 = vector.shape_cast %get3A_1491 : vector<16xf32> to vector<16xf32>
      %mul3A_1493 = arith.constant 2.500000e-01 : f32
      %mul3A_1494 = vector.broadcast %mul3A_1493 : f32 to vector<16xf32>
      %mul3A_1495 = arith.mulf %mul3A_1494, %get3A_1492 : vector<16xf32>
      %get3A_1496 = arith.constant 688 : index
      %get3A_1497 = tpu.vector_load %arg7[%get3A_1496] {strides = array<i32>} : memref<1152xf32, #tpu.memory_space<vmem>>, vector<16xf32>,
      %get3A_1498 = vector.shape_cast %get3A_1497 : vector<16xf32> to vector<16xf32>
      %mul3A_1499 = arith.constant 7.500000e-01 : f32
      %mul3A_1500 = vector.broadcast %mul3A_1499 : f32 to vector<16xf32>
      %mul3A_1501 = arith.mulf %mul3A_1500, %get3A_1498 : vector<16xf32>
      %add3A_1502 = arith.addf %mul3A_1495, %mul3A_1501 : vector<16xf32>
      %swap3A_1503 = arith.constant 1360 : index
      %swap3A_1504 = tpu.vector_load %arg8[%swap3A_1503] {strides = array<i32>} : memref<2304xf32, #tpu.memory_space<vmem>>, vector<16xf32>,
      %swap3A_1505 = vector.shape_cast %swap3A_1504 : vector<16xf32> to vector<16xf32>
      %swap3A_1506 = vector.shape_cast %add3A_1502 : vector<16xf32> to vector<16xf32>
      tpu.vector_store %arg8[%swap3A_1503], %swap3A_1506 {strides = array<i32>} : memref<2304xf32, #tpu.memory_space<vmem>>, vector<16xf32>,
      %get3A_1507 = arith.constant 656 : index
      %get3A_1508 = tpu.vector_load %arg7[%get3A_1507] {strides = array<i32>} : memref<1152xf32, #tpu.memory_space<vmem>>, vector<16xf32>,
      %get3A_1509 = vector.shape_cast %get3A_1508 : vector<16xf32> to vector<16xf32>
      %mul3A_1510 = arith.constant 2.500000e-01 : f32
      %mul3A_1511 = vector.broadcast %mul3A_1510 : f32 to vector<16xf32>
      %mul3A_1512 = arith.mulf %mul3A_1511, %get3A_1509 : vector<16xf32>
      %get3A_1513 = arith.constant 704 : index
      %get3A_1514 = tpu.vector_load %arg7[%get3A_1513] {strides = array<i32>} : memref<1152xf32, #tpu.memory_space<vmem>>, vector<16xf32>,
      %get3A_1515 = vector.shape_cast %get3A_1514 : vector<16xf32> to vector<16xf32>
      %mul3A_1516 = arith.constant 7.500000e-01 : f32
      %mul3A_1517 = vector.broadcast %mul3A_1516 : f32 to vector<16xf32>
      %mul3A_1518 = arith.mulf %mul3A_1517, %get3A_1515 : vector<16xf32>
      %add3A_1519 = arith.addf %mul3A_1512, %mul3A_1518 : vector<16xf32>
      %swap3A_1520 = arith.constant 1376 : index
      %swap3A_1521 = tpu.vector_load %arg8[%swap3A_1520] {strides = array<i32>} : memref<2304xf32, #tpu.memory_space<vmem>>, vector<16xf32>,
      %swap3A_1522 = vector.shape_cast %swap3A_1521 : vector<16xf32> to vector<16xf32>
      %swap3A_1523 = vector.shape_cast %add3A_1519 : vector<16xf32> to vector<16xf32>
      tpu.vector_store %arg8[%swap3A_1520], %swap3A_1523 {strides = array<i32>} : memref<2304xf32, #tpu.memory_space<vmem>>, vector<16xf32>,
      %get3A_1524 = arith.constant 672 : index
      %get3A_1525 = tpu.vector_load %arg7[%get3A_1524] {strides = array<i32>} : memref<1152xf32, #tpu.memory_space<vmem>>, vector<16xf32>,
      %get3A_1526 = vector.shape_cast %get3A_1525 : vector<16xf32> to vector<16xf32>
      %mul3A_1527 = arith.constant 7.500000e-01 : f32
      %mul3A_1528 = vector.broadcast %mul3A_1527 : f32 to vector<16xf32>
      %mul3A_1529 = arith.mulf %mul3A_1528, %get3A_1526 : vector<16xf32>
      %get3A_1530 = arith.constant 720 : index
      %get3A_1531 = tpu.vector_load %arg7[%get3A_1530] {strides = array<i32>} : memref<1152xf32, #tpu.memory_space<vmem>>, vector<16xf32>,
      %get3A_1532 = vector.shape_cast %get3A_1531 : vector<16xf32> to vector<16xf32>
      %mul3A_1533 = arith.constant 2.500000e-01 : f32
      %mul3A_1534 = vector.broadcast %mul3A_1533 : f32 to vector<16xf32>
      %mul3A_1535 = arith.mulf %mul3A_1534, %get3A_1532 : vector<16xf32>
      %add3A_1536 = arith.addf %mul3A_1529, %mul3A_1535 : vector<16xf32>
      %swap3A_1537 = arith.constant 1392 : index
      %swap3A_1538 = tpu.vector_load %arg8[%swap3A_1537] {strides = array<i32>} : memref<2304xf32, #tpu.memory_space<vmem>>, vector<16xf32>,
      %swap3A_1539 = vector.shape_cast %swap3A_1538 : vector<16xf32> to vector<16xf32>
      %swap3A_1540 = vector.shape_cast %add3A_1536 : vector<16xf32> to vector<16xf32>
      tpu.vector_store %arg8[%swap3A_1537], %swap3A_1540 {strides = array<i32>} : memref<2304xf32, #tpu.memory_space<vmem>>, vector<16xf32>,
      %get3A_1541 = arith.constant 688 : index
      %get3A_1542 = tpu.vector_load %arg7[%get3A_1541] {strides = array<i32>} : memref<1152xf32, #tpu.memory_space<vmem>>, vector<16xf32>,
      %get3A_1543 = vector.shape_cast %get3A_1542 : vector<16xf32> to vector<16xf32>
      %mul3A_1544 = arith.constant 7.500000e-01 : f32
      %mul3A_1545 = vector.broadcast %mul3A_1544 : f32 to vector<16xf32>
      %mul3A_1546 = arith.mulf %mul3A_1545, %get3A_1543 : vector<16xf32>
      %get3A_1547 = arith.constant 736 : index
      %get3A_1548 = tpu.vector_load %arg7[%get3A_1547] {strides = array<i32>} : memref<1152xf32, #tpu.memory_space<vmem>>, vector<16xf32>,
      %get3A_1549 = vector.shape_cast %get3A_1548 : vector<16xf32> to vector<16xf32>
      %mul3A_1550 = arith.constant 2.500000e-01 : f32
      %mul3A_1551 = vector.broadcast %mul3A_1550 : f32 to vector<16xf32>
      %mul3A_1552 = arith.mulf %mul3A_1551, %get3A_1549 : vector<16xf32>
      %add3A_1553 = arith.addf %mul3A_1546, %mul3A_1552 : vector<16xf32>
      %swap3A_1554 = arith.constant 1408 : index
      %swap3A_1555 = tpu.vector_load %arg8[%swap3A_1554] {strides = array<i32>} : memref<2304xf32, #tpu.memory_space<vmem>>, vector<16xf32>,
      %swap3A_1556 = vector.shape_cast %swap3A_1555 : vector<16xf32> to vector<16xf32>
      %swap3A_1557 = vector.shape_cast %add3A_1553 : vector<16xf32> to vector<16xf32>
      tpu.vector_store %arg8[%swap3A_1554], %swap3A_1557 {strides = array<i32>} : memref<2304xf32, #tpu.memory_space<vmem>>, vector<16xf32>,
      %get3A_1558 = arith.constant 704 : index
      %get3A_1559 = tpu.vector_load %arg7[%get3A_1558] {strides = array<i32>} : memref<1152xf32, #tpu.memory_space<vmem>>, vector<16xf32>,
      %get3A_1560 = vector.shape_cast %get3A_1559 : vector<16xf32> to vector<16xf32>
      %mul3A_1561 = arith.constant 7.500000e-01 : f32
      %mul3A_1562 = vector.broadcast %mul3A_1561 : f32 to vector<16xf32>
      %mul3A_1563 = arith.mulf %mul3A_1562, %get3A_1560 : vector<16xf32>
      %get3A_1564 = arith.constant 752 : index
      %get3A_1565 = tpu.vector_load %arg7[%get3A_1564] {strides = array<i32>} : memref<1152xf32, #tpu.memory_space<vmem>>, vector<16xf32>,
      %get3A_1566 = vector.shape_cast %get3A_1565 : vector<16xf32> to vector<16xf32>
      %mul3A_1567 = arith.constant 2.500000e-01 : f32
      %mul3A_1568 = vector.broadcast %mul3A_1567 : f32 to vector<16xf32>
      %mul3A_1569 = arith.mulf %mul3A_1568, %get3A_1566 : vector<16xf32>
      %add3A_1570 = arith.addf %mul3A_1563, %mul3A_1569 : vector<16xf32>
      %swap3A_1571 = arith.constant 1424 : index
      %swap3A_1572 = tpu.vector_load %arg8[%swap3A_1571] {strides = array<i32>} : memref<2304xf32, #tpu.memory_space<vmem>>, vector<16xf32>,
      %swap3A_1573 = vector.shape_cast %swap3A_1572 : vector<16xf32> to vector<16xf32>
      %swap3A_1574 = vector.shape_cast %add3A_1570 : vector<16xf32> to vector<16xf32>
      tpu.vector_store %arg8[%swap3A_1571], %swap3A_1574 {strides = array<i32>} : memref<2304xf32, #tpu.memory_space<vmem>>, vector<16xf32>,
      %get3A_1575 = arith.constant 672 : index
      %get3A_1576 = tpu.vector_load %arg7[%get3A_1575] {strides = array<i32>} : memref<1152xf32, #tpu.memory_space<vmem>>, vector<16xf32>,
      %get3A_1577 = vector.shape_cast %get3A_1576 : vector<16xf32> to vector<16xf32>
      %mul3A_1578 = arith.constant 2.500000e-01 : f32
      %mul3A_1579 = vector.broadcast %mul3A_1578 : f32 to vector<16xf32>
      %mul3A_1580 = arith.mulf %mul3A_1579, %get3A_1577 : vector<16xf32>
      %get3A_1581 = arith.constant 720 : index
      %get3A_1582 = tpu.vector_load %arg7[%get3A_1581] {strides = array<i32>} : memref<1152xf32, #tpu.memory_space<vmem>>, vector<16xf32>,
      %get3A_1583 = vector.shape_cast %get3A_1582 : vector<16xf32> to vector<16xf32>
      %mul3A_1584 = arith.constant 7.500000e-01 : f32
      %mul3A_1585 = vector.broadcast %mul3A_1584 : f32 to vector<16xf32>
      %mul3A_1586 = arith.mulf %mul3A_1585, %get3A_1583 : vector<16xf32>
      %add3A_1587 = arith.addf %mul3A_1580, %mul3A_1586 : vector<16xf32>
      %swap3A_1588 = arith.constant 1440 : index
      %swap3A_1589 = tpu.vector_load %arg8[%swap3A_1588] {strides = array<i32>} : memref<2304xf32, #tpu.memory_space<vmem>>, vector<16xf32>,
      %swap3A_1590 = vector.shape_cast %swap3A_1589 : vector<16xf32> to vector<16xf32>
      %swap3A_1591 = vector.shape_cast %add3A_1587 : vector<16xf32> to vector<16xf32>
      tpu.vector_store %arg8[%swap3A_1588], %swap3A_1591 {strides = array<i32>} : memref<2304xf32, #tpu.memory_space<vmem>>, vector<16xf32>,
      %get3A_1592 = arith.constant 688 : index
      %get3A_1593 = tpu.vector_load %arg7[%get3A_1592] {strides = array<i32>} : memref<1152xf32, #tpu.memory_space<vmem>>, vector<16xf32>,
      %get3A_1594 = vector.shape_cast %get3A_1593 : vector<16xf32> to vector<16xf32>
      %mul3A_1595 = arith.constant 2.500000e-01 : f32
      %mul3A_1596 = vector.broadcast %mul3A_1595 : f32 to vector<16xf32>
      %mul3A_1597 = arith.mulf %mul3A_1596, %get3A_1594 : vector<16xf32>
      %get3A_1598 = arith.constant 736 : index
      %get3A_1599 = tpu.vector_load %arg7[%get3A_1598] {strides = array<i32>} : memref<1152xf32, #tpu.memory_space<vmem>>, vector<16xf32>,
      %get3A_1600 = vector.shape_cast %get3A_1599 : vector<16xf32> to vector<16xf32>
      %mul3A_1601 = arith.constant 7.500000e-01 : f32
      %mul3A_1602 = vector.broadcast %mul3A_1601 : f32 to vector<16xf32>
      %mul3A_1603 = arith.mulf %mul3A_1602, %get3A_1600 : vector<16xf32>
      %add3A_1604 = arith.addf %mul3A_1597, %mul3A_1603 : vector<16xf32>
      %swap3A_1605 = arith.constant 1456 : index
      %swap3A_1606 = tpu.vector_load %arg8[%swap3A_1605] {strides = array<i32>} : memref<2304xf32, #tpu.memory_space<vmem>>, vector<16xf32>,
      %swap3A_1607 = vector.shape_cast %swap3A_1606 : vector<16xf32> to vector<16xf32>
      %swap3A_1608 = vector.shape_cast %add3A_1604 : vector<16xf32> to vector<16xf32>
      tpu.vector_store %arg8[%swap3A_1605], %swap3A_1608 {strides = array<i32>} : memref<2304xf32, #tpu.memory_space<vmem>>, vector<16xf32>,
      %get3A_1609 = arith.constant 704 : index
      %get3A_1610 = tpu.vector_load %arg7[%get3A_1609] {strides = array<i32>} : memref<1152xf32, #tpu.memory_space<vmem>>, vector<16xf32>,
      %get3A_1611 = vector.shape_cast %get3A_1610 : vector<16xf32> to vector<16xf32>
      %mul3A_1612 = arith.constant 2.500000e-01 : f32
      %mul3A_1613 = vector.broadcast %mul3A_1612 : f32 to vector<16xf32>
      %mul3A_1614 = arith.mulf %mul3A_1613, %get3A_1611 : vector<16xf32>
      %get3A_1615 = arith.constant 752 : index
      %get3A_1616 = tpu.vector_load %arg7[%get3A_1615] {strides = array<i32>} : memref<1152xf32, #tpu.memory_space<vmem>>, vector<16xf32>,
      %get3A_1617 = vector.shape_cast %get3A_1616 : vector<16xf32> to vector<16xf32>
      %mul3A_1618 = arith.constant 7.500000e-01 : f32
      %mul3A_1619 = vector.broadcast %mul3A_1618 : f32 to vector<16xf32>
      %mul3A_1620 = arith.mulf %mul3A_1619, %get3A_1617 : vector<16xf32>
      %add3A_1621 = arith.addf %mul3A_1614, %mul3A_1620 : vector<16xf32>
      %swap3A_1622 = arith.constant 1472 : index
      %swap3A_1623 = tpu.vector_load %arg8[%swap3A_1622] {strides = array<i32>} : memref<2304xf32, #tpu.memory_space<vmem>>, vector<16xf32>,
      %swap3A_1624 = vector.shape_cast %swap3A_1623 : vector<16xf32> to vector<16xf32>
      %swap3A_1625 = vector.shape_cast %add3A_1621 : vector<16xf32> to vector<16xf32>
      tpu.vector_store %arg8[%swap3A_1622], %swap3A_1625 {strides = array<i32>} : memref<2304xf32, #tpu.memory_space<vmem>>, vector<16xf32>,
      %get3A_1626 = arith.constant 720 : index
      %get3A_1627 = tpu.vector_load %arg7[%get3A_1626] {strides = array<i32>} : memref<1152xf32, #tpu.memory_space<vmem>>, vector<16xf32>,
      %get3A_1628 = vector.shape_cast %get3A_1627 : vector<16xf32> to vector<16xf32>
      %mul3A_1629 = arith.constant 7.500000e-01 : f32
      %mul3A_1630 = vector.broadcast %mul3A_1629 : f32 to vector<16xf32>
      %mul3A_1631 = arith.mulf %mul3A_1630, %get3A_1628 : vector<16xf32>
      %get3A_1632 = arith.constant 768 : index
      %get3A_1633 = tpu.vector_load %arg7[%get3A_1632] {strides = array<i32>} : memref<1152xf32, #tpu.memory_space<vmem>>, vector<16xf32>,
      %get3A_1634 = vector.shape_cast %get3A_1633 : vector<16xf32> to vector<16xf32>
      %mul3A_1635 = arith.constant 2.500000e-01 : f32
      %mul3A_1636 = vector.broadcast %mul3A_1635 : f32 to vector<16xf32>
      %mul3A_1637 = arith.mulf %mul3A_1636, %get3A_1634 : vector<16xf32>
      %add3A_1638 = arith.addf %mul3A_1631, %mul3A_1637 : vector<16xf32>
      %swap3A_1639 = arith.constant 1488 : index
      %swap3A_1640 = tpu.vector_load %arg8[%swap3A_1639] {strides = array<i32>} : memref<2304xf32, #tpu.memory_space<vmem>>, vector<16xf32>,
      %swap3A_1641 = vector.shape_cast %swap3A_1640 : vector<16xf32> to vector<16xf32>
      %swap3A_1642 = vector.shape_cast %add3A_1638 : vector<16xf32> to vector<16xf32>
      tpu.vector_store %arg8[%swap3A_1639], %swap3A_1642 {strides = array<i32>} : memref<2304xf32, #tpu.memory_space<vmem>>, vector<16xf32>,
      %get3A_1643 = arith.constant 736 : index
      %get3A_1644 = tpu.vector_load %arg7[%get3A_1643] {strides = array<i32>} : memref<1152xf32, #tpu.memory_space<vmem>>, vector<16xf32>,
      %get3A_1645 = vector.shape_cast %get3A_1644 : vector<16xf32> to vector<16xf32>
      %mul3A_1646 = arith.constant 7.500000e-01 : f32
      %mul3A_1647 = vector.broadcast %mul3A_1646 : f32 to vector<16xf32>
      %mul3A_1648 = arith.mulf %mul3A_1647, %get3A_1645 : vector<16xf32>
      %get3A_1649 = arith.constant 784 : index
      %get3A_1650 = tpu.vector_load %arg7[%get3A_1649] {strides = array<i32>} : memref<1152xf32, #tpu.memory_space<vmem>>, vector<16xf32>,
      %get3A_1651 = vector.shape_cast %get3A_1650 : vector<16xf32> to vector<16xf32>
      %mul3A_1652 = arith.constant 2.500000e-01 : f32
      %mul3A_1653 = vector.broadcast %mul3A_1652 : f32 to vector<16xf32>
      %mul3A_1654 = arith.mulf %mul3A_1653, %get3A_1651 : vector<16xf32>
      %add3A_1655 = arith.addf %mul3A_1648, %mul3A_1654 : vector<16xf32>
      %swap3A_1656 = arith.constant 1504 : index
      %swap3A_1657 = tpu.vector_load %arg8[%swap3A_1656] {strides = array<i32>} : memref<2304xf32, #tpu.memory_space<vmem>>, vector<16xf32>,
      %swap3A_1658 = vector.shape_cast %swap3A_1657 : vector<16xf32> to vector<16xf32>
      %swap3A_1659 = vector.shape_cast %add3A_1655 : vector<16xf32> to vector<16xf32>
      tpu.vector_store %arg8[%swap3A_1656], %swap3A_1659 {strides = array<i32>} : memref<2304xf32, #tpu.memory_space<vmem>>, vector<16xf32>,
      %get3A_1660 = arith.constant 752 : index
      %get3A_1661 = tpu.vector_load %arg7[%get3A_1660] {strides = array<i32>} : memref<1152xf32, #tpu.memory_space<vmem>>, vector<16xf32>,
      %get3A_1662 = vector.shape_cast %get3A_1661 : vector<16xf32> to vector<16xf32>
      %mul3A_1663 = arith.constant 7.500000e-01 : f32
      %mul3A_1664 = vector.broadcast %mul3A_1663 : f32 to vector<16xf32>
      %mul3A_1665 = arith.mulf %mul3A_1664, %get3A_1662 : vector<16xf32>
      %get3A_1666 = arith.constant 800 : index
      %get3A_1667 = tpu.vector_load %arg7[%get3A_1666] {strides = array<i32>} : memref<1152xf32, #tpu.memory_space<vmem>>, vector<16xf32>,
      %get3A_1668 = vector.shape_cast %get3A_1667 : vector<16xf32> to vector<16xf32>
      %mul3A_1669 = arith.constant 2.500000e-01 : f32
      %mul3A_1670 = vector.broadcast %mul3A_1669 : f32 to vector<16xf32>
      %mul3A_1671 = arith.mulf %mul3A_1670, %get3A_1668 : vector<16xf32>
      %add3A_1672 = arith.addf %mul3A_1665, %mul3A_1671 : vector<16xf32>
      %swap3A_1673 = arith.constant 1520 : index
      %swap3A_1674 = tpu.vector_load %arg8[%swap3A_1673] {strides = array<i32>} : memref<2304xf32, #tpu.memory_space<vmem>>, vector<16xf32>,
      %swap3A_1675 = vector.shape_cast %swap3A_1674 : vector<16xf32> to vector<16xf32>
      %swap3A_1676 = vector.shape_cast %add3A_1672 : vector<16xf32> to vector<16xf32>
      tpu.vector_store %arg8[%swap3A_1673], %swap3A_1676 {strides = array<i32>} : memref<2304xf32, #tpu.memory_space<vmem>>, vector<16xf32>,
      %get3A_1677 = arith.constant 720 : index
      %get3A_1678 = tpu.vector_load %arg7[%get3A_1677] {strides = array<i32>} : memref<1152xf32, #tpu.memory_space<vmem>>, vector<16xf32>,
      %get3A_1679 = vector.shape_cast %get3A_1678 : vector<16xf32> to vector<16xf32>
      %mul3A_1680 = arith.constant 2.500000e-01 : f32
      %mul3A_1681 = vector.broadcast %mul3A_1680 : f32 to vector<16xf32>
      %mul3A_1682 = arith.mulf %mul3A_1681, %get3A_1679 : vector<16xf32>
      %get3A_1683 = arith.constant 768 : index
      %get3A_1684 = tpu.vector_load %arg7[%get3A_1683] {strides = array<i32>} : memref<1152xf32, #tpu.memory_space<vmem>>, vector<16xf32>,
      %get3A_1685 = vector.shape_cast %get3A_1684 : vector<16xf32> to vector<16xf32>
      %mul3A_1686 = arith.constant 7.500000e-01 : f32
      %mul3A_1687 = vector.broadcast %mul3A_1686 : f32 to vector<16xf32>
      %mul3A_1688 = arith.mulf %mul3A_1687, %get3A_1685 : vector<16xf32>
      %add3A_1689 = arith.addf %mul3A_1682, %mul3A_1688 : vector<16xf32>
      %swap3A_1690 = arith.constant 1536 : index
      %swap3A_1691 = tpu.vector_load %arg8[%swap3A_1690] {strides = array<i32>} : memref<2304xf32, #tpu.memory_space<vmem>>, vector<16xf32>,
      %swap3A_1692 = vector.shape_cast %swap3A_1691 : vector<16xf32> to vector<16xf32>
      %swap3A_1693 = vector.shape_cast %add3A_1689 : vector<16xf32> to vector<16xf32>
      tpu.vector_store %arg8[%swap3A_1690], %swap3A_1693 {strides = array<i32>} : memref<2304xf32, #tpu.memory_space<vmem>>, vector<16xf32>,
      %get3A_1694 = arith.constant 736 : index
      %get3A_1695 = tpu.vector_load %arg7[%get3A_1694] {strides = array<i32>} : memref<1152xf32, #tpu.memory_space<vmem>>, vector<16xf32>,
      %get3A_1696 = vector.shape_cast %get3A_1695 : vector<16xf32> to vector<16xf32>
      %mul3A_1697 = arith.constant 2.500000e-01 : f32
      %mul3A_1698 = vector.broadcast %mul3A_1697 : f32 to vector<16xf32>
      %mul3A_1699 = arith.mulf %mul3A_1698, %get3A_1696 : vector<16xf32>
      %get3A_1700 = arith.constant 784 : index
      %get3A_1701 = tpu.vector_load %arg7[%get3A_1700] {strides = array<i32>} : memref<1152xf32, #tpu.memory_space<vmem>>, vector<16xf32>,
      %get3A_1702 = vector.shape_cast %get3A_1701 : vector<16xf32> to vector<16xf32>
      %mul3A_1703 = arith.constant 7.500000e-01 : f32
      %mul3A_1704 = vector.broadcast %mul3A_1703 : f32 to vector<16xf32>
      %mul3A_1705 = arith.mulf %mul3A_1704, %get3A_1702 : vector<16xf32>
      %add3A_1706 = arith.addf %mul3A_1699, %mul3A_1705 : vector<16xf32>
      %swap3A_1707 = arith.constant 1552 : index
      %swap3A_1708 = tpu.vector_load %arg8[%swap3A_1707] {strides = array<i32>} : memref<2304xf32, #tpu.memory_space<vmem>>, vector<16xf32>,
      %swap3A_1709 = vector.shape_cast %swap3A_1708 : vector<16xf32> to vector<16xf32>
      %swap3A_1710 = vector.shape_cast %add3A_1706 : vector<16xf32> to vector<16xf32>
      tpu.vector_store %arg8[%swap3A_1707], %swap3A_1710 {strides = array<i32>} : memref<2304xf32, #tpu.memory_space<vmem>>, vector<16xf32>,
      %get3A_1711 = arith.constant 752 : index
      %get3A_1712 = tpu.vector_load %arg7[%get3A_1711] {strides = array<i32>} : memref<1152xf32, #tpu.memory_space<vmem>>, vector<16xf32>,
      %get3A_1713 = vector.shape_cast %get3A_1712 : vector<16xf32> to vector<16xf32>
      %mul3A_1714 = arith.constant 2.500000e-01 : f32
      %mul3A_1715 = vector.broadcast %mul3A_1714 : f32 to vector<16xf32>
      %mul3A_1716 = arith.mulf %mul3A_1715, %get3A_1713 : vector<16xf32>
      %get3A_1717 = arith.constant 800 : index
      %get3A_1718 = tpu.vector_load %arg7[%get3A_1717] {strides = array<i32>} : memref<1152xf32, #tpu.memory_space<vmem>>, vector<16xf32>,
      %get3A_1719 = vector.shape_cast %get3A_1718 : vector<16xf32> to vector<16xf32>
      %mul3A_1720 = arith.constant 7.500000e-01 : f32
      %mul3A_1721 = vector.broadcast %mul3A_1720 : f32 to vector<16xf32>
      %mul3A_1722 = arith.mulf %mul3A_1721, %get3A_1719 : vector<16xf32>
      %add3A_1723 = arith.addf %mul3A_1716, %mul3A_1722 : vector<16xf32>
      %swap3A_1724 = arith.constant 1568 : index
      %swap3A_1725 = tpu.vector_load %arg8[%swap3A_1724] {strides = array<i32>} : memref<2304xf32, #tpu.memory_space<vmem>>, vector<16xf32>,
      %swap3A_1726 = vector.shape_cast %swap3A_1725 : vector<16xf32> to vector<16xf32>
      %swap3A_1727 = vector.shape_cast %add3A_1723 : vector<16xf32> to vector<16xf32>
      tpu.vector_store %arg8[%swap3A_1724], %swap3A_1727 {strides = array<i32>} : memref<2304xf32, #tpu.memory_space<vmem>>, vector<16xf32>,
      %get3A_1728 = arith.constant 768 : index
      %get3A_1729 = tpu.vector_load %arg7[%get3A_1728] {strides = array<i32>} : memref<1152xf32, #tpu.memory_space<vmem>>, vector<16xf32>,
      %get3A_1730 = vector.shape_cast %get3A_1729 : vector<16xf32> to vector<16xf32>
      %mul3A_1731 = arith.constant 7.500000e-01 : f32
      %mul3A_1732 = vector.broadcast %mul3A_1731 : f32 to vector<16xf32>
      %mul3A_1733 = arith.mulf %mul3A_1732, %get3A_1730 : vector<16xf32>
      %get3A_1734 = arith.constant 816 : index
      %get3A_1735 = tpu.vector_load %arg7[%get3A_1734] {strides = array<i32>} : memref<1152xf32, #tpu.memory_space<vmem>>, vector<16xf32>,
      %get3A_1736 = vector.shape_cast %get3A_1735 : vector<16xf32> to vector<16xf32>
      %mul3A_1737 = arith.constant 2.500000e-01 : f32
      %mul3A_1738 = vector.broadcast %mul3A_1737 : f32 to vector<16xf32>
      %mul3A_1739 = arith.mulf %mul3A_1738, %get3A_1736 : vector<16xf32>
      %add3A_1740 = arith.addf %mul3A_1733, %mul3A_1739 : vector<16xf32>
      %swap3A_1741 = arith.constant 1584 : index
      %swap3A_1742 = tpu.vector_load %arg8[%swap3A_1741] {strides = array<i32>} : memref<2304xf32, #tpu.memory_space<vmem>>, vector<16xf32>,
      %swap3A_1743 = vector.shape_cast %swap3A_1742 : vector<16xf32> to vector<16xf32>
      %swap3A_1744 = vector.shape_cast %add3A_1740 : vector<16xf32> to vector<16xf32>
      tpu.vector_store %arg8[%swap3A_1741], %swap3A_1744 {strides = array<i32>} : memref<2304xf32, #tpu.memory_space<vmem>>, vector<16xf32>,
      %get3A_1745 = arith.constant 784 : index
      %get3A_1746 = tpu.vector_load %arg7[%get3A_1745] {strides = array<i32>} : memref<1152xf32, #tpu.memory_space<vmem>>, vector<16xf32>,
      %get3A_1747 = vector.shape_cast %get3A_1746 : vector<16xf32> to vector<16xf32>
      %mul3A_1748 = arith.constant 7.500000e-01 : f32
      %mul3A_1749 = vector.broadcast %mul3A_1748 : f32 to vector<16xf32>
      %mul3A_1750 = arith.mulf %mul3A_1749, %get3A_1747 : vector<16xf32>
      %get3A_1751 = arith.constant 832 : index
      %get3A_1752 = tpu.vector_load %arg7[%get3A_1751] {strides = array<i32>} : memref<1152xf32, #tpu.memory_space<vmem>>, vector<16xf32>,
      %get3A_1753 = vector.shape_cast %get3A_1752 : vector<16xf32> to vector<16xf32>
      %mul3A_1754 = arith.constant 2.500000e-01 : f32
      %mul3A_1755 = vector.broadcast %mul3A_1754 : f32 to vector<16xf32>
      %mul3A_1756 = arith.mulf %mul3A_1755, %get3A_1753 : vector<16xf32>
      %add3A_1757 = arith.addf %mul3A_1750, %mul3A_1756 : vector<16xf32>
      %swap3A_1758 = arith.constant 1600 : index
      %swap3A_1759 = tpu.vector_load %arg8[%swap3A_1758] {strides = array<i32>} : memref<2304xf32, #tpu.memory_space<vmem>>, vector<16xf32>,
      %swap3A_1760 = vector.shape_cast %swap3A_1759 : vector<16xf32> to vector<16xf32>
      %swap3A_1761 = vector.shape_cast %add3A_1757 : vector<16xf32> to vector<16xf32>
      tpu.vector_store %arg8[%swap3A_1758], %swap3A_1761 {strides = array<i32>} : memref<2304xf32, #tpu.memory_space<vmem>>, vector<16xf32>,
      %get3A_1762 = arith.constant 800 : index
      %get3A_1763 = tpu.vector_load %arg7[%get3A_1762] {strides = array<i32>} : memref<1152xf32, #tpu.memory_space<vmem>>, vector<16xf32>,
      %get3A_1764 = vector.shape_cast %get3A_1763 : vector<16xf32> to vector<16xf32>
      %mul3A_1765 = arith.constant 7.500000e-01 : f32
      %mul3A_1766 = vector.broadcast %mul3A_1765 : f32 to vector<16xf32>
      %mul3A_1767 = arith.mulf %mul3A_1766, %get3A_1764 : vector<16xf32>
      %get3A_1768 = arith.constant 848 : index
      %get3A_1769 = tpu.vector_load %arg7[%get3A_1768] {strides = array<i32>} : memref<1152xf32, #tpu.memory_space<vmem>>, vector<16xf32>,
      %get3A_1770 = vector.shape_cast %get3A_1769 : vector<16xf32> to vector<16xf32>
      %mul3A_1771 = arith.constant 2.500000e-01 : f32
      %mul3A_1772 = vector.broadcast %mul3A_1771 : f32 to vector<16xf32>
      %mul3A_1773 = arith.mulf %mul3A_1772, %get3A_1770 : vector<16xf32>
      %add3A_1774 = arith.addf %mul3A_1767, %mul3A_1773 : vector<16xf32>
      %swap3A_1775 = arith.constant 1616 : index
      %swap3A_1776 = tpu.vector_load %arg8[%swap3A_1775] {strides = array<i32>} : memref<2304xf32, #tpu.memory_space<vmem>>, vector<16xf32>,
      %swap3A_1777 = vector.shape_cast %swap3A_1776 : vector<16xf32> to vector<16xf32>
      %swap3A_1778 = vector.shape_cast %add3A_1774 : vector<16xf32> to vector<16xf32>
      tpu.vector_store %arg8[%swap3A_1775], %swap3A_1778 {strides = array<i32>} : memref<2304xf32, #tpu.memory_space<vmem>>, vector<16xf32>,
      %get3A_1779 = arith.constant 768 : index
      %get3A_1780 = tpu.vector_load %arg7[%get3A_1779] {strides = array<i32>} : memref<1152xf32, #tpu.memory_space<vmem>>, vector<16xf32>,
      %get3A_1781 = vector.shape_cast %get3A_1780 : vector<16xf32> to vector<16xf32>
      %mul3A_1782 = arith.constant 2.500000e-01 : f32
      %mul3A_1783 = vector.broadcast %mul3A_1782 : f32 to vector<16xf32>
      %mul3A_1784 = arith.mulf %mul3A_1783, %get3A_1781 : vector<16xf32>
      %get3A_1785 = arith.constant 816 : index
      %get3A_1786 = tpu.vector_load %arg7[%get3A_1785] {strides = array<i32>} : memref<1152xf32, #tpu.memory_space<vmem>>, vector<16xf32>,
      %get3A_1787 = vector.shape_cast %get3A_1786 : vector<16xf32> to vector<16xf32>
      %mul3A_1788 = arith.constant 7.500000e-01 : f32
      %mul3A_1789 = vector.broadcast %mul3A_1788 : f32 to vector<16xf32>
      %mul3A_1790 = arith.mulf %mul3A_1789, %get3A_1787 : vector<16xf32>
      %add3A_1791 = arith.addf %mul3A_1784, %mul3A_1790 : vector<16xf32>
      %swap3A_1792 = arith.constant 1632 : index
      %swap3A_1793 = tpu.vector_load %arg8[%swap3A_1792] {strides = array<i32>} : memref<2304xf32, #tpu.memory_space<vmem>>, vector<16xf32>,
      %swap3A_1794 = vector.shape_cast %swap3A_1793 : vector<16xf32> to vector<16xf32>
      %swap3A_1795 = vector.shape_cast %add3A_1791 : vector<16xf32> to vector<16xf32>
      tpu.vector_store %arg8[%swap3A_1792], %swap3A_1795 {strides = array<i32>} : memref<2304xf32, #tpu.memory_space<vmem>>, vector<16xf32>,
      %get3A_1796 = arith.constant 784 : index
      %get3A_1797 = tpu.vector_load %arg7[%get3A_1796] {strides = array<i32>} : memref<1152xf32, #tpu.memory_space<vmem>>, vector<16xf32>,
      %get3A_1798 = vector.shape_cast %get3A_1797 : vector<16xf32> to vector<16xf32>
      %mul3A_1799 = arith.constant 2.500000e-01 : f32
      %mul3A_1800 = vector.broadcast %mul3A_1799 : f32 to vector<16xf32>
      %mul3A_1801 = arith.mulf %mul3A_1800, %get3A_1798 : vector<16xf32>
      %get3A_1802 = arith.constant 832 : index
      %get3A_1803 = tpu.vector_load %arg7[%get3A_1802] {strides = array<i32>} : memref<1152xf32, #tpu.memory_space<vmem>>, vector<16xf32>,
      %get3A_1804 = vector.shape_cast %get3A_1803 : vector<16xf32> to vector<16xf32>
      %mul3A_1805 = arith.constant 7.500000e-01 : f32
      %mul3A_1806 = vector.broadcast %mul3A_1805 : f32 to vector<16xf32>
      %mul3A_1807 = arith.mulf %mul3A_1806, %get3A_1804 : vector<16xf32>
      %add3A_1808 = arith.addf %mul3A_1801, %mul3A_1807 : vector<16xf32>
      %swap3A_1809 = arith.constant 1648 : index
      %swap3A_1810 = tpu.vector_load %arg8[%swap3A_1809] {strides = array<i32>} : memref<2304xf32, #tpu.memory_space<vmem>>, vector<16xf32>,
      %swap3A_1811 = vector.shape_cast %swap3A_1810 : vector<16xf32> to vector<16xf32>
      %swap3A_1812 = vector.shape_cast %add3A_1808 : vector<16xf32> to vector<16xf32>
      tpu.vector_store %arg8[%swap3A_1809], %swap3A_1812 {strides = array<i32>} : memref<2304xf32, #tpu.memory_space<vmem>>, vector<16xf32>,
      %get3A_1813 = arith.constant 800 : index
      %get3A_1814 = tpu.vector_load %arg7[%get3A_1813] {strides = array<i32>} : memref<1152xf32, #tpu.memory_space<vmem>>, vector<16xf32>,
      %get3A_1815 = vector.shape_cast %get3A_1814 : vector<16xf32> to vector<16xf32>
      %mul3A_1816 = arith.constant 2.500000e-01 : f32
      %mul3A_1817 = vector.broadcast %mul3A_1816 : f32 to vector<16xf32>
      %mul3A_1818 = arith.mulf %mul3A_1817, %get3A_1815 : vector<16xf32>
      %get3A_1819 = arith.constant 848 : index
      %get3A_1820 = tpu.vector_load %arg7[%get3A_1819] {strides = array<i32>} : memref<1152xf32, #tpu.memory_space<vmem>>, vector<16xf32>,
      %get3A_1821 = vector.shape_cast %get3A_1820 : vector<16xf32> to vector<16xf32>
      %mul3A_1822 = arith.constant 7.500000e-01 : f32
      %mul3A_1823 = vector.broadcast %mul3A_1822 : f32 to vector<16xf32>
      %mul3A_1824 = arith.mulf %mul3A_1823, %get3A_1821 : vector<16xf32>
      %add3A_1825 = arith.addf %mul3A_1818, %mul3A_1824 : vector<16xf32>
      %swap3A_1826 = arith.constant 1664 : index
      %swap3A_1827 = tpu.vector_load %arg8[%swap3A_1826] {strides = array<i32>} : memref<2304xf32, #tpu.memory_space<vmem>>, vector<16xf32>,
      %swap3A_1828 = vector.shape_cast %swap3A_1827 : vector<16xf32> to vector<16xf32>
      %swap3A_1829 = vector.shape_cast %add3A_1825 : vector<16xf32> to vector<16xf32>
      tpu.vector_store %arg8[%swap3A_1826], %swap3A_1829 {strides = array<i32>} : memref<2304xf32, #tpu.memory_space<vmem>>, vector<16xf32>,
      %get3A_1830 = arith.constant 816 : index
      %get3A_1831 = tpu.vector_load %arg7[%get3A_1830] {strides = array<i32>} : memref<1152xf32, #tpu.memory_space<vmem>>, vector<16xf32>,
      %get3A_1832 = vector.shape_cast %get3A_1831 : vector<16xf32> to vector<16xf32>
      %mul3A_1833 = arith.constant 7.500000e-01 : f32
      %mul3A_1834 = vector.broadcast %mul3A_1833 : f32 to vector<16xf32>
      %mul3A_1835 = arith.mulf %mul3A_1834, %get3A_1832 : vector<16xf32>
      %get3A_1836 = arith.constant 864 : index
      %get3A_1837 = tpu.vector_load %arg7[%get3A_1836] {strides = array<i32>} : memref<1152xf32, #tpu.memory_space<vmem>>, vector<16xf32>,
      %get3A_1838 = vector.shape_cast %get3A_1837 : vector<16xf32> to vector<16xf32>
      %mul3A_1839 = arith.constant 2.500000e-01 : f32
      %mul3A_1840 = vector.broadcast %mul3A_1839 : f32 to vector<16xf32>
      %mul3A_1841 = arith.mulf %mul3A_1840, %get3A_1838 : vector<16xf32>
      %add3A_1842 = arith.addf %mul3A_1835, %mul3A_1841 : vector<16xf32>
      %swap3A_1843 = arith.constant 1680 : index
      %swap3A_1844 = tpu.vector_load %arg8[%swap3A_1843] {strides = array<i32>} : memref<2304xf32, #tpu.memory_space<vmem>>, vector<16xf32>,
      %swap3A_1845 = vector.shape_cast %swap3A_1844 : vector<16xf32> to vector<16xf32>
      %swap3A_1846 = vector.shape_cast %add3A_1842 : vector<16xf32> to vector<16xf32>
      tpu.vector_store %arg8[%swap3A_1843], %swap3A_1846 {strides = array<i32>} : memref<2304xf32, #tpu.memory_space<vmem>>, vector<16xf32>,
      %get3A_1847 = arith.constant 832 : index
      %get3A_1848 = tpu.vector_load %arg7[%get3A_1847] {strides = array<i32>} : memref<1152xf32, #tpu.memory_space<vmem>>, vector<16xf32>,
      %get3A_1849 = vector.shape_cast %get3A_1848 : vector<16xf32> to vector<16xf32>
      %mul3A_1850 = arith.constant 7.500000e-01 : f32
      %mul3A_1851 = vector.broadcast %mul3A_1850 : f32 to vector<16xf32>
      %mul3A_1852 = arith.mulf %mul3A_1851, %get3A_1849 : vector<16xf32>
      %get3A_1853 = arith.constant 880 : index
      %get3A_1854 = tpu.vector_load %arg7[%get3A_1853] {strides = array<i32>} : memref<1152xf32, #tpu.memory_space<vmem>>, vector<16xf32>,
      %get3A_1855 = vector.shape_cast %get3A_1854 : vector<16xf32> to vector<16xf32>
      %mul3A_1856 = arith.constant 2.500000e-01 : f32
      %mul3A_1857 = vector.broadcast %mul3A_1856 : f32 to vector<16xf32>
      %mul3A_1858 = arith.mulf %mul3A_1857, %get3A_1855 : vector<16xf32>
      %add3A_1859 = arith.addf %mul3A_1852, %mul3A_1858 : vector<16xf32>
      %swap3A_1860 = arith.constant 1696 : index
      %swap3A_1861 = tpu.vector_load %arg8[%swap3A_1860] {strides = array<i32>} : memref<2304xf32, #tpu.memory_space<vmem>>, vector<16xf32>,
      %swap3A_1862 = vector.shape_cast %swap3A_1861 : vector<16xf32> to vector<16xf32>
      %swap3A_1863 = vector.shape_cast %add3A_1859 : vector<16xf32> to vector<16xf32>
      tpu.vector_store %arg8[%swap3A_1860], %swap3A_1863 {strides = array<i32>} : memref<2304xf32, #tpu.memory_space<vmem>>, vector<16xf32>,
      %get3A_1864 = arith.constant 848 : index
      %get3A_1865 = tpu.vector_load %arg7[%get3A_1864] {strides = array<i32>} : memref<1152xf32, #tpu.memory_space<vmem>>, vector<16xf32>,
      %get3A_1866 = vector.shape_cast %get3A_1865 : vector<16xf32> to vector<16xf32>
      %mul3A_1867 = arith.constant 7.500000e-01 : f32
      %mul3A_1868 = vector.broadcast %mul3A_1867 : f32 to vector<16xf32>
      %mul3A_1869 = arith.mulf %mul3A_1868, %get3A_1866 : vector<16xf32>
      %get3A_1870 = arith.constant 896 : index
      %get3A_1871 = tpu.vector_load %arg7[%get3A_1870] {strides = array<i32>} : memref<1152xf32, #tpu.memory_space<vmem>>, vector<16xf32>,
      %get3A_1872 = vector.shape_cast %get3A_1871 : vector<16xf32> to vector<16xf32>
      %mul3A_1873 = arith.constant 2.500000e-01 : f32
      %mul3A_1874 = vector.broadcast %mul3A_1873 : f32 to vector<16xf32>
      %mul3A_1875 = arith.mulf %mul3A_1874, %get3A_1872 : vector<16xf32>
      %add3A_1876 = arith.addf %mul3A_1869, %mul3A_1875 : vector<16xf32>
      %swap3A_1877 = arith.constant 1712 : index
      %swap3A_1878 = tpu.vector_load %arg8[%swap3A_1877] {strides = array<i32>} : memref<2304xf32, #tpu.memory_space<vmem>>, vector<16xf32>,
      %swap3A_1879 = vector.shape_cast %swap3A_1878 : vector<16xf32> to vector<16xf32>
      %swap3A_1880 = vector.shape_cast %add3A_1876 : vector<16xf32> to vector<16xf32>
      tpu.vector_store %arg8[%swap3A_1877], %swap3A_1880 {strides = array<i32>} : memref<2304xf32, #tpu.memory_space<vmem>>, vector<16xf32>,
      %get3A_1881 = arith.constant 816 : index
      %get3A_1882 = tpu.vector_load %arg7[%get3A_1881] {strides = array<i32>} : memref<1152xf32, #tpu.memory_space<vmem>>, vector<16xf32>,
      %get3A_1883 = vector.shape_cast %get3A_1882 : vector<16xf32> to vector<16xf32>
      %mul3A_1884 = arith.constant 2.500000e-01 : f32
      %mul3A_1885 = vector.broadcast %mul3A_1884 : f32 to vector<16xf32>
      %mul3A_1886 = arith.mulf %mul3A_1885, %get3A_1883 : vector<16xf32>
      %get3A_1887 = arith.constant 864 : index
      %get3A_1888 = tpu.vector_load %arg7[%get3A_1887] {strides = array<i32>} : memref<1152xf32, #tpu.memory_space<vmem>>, vector<16xf32>,
      %get3A_1889 = vector.shape_cast %get3A_1888 : vector<16xf32> to vector<16xf32>
      %mul3A_1890 = arith.constant 7.500000e-01 : f32
      %mul3A_1891 = vector.broadcast %mul3A_1890 : f32 to vector<16xf32>
      %mul3A_1892 = arith.mulf %mul3A_1891, %get3A_1889 : vector<16xf32>
      %add3A_1893 = arith.addf %mul3A_1886, %mul3A_1892 : vector<16xf32>
      %swap3A_1894 = arith.constant 1728 : index
      %swap3A_1895 = tpu.vector_load %arg8[%swap3A_1894] {strides = array<i32>} : memref<2304xf32, #tpu.memory_space<vmem>>, vector<16xf32>,
      %swap3A_1896 = vector.shape_cast %swap3A_1895 : vector<16xf32> to vector<16xf32>
      %swap3A_1897 = vector.shape_cast %add3A_1893 : vector<16xf32> to vector<16xf32>
      tpu.vector_store %arg8[%swap3A_1894], %swap3A_1897 {strides = array<i32>} : memref<2304xf32, #tpu.memory_space<vmem>>, vector<16xf32>,
      %get3A_1898 = arith.constant 832 : index
      %get3A_1899 = tpu.vector_load %arg7[%get3A_1898] {strides = array<i32>} : memref<1152xf32, #tpu.memory_space<vmem>>, vector<16xf32>,
      %get3A_1900 = vector.shape_cast %get3A_1899 : vector<16xf32> to vector<16xf32>
      %mul3A_1901 = arith.constant 2.500000e-01 : f32
      %mul3A_1902 = vector.broadcast %mul3A_1901 : f32 to vector<16xf32>
      %mul3A_1903 = arith.mulf %mul3A_1902, %get3A_1900 : vector<16xf32>
      %get3A_1904 = arith.constant 880 : index
      %get3A_1905 = tpu.vector_load %arg7[%get3A_1904] {strides = array<i32>} : memref<1152xf32, #tpu.memory_space<vmem>>, vector<16xf32>,
      %get3A_1906 = vector.shape_cast %get3A_1905 : vector<16xf32> to vector<16xf32>
      %mul3A_1907 = arith.constant 7.500000e-01 : f32
      %mul3A_1908 = vector.broadcast %mul3A_1907 : f32 to vector<16xf32>
      %mul3A_1909 = arith.mulf %mul3A_1908, %get3A_1906 : vector<16xf32>
      %add3A_1910 = arith.addf %mul3A_1903, %mul3A_1909 : vector<16xf32>
      %swap3A_1911 = arith.constant 1744 : index
      %swap3A_1912 = tpu.vector_load %arg8[%swap3A_1911] {strides = array<i32>} : memref<2304xf32, #tpu.memory_space<vmem>>, vector<16xf32>,
      %swap3A_1913 = vector.shape_cast %swap3A_1912 : vector<16xf32> to vector<16xf32>
      %swap3A_1914 = vector.shape_cast %add3A_1910 : vector<16xf32> to vector<16xf32>
      tpu.vector_store %arg8[%swap3A_1911], %swap3A_1914 {strides = array<i32>} : memref<2304xf32, #tpu.memory_space<vmem>>, vector<16xf32>,
      %get3A_1915 = arith.constant 848 : index
      %get3A_1916 = tpu.vector_load %arg7[%get3A_1915] {strides = array<i32>} : memref<1152xf32, #tpu.memory_space<vmem>>, vector<16xf32>,
      %get3A_1917 = vector.shape_cast %get3A_1916 : vector<16xf32> to vector<16xf32>
      %mul3A_1918 = arith.constant 2.500000e-01 : f32
      %mul3A_1919 = vector.broadcast %mul3A_1918 : f32 to vector<16xf32>
      %mul3A_1920 = arith.mulf %mul3A_1919, %get3A_1917 : vector<16xf32>
      %get3A_1921 = arith.constant 896 : index
      %get3A_1922 = tpu.vector_load %arg7[%get3A_1921] {strides = array<i32>} : memref<1152xf32, #tpu.memory_space<vmem>>, vector<16xf32>,
      %get3A_1923 = vector.shape_cast %get3A_1922 : vector<16xf32> to vector<16xf32>
      %mul3A_1924 = arith.constant 7.500000e-01 : f32
      %mul3A_1925 = vector.broadcast %mul3A_1924 : f32 to vector<16xf32>
      %mul3A_1926 = arith.mulf %mul3A_1925, %get3A_1923 : vector<16xf32>
      %add3A_1927 = arith.addf %mul3A_1920, %mul3A_1926 : vector<16xf32>
      %swap3A_1928 = arith.constant 1760 : index
      %swap3A_1929 = tpu.vector_load %arg8[%swap3A_1928] {strides = array<i32>} : memref<2304xf32, #tpu.memory_space<vmem>>, vector<16xf32>,
      %swap3A_1930 = vector.shape_cast %swap3A_1929 : vector<16xf32> to vector<16xf32>
      %swap3A_1931 = vector.shape_cast %add3A_1927 : vector<16xf32> to vector<16xf32>
      tpu.vector_store %arg8[%swap3A_1928], %swap3A_1931 {strides = array<i32>} : memref<2304xf32, #tpu.memory_space<vmem>>, vector<16xf32>,
      %get3A_1932 = arith.constant 864 : index
      %get3A_1933 = tpu.vector_load %arg7[%get3A_1932] {strides = array<i32>} : memref<1152xf32, #tpu.memory_space<vmem>>, vector<16xf32>,
      %get3A_1934 = vector.shape_cast %get3A_1933 : vector<16xf32> to vector<16xf32>
      %mul3A_1935 = arith.constant 7.500000e-01 : f32
      %mul3A_1936 = vector.broadcast %mul3A_1935 : f32 to vector<16xf32>
      %mul3A_1937 = arith.mulf %mul3A_1936, %get3A_1934 : vector<16xf32>
      %get3A_1938 = arith.constant 912 : index
      %get3A_1939 = tpu.vector_load %arg7[%get3A_1938] {strides = array<i32>} : memref<1152xf32, #tpu.memory_space<vmem>>, vector<16xf32>,
      %get3A_1940 = vector.shape_cast %get3A_1939 : vector<16xf32> to vector<16xf32>
      %mul3A_1941 = arith.constant 2.500000e-01 : f32
      %mul3A_1942 = vector.broadcast %mul3A_1941 : f32 to vector<16xf32>
      %mul3A_1943 = arith.mulf %mul3A_1942, %get3A_1940 : vector<16xf32>
      %add3A_1944 = arith.addf %mul3A_1937, %mul3A_1943 : vector<16xf32>
      %swap3A_1945 = arith.constant 1776 : index
      %swap3A_1946 = tpu.vector_load %arg8[%swap3A_1945] {strides = array<i32>} : memref<2304xf32, #tpu.memory_space<vmem>>, vector<16xf32>,
      %swap3A_1947 = vector.shape_cast %swap3A_1946 : vector<16xf32> to vector<16xf32>
      %swap3A_1948 = vector.shape_cast %add3A_1944 : vector<16xf32> to vector<16xf32>
      tpu.vector_store %arg8[%swap3A_1945], %swap3A_1948 {strides = array<i32>} : memref<2304xf32, #tpu.memory_space<vmem>>, vector<16xf32>,
      %get3A_1949 = arith.constant 880 : index
      %get3A_1950 = tpu.vector_load %arg7[%get3A_1949] {strides = array<i32>} : memref<1152xf32, #tpu.memory_space<vmem>>, vector<16xf32>,
      %get3A_1951 = vector.shape_cast %get3A_1950 : vector<16xf32> to vector<16xf32>
      %mul3A_1952 = arith.constant 7.500000e-01 : f32
      %mul3A_1953 = vector.broadcast %mul3A_1952 : f32 to vector<16xf32>
      %mul3A_1954 = arith.mulf %mul3A_1953, %get3A_1951 : vector<16xf32>
      %get3A_1955 = arith.constant 928 : index
      %get3A_1956 = tpu.vector_load %arg7[%get3A_1955] {strides = array<i32>} : memref<1152xf32, #tpu.memory_space<vmem>>, vector<16xf32>,
      %get3A_1957 = vector.shape_cast %get3A_1956 : vector<16xf32> to vector<16xf32>
      %mul3A_1958 = arith.constant 2.500000e-01 : f32
      %mul3A_1959 = vector.broadcast %mul3A_1958 : f32 to vector<16xf32>
      %mul3A_1960 = arith.mulf %mul3A_1959, %get3A_1957 : vector<16xf32>
      %add3A_1961 = arith.addf %mul3A_1954, %mul3A_1960 : vector<16xf32>
      %swap3A_1962 = arith.constant 1792 : index
      %swap3A_1963 = tpu.vector_load %arg8[%swap3A_1962] {strides = array<i32>} : memref<2304xf32, #tpu.memory_space<vmem>>, vector<16xf32>,
      %swap3A_1964 = vector.shape_cast %swap3A_1963 : vector<16xf32> to vector<16xf32>
      %swap3A_1965 = vector.shape_cast %add3A_1961 : vector<16xf32> to vector<16xf32>
      tpu.vector_store %arg8[%swap3A_1962], %swap3A_1965 {strides = array<i32>} : memref<2304xf32, #tpu.memory_space<vmem>>, vector<16xf32>,
      %get3A_1966 = arith.constant 896 : index
      %get3A_1967 = tpu.vector_load %arg7[%get3A_1966] {strides = array<i32>} : memref<1152xf32, #tpu.memory_space<vmem>>, vector<16xf32>,
      %get3A_1968 = vector.shape_cast %get3A_1967 : vector<16xf32> to vector<16xf32>
      %mul3A_1969 = arith.constant 7.500000e-01 : f32
      %mul3A_1970 = vector.broadcast %mul3A_1969 : f32 to vector<16xf32>
      %mul3A_1971 = arith.mulf %mul3A_1970, %get3A_1968 : vector<16xf32>
      %get3A_1972 = arith.constant 944 : index
      %get3A_1973 = tpu.vector_load %arg7[%get3A_1972] {strides = array<i32>} : memref<1152xf32, #tpu.memory_space<vmem>>, vector<16xf32>,
      %get3A_1974 = vector.shape_cast %get3A_1973 : vector<16xf32> to vector<16xf32>
      %mul3A_1975 = arith.constant 2.500000e-01 : f32
      %mul3A_1976 = vector.broadcast %mul3A_1975 : f32 to vector<16xf32>
      %mul3A_1977 = arith.mulf %mul3A_1976, %get3A_1974 : vector<16xf32>
      %add3A_1978 = arith.addf %mul3A_1971, %mul3A_1977 : vector<16xf32>
      %swap3A_1979 = arith.constant 1808 : index
      %swap3A_1980 = tpu.vector_load %arg8[%swap3A_1979] {strides = array<i32>} : memref<2304xf32, #tpu.memory_space<vmem>>, vector<16xf32>,
      %swap3A_1981 = vector.shape_cast %swap3A_1980 : vector<16xf32> to vector<16xf32>
      %swap3A_1982 = vector.shape_cast %add3A_1978 : vector<16xf32> to vector<16xf32>
      tpu.vector_store %arg8[%swap3A_1979], %swap3A_1982 {strides = array<i32>} : memref<2304xf32, #tpu.memory_space<vmem>>, vector<16xf32>,
      %get3A_1983 = arith.constant 864 : index
      %get3A_1984 = tpu.vector_load %arg7[%get3A_1983] {strides = array<i32>} : memref<1152xf32, #tpu.memory_space<vmem>>, vector<16xf32>,
      %get3A_1985 = vector.shape_cast %get3A_1984 : vector<16xf32> to vector<16xf32>
      %mul3A_1986 = arith.constant 2.500000e-01 : f32
      %mul3A_1987 = vector.broadcast %mul3A_1986 : f32 to vector<16xf32>
      %mul3A_1988 = arith.mulf %mul3A_1987, %get3A_1985 : vector<16xf32>
      %get3A_1989 = arith.constant 912 : index
      %get3A_1990 = tpu.vector_load %arg7[%get3A_1989] {strides = array<i32>} : memref<1152xf32, #tpu.memory_space<vmem>>, vector<16xf32>,
      %get3A_1991 = vector.shape_cast %get3A_1990 : vector<16xf32> to vector<16xf32>
      %mul3A_1992 = arith.constant 7.500000e-01 : f32
      %mul3A_1993 = vector.broadcast %mul3A_1992 : f32 to vector<16xf32>
      %mul3A_1994 = arith.mulf %mul3A_1993, %get3A_1991 : vector<16xf32>
      %add3A_1995 = arith.addf %mul3A_1988, %mul3A_1994 : vector<16xf32>
      %swap3A_1996 = arith.constant 1824 : index
      %swap3A_1997 = tpu.vector_load %arg8[%swap3A_1996] {strides = array<i32>} : memref<2304xf32, #tpu.memory_space<vmem>>, vector<16xf32>,
      %swap3A_1998 = vector.shape_cast %swap3A_1997 : vector<16xf32> to vector<16xf32>
      %swap3A_1999 = vector.shape_cast %add3A_1995 : vector<16xf32> to vector<16xf32>
      tpu.vector_store %arg8[%swap3A_1996], %swap3A_1999 {strides = array<i32>} : memref<2304xf32, #tpu.memory_space<vmem>>, vector<16xf32>,
      %get3A_2000 = arith.constant 880 : index
      %get3A_2001 = tpu.vector_load %arg7[%get3A_2000] {strides = array<i32>} : memref<1152xf32, #tpu.memory_space<vmem>>, vector<16xf32>,
      %get3A_2002 = vector.shape_cast %get3A_2001 : vector<16xf32> to vector<16xf32>
      %mul3A_2003 = arith.constant 2.500000e-01 : f32
      %mul3A_2004 = vector.broadcast %mul3A_2003 : f32 to vector<16xf32>
      %mul3A_2005 = arith.mulf %mul3A_2004, %get3A_2002 : vector<16xf32>
      %get3A_2006 = arith.constant 928 : index
      %get3A_2007 = tpu.vector_load %arg7[%get3A_2006] {strides = array<i32>} : memref<1152xf32, #tpu.memory_space<vmem>>, vector<16xf32>,
      %get3A_2008 = vector.shape_cast %get3A_2007 : vector<16xf32> to vector<16xf32>
      %mul3A_2009 = arith.constant 7.500000e-01 : f32
      %mul3A_2010 = vector.broadcast %mul3A_2009 : f32 to vector<16xf32>
      %mul3A_2011 = arith.mulf %mul3A_2010, %get3A_2008 : vector<16xf32>
      %add3A_2012 = arith.addf %mul3A_2005, %mul3A_2011 : vector<16xf32>
      %swap3A_2013 = arith.constant 1840 : index
      %swap3A_2014 = tpu.vector_load %arg8[%swap3A_2013] {strides = array<i32>} : memref<2304xf32, #tpu.memory_space<vmem>>, vector<16xf32>,
      %swap3A_2015 = vector.shape_cast %swap3A_2014 : vector<16xf32> to vector<16xf32>
      %swap3A_2016 = vector.shape_cast %add3A_2012 : vector<16xf32> to vector<16xf32>
      tpu.vector_store %arg8[%swap3A_2013], %swap3A_2016 {strides = array<i32>} : memref<2304xf32, #tpu.memory_space<vmem>>, vector<16xf32>,
      %get3A_2017 = arith.constant 896 : index
      %get3A_2018 = tpu.vector_load %arg7[%get3A_2017] {strides = array<i32>} : memref<1152xf32, #tpu.memory_space<vmem>>, vector<16xf32>,
      %get3A_2019 = vector.shape_cast %get3A_2018 : vector<16xf32> to vector<16xf32>
      %mul3A_2020 = arith.constant 2.500000e-01 : f32
      %mul3A_2021 = vector.broadcast %mul3A_2020 : f32 to vector<16xf32>
      %mul3A_2022 = arith.mulf %mul3A_2021, %get3A_2019 : vector<16xf32>
      %get3A_2023 = arith.constant 944 : index
      %get3A_2024 = tpu.vector_load %arg7[%get3A_2023] {strides = array<i32>} : memref<1152xf32, #tpu.memory_space<vmem>>, vector<16xf32>,
      %get3A_2025 = vector.shape_cast %get3A_2024 : vector<16xf32> to vector<16xf32>
      %mul3A_2026 = arith.constant 7.500000e-01 : f32
      %mul3A_2027 = vector.broadcast %mul3A_2026 : f32 to vector<16xf32>
      %mul3A_2028 = arith.mulf %mul3A_2027, %get3A_2025 : vector<16xf32>
      %add3A_2029 = arith.addf %mul3A_2022, %mul3A_2028 : vector<16xf32>
      %swap3A_2030 = arith.constant 1856 : index
      %swap3A_2031 = tpu.vector_load %arg8[%swap3A_2030] {strides = array<i32>} : memref<2304xf32, #tpu.memory_space<vmem>>, vector<16xf32>,
      %swap3A_2032 = vector.shape_cast %swap3A_2031 : vector<16xf32> to vector<16xf32>
      %swap3A_2033 = vector.shape_cast %add3A_2029 : vector<16xf32> to vector<16xf32>
      tpu.vector_store %arg8[%swap3A_2030], %swap3A_2033 {strides = array<i32>} : memref<2304xf32, #tpu.memory_space<vmem>>, vector<16xf32>,
      %get3A_2034 = arith.constant 912 : index
      %get3A_2035 = tpu.vector_load %arg7[%get3A_2034] {strides = array<i32>} : memref<1152xf32, #tpu.memory_space<vmem>>, vector<16xf32>,
      %get3A_2036 = vector.shape_cast %get3A_2035 : vector<16xf32> to vector<16xf32>
      %mul3A_2037 = arith.constant 7.500000e-01 : f32
      %mul3A_2038 = vector.broadcast %mul3A_2037 : f32 to vector<16xf32>
      %mul3A_2039 = arith.mulf %mul3A_2038, %get3A_2036 : vector<16xf32>
      %get3A_2040 = arith.constant 960 : index
      %get3A_2041 = tpu.vector_load %arg7[%get3A_2040] {strides = array<i32>} : memref<1152xf32, #tpu.memory_space<vmem>>, vector<16xf32>,
      %get3A_2042 = vector.shape_cast %get3A_2041 : vector<16xf32> to vector<16xf32>
      %mul3A_2043 = arith.constant 2.500000e-01 : f32
      %mul3A_2044 = vector.broadcast %mul3A_2043 : f32 to vector<16xf32>
      %mul3A_2045 = arith.mulf %mul3A_2044, %get3A_2042 : vector<16xf32>
      %add3A_2046 = arith.addf %mul3A_2039, %mul3A_2045 : vector<16xf32>
      %swap3A_2047 = arith.constant 1872 : index
      %swap3A_2048 = tpu.vector_load %arg8[%swap3A_2047] {strides = array<i32>} : memref<2304xf32, #tpu.memory_space<vmem>>, vector<16xf32>,
      %swap3A_2049 = vector.shape_cast %swap3A_2048 : vector<16xf32> to vector<16xf32>
      %swap3A_2050 = vector.shape_cast %add3A_2046 : vector<16xf32> to vector<16xf32>
      tpu.vector_store %arg8[%swap3A_2047], %swap3A_2050 {strides = array<i32>} : memref<2304xf32, #tpu.memory_space<vmem>>, vector<16xf32>,
      %get3A_2051 = arith.constant 928 : index
      %get3A_2052 = tpu.vector_load %arg7[%get3A_2051] {strides = array<i32>} : memref<1152xf32, #tpu.memory_space<vmem>>, vector<16xf32>,
      %get3A_2053 = vector.shape_cast %get3A_2052 : vector<16xf32> to vector<16xf32>
      %mul3A_2054 = arith.constant 7.500000e-01 : f32
      %mul3A_2055 = vector.broadcast %mul3A_2054 : f32 to vector<16xf32>
      %mul3A_2056 = arith.mulf %mul3A_2055, %get3A_2053 : vector<16xf32>
      %get3A_2057 = arith.constant 976 : index
      %get3A_2058 = tpu.vector_load %arg7[%get3A_2057] {strides = array<i32>} : memref<1152xf32, #tpu.memory_space<vmem>>, vector<16xf32>,
      %get3A_2059 = vector.shape_cast %get3A_2058 : vector<16xf32> to vector<16xf32>
      %mul3A_2060 = arith.constant 2.500000e-01 : f32
      %mul3A_2061 = vector.broadcast %mul3A_2060 : f32 to vector<16xf32>
      %mul3A_2062 = arith.mulf %mul3A_2061, %get3A_2059 : vector<16xf32>
      %add3A_2063 = arith.addf %mul3A_2056, %mul3A_2062 : vector<16xf32>
      %swap3A_2064 = arith.constant 1888 : index
      %swap3A_2065 = tpu.vector_load %arg8[%swap3A_2064] {strides = array<i32>} : memref<2304xf32, #tpu.memory_space<vmem>>, vector<16xf32>,
      %swap3A_2066 = vector.shape_cast %swap3A_2065 : vector<16xf32> to vector<16xf32>
      %swap3A_2067 = vector.shape_cast %add3A_2063 : vector<16xf32> to vector<16xf32>
      tpu.vector_store %arg8[%swap3A_2064], %swap3A_2067 {strides = array<i32>} : memref<2304xf32, #tpu.memory_space<vmem>>, vector<16xf32>,
      %get3A_2068 = arith.constant 944 : index
      %get3A_2069 = tpu.vector_load %arg7[%get3A_2068] {strides = array<i32>} : memref<1152xf32, #tpu.memory_space<vmem>>, vector<16xf32>,
      %get3A_2070 = vector.shape_cast %get3A_2069 : vector<16xf32> to vector<16xf32>
      %mul3A_2071 = arith.constant 7.500000e-01 : f32
      %mul3A_2072 = vector.broadcast %mul3A_2071 : f32 to vector<16xf32>
      %mul3A_2073 = arith.mulf %mul3A_2072, %get3A_2070 : vector<16xf32>
      %get3A_2074 = arith.constant 992 : index
      %get3A_2075 = tpu.vector_load %arg7[%get3A_2074] {strides = array<i32>} : memref<1152xf32, #tpu.memory_space<vmem>>, vector<16xf32>,
      %get3A_2076 = vector.shape_cast %get3A_2075 : vector<16xf32> to vector<16xf32>
      %mul3A_2077 = arith.constant 2.500000e-01 : f32
      %mul3A_2078 = vector.broadcast %mul3A_2077 : f32 to vector<16xf32>
      %mul3A_2079 = arith.mulf %mul3A_2078, %get3A_2076 : vector<16xf32>
      %add3A_2080 = arith.addf %mul3A_2073, %mul3A_2079 : vector<16xf32>
      %swap3A_2081 = arith.constant 1904 : index
      %swap3A_2082 = tpu.vector_load %arg8[%swap3A_2081] {strides = array<i32>} : memref<2304xf32, #tpu.memory_space<vmem>>, vector<16xf32>,
      %swap3A_2083 = vector.shape_cast %swap3A_2082 : vector<16xf32> to vector<16xf32>
      %swap3A_2084 = vector.shape_cast %add3A_2080 : vector<16xf32> to vector<16xf32>
      tpu.vector_store %arg8[%swap3A_2081], %swap3A_2084 {strides = array<i32>} : memref<2304xf32, #tpu.memory_space<vmem>>, vector<16xf32>,
      %get3A_2085 = arith.constant 912 : index
      %get3A_2086 = tpu.vector_load %arg7[%get3A_2085] {strides = array<i32>} : memref<1152xf32, #tpu.memory_space<vmem>>, vector<16xf32>,
      %get3A_2087 = vector.shape_cast %get3A_2086 : vector<16xf32> to vector<16xf32>
      %mul3A_2088 = arith.constant 2.500000e-01 : f32
      %mul3A_2089 = vector.broadcast %mul3A_2088 : f32 to vector<16xf32>
      %mul3A_2090 = arith.mulf %mul3A_2089, %get3A_2087 : vector<16xf32>
      %get3A_2091 = arith.constant 960 : index
      %get3A_2092 = tpu.vector_load %arg7[%get3A_2091] {strides = array<i32>} : memref<1152xf32, #tpu.memory_space<vmem>>, vector<16xf32>,
      %get3A_2093 = vector.shape_cast %get3A_2092 : vector<16xf32> to vector<16xf32>
      %mul3A_2094 = arith.constant 7.500000e-01 : f32
      %mul3A_2095 = vector.broadcast %mul3A_2094 : f32 to vector<16xf32>
      %mul3A_2096 = arith.mulf %mul3A_2095, %get3A_2093 : vector<16xf32>
      %add3A_2097 = arith.addf %mul3A_2090, %mul3A_2096 : vector<16xf32>
      %swap3A_2098 = arith.constant 1920 : index
      %swap3A_2099 = tpu.vector_load %arg8[%swap3A_2098] {strides = array<i32>} : memref<2304xf32, #tpu.memory_space<vmem>>, vector<16xf32>,
      %swap3A_2100 = vector.shape_cast %swap3A_2099 : vector<16xf32> to vector<16xf32>
      %swap3A_2101 = vector.shape_cast %add3A_2097 : vector<16xf32> to vector<16xf32>
      tpu.vector_store %arg8[%swap3A_2098], %swap3A_2101 {strides = array<i32>} : memref<2304xf32, #tpu.memory_space<vmem>>, vector<16xf32>,
      %get3A_2102 = arith.constant 928 : index
      %get3A_2103 = tpu.vector_load %arg7[%get3A_2102] {strides = array<i32>} : memref<1152xf32, #tpu.memory_space<vmem>>, vector<16xf32>,
      %get3A_2104 = vector.shape_cast %get3A_2103 : vector<16xf32> to vector<16xf32>
      %mul3A_2105 = arith.constant 2.500000e-01 : f32
      %mul3A_2106 = vector.broadcast %mul3A_2105 : f32 to vector<16xf32>
      %mul3A_2107 = arith.mulf %mul3A_2106, %get3A_2104 : vector<16xf32>
      %get3A_2108 = arith.constant 976 : index
      %get3A_2109 = tpu.vector_load %arg7[%get3A_2108] {strides = array<i32>} : memref<1152xf32, #tpu.memory_space<vmem>>, vector<16xf32>,
      %get3A_2110 = vector.shape_cast %get3A_2109 : vector<16xf32> to vector<16xf32>
      %mul3A_2111 = arith.constant 7.500000e-01 : f32
      %mul3A_2112 = vector.broadcast %mul3A_2111 : f32 to vector<16xf32>
      %mul3A_2113 = arith.mulf %mul3A_2112, %get3A_2110 : vector<16xf32>
      %add3A_2114 = arith.addf %mul3A_2107, %mul3A_2113 : vector<16xf32>
      %swap3A_2115 = arith.constant 1936 : index
      %swap3A_2116 = tpu.vector_load %arg8[%swap3A_2115] {strides = array<i32>} : memref<2304xf32, #tpu.memory_space<vmem>>, vector<16xf32>,
      %swap3A_2117 = vector.shape_cast %swap3A_2116 : vector<16xf32> to vector<16xf32>
      %swap3A_2118 = vector.shape_cast %add3A_2114 : vector<16xf32> to vector<16xf32>
      tpu.vector_store %arg8[%swap3A_2115], %swap3A_2118 {strides = array<i32>} : memref<2304xf32, #tpu.memory_space<vmem>>, vector<16xf32>,
      %get3A_2119 = arith.constant 944 : index
      %get3A_2120 = tpu.vector_load %arg7[%get3A_2119] {strides = array<i32>} : memref<1152xf32, #tpu.memory_space<vmem>>, vector<16xf32>,
      %get3A_2121 = vector.shape_cast %get3A_2120 : vector<16xf32> to vector<16xf32>
      %mul3A_2122 = arith.constant 2.500000e-01 : f32
      %mul3A_2123 = vector.broadcast %mul3A_2122 : f32 to vector<16xf32>
      %mul3A_2124 = arith.mulf %mul3A_2123, %get3A_2121 : vector<16xf32>
      %get3A_2125 = arith.constant 992 : index
      %get3A_2126 = tpu.vector_load %arg7[%get3A_2125] {strides = array<i32>} : memref<1152xf32, #tpu.memory_space<vmem>>, vector<16xf32>,
      %get3A_2127 = vector.shape_cast %get3A_2126 : vector<16xf32> to vector<16xf32>
      %mul3A_2128 = arith.constant 7.500000e-01 : f32
      %mul3A_2129 = vector.broadcast %mul3A_2128 : f32 to vector<16xf32>
      %mul3A_2130 = arith.mulf %mul3A_2129, %get3A_2127 : vector<16xf32>
      %add3A_2131 = arith.addf %mul3A_2124, %mul3A_2130 : vector<16xf32>
      %swap3A_2132 = arith.constant 1952 : index
      %swap3A_2133 = tpu.vector_load %arg8[%swap3A_2132] {strides = array<i32>} : memref<2304xf32, #tpu.memory_space<vmem>>, vector<16xf32>,
      %swap3A_2134 = vector.shape_cast %swap3A_2133 : vector<16xf32> to vector<16xf32>
      %swap3A_2135 = vector.shape_cast %add3A_2131 : vector<16xf32> to vector<16xf32>
      tpu.vector_store %arg8[%swap3A_2132], %swap3A_2135 {strides = array<i32>} : memref<2304xf32, #tpu.memory_space<vmem>>, vector<16xf32>,
      %get3A_2136 = arith.constant 960 : index
      %get3A_2137 = tpu.vector_load %arg7[%get3A_2136] {strides = array<i32>} : memref<1152xf32, #tpu.memory_space<vmem>>, vector<16xf32>,
      %get3A_2138 = vector.shape_cast %get3A_2137 : vector<16xf32> to vector<16xf32>
      %mul3A_2139 = arith.constant 7.500000e-01 : f32
      %mul3A_2140 = vector.broadcast %mul3A_2139 : f32 to vector<16xf32>
      %mul3A_2141 = arith.mulf %mul3A_2140, %get3A_2138 : vector<16xf32>
      %get3A_2142 = arith.constant 1008 : index
      %get3A_2143 = tpu.vector_load %arg7[%get3A_2142] {strides = array<i32>} : memref<1152xf32, #tpu.memory_space<vmem>>, vector<16xf32>,
      %get3A_2144 = vector.shape_cast %get3A_2143 : vector<16xf32> to vector<16xf32>
      %mul3A_2145 = arith.constant 2.500000e-01 : f32
      %mul3A_2146 = vector.broadcast %mul3A_2145 : f32 to vector<16xf32>
      %mul3A_2147 = arith.mulf %mul3A_2146, %get3A_2144 : vector<16xf32>
      %add3A_2148 = arith.addf %mul3A_2141, %mul3A_2147 : vector<16xf32>
      %swap3A_2149 = arith.constant 1968 : index
      %swap3A_2150 = tpu.vector_load %arg8[%swap3A_2149] {strides = array<i32>} : memref<2304xf32, #tpu.memory_space<vmem>>, vector<16xf32>,
      %swap3A_2151 = vector.shape_cast %swap3A_2150 : vector<16xf32> to vector<16xf32>
      %swap3A_2152 = vector.shape_cast %add3A_2148 : vector<16xf32> to vector<16xf32>
      tpu.vector_store %arg8[%swap3A_2149], %swap3A_2152 {strides = array<i32>} : memref<2304xf32, #tpu.memory_space<vmem>>, vector<16xf32>,
      %get3A_2153 = arith.constant 976 : index
      %get3A_2154 = tpu.vector_load %arg7[%get3A_2153] {strides = array<i32>} : memref<1152xf32, #tpu.memory_space<vmem>>, vector<16xf32>,
      %get3A_2155 = vector.shape_cast %get3A_2154 : vector<16xf32> to vector<16xf32>
      %mul3A_2156 = arith.constant 7.500000e-01 : f32
      %mul3A_2157 = vector.broadcast %mul3A_2156 : f32 to vector<16xf32>
      %mul3A_2158 = arith.mulf %mul3A_2157, %get3A_2155 : vector<16xf32>
      %get3A_2159 = arith.constant 1024 : index
      %get3A_2160 = tpu.vector_load %arg7[%get3A_2159] {strides = array<i32>} : memref<1152xf32, #tpu.memory_space<vmem>>, vector<16xf32>,
      %get3A_2161 = vector.shape_cast %get3A_2160 : vector<16xf32> to vector<16xf32>
      %mul3A_2162 = arith.constant 2.500000e-01 : f32
      %mul3A_2163 = vector.broadcast %mul3A_2162 : f32 to vector<16xf32>
      %mul3A_2164 = arith.mulf %mul3A_2163, %get3A_2161 : vector<16xf32>
      %add3A_2165 = arith.addf %mul3A_2158, %mul3A_2164 : vector<16xf32>
      %swap3A_2166 = arith.constant 1984 : index
      %swap3A_2167 = tpu.vector_load %arg8[%swap3A_2166] {strides = array<i32>} : memref<2304xf32, #tpu.memory_space<vmem>>, vector<16xf32>,
      %swap3A_2168 = vector.shape_cast %swap3A_2167 : vector<16xf32> to vector<16xf32>
      %swap3A_2169 = vector.shape_cast %add3A_2165 : vector<16xf32> to vector<16xf32>
      tpu.vector_store %arg8[%swap3A_2166], %swap3A_2169 {strides = array<i32>} : memref<2304xf32, #tpu.memory_space<vmem>>, vector<16xf32>,
      %get3A_2170 = arith.constant 992 : index
      %get3A_2171 = tpu.vector_load %arg7[%get3A_2170] {strides = array<i32>} : memref<1152xf32, #tpu.memory_space<vmem>>, vector<16xf32>,
      %get3A_2172 = vector.shape_cast %get3A_2171 : vector<16xf32> to vector<16xf32>
      %mul3A_2173 = arith.constant 7.500000e-01 : f32
      %mul3A_2174 = vector.broadcast %mul3A_2173 : f32 to vector<16xf32>
      %mul3A_2175 = arith.mulf %mul3A_2174, %get3A_2172 : vector<16xf32>
      %get3A_2176 = arith.constant 1040 : index
      %get3A_2177 = tpu.vector_load %arg7[%get3A_2176] {strides = array<i32>} : memref<1152xf32, #tpu.memory_space<vmem>>, vector<16xf32>,
      %get3A_2178 = vector.shape_cast %get3A_2177 : vector<16xf32> to vector<16xf32>
      %mul3A_2179 = arith.constant 2.500000e-01 : f32
      %mul3A_2180 = vector.broadcast %mul3A_2179 : f32 to vector<16xf32>
      %mul3A_2181 = arith.mulf %mul3A_2180, %get3A_2178 : vector<16xf32>
      %add3A_2182 = arith.addf %mul3A_2175, %mul3A_2181 : vector<16xf32>
      %swap3A_2183 = arith.constant 2000 : index
      %swap3A_2184 = tpu.vector_load %arg8[%swap3A_2183] {strides = array<i32>} : memref<2304xf32, #tpu.memory_space<vmem>>, vector<16xf32>,
      %swap3A_2185 = vector.shape_cast %swap3A_2184 : vector<16xf32> to vector<16xf32>
      %swap3A_2186 = vector.shape_cast %add3A_2182 : vector<16xf32> to vector<16xf32>
      tpu.vector_store %arg8[%swap3A_2183], %swap3A_2186 {strides = array<i32>} : memref<2304xf32, #tpu.memory_space<vmem>>, vector<16xf32>,
      %get3A_2187 = arith.constant 960 : index
      %get3A_2188 = tpu.vector_load %arg7[%get3A_2187] {strides = array<i32>} : memref<1152xf32, #tpu.memory_space<vmem>>, vector<16xf32>,
      %get3A_2189 = vector.shape_cast %get3A_2188 : vector<16xf32> to vector<16xf32>
      %mul3A_2190 = arith.constant 2.500000e-01 : f32
      %mul3A_2191 = vector.broadcast %mul3A_2190 : f32 to vector<16xf32>
      %mul3A_2192 = arith.mulf %mul3A_2191, %get3A_2189 : vector<16xf32>
      %get3A_2193 = arith.constant 1008 : index
      %get3A_2194 = tpu.vector_load %arg7[%get3A_2193] {strides = array<i32>} : memref<1152xf32, #tpu.memory_space<vmem>>, vector<16xf32>,
      %get3A_2195 = vector.shape_cast %get3A_2194 : vector<16xf32> to vector<16xf32>
      %mul3A_2196 = arith.constant 7.500000e-01 : f32
      %mul3A_2197 = vector.broadcast %mul3A_2196 : f32 to vector<16xf32>
      %mul3A_2198 = arith.mulf %mul3A_2197, %get3A_2195 : vector<16xf32>
      %add3A_2199 = arith.addf %mul3A_2192, %mul3A_2198 : vector<16xf32>
      %swap3A_2200 = arith.constant 2016 : index
      %swap3A_2201 = tpu.vector_load %arg8[%swap3A_2200] {strides = array<i32>} : memref<2304xf32, #tpu.memory_space<vmem>>, vector<16xf32>,
      %swap3A_2202 = vector.shape_cast %swap3A_2201 : vector<16xf32> to vector<16xf32>
      %swap3A_2203 = vector.shape_cast %add3A_2199 : vector<16xf32> to vector<16xf32>
      tpu.vector_store %arg8[%swap3A_2200], %swap3A_2203 {strides = array<i32>} : memref<2304xf32, #tpu.memory_space<vmem>>, vector<16xf32>,
      %get3A_2204 = arith.constant 976 : index
      %get3A_2205 = tpu.vector_load %arg7[%get3A_2204] {strides = array<i32>} : memref<1152xf32, #tpu.memory_space<vmem>>, vector<16xf32>,
      %get3A_2206 = vector.shape_cast %get3A_2205 : vector<16xf32> to vector<16xf32>
      %mul3A_2207 = arith.constant 2.500000e-01 : f32
      %mul3A_2208 = vector.broadcast %mul3A_2207 : f32 to vector<16xf32>
      %mul3A_2209 = arith.mulf %mul3A_2208, %get3A_2206 : vector<16xf32>
      %get3A_2210 = arith.constant 1024 : index
      %get3A_2211 = tpu.vector_load %arg7[%get3A_2210] {strides = array<i32>} : memref<1152xf32, #tpu.memory_space<vmem>>, vector<16xf32>,
      %get3A_2212 = vector.shape_cast %get3A_2211 : vector<16xf32> to vector<16xf32>
      %mul3A_2213 = arith.constant 7.500000e-01 : f32
      %mul3A_2214 = vector.broadcast %mul3A_2213 : f32 to vector<16xf32>
      %mul3A_2215 = arith.mulf %mul3A_2214, %get3A_2212 : vector<16xf32>
      %add3A_2216 = arith.addf %mul3A_2209, %mul3A_2215 : vector<16xf32>
      %swap3A_2217 = arith.constant 2032 : index
      %swap3A_2218 = tpu.vector_load %arg8[%swap3A_2217] {strides = array<i32>} : memref<2304xf32, #tpu.memory_space<vmem>>, vector<16xf32>,
      %swap3A_2219 = vector.shape_cast %swap3A_2218 : vector<16xf32> to vector<16xf32>
      %swap3A_2220 = vector.shape_cast %add3A_2216 : vector<16xf32> to vector<16xf32>
      tpu.vector_store %arg8[%swap3A_2217], %swap3A_2220 {strides = array<i32>} : memref<2304xf32, #tpu.memory_space<vmem>>, vector<16xf32>,
      %get3A_2221 = arith.constant 992 : index
      %get3A_2222 = tpu.vector_load %arg7[%get3A_2221] {strides = array<i32>} : memref<1152xf32, #tpu.memory_space<vmem>>, vector<16xf32>,
      %get3A_2223 = vector.shape_cast %get3A_2222 : vector<16xf32> to vector<16xf32>
      %mul3A_2224 = arith.constant 2.500000e-01 : f32
      %mul3A_2225 = vector.broadcast %mul3A_2224 : f32 to vector<16xf32>
      %mul3A_2226 = arith.mulf %mul3A_2225, %get3A_2223 : vector<16xf32>
      %get3A_2227 = arith.constant 1040 : index
      %get3A_2228 = tpu.vector_load %arg7[%get3A_2227] {strides = array<i32>} : memref<1152xf32, #tpu.memory_space<vmem>>, vector<16xf32>,
      %get3A_2229 = vector.shape_cast %get3A_2228 : vector<16xf32> to vector<16xf32>
      %mul3A_2230 = arith.constant 7.500000e-01 : f32
      %mul3A_2231 = vector.broadcast %mul3A_2230 : f32 to vector<16xf32>
      %mul3A_2232 = arith.mulf %mul3A_2231, %get3A_2229 : vector<16xf32>
      %add3A_2233 = arith.addf %mul3A_2226, %mul3A_2232 : vector<16xf32>
      %swap3A_2234 = arith.constant 2048 : index
      %swap3A_2235 = tpu.vector_load %arg8[%swap3A_2234] {strides = array<i32>} : memref<2304xf32, #tpu.memory_space<vmem>>, vector<16xf32>,
      %swap3A_2236 = vector.shape_cast %swap3A_2235 : vector<16xf32> to vector<16xf32>
      %swap3A_2237 = vector.shape_cast %add3A_2233 : vector<16xf32> to vector<16xf32>
      tpu.vector_store %arg8[%swap3A_2234], %swap3A_2237 {strides = array<i32>} : memref<2304xf32, #tpu.memory_space<vmem>>, vector<16xf32>,
      %get3A_2238 = arith.constant 1008 : index
      %get3A_2239 = tpu.vector_load %arg7[%get3A_2238] {strides = array<i32>} : memref<1152xf32, #tpu.memory_space<vmem>>, vector<16xf32>,
      %get3A_2240 = vector.shape_cast %get3A_2239 : vector<16xf32> to vector<16xf32>
      %mul3A_2241 = arith.constant 7.500000e-01 : f32
      %mul3A_2242 = vector.broadcast %mul3A_2241 : f32 to vector<16xf32>
      %mul3A_2243 = arith.mulf %mul3A_2242, %get3A_2240 : vector<16xf32>
      %get3A_2244 = arith.constant 1056 : index
      %get3A_2245 = tpu.vector_load %arg7[%get3A_2244] {strides = array<i32>} : memref<1152xf32, #tpu.memory_space<vmem>>, vector<16xf32>,
      %get3A_2246 = vector.shape_cast %get3A_2245 : vector<16xf32> to vector<16xf32>
      %mul3A_2247 = arith.constant 2.500000e-01 : f32
      %mul3A_2248 = vector.broadcast %mul3A_2247 : f32 to vector<16xf32>
      %mul3A_2249 = arith.mulf %mul3A_2248, %get3A_2246 : vector<16xf32>
      %add3A_2250 = arith.addf %mul3A_2243, %mul3A_2249 : vector<16xf32>
      %swap3A_2251 = arith.constant 2064 : index
      %swap3A_2252 = tpu.vector_load %arg8[%swap3A_2251] {strides = array<i32>} : memref<2304xf32, #tpu.memory_space<vmem>>, vector<16xf32>,
      %swap3A_2253 = vector.shape_cast %swap3A_2252 : vector<16xf32> to vector<16xf32>
      %swap3A_2254 = vector.shape_cast %add3A_2250 : vector<16xf32> to vector<16xf32>
      tpu.vector_store %arg8[%swap3A_2251], %swap3A_2254 {strides = array<i32>} : memref<2304xf32, #tpu.memory_space<vmem>>, vector<16xf32>,
      %get3A_2255 = arith.constant 1024 : index
      %get3A_2256 = tpu.vector_load %arg7[%get3A_2255] {strides = array<i32>} : memref<1152xf32, #tpu.memory_space<vmem>>, vector<16xf32>,
      %get3A_2257 = vector.shape_cast %get3A_2256 : vector<16xf32> to vector<16xf32>
      %mul3A_2258 = arith.constant 7.500000e-01 : f32
      %mul3A_2259 = vector.broadcast %mul3A_2258 : f32 to vector<16xf32>
      %mul3A_2260 = arith.mulf %mul3A_2259, %get3A_2257 : vector<16xf32>
      %get3A_2261 = arith.constant 1072 : index
      %get3A_2262 = tpu.vector_load %arg7[%get3A_2261] {strides = array<i32>} : memref<1152xf32, #tpu.memory_space<vmem>>, vector<16xf32>,
      %get3A_2263 = vector.shape_cast %get3A_2262 : vector<16xf32> to vector<16xf32>
      %mul3A_2264 = arith.constant 2.500000e-01 : f32
      %mul3A_2265 = vector.broadcast %mul3A_2264 : f32 to vector<16xf32>
      %mul3A_2266 = arith.mulf %mul3A_2265, %get3A_2263 : vector<16xf32>
      %add3A_2267 = arith.addf %mul3A_2260, %mul3A_2266 : vector<16xf32>
      %swap3A_2268 = arith.constant 2080 : index
      %swap3A_2269 = tpu.vector_load %arg8[%swap3A_2268] {strides = array<i32>} : memref<2304xf32, #tpu.memory_space<vmem>>, vector<16xf32>,
      %swap3A_2270 = vector.shape_cast %swap3A_2269 : vector<16xf32> to vector<16xf32>
      %swap3A_2271 = vector.shape_cast %add3A_2267 : vector<16xf32> to vector<16xf32>
      tpu.vector_store %arg8[%swap3A_2268], %swap3A_2271 {strides = array<i32>} : memref<2304xf32, #tpu.memory_space<vmem>>, vector<16xf32>,
      %get3A_2272 = arith.constant 1040 : index
      %get3A_2273 = tpu.vector_load %arg7[%get3A_2272] {strides = array<i32>} : memref<1152xf32, #tpu.memory_space<vmem>>, vector<16xf32>,
      %get3A_2274 = vector.shape_cast %get3A_2273 : vector<16xf32> to vector<16xf32>
      %mul3A_2275 = arith.constant 7.500000e-01 : f32
      %mul3A_2276 = vector.broadcast %mul3A_2275 : f32 to vector<16xf32>
      %mul3A_2277 = arith.mulf %mul3A_2276, %get3A_2274 : vector<16xf32>
      %get3A_2278 = arith.constant 1088 : index
      %get3A_2279 = tpu.vector_load %arg7[%get3A_2278] {strides = array<i32>} : memref<1152xf32, #tpu.memory_space<vmem>>, vector<16xf32>,
      %get3A_2280 = vector.shape_cast %get3A_2279 : vector<16xf32> to vector<16xf32>
      %mul3A_2281 = arith.constant 2.500000e-01 : f32
      %mul3A_2282 = vector.broadcast %mul3A_2281 : f32 to vector<16xf32>
      %mul3A_2283 = arith.mulf %mul3A_2282, %get3A_2280 : vector<16xf32>
      %add3A_2284 = arith.addf %mul3A_2277, %mul3A_2283 : vector<16xf32>
      %swap3A_2285 = arith.constant 2096 : index
      %swap3A_2286 = tpu.vector_load %arg8[%swap3A_2285] {strides = array<i32>} : memref<2304xf32, #tpu.memory_space<vmem>>, vector<16xf32>,
      %swap3A_2287 = vector.shape_cast %swap3A_2286 : vector<16xf32> to vector<16xf32>
      %swap3A_2288 = vector.shape_cast %add3A_2284 : vector<16xf32> to vector<16xf32>
      tpu.vector_store %arg8[%swap3A_2285], %swap3A_2288 {strides = array<i32>} : memref<2304xf32, #tpu.memory_space<vmem>>, vector<16xf32>,
      %get3A_2289 = arith.constant 1008 : index
      %get3A_2290 = tpu.vector_load %arg7[%get3A_2289] {strides = array<i32>} : memref<1152xf32, #tpu.memory_space<vmem>>, vector<16xf32>,
      %get3A_2291 = vector.shape_cast %get3A_2290 : vector<16xf32> to vector<16xf32>
      %mul3A_2292 = arith.constant 2.500000e-01 : f32
      %mul3A_2293 = vector.broadcast %mul3A_2292 : f32 to vector<16xf32>
      %mul3A_2294 = arith.mulf %mul3A_2293, %get3A_2291 : vector<16xf32>
      %get3A_2295 = arith.constant 1056 : index
      %get3A_2296 = tpu.vector_load %arg7[%get3A_2295] {strides = array<i32>} : memref<1152xf32, #tpu.memory_space<vmem>>, vector<16xf32>,
      %get3A_2297 = vector.shape_cast %get3A_2296 : vector<16xf32> to vector<16xf32>
      %mul3A_2298 = arith.constant 7.500000e-01 : f32
      %mul3A_2299 = vector.broadcast %mul3A_2298 : f32 to vector<16xf32>
      %mul3A_2300 = arith.mulf %mul3A_2299, %get3A_2297 : vector<16xf32>
      %add3A_2301 = arith.addf %mul3A_2294, %mul3A_2300 : vector<16xf32>
      %swap3A_2302 = arith.constant 2112 : index
      %swap3A_2303 = tpu.vector_load %arg8[%swap3A_2302] {strides = array<i32>} : memref<2304xf32, #tpu.memory_space<vmem>>, vector<16xf32>,
      %swap3A_2304 = vector.shape_cast %swap3A_2303 : vector<16xf32> to vector<16xf32>
      %swap3A_2305 = vector.shape_cast %add3A_2301 : vector<16xf32> to vector<16xf32>
      tpu.vector_store %arg8[%swap3A_2302], %swap3A_2305 {strides = array<i32>} : memref<2304xf32, #tpu.memory_space<vmem>>, vector<16xf32>,
      %get3A_2306 = arith.constant 1024 : index
      %get3A_2307 = tpu.vector_load %arg7[%get3A_2306] {strides = array<i32>} : memref<1152xf32, #tpu.memory_space<vmem>>, vector<16xf32>,
      %get3A_2308 = vector.shape_cast %get3A_2307 : vector<16xf32> to vector<16xf32>
      %mul3A_2309 = arith.constant 2.500000e-01 : f32
      %mul3A_2310 = vector.broadcast %mul3A_2309 : f32 to vector<16xf32>
      %mul3A_2311 = arith.mulf %mul3A_2310, %get3A_2308 : vector<16xf32>
      %get3A_2312 = arith.constant 1072 : index
      %get3A_2313 = tpu.vector_load %arg7[%get3A_2312] {strides = array<i32>} : memref<1152xf32, #tpu.memory_space<vmem>>, vector<16xf32>,
      %get3A_2314 = vector.shape_cast %get3A_2313 : vector<16xf32> to vector<16xf32>
      %mul3A_2315 = arith.constant 7.500000e-01 : f32
      %mul3A_2316 = vector.broadcast %mul3A_2315 : f32 to vector<16xf32>
      %mul3A_2317 = arith.mulf %mul3A_2316, %get3A_2314 : vector<16xf32>
      %add3A_2318 = arith.addf %mul3A_2311, %mul3A_2317 : vector<16xf32>
      %swap3A_2319 = arith.constant 2128 : index
      %swap3A_2320 = tpu.vector_load %arg8[%swap3A_2319] {strides = array<i32>} : memref<2304xf32, #tpu.memory_space<vmem>>, vector<16xf32>,
      %swap3A_2321 = vector.shape_cast %swap3A_2320 : vector<16xf32> to vector<16xf32>
      %swap3A_2322 = vector.shape_cast %add3A_2318 : vector<16xf32> to vector<16xf32>
      tpu.vector_store %arg8[%swap3A_2319], %swap3A_2322 {strides = array<i32>} : memref<2304xf32, #tpu.memory_space<vmem>>, vector<16xf32>,
      %get3A_2323 = arith.constant 1040 : index
      %get3A_2324 = tpu.vector_load %arg7[%get3A_2323] {strides = array<i32>} : memref<1152xf32, #tpu.memory_space<vmem>>, vector<16xf32>,
      %get3A_2325 = vector.shape_cast %get3A_2324 : vector<16xf32> to vector<16xf32>
      %mul3A_2326 = arith.constant 2.500000e-01 : f32
      %mul3A_2327 = vector.broadcast %mul3A_2326 : f32 to vector<16xf32>
      %mul3A_2328 = arith.mulf %mul3A_2327, %get3A_2325 : vector<16xf32>
      %get3A_2329 = arith.constant 1088 : index
      %get3A_2330 = tpu.vector_load %arg7[%get3A_2329] {strides = array<i32>} : memref<1152xf32, #tpu.memory_space<vmem>>, vector<16xf32>,
      %get3A_2331 = vector.shape_cast %get3A_2330 : vector<16xf32> to vector<16xf32>
      %mul3A_2332 = arith.constant 7.500000e-01 : f32
      %mul3A_2333 = vector.broadcast %mul3A_2332 : f32 to vector<16xf32>
      %mul3A_2334 = arith.mulf %mul3A_2333, %get3A_2331 : vector<16xf32>
      %add3A_2335 = arith.addf %mul3A_2328, %mul3A_2334 : vector<16xf32>
      %swap3A_2336 = arith.constant 2144 : index
      %swap3A_2337 = tpu.vector_load %arg8[%swap3A_2336] {strides = array<i32>} : memref<2304xf32, #tpu.memory_space<vmem>>, vector<16xf32>,
      %swap3A_2338 = vector.shape_cast %swap3A_2337 : vector<16xf32> to vector<16xf32>
      %swap3A_2339 = vector.shape_cast %add3A_2335 : vector<16xf32> to vector<16xf32>
      tpu.vector_store %arg8[%swap3A_2336], %swap3A_2339 {strides = array<i32>} : memref<2304xf32, #tpu.memory_space<vmem>>, vector<16xf32>,
      %get3A_2340 = arith.constant 1056 : index
      %get3A_2341 = tpu.vector_load %arg7[%get3A_2340] {strides = array<i32>} : memref<1152xf32, #tpu.memory_space<vmem>>, vector<16xf32>,
      %get3A_2342 = vector.shape_cast %get3A_2341 : vector<16xf32> to vector<16xf32>
      %mul3A_2343 = arith.constant 7.500000e-01 : f32
      %mul3A_2344 = vector.broadcast %mul3A_2343 : f32 to vector<16xf32>
      %mul3A_2345 = arith.mulf %mul3A_2344, %get3A_2342 : vector<16xf32>
      %get3A_2346 = arith.constant 1104 : index
      %get3A_2347 = tpu.vector_load %arg7[%get3A_2346] {strides = array<i32>} : memref<1152xf32, #tpu.memory_space<vmem>>, vector<16xf32>,
      %get3A_2348 = vector.shape_cast %get3A_2347 : vector<16xf32> to vector<16xf32>
      %mul3A_2349 = arith.constant 2.500000e-01 : f32
      %mul3A_2350 = vector.broadcast %mul3A_2349 : f32 to vector<16xf32>
      %mul3A_2351 = arith.mulf %mul3A_2350, %get3A_2348 : vector<16xf32>
      %add3A_2352 = arith.addf %mul3A_2345, %mul3A_2351 : vector<16xf32>
      %swap3A_2353 = arith.constant 2160 : index
      %swap3A_2354 = tpu.vector_load %arg8[%swap3A_2353] {strides = array<i32>} : memref<2304xf32, #tpu.memory_space<vmem>>, vector<16xf32>,
      %swap3A_2355 = vector.shape_cast %swap3A_2354 : vector<16xf32> to vector<16xf32>
      %swap3A_2356 = vector.shape_cast %add3A_2352 : vector<16xf32> to vector<16xf32>
      tpu.vector_store %arg8[%swap3A_2353], %swap3A_2356 {strides = array<i32>} : memref<2304xf32, #tpu.memory_space<vmem>>, vector<16xf32>,
      %get3A_2357 = arith.constant 1072 : index
      %get3A_2358 = tpu.vector_load %arg7[%get3A_2357] {strides = array<i32>} : memref<1152xf32, #tpu.memory_space<vmem>>, vector<16xf32>,
      %get3A_2359 = vector.shape_cast %get3A_2358 : vector<16xf32> to vector<16xf32>
      %mul3A_2360 = arith.constant 7.500000e-01 : f32
      %mul3A_2361 = vector.broadcast %mul3A_2360 : f32 to vector<16xf32>
      %mul3A_2362 = arith.mulf %mul3A_2361, %get3A_2359 : vector<16xf32>
      %get3A_2363 = arith.constant 1120 : index
      %get3A_2364 = tpu.vector_load %arg7[%get3A_2363] {strides = array<i32>} : memref<1152xf32, #tpu.memory_space<vmem>>, vector<16xf32>,
      %get3A_2365 = vector.shape_cast %get3A_2364 : vector<16xf32> to vector<16xf32>
      %mul3A_2366 = arith.constant 2.500000e-01 : f32
      %mul3A_2367 = vector.broadcast %mul3A_2366 : f32 to vector<16xf32>
      %mul3A_2368 = arith.mulf %mul3A_2367, %get3A_2365 : vector<16xf32>
      %add3A_2369 = arith.addf %mul3A_2362, %mul3A_2368 : vector<16xf32>
      %swap3A_2370 = arith.constant 2176 : index
      %swap3A_2371 = tpu.vector_load %arg8[%swap3A_2370] {strides = array<i32>} : memref<2304xf32, #tpu.memory_space<vmem>>, vector<16xf32>,
      %swap3A_2372 = vector.shape_cast %swap3A_2371 : vector<16xf32> to vector<16xf32>
      %swap3A_2373 = vector.shape_cast %add3A_2369 : vector<16xf32> to vector<16xf32>
      tpu.vector_store %arg8[%swap3A_2370], %swap3A_2373 {strides = array<i32>} : memref<2304xf32, #tpu.memory_space<vmem>>, vector<16xf32>,
      %get3A_2374 = arith.constant 1088 : index
      %get3A_2375 = tpu.vector_load %arg7[%get3A_2374] {strides = array<i32>} : memref<1152xf32, #tpu.memory_space<vmem>>, vector<16xf32>,
      %get3A_2376 = vector.shape_cast %get3A_2375 : vector<16xf32> to vector<16xf32>
      %mul3A_2377 = arith.constant 7.500000e-01 : f32
      %mul3A_2378 = vector.broadcast %mul3A_2377 : f32 to vector<16xf32>
      %mul3A_2379 = arith.mulf %mul3A_2378, %get3A_2376 : vector<16xf32>
      %get3A_2380 = arith.constant 1136 : index
      %get3A_2381 = tpu.vector_load %arg7[%get3A_2380] {strides = array<i32>} : memref<1152xf32, #tpu.memory_space<vmem>>, vector<16xf32>,
      %get3A_2382 = vector.shape_cast %get3A_2381 : vector<16xf32> to vector<16xf32>
      %mul3A_2383 = arith.constant 2.500000e-01 : f32
      %mul3A_2384 = vector.broadcast %mul3A_2383 : f32 to vector<16xf32>
      %mul3A_2385 = arith.mulf %mul3A_2384, %get3A_2382 : vector<16xf32>
      %add3A_2386 = arith.addf %mul3A_2379, %mul3A_2385 : vector<16xf32>
      %swap3A_2387 = arith.constant 2192 : index
      %swap3A_2388 = tpu.vector_load %arg8[%swap3A_2387] {strides = array<i32>} : memref<2304xf32, #tpu.memory_space<vmem>>, vector<16xf32>,
      %swap3A_2389 = vector.shape_cast %swap3A_2388 : vector<16xf32> to vector<16xf32>
      %swap3A_2390 = vector.shape_cast %add3A_2386 : vector<16xf32> to vector<16xf32>
      tpu.vector_store %arg8[%swap3A_2387], %swap3A_2390 {strides = array<i32>} : memref<2304xf32, #tpu.memory_space<vmem>>, vector<16xf32>,
      %get3A_2391 = arith.constant 1056 : index
      %get3A_2392 = tpu.vector_load %arg7[%get3A_2391] {strides = array<i32>} : memref<1152xf32, #tpu.memory_space<vmem>>, vector<16xf32>,
      %get3A_2393 = vector.shape_cast %get3A_2392 : vector<16xf32> to vector<16xf32>
      %mul3A_2394 = arith.constant 2.500000e-01 : f32
      %mul3A_2395 = vector.broadcast %mul3A_2394 : f32 to vector<16xf32>
      %mul3A_2396 = arith.mulf %mul3A_2395, %get3A_2393 : vector<16xf32>
      %get3A_2397 = arith.constant 1104 : index
      %get3A_2398 = tpu.vector_load %arg7[%get3A_2397] {strides = array<i32>} : memref<1152xf32, #tpu.memory_space<vmem>>, vector<16xf32>,
      %get3A_2399 = vector.shape_cast %get3A_2398 : vector<16xf32> to vector<16xf32>
      %mul3A_2400 = arith.constant 7.500000e-01 : f32
      %mul3A_2401 = vector.broadcast %mul3A_2400 : f32 to vector<16xf32>
      %mul3A_2402 = arith.mulf %mul3A_2401, %get3A_2399 : vector<16xf32>
      %add3A_2403 = arith.addf %mul3A_2396, %mul3A_2402 : vector<16xf32>
      %swap3A_2404 = arith.constant 2208 : index
      %swap3A_2405 = tpu.vector_load %arg8[%swap3A_2404] {strides = array<i32>} : memref<2304xf32, #tpu.memory_space<vmem>>, vector<16xf32>,
      %swap3A_2406 = vector.shape_cast %swap3A_2405 : vector<16xf32> to vector<16xf32>
      %swap3A_2407 = vector.shape_cast %add3A_2403 : vector<16xf32> to vector<16xf32>
      tpu.vector_store %arg8[%swap3A_2404], %swap3A_2407 {strides = array<i32>} : memref<2304xf32, #tpu.memory_space<vmem>>, vector<16xf32>,
      %get3A_2408 = arith.constant 1072 : index
      %get3A_2409 = tpu.vector_load %arg7[%get3A_2408] {strides = array<i32>} : memref<1152xf32, #tpu.memory_space<vmem>>, vector<16xf32>,
      %get3A_2410 = vector.shape_cast %get3A_2409 : vector<16xf32> to vector<16xf32>
      %mul3A_2411 = arith.constant 2.500000e-01 : f32
      %mul3A_2412 = vector.broadcast %mul3A_2411 : f32 to vector<16xf32>
      %mul3A_2413 = arith.mulf %mul3A_2412, %get3A_2410 : vector<16xf32>
      %get3A_2414 = arith.constant 1120 : index
      %get3A_2415 = tpu.vector_load %arg7[%get3A_2414] {strides = array<i32>} : memref<1152xf32, #tpu.memory_space<vmem>>, vector<16xf32>,
      %get3A_2416 = vector.shape_cast %get3A_2415 : vector<16xf32> to vector<16xf32>
      %mul3A_2417 = arith.constant 7.500000e-01 : f32
      %mul3A_2418 = vector.broadcast %mul3A_2417 : f32 to vector<16xf32>
      %mul3A_2419 = arith.mulf %mul3A_2418, %get3A_2416 : vector<16xf32>
      %add3A_2420 = arith.addf %mul3A_2413, %mul3A_2419 : vector<16xf32>
      %swap3A_2421 = arith.constant 2224 : index
      %swap3A_2422 = tpu.vector_load %arg8[%swap3A_2421] {strides = array<i32>} : memref<2304xf32, #tpu.memory_space<vmem>>, vector<16xf32>,
      %swap3A_2423 = vector.shape_cast %swap3A_2422 : vector<16xf32> to vector<16xf32>
      %swap3A_2424 = vector.shape_cast %add3A_2420 : vector<16xf32> to vector<16xf32>
      tpu.vector_store %arg8[%swap3A_2421], %swap3A_2424 {strides = array<i32>} : memref<2304xf32, #tpu.memory_space<vmem>>, vector<16xf32>,
      %get3A_2425 = arith.constant 1088 : index
      %get3A_2426 = tpu.vector_load %arg7[%get3A_2425] {strides = array<i32>} : memref<1152xf32, #tpu.memory_space<vmem>>, vector<16xf32>,
      %get3A_2427 = vector.shape_cast %get3A_2426 : vector<16xf32> to vector<16xf32>
      %mul3A_2428 = arith.constant 2.500000e-01 : f32
      %mul3A_2429 = vector.broadcast %mul3A_2428 : f32 to vector<16xf32>
      %mul3A_2430 = arith.mulf %mul3A_2429, %get3A_2427 : vector<16xf32>
      %get3A_2431 = arith.constant 1136 : index
      %get3A_2432 = tpu.vector_load %arg7[%get3A_2431] {strides = array<i32>} : memref<1152xf32, #tpu.memory_space<vmem>>, vector<16xf32>,
      %get3A_2433 = vector.shape_cast %get3A_2432 : vector<16xf32> to vector<16xf32>
      %mul3A_2434 = arith.constant 7.500000e-01 : f32
      %mul3A_2435 = vector.broadcast %mul3A_2434 : f32 to vector<16xf32>
      %mul3A_2436 = arith.mulf %mul3A_2435, %get3A_2433 : vector<16xf32>
      %add3A_2437 = arith.addf %mul3A_2430, %mul3A_2436 : vector<16xf32>
      %swap3A_2438 = arith.constant 2240 : index
      %swap3A_2439 = tpu.vector_load %arg8[%swap3A_2438] {strides = array<i32>} : memref<2304xf32, #tpu.memory_space<vmem>>, vector<16xf32>,
      %swap3A_2440 = vector.shape_cast %swap3A_2439 : vector<16xf32> to vector<16xf32>
      %swap3A_2441 = vector.shape_cast %add3A_2437 : vector<16xf32> to vector<16xf32>
      tpu.vector_store %arg8[%swap3A_2438], %swap3A_2441 {strides = array<i32>} : memref<2304xf32, #tpu.memory_space<vmem>>, vector<16xf32>,
      %get3A_2442 = arith.constant 1104 : index
      %get3A_2443 = tpu.vector_load %arg7[%get3A_2442] {strides = array<i32>} : memref<1152xf32, #tpu.memory_space<vmem>>, vector<16xf32>,
      %get3A_2444 = vector.shape_cast %get3A_2443 : vector<16xf32> to vector<16xf32>
      %mul3A_2445 = arith.constant 7.500000e-01 : f32
      %mul3A_2446 = vector.broadcast %mul3A_2445 : f32 to vector<16xf32>
      %mul3A_2447 = arith.mulf %mul3A_2446, %get3A_2444 : vector<16xf32>
      %get3A_2448 = arith.constant 1104 : index
      %get3A_2449 = tpu.vector_load %arg7[%get3A_2448] {strides = array<i32>} : memref<1152xf32, #tpu.memory_space<vmem>>, vector<16xf32>,
      %get3A_2450 = vector.shape_cast %get3A_2449 : vector<16xf32> to vector<16xf32>
      %mul3A_2451 = arith.constant 2.500000e-01 : f32
      %mul3A_2452 = vector.broadcast %mul3A_2451 : f32 to vector<16xf32>
      %mul3A_2453 = arith.mulf %mul3A_2452, %get3A_2450 : vector<16xf32>
      %add3A_2454 = arith.addf %mul3A_2447, %mul3A_2453 : vector<16xf32>
      %swap3A_2455 = arith.constant 2256 : index
      %swap3A_2456 = tpu.vector_load %arg8[%swap3A_2455] {strides = array<i32>} : memref<2304xf32, #tpu.memory_space<vmem>>, vector<16xf32>,
      %swap3A_2457 = vector.shape_cast %swap3A_2456 : vector<16xf32> to vector<16xf32>
      %swap3A_2458 = vector.shape_cast %add3A_2454 : vector<16xf32> to vector<16xf32>
      tpu.vector_store %arg8[%swap3A_2455], %swap3A_2458 {strides = array<i32>} : memref<2304xf32, #tpu.memory_space<vmem>>, vector<16xf32>,
      %get3A_2459 = arith.constant 1120 : index
      %get3A_2460 = tpu.vector_load %arg7[%get3A_2459] {strides = array<i32>} : memref<1152xf32, #tpu.memory_space<vmem>>, vector<16xf32>,
      %get3A_2461 = vector.shape_cast %get3A_2460 : vector<16xf32> to vector<16xf32>
      %mul3A_2462 = arith.constant 7.500000e-01 : f32
      %mul3A_2463 = vector.broadcast %mul3A_2462 : f32 to vector<16xf32>
      %mul3A_2464 = arith.mulf %mul3A_2463, %get3A_2461 : vector<16xf32>
      %get3A_2465 = arith.constant 1120 : index
      %get3A_2466 = tpu.vector_load %arg7[%get3A_2465] {strides = array<i32>} : memref<1152xf32, #tpu.memory_space<vmem>>, vector<16xf32>,
      %get3A_2467 = vector.shape_cast %get3A_2466 : vector<16xf32> to vector<16xf32>
      %mul3A_2468 = arith.constant 2.500000e-01 : f32
      %mul3A_2469 = vector.broadcast %mul3A_2468 : f32 to vector<16xf32>
      %mul3A_2470 = arith.mulf %mul3A_2469, %get3A_2467 : vector<16xf32>
      %add3A_2471 = arith.addf %mul3A_2464, %mul3A_2470 : vector<16xf32>
      %swap3A_2472 = arith.constant 2272 : index
      %swap3A_2473 = tpu.vector_load %arg8[%swap3A_2472] {strides = array<i32>} : memref<2304xf32, #tpu.memory_space<vmem>>, vector<16xf32>,
      %swap3A_2474 = vector.shape_cast %swap3A_2473 : vector<16xf32> to vector<16xf32>
      %swap3A_2475 = vector.shape_cast %add3A_2471 : vector<16xf32> to vector<16xf32>
      tpu.vector_store %arg8[%swap3A_2472], %swap3A_2475 {strides = array<i32>} : memref<2304xf32, #tpu.memory_space<vmem>>, vector<16xf32>,
      %get3A_2476 = arith.constant 1136 : index
      %get3A_2477 = tpu.vector_load %arg7[%get3A_2476] {strides = array<i32>} : memref<1152xf32, #tpu.memory_space<vmem>>, vector<16xf32>,
      %get3A_2478 = vector.shape_cast %get3A_2477 : vector<16xf32> to vector<16xf32>
      %mul3A_2479 = arith.constant 7.500000e-01 : f32
      %mul3A_2480 = vector.broadcast %mul3A_2479 : f32 to vector<16xf32>
      %mul3A_2481 = arith.mulf %mul3A_2480, %get3A_2478 : vector<16xf32>
      %get3A_2482 = arith.constant 1136 : index
      %get3A_2483 = tpu.vector_load %arg7[%get3A_2482] {strides = array<i32>} : memref<1152xf32, #tpu.memory_space<vmem>>, vector<16xf32>,
      %get3A_2484 = vector.shape_cast %get3A_2483 : vector<16xf32> to vector<16xf32>
      %mul3A_2485 = arith.constant 2.500000e-01 : f32
      %mul3A_2486 = vector.broadcast %mul3A_2485 : f32 to vector<16xf32>
      %mul3A_2487 = arith.mulf %mul3A_2486, %get3A_2484 : vector<16xf32>
      %add3A_2488 = arith.addf %mul3A_2481, %mul3A_2487 : vector<16xf32>
      %swap3A_2489 = arith.constant 2288 : index
      %swap3A_2490 = tpu.vector_load %arg8[%swap3A_2489] {strides = array<i32>} : memref<2304xf32, #tpu.memory_space<vmem>>, vector<16xf32>,
      %swap3A_2491 = vector.shape_cast %swap3A_2490 : vector<16xf32> to vector<16xf32>
      %swap3A_2492 = vector.shape_cast %add3A_2488 : vector<16xf32> to vector<16xf32>
      tpu.vector_store %arg8[%swap3A_2489], %swap3A_2492 {strides = array<i32>} : memref<2304xf32, #tpu.memory_space<vmem>>, vector<16xf32>,
      %get3A_2493 = arith.constant 0 : index
      %get3A_2494 = tpu.vector_load %arg8[%get3A_2493] {strides = array<i32>} : memref<2304xf32, #tpu.memory_space<vmem>>, vector<16xf32>,
      %get3A_2495 = vector.shape_cast %get3A_2494 : vector<16xf32> to vector<16xf32>
      %get3A_2496 = arith.constant 0 : index
      %get3A_2497 = tpu.vector_load %arg8[%get3A_2496] {strides = array<i32>} : memref<2304xf32, #tpu.memory_space<vmem>>, vector<16xf32>,
      %get3A_2498 = vector.shape_cast %get3A_2497 : vector<16xf32> to vector<16xf32>
      %scan3A_2499 = arith.constant 0 : i32
      %scan3A_2500 = arith.constant 24 : i32
      %scan3A_2501 = arith.addi %scan3A_2499, %scan3A_2500 : i32
      %scan3A_2502 = arith.constant 1 : i32
      %scan3A_2503:2 = scf.for %scan3A_2609 = %scan3A_2499 to %scan3A_2501 step %scan3A_2502 iter_args(%scan3A_2610 = %get3A_2495, %scan3A_2611 = %get3A_2498) -> (vector<16xf32>, vector<16xf32>)  : i32 {
        %mul3A_2612 = arith.constant 96 : i32
        %mul3A_2613 = arith.muli %scan3A_2609, %mul3A_2612 : i32
        %add3A_2614 = arith.constant 0 : i32
        %add3A_2615 = arith.addi %mul3A_2613, %add3A_2614 : i32
        %get3A_2616 = arith.index_cast %add3A_2615 : i32 to index
        %get3A_2617 = tpu.vector_load %arg8[%get3A_2616] {strides = array<i32>} : memref<2304xf32, #tpu.memory_space<vmem>>, vector<16xf32>,
        %get3A_2618 = vector.shape_cast %get3A_2617 : vector<16xf32> to vector<16xf32>
        %min3A_2619 = arith.minimumf %scan3A_2610, %get3A_2618 : vector<16xf32>
        %max3A_2620 = arith.maximumf %scan3A_2611, %get3A_2618 : vector<16xf32>
        %mul3A_2621 = arith.constant 96 : i32
        %mul3A_2622 = arith.muli %scan3A_2609, %mul3A_2621 : i32
        %add3A_2623 = arith.constant 16 : i32
        %add3A_2624 = arith.addi %mul3A_2622, %add3A_2623 : i32
        %get3A_2625 = arith.index_cast %add3A_2624 : i32 to index
        %get3A_2626 = tpu.vector_load %arg8[%get3A_2625] {strides = array<i32>} : memref<2304xf32, #tpu.memory_space<vmem>>, vector<16xf32>,
        %get3A_2627 = vector.shape_cast %get3A_2626 : vector<16xf32> to vector<16xf32>
        %min3A_2628 = arith.minimumf %min3A_2619, %get3A_2627 : vector<16xf32>
        %max3A_2629 = arith.maximumf %max3A_2620, %get3A_2627 : vector<16xf32>
        %mul3A_2630 = arith.constant 96 : i32
        %mul3A_2631 = arith.muli %scan3A_2609, %mul3A_2630 : i32
        %add3A_2632 = arith.constant 32 : i32
        %add3A_2633 = arith.addi %mul3A_2631, %add3A_2632 : i32
        %get3A_2634 = arith.index_cast %add3A_2633 : i32 to index
        %get3A_2635 = tpu.vector_load %arg8[%get3A_2634] {strides = array<i32>} : memref<2304xf32, #tpu.memory_space<vmem>>, vector<16xf32>,
        %get3A_2636 = vector.shape_cast %get3A_2635 : vector<16xf32> to vector<16xf32>
        %min3A_2637 = arith.minimumf %min3A_2628, %get3A_2636 : vector<16xf32>
        %max3A_2638 = arith.maximumf %max3A_2629, %get3A_2636 : vector<16xf32>
        %mul3A_2639 = arith.constant 96 : i32
        %mul3A_2640 = arith.muli %scan3A_2609, %mul3A_2639 : i32
        %add3A_2641 = arith.constant 48 : i32
        %add3A_2642 = arith.addi %mul3A_2640, %add3A_2641 : i32
        %get3A_2643 = arith.index_cast %add3A_2642 : i32 to index
        %get3A_2644 = tpu.vector_load %arg8[%get3A_2643] {strides = array<i32>} : memref<2304xf32, #tpu.memory_space<vmem>>, vector<16xf32>,
        %get3A_2645 = vector.shape_cast %get3A_2644 : vector<16xf32> to vector<16xf32>
        %min3A_2646 = arith.minimumf %min3A_2637, %get3A_2645 : vector<16xf32>
        %max3A_2647 = arith.maximumf %max3A_2638, %get3A_2645 : vector<16xf32>
        %mul3A_2648 = arith.constant 96 : i32
        %mul3A_2649 = arith.muli %scan3A_2609, %mul3A_2648 : i32
        %add3A_2650 = arith.constant 64 : i32
        %add3A_2651 = arith.addi %mul3A_2649, %add3A_2650 : i32
        %get3A_2652 = arith.index_cast %add3A_2651 : i32 to index
        %get3A_2653 = tpu.vector_load %arg8[%get3A_2652] {strides = array<i32>} : memref<2304xf32, #tpu.memory_space<vmem>>, vector<16xf32>,
        %get3A_2654 = vector.shape_cast %get3A_2653 : vector<16xf32> to vector<16xf32>
        %min3A_2655 = arith.minimumf %min3A_2646, %get3A_2654 : vector<16xf32>
        %max3A_2656 = arith.maximumf %max3A_2647, %get3A_2654 : vector<16xf32>
        %mul3A_2657 = arith.constant 96 : i32
        %mul3A_2658 = arith.muli %scan3A_2609, %mul3A_2657 : i32
        %add3A_2659 = arith.constant 80 : i32
        %add3A_2660 = arith.addi %mul3A_2658, %add3A_2659 : i32
        %get3A_2661 = arith.index_cast %add3A_2660 : i32 to index
        %get3A_2662 = tpu.vector_load %arg8[%get3A_2661] {strides = array<i32>} : memref<2304xf32, #tpu.memory_space<vmem>>, vector<16xf32>,
        %get3A_2663 = vector.shape_cast %get3A_2662 : vector<16xf32> to vector<16xf32>
        %min3A_2664 = arith.minimumf %min3A_2655, %get3A_2663 : vector<16xf32>
        %max3A_2665 = arith.maximumf %max3A_2656, %get3A_2663 : vector<16xf32>
        scf.yield %min3A_2664, %max3A_2665 : vector<16xf32>, vector<16xf32>
      }
      %scan3A_2504 = arith.constant 24 : i32
      %slice3A = vector.extract_strided_slice %scan3A_2503#0 {offsets = [0], sizes = [1], strides = [1]} : vector<16xf32> to vector<1xf32>
      %squeeze3A = vector.extract %slice3A[0] : f32 from vector<1xf32>
      %slice3A_2505 = vector.extract_strided_slice %scan3A_2503#1 {offsets = [0], sizes = [1], strides = [1]} : vector<16xf32> to vector<1xf32>
      %squeeze3A_2506 = vector.extract %slice3A_2505[0] : f32 from vector<1xf32>
      %slice3A_2507 = vector.extract_strided_slice %scan3A_2503#0 {offsets = [1], sizes = [1], strides = [1]} : vector<16xf32> to vector<1xf32>
      %squeeze3A_2508 = vector.extract %slice3A_2507[0] : f32 from vector<1xf32>
      %min3A = arith.minimumf %squeeze3A, %squeeze3A_2508 : f32
      %slice3A_2509 = vector.extract_strided_slice %scan3A_2503#1 {offsets = [1], sizes = [1], strides = [1]} : vector<16xf32> to vector<1xf32>
      %squeeze3A_2510 = vector.extract %slice3A_2509[0] : f32 from vector<1xf32>
      %max3A = arith.maximumf %squeeze3A_2506, %squeeze3A_2510 : f32
      %slice3A_2511 = vector.extract_strided_slice %scan3A_2503#0 {offsets = [2], sizes = [1], strides = [1]} : vector<16xf32> to vector<1xf32>
      %squeeze3A_2512 = vector.extract %slice3A_2511[0] : f32 from vector<1xf32>
      %min3A_2513 = arith.minimumf %min3A, %squeeze3A_2512 : f32
      %slice3A_2514 = vector.extract_strided_slice %scan3A_2503#1 {offsets = [2], sizes = [1], strides = [1]} : vector<16xf32> to vector<1xf32>
      %squeeze3A_2515 = vector.extract %slice3A_2514[0] : f32 from vector<1xf32>
      %max3A_2516 = arith.maximumf %max3A, %squeeze3A_2515 : f32
      %slice3A_2517 = vector.extract_strided_slice %scan3A_2503#0 {offsets = [3], sizes = [1], strides = [1]} : vector<16xf32> to vector<1xf32>
      %squeeze3A_2518 = vector.extract %slice3A_2517[0] : f32 from vector<1xf32>
      %min3A_2519 = arith.minimumf %min3A_2513, %squeeze3A_2518 : f32
      %slice3A_2520 = vector.extract_strided_slice %scan3A_2503#1 {offsets = [3], sizes = [1], strides = [1]} : vector<16xf32> to vector<1xf32>
      %squeeze3A_2521 = vector.extract %slice3A_2520[0] : f32 from vector<1xf32>
      %max3A_2522 = arith.maximumf %max3A_2516, %squeeze3A_2521 : f32
      %slice3A_2523 = vector.extract_strided_slice %scan3A_2503#0 {offsets = [4], sizes = [1], strides = [1]} : vector<16xf32> to vector<1xf32>
      %squeeze3A_2524 = vector.extract %slice3A_2523[0] : f32 from vector<1xf32>
      %min3A_2525 = arith.minimumf %min3A_2519, %squeeze3A_2524 : f32
      %slice3A_2526 = vector.extract_strided_slice %scan3A_2503#1 {offsets = [4], sizes = [1], strides = [1]} : vector<16xf32> to vector<1xf32>
      %squeeze3A_2527 = vector.extract %slice3A_2526[0] : f32 from vector<1xf32>
      %max3A_2528 = arith.maximumf %max3A_2522, %squeeze3A_2527 : f32
      %slice3A_2529 = vector.extract_strided_slice %scan3A_2503#0 {offsets = [5], sizes = [1], strides = [1]} : vector<16xf32> to vector<1xf32>
      %squeeze3A_2530 = vector.extract %slice3A_2529[0] : f32 from vector<1xf32>
      %min3A_2531 = arith.minimumf %min3A_2525, %squeeze3A_2530 : f32
      %slice3A_2532 = vector.extract_strided_slice %scan3A_2503#1 {offsets = [5], sizes = [1], strides = [1]} : vector<16xf32> to vector<1xf32>
      %squeeze3A_2533 = vector.extract %slice3A_2532[0] : f32 from vector<1xf32>
      %max3A_2534 = arith.maximumf %max3A_2528, %squeeze3A_2533 : f32
      %slice3A_2535 = vector.extract_strided_slice %scan3A_2503#0 {offsets = [6], sizes = [1], strides = [1]} : vector<16xf32> to vector<1xf32>
      %squeeze3A_2536 = vector.extract %slice3A_2535[0] : f32 from vector<1xf32>
      %min3A_2537 = arith.minimumf %min3A_2531, %squeeze3A_2536 : f32
      %slice3A_2538 = vector.extract_strided_slice %scan3A_2503#1 {offsets = [6], sizes = [1], strides = [1]} : vector<16xf32> to vector<1xf32>
      %squeeze3A_2539 = vector.extract %slice3A_2538[0] : f32 from vector<1xf32>
      %max3A_2540 = arith.maximumf %max3A_2534, %squeeze3A_2539 : f32
      %slice3A_2541 = vector.extract_strided_slice %scan3A_2503#0 {offsets = [7], sizes = [1], strides = [1]} : vector<16xf32> to vector<1xf32>
      %squeeze3A_2542 = vector.extract %slice3A_2541[0] : f32 from vector<1xf32>
      %min3A_2543 = arith.minimumf %min3A_2537, %squeeze3A_2542 : f32
      %slice3A_2544 = vector.extract_strided_slice %scan3A_2503#1 {offsets = [7], sizes = [1], strides = [1]} : vector<16xf32> to vector<1xf32>
      %squeeze3A_2545 = vector.extract %slice3A_2544[0] : f32 from vector<1xf32>
      %max3A_2546 = arith.maximumf %max3A_2540, %squeeze3A_2545 : f32
      %slice3A_2547 = vector.extract_strided_slice %scan3A_2503#0 {offsets = [8], sizes = [1], strides = [1]} : vector<16xf32> to vector<1xf32>
      %squeeze3A_2548 = vector.extract %slice3A_2547[0] : f32 from vector<1xf32>
      %min3A_2549 = arith.minimumf %min3A_2543, %squeeze3A_2548 : f32
      %slice3A_2550 = vector.extract_strided_slice %scan3A_2503#1 {offsets = [8], sizes = [1], strides = [1]} : vector<16xf32> to vector<1xf32>
      %squeeze3A_2551 = vector.extract %slice3A_2550[0] : f32 from vector<1xf32>
      %max3A_2552 = arith.maximumf %max3A_2546, %squeeze3A_2551 : f32
      %slice3A_2553 = vector.extract_strided_slice %scan3A_2503#0 {offsets = [9], sizes = [1], strides = [1]} : vector<16xf32> to vector<1xf32>
      %squeeze3A_2554 = vector.extract %slice3A_2553[0] : f32 from vector<1xf32>
      %min3A_2555 = arith.minimumf %min3A_2549, %squeeze3A_2554 : f32
      %slice3A_2556 = vector.extract_strided_slice %scan3A_2503#1 {offsets = [9], sizes = [1], strides = [1]} : vector<16xf32> to vector<1xf32>
      %squeeze3A_2557 = vector.extract %slice3A_2556[0] : f32 from vector<1xf32>
      %max3A_2558 = arith.maximumf %max3A_2552, %squeeze3A_2557 : f32
      %slice3A_2559 = vector.extract_strided_slice %scan3A_2503#0 {offsets = [10], sizes = [1], strides = [1]} : vector<16xf32> to vector<1xf32>
      %squeeze3A_2560 = vector.extract %slice3A_2559[0] : f32 from vector<1xf32>
      %min3A_2561 = arith.minimumf %min3A_2555, %squeeze3A_2560 : f32
      %slice3A_2562 = vector.extract_strided_slice %scan3A_2503#1 {offsets = [10], sizes = [1], strides = [1]} : vector<16xf32> to vector<1xf32>
      %squeeze3A_2563 = vector.extract %slice3A_2562[0] : f32 from vector<1xf32>
      %max3A_2564 = arith.maximumf %max3A_2558, %squeeze3A_2563 : f32
      %slice3A_2565 = vector.extract_strided_slice %scan3A_2503#0 {offsets = [11], sizes = [1], strides = [1]} : vector<16xf32> to vector<1xf32>
      %squeeze3A_2566 = vector.extract %slice3A_2565[0] : f32 from vector<1xf32>
      %min3A_2567 = arith.minimumf %min3A_2561, %squeeze3A_2566 : f32
      %slice3A_2568 = vector.extract_strided_slice %scan3A_2503#1 {offsets = [11], sizes = [1], strides = [1]} : vector<16xf32> to vector<1xf32>
      %squeeze3A_2569 = vector.extract %slice3A_2568[0] : f32 from vector<1xf32>
      %max3A_2570 = arith.maximumf %max3A_2564, %squeeze3A_2569 : f32
      %slice3A_2571 = vector.extract_strided_slice %scan3A_2503#0 {offsets = [12], sizes = [1], strides = [1]} : vector<16xf32> to vector<1xf32>
      %squeeze3A_2572 = vector.extract %slice3A_2571[0] : f32 from vector<1xf32>
      %min3A_2573 = arith.minimumf %min3A_2567, %squeeze3A_2572 : f32
      %slice3A_2574 = vector.extract_strided_slice %scan3A_2503#1 {offsets = [12], sizes = [1], strides = [1]} : vector<16xf32> to vector<1xf32>
      %squeeze3A_2575 = vector.extract %slice3A_2574[0] : f32 from vector<1xf32>
      %max3A_2576 = arith.maximumf %max3A_2570, %squeeze3A_2575 : f32
      %slice3A_2577 = vector.extract_strided_slice %scan3A_2503#0 {offsets = [13], sizes = [1], strides = [1]} : vector<16xf32> to vector<1xf32>
      %squeeze3A_2578 = vector.extract %slice3A_2577[0] : f32 from vector<1xf32>
      %min3A_2579 = arith.minimumf %min3A_2573, %squeeze3A_2578 : f32
      %slice3A_2580 = vector.extract_strided_slice %scan3A_2503#1 {offsets = [13], sizes = [1], strides = [1]} : vector<16xf32> to vector<1xf32>
      %squeeze3A_2581 = vector.extract %slice3A_2580[0] : f32 from vector<1xf32>
      %max3A_2582 = arith.maximumf %max3A_2576, %squeeze3A_2581 : f32
      %slice3A_2583 = vector.extract_strided_slice %scan3A_2503#0 {offsets = [14], sizes = [1], strides = [1]} : vector<16xf32> to vector<1xf32>
      %squeeze3A_2584 = vector.extract %slice3A_2583[0] : f32 from vector<1xf32>
      %min3A_2585 = arith.minimumf %min3A_2579, %squeeze3A_2584 : f32
      %slice3A_2586 = vector.extract_strided_slice %scan3A_2503#1 {offsets = [14], sizes = [1], strides = [1]} : vector<16xf32> to vector<1xf32>
      %squeeze3A_2587 = vector.extract %slice3A_2586[0] : f32 from vector<1xf32>
      %max3A_2588 = arith.maximumf %max3A_2582, %squeeze3A_2587 : f32
      %slice3A_2589 = vector.extract_strided_slice %scan3A_2503#0 {offsets = [15], sizes = [1], strides = [1]} : vector<16xf32> to vector<1xf32>
      %squeeze3A_2590 = vector.extract %slice3A_2589[0] : f32 from vector<1xf32>
      %min3A_2591 = arith.minimumf %min3A_2585, %squeeze3A_2590 : f32
      %slice3A_2592 = vector.extract_strided_slice %scan3A_2503#1 {offsets = [15], sizes = [1], strides = [1]} : vector<16xf32> to vector<1xf32>
      %squeeze3A_2593 = vector.extract %slice3A_2592[0] : f32 from vector<1xf32>
      %max3A_2594 = arith.maximumf %max3A_2588, %squeeze3A_2593 : f32
      %scan3A_2595 = arith.constant 1.612000e+03 : f32
      %scan3A_2596 = arith.constant 0 : i32
      %scan3A_2597 = arith.constant 18 : i32
      %scan3A_2598 = arith.addi %scan3A_2596, %scan3A_2597 : i32
      %scan3A_2599 = arith.constant 1 : i32
      %scan3A_2600:2 = scf.for %scan3A_2609 = %scan3A_2596 to %scan3A_2598 step %scan3A_2599 iter_args(%scan3A_2610 = %min3A_2591, %scan3A_2611 = %max3A_2594) -> (f32, f32)  : i32 {
        %add3A_2612 = arith.addf %scan3A_2610, %scan3A_2611 : f32
        %mul3A_2613 = arith.constant 5.000000e-01 : f32
        %mul3A_2614 = arith.mulf %mul3A_2613, %add3A_2612 : f32
        %broadcast_in_dim3A = arith.constant 0.000000e+00 : f32
        %broadcast_in_dim3A_2615 = vector.broadcast %broadcast_in_dim3A : f32 to vector<16xf32>
        %scan3A_2616 = arith.constant 0 : i32
        %scan3A_2617 = arith.constant 12 : i32
        %scan3A_2618 = arith.addi %scan3A_2616, %scan3A_2617 : i32
        %scan3A_2619 = arith.constant 1 : i32
        %scan3A_2620 = scf.for %scan3A_2670 = %scan3A_2616 to %scan3A_2618 step %scan3A_2619 iter_args(%scan3A_2671 = %broadcast_in_dim3A_2615) -> (vector<16xf32>)  : i32 {
          %mul3A_2672 = arith.constant 192 : i32
          %mul3A_2673 = arith.muli %scan3A_2670, %mul3A_2672 : i32
          %add3A_2674 = arith.constant 0 : i32
          %add3A_2675 = arith.addi %mul3A_2673, %add3A_2674 : i32
          %get3A_2676 = arith.index_cast %add3A_2675 : i32 to index
          %get3A_2677 = tpu.vector_load %arg8[%get3A_2676] {strides = array<i32>} : memref<2304xf32, #tpu.memory_space<vmem>>, vector<16xf32>,
          %get3A_2678 = vector.shape_cast %get3A_2677 : vector<16xf32> to vector<16xf32>
          %lt3A_2679 = vector.broadcast %mul3A_2614 : f32 to vector<16xf32>
          %lt3A_2680 = arith.cmpf olt, %get3A_2678, %lt3A_2679 : vector<16xf32>
          %jit3A = arith.constant 1.000000e+00 : f32
          %jit3A_2681 = arith.constant 0.000000e+00 : f32
          %broadcast_in_dim3A_2682 = vector.broadcast %jit3A : f32 to vector<16xf32>
          %broadcast_in_dim3A_2683 = vector.broadcast %jit3A_2681 : f32 to vector<16xf32>
          %select_n3A_2684 = arith.select %lt3A_2680, %broadcast_in_dim3A_2682, %broadcast_in_dim3A_2683 : vector<16xi1>, vector<16xf32>
          %add3A_2685 = arith.addf %scan3A_2671, %select_n3A_2684 : vector<16xf32>
          %mul3A_2686 = arith.constant 192 : i32
          %mul3A_2687 = arith.muli %scan3A_2670, %mul3A_2686 : i32
          %add3A_2688 = arith.constant 16 : i32
          %add3A_2689 = arith.addi %mul3A_2687, %add3A_2688 : i32
          %get3A_2690 = arith.index_cast %add3A_2689 : i32 to index
          %get3A_2691 = tpu.vector_load %arg8[%get3A_2690] {strides = array<i32>} : memref<2304xf32, #tpu.memory_space<vmem>>, vector<16xf32>,
          %get3A_2692 = vector.shape_cast %get3A_2691 : vector<16xf32> to vector<16xf32>
          %lt3A_2693 = vector.broadcast %mul3A_2614 : f32 to vector<16xf32>
          %lt3A_2694 = arith.cmpf olt, %get3A_2692, %lt3A_2693 : vector<16xf32>
          %jit3A_2695 = arith.constant 1.000000e+00 : f32
          %jit3A_2696 = arith.constant 0.000000e+00 : f32
          %broadcast_in_dim3A_2697 = vector.broadcast %jit3A_2695 : f32 to vector<16xf32>
          %broadcast_in_dim3A_2698 = vector.broadcast %jit3A_2696 : f32 to vector<16xf32>
          %select_n3A_2699 = arith.select %lt3A_2694, %broadcast_in_dim3A_2697, %broadcast_in_dim3A_2698 : vector<16xi1>, vector<16xf32>
          %add3A_2700 = arith.addf %add3A_2685, %select_n3A_2699 : vector<16xf32>
          %mul3A_2701 = arith.constant 192 : i32
          %mul3A_2702 = arith.muli %scan3A_2670, %mul3A_2701 : i32
          %add3A_2703 = arith.constant 32 : i32
          %add3A_2704 = arith.addi %mul3A_2702, %add3A_2703 : i32
          %get3A_2705 = arith.index_cast %add3A_2704 : i32 to index
          %get3A_2706 = tpu.vector_load %arg8[%get3A_2705] {strides = array<i32>} : memref<2304xf32, #tpu.memory_space<vmem>>, vector<16xf32>,
          %get3A_2707 = vector.shape_cast %get3A_2706 : vector<16xf32> to vector<16xf32>
          %lt3A_2708 = vector.broadcast %mul3A_2614 : f32 to vector<16xf32>
          %lt3A_2709 = arith.cmpf olt, %get3A_2707, %lt3A_2708 : vector<16xf32>
          %jit3A_2710 = arith.constant 1.000000e+00 : f32
          %jit3A_2711 = arith.constant 0.000000e+00 : f32
          %broadcast_in_dim3A_2712 = vector.broadcast %jit3A_2710 : f32 to vector<16xf32>
          %broadcast_in_dim3A_2713 = vector.broadcast %jit3A_2711 : f32 to vector<16xf32>
          %select_n3A_2714 = arith.select %lt3A_2709, %broadcast_in_dim3A_2712, %broadcast_in_dim3A_2713 : vector<16xi1>, vector<16xf32>
          %add3A_2715 = arith.addf %add3A_2700, %select_n3A_2714 : vector<16xf32>
          %mul3A_2716 = arith.constant 192 : i32
          %mul3A_2717 = arith.muli %scan3A_2670, %mul3A_2716 : i32
          %add3A_2718 = arith.constant 48 : i32
          %add3A_2719 = arith.addi %mul3A_2717, %add3A_2718 : i32
          %get3A_2720 = arith.index_cast %add3A_2719 : i32 to index
          %get3A_2721 = tpu.vector_load %arg8[%get3A_2720] {strides = array<i32>} : memref<2304xf32, #tpu.memory_space<vmem>>, vector<16xf32>,
          %get3A_2722 = vector.shape_cast %get3A_2721 : vector<16xf32> to vector<16xf32>
          %lt3A_2723 = vector.broadcast %mul3A_2614 : f32 to vector<16xf32>
          %lt3A_2724 = arith.cmpf olt, %get3A_2722, %lt3A_2723 : vector<16xf32>
          %jit3A_2725 = arith.constant 1.000000e+00 : f32
          %jit3A_2726 = arith.constant 0.000000e+00 : f32
          %broadcast_in_dim3A_2727 = vector.broadcast %jit3A_2725 : f32 to vector<16xf32>
          %broadcast_in_dim3A_2728 = vector.broadcast %jit3A_2726 : f32 to vector<16xf32>
          %select_n3A_2729 = arith.select %lt3A_2724, %broadcast_in_dim3A_2727, %broadcast_in_dim3A_2728 : vector<16xi1>, vector<16xf32>
          %add3A_2730 = arith.addf %add3A_2715, %select_n3A_2729 : vector<16xf32>
          %mul3A_2731 = arith.constant 192 : i32
          %mul3A_2732 = arith.muli %scan3A_2670, %mul3A_2731 : i32
          %add3A_2733 = arith.constant 64 : i32
          %add3A_2734 = arith.addi %mul3A_2732, %add3A_2733 : i32
          %get3A_2735 = arith.index_cast %add3A_2734 : i32 to index
          %get3A_2736 = tpu.vector_load %arg8[%get3A_2735] {strides = array<i32>} : memref<2304xf32, #tpu.memory_space<vmem>>, vector<16xf32>,
          %get3A_2737 = vector.shape_cast %get3A_2736 : vector<16xf32> to vector<16xf32>
          %lt3A_2738 = vector.broadcast %mul3A_2614 : f32 to vector<16xf32>
          %lt3A_2739 = arith.cmpf olt, %get3A_2737, %lt3A_2738 : vector<16xf32>
          %jit3A_2740 = arith.constant 1.000000e+00 : f32
          %jit3A_2741 = arith.constant 0.000000e+00 : f32
          %broadcast_in_dim3A_2742 = vector.broadcast %jit3A_2740 : f32 to vector<16xf32>
          %broadcast_in_dim3A_2743 = vector.broadcast %jit3A_2741 : f32 to vector<16xf32>
          %select_n3A_2744 = arith.select %lt3A_2739, %broadcast_in_dim3A_2742, %broadcast_in_dim3A_2743 : vector<16xi1>, vector<16xf32>
          %add3A_2745 = arith.addf %add3A_2730, %select_n3A_2744 : vector<16xf32>
          %mul3A_2746 = arith.constant 192 : i32
          %mul3A_2747 = arith.muli %scan3A_2670, %mul3A_2746 : i32
          %add3A_2748 = arith.constant 80 : i32
          %add3A_2749 = arith.addi %mul3A_2747, %add3A_2748 : i32
          %get3A_2750 = arith.index_cast %add3A_2749 : i32 to index
          %get3A_2751 = tpu.vector_load %arg8[%get3A_2750] {strides = array<i32>} : memref<2304xf32, #tpu.memory_space<vmem>>, vector<16xf32>,
          %get3A_2752 = vector.shape_cast %get3A_2751 : vector<16xf32> to vector<16xf32>
          %lt3A_2753 = vector.broadcast %mul3A_2614 : f32 to vector<16xf32>
          %lt3A_2754 = arith.cmpf olt, %get3A_2752, %lt3A_2753 : vector<16xf32>
          %jit3A_2755 = arith.constant 1.000000e+00 : f32
          %jit3A_2756 = arith.constant 0.000000e+00 : f32
          %broadcast_in_dim3A_2757 = vector.broadcast %jit3A_2755 : f32 to vector<16xf32>
          %broadcast_in_dim3A_2758 = vector.broadcast %jit3A_2756 : f32 to vector<16xf32>
          %select_n3A_2759 = arith.select %lt3A_2754, %broadcast_in_dim3A_2757, %broadcast_in_dim3A_2758 : vector<16xi1>, vector<16xf32>
          %add3A_2760 = arith.addf %add3A_2745, %select_n3A_2759 : vector<16xf32>
          %mul3A_2761 = arith.constant 192 : i32
          %mul3A_2762 = arith.muli %scan3A_2670, %mul3A_2761 : i32
          %add3A_2763 = arith.constant 96 : i32
          %add3A_2764 = arith.addi %mul3A_2762, %add3A_2763 : i32
          %get3A_2765 = arith.index_cast %add3A_2764 : i32 to index
          %get3A_2766 = tpu.vector_load %arg8[%get3A_2765] {strides = array<i32>} : memref<2304xf32, #tpu.memory_space<vmem>>, vector<16xf32>,
          %get3A_2767 = vector.shape_cast %get3A_2766 : vector<16xf32> to vector<16xf32>
          %lt3A_2768 = vector.broadcast %mul3A_2614 : f32 to vector<16xf32>
          %lt3A_2769 = arith.cmpf olt, %get3A_2767, %lt3A_2768 : vector<16xf32>
          %jit3A_2770 = arith.constant 1.000000e+00 : f32
          %jit3A_2771 = arith.constant 0.000000e+00 : f32
          %broadcast_in_dim3A_2772 = vector.broadcast %jit3A_2770 : f32 to vector<16xf32>
          %broadcast_in_dim3A_2773 = vector.broadcast %jit3A_2771 : f32 to vector<16xf32>
          %select_n3A_2774 = arith.select %lt3A_2769, %broadcast_in_dim3A_2772, %broadcast_in_dim3A_2773 : vector<16xi1>, vector<16xf32>
          %add3A_2775 = arith.addf %add3A_2760, %select_n3A_2774 : vector<16xf32>
          %mul3A_2776 = arith.constant 192 : i32
          %mul3A_2777 = arith.muli %scan3A_2670, %mul3A_2776 : i32
          %add3A_2778 = arith.constant 112 : i32
          %add3A_2779 = arith.addi %mul3A_2777, %add3A_2778 : i32
          %get3A_2780 = arith.index_cast %add3A_2779 : i32 to index
          %get3A_2781 = tpu.vector_load %arg8[%get3A_2780] {strides = array<i32>} : memref<2304xf32, #tpu.memory_space<vmem>>, vector<16xf32>,
          %get3A_2782 = vector.shape_cast %get3A_2781 : vector<16xf32> to vector<16xf32>
          %lt3A_2783 = vector.broadcast %mul3A_2614 : f32 to vector<16xf32>
          %lt3A_2784 = arith.cmpf olt, %get3A_2782, %lt3A_2783 : vector<16xf32>
          %jit3A_2785 = arith.constant 1.000000e+00 : f32
          %jit3A_2786 = arith.constant 0.000000e+00 : f32
          %broadcast_in_dim3A_2787 = vector.broadcast %jit3A_2785 : f32 to vector<16xf32>
          %broadcast_in_dim3A_2788 = vector.broadcast %jit3A_2786 : f32 to vector<16xf32>
          %select_n3A_2789 = arith.select %lt3A_2784, %broadcast_in_dim3A_2787, %broadcast_in_dim3A_2788 : vector<16xi1>, vector<16xf32>
          %add3A_2790 = arith.addf %add3A_2775, %select_n3A_2789 : vector<16xf32>
          %mul3A_2791 = arith.constant 192 : i32
          %mul3A_2792 = arith.muli %scan3A_2670, %mul3A_2791 : i32
          %add3A_2793 = arith.constant 128 : i32
          %add3A_2794 = arith.addi %mul3A_2792, %add3A_2793 : i32
          %get3A_2795 = arith.index_cast %add3A_2794 : i32 to index
          %get3A_2796 = tpu.vector_load %arg8[%get3A_2795] {strides = array<i32>} : memref<2304xf32, #tpu.memory_space<vmem>>, vector<16xf32>,
          %get3A_2797 = vector.shape_cast %get3A_2796 : vector<16xf32> to vector<16xf32>
          %lt3A_2798 = vector.broadcast %mul3A_2614 : f32 to vector<16xf32>
          %lt3A_2799 = arith.cmpf olt, %get3A_2797, %lt3A_2798 : vector<16xf32>
          %jit3A_2800 = arith.constant 1.000000e+00 : f32
          %jit3A_2801 = arith.constant 0.000000e+00 : f32
          %broadcast_in_dim3A_2802 = vector.broadcast %jit3A_2800 : f32 to vector<16xf32>
          %broadcast_in_dim3A_2803 = vector.broadcast %jit3A_2801 : f32 to vector<16xf32>
          %select_n3A_2804 = arith.select %lt3A_2799, %broadcast_in_dim3A_2802, %broadcast_in_dim3A_2803 : vector<16xi1>, vector<16xf32>
          %add3A_2805 = arith.addf %add3A_2790, %select_n3A_2804 : vector<16xf32>
          %mul3A_2806 = arith.constant 192 : i32
          %mul3A_2807 = arith.muli %scan3A_2670, %mul3A_2806 : i32
          %add3A_2808 = arith.constant 144 : i32
          %add3A_2809 = arith.addi %mul3A_2807, %add3A_2808 : i32
          %get3A_2810 = arith.index_cast %add3A_2809 : i32 to index
          %get3A_2811 = tpu.vector_load %arg8[%get3A_2810] {strides = array<i32>} : memref<2304xf32, #tpu.memory_space<vmem>>, vector<16xf32>,
          %get3A_2812 = vector.shape_cast %get3A_2811 : vector<16xf32> to vector<16xf32>
          %lt3A_2813 = vector.broadcast %mul3A_2614 : f32 to vector<16xf32>
          %lt3A_2814 = arith.cmpf olt, %get3A_2812, %lt3A_2813 : vector<16xf32>
          %jit3A_2815 = arith.constant 1.000000e+00 : f32
          %jit3A_2816 = arith.constant 0.000000e+00 : f32
          %broadcast_in_dim3A_2817 = vector.broadcast %jit3A_2815 : f32 to vector<16xf32>
          %broadcast_in_dim3A_2818 = vector.broadcast %jit3A_2816 : f32 to vector<16xf32>
          %select_n3A_2819 = arith.select %lt3A_2814, %broadcast_in_dim3A_2817, %broadcast_in_dim3A_2818 : vector<16xi1>, vector<16xf32>
          %add3A_2820 = arith.addf %add3A_2805, %select_n3A_2819 : vector<16xf32>
          %mul3A_2821 = arith.constant 192 : i32
          %mul3A_2822 = arith.muli %scan3A_2670, %mul3A_2821 : i32
          %add3A_2823 = arith.constant 160 : i32
          %add3A_2824 = arith.addi %mul3A_2822, %add3A_2823 : i32
          %get3A_2825 = arith.index_cast %add3A_2824 : i32 to index
          %get3A_2826 = tpu.vector_load %arg8[%get3A_2825] {strides = array<i32>} : memref<2304xf32, #tpu.memory_space<vmem>>, vector<16xf32>,
          %get3A_2827 = vector.shape_cast %get3A_2826 : vector<16xf32> to vector<16xf32>
          %lt3A_2828 = vector.broadcast %mul3A_2614 : f32 to vector<16xf32>
          %lt3A_2829 = arith.cmpf olt, %get3A_2827, %lt3A_2828 : vector<16xf32>
          %jit3A_2830 = arith.constant 1.000000e+00 : f32
          %jit3A_2831 = arith.constant 0.000000e+00 : f32
          %broadcast_in_dim3A_2832 = vector.broadcast %jit3A_2830 : f32 to vector<16xf32>
          %broadcast_in_dim3A_2833 = vector.broadcast %jit3A_2831 : f32 to vector<16xf32>
          %select_n3A_2834 = arith.select %lt3A_2829, %broadcast_in_dim3A_2832, %broadcast_in_dim3A_2833 : vector<16xi1>, vector<16xf32>
          %add3A_2835 = arith.addf %add3A_2820, %select_n3A_2834 : vector<16xf32>
          %mul3A_2836 = arith.constant 192 : i32
          %mul3A_2837 = arith.muli %scan3A_2670, %mul3A_2836 : i32
          %add3A_2838 = arith.constant 176 : i32
          %add3A_2839 = arith.addi %mul3A_2837, %add3A_2838 : i32
          %get3A_2840 = arith.index_cast %add3A_2839 : i32 to index
          %get3A_2841 = tpu.vector_load %arg8[%get3A_2840] {strides = array<i32>} : memref<2304xf32, #tpu.memory_space<vmem>>, vector<16xf32>,
          %get3A_2842 = vector.shape_cast %get3A_2841 : vector<16xf32> to vector<16xf32>
          %lt3A_2843 = vector.broadcast %mul3A_2614 : f32 to vector<16xf32>
          %lt3A_2844 = arith.cmpf olt, %get3A_2842, %lt3A_2843 : vector<16xf32>
          %jit3A_2845 = arith.constant 1.000000e+00 : f32
          %jit3A_2846 = arith.constant 0.000000e+00 : f32
          %broadcast_in_dim3A_2847 = vector.broadcast %jit3A_2845 : f32 to vector<16xf32>
          %broadcast_in_dim3A_2848 = vector.broadcast %jit3A_2846 : f32 to vector<16xf32>
          %select_n3A_2849 = arith.select %lt3A_2844, %broadcast_in_dim3A_2847, %broadcast_in_dim3A_2848 : vector<16xi1>, vector<16xf32>
          %add3A_2850 = arith.addf %add3A_2835, %select_n3A_2849 : vector<16xf32>
          scf.yield %add3A_2850 : vector<16xf32>
        }
        %scan3A_2621 = arith.constant 12 : i32
        %slice3A_2622 = vector.extract_strided_slice %scan3A_2620 {offsets = [0], sizes = [1], strides = [1]} : vector<16xf32> to vector<1xf32>
        %squeeze3A_2623 = vector.extract %slice3A_2622[0] : f32 from vector<1xf32>
        %slice3A_2624 = vector.extract_strided_slice %scan3A_2620 {offsets = [1], sizes = [1], strides = [1]} : vector<16xf32> to vector<1xf32>
        %squeeze3A_2625 = vector.extract %slice3A_2624[0] : f32 from vector<1xf32>
        %add3A_2626 = arith.addf %squeeze3A_2623, %squeeze3A_2625 : f32
        %slice3A_2627 = vector.extract_strided_slice %scan3A_2620 {offsets = [2], sizes = [1], strides = [1]} : vector<16xf32> to vector<1xf32>
        %squeeze3A_2628 = vector.extract %slice3A_2627[0] : f32 from vector<1xf32>
        %add3A_2629 = arith.addf %add3A_2626, %squeeze3A_2628 : f32
        %slice3A_2630 = vector.extract_strided_slice %scan3A_2620 {offsets = [3], sizes = [1], strides = [1]} : vector<16xf32> to vector<1xf32>
        %squeeze3A_2631 = vector.extract %slice3A_2630[0] : f32 from vector<1xf32>
        %add3A_2632 = arith.addf %add3A_2629, %squeeze3A_2631 : f32
        %slice3A_2633 = vector.extract_strided_slice %scan3A_2620 {offsets = [4], sizes = [1], strides = [1]} : vector<16xf32> to vector<1xf32>
        %squeeze3A_2634 = vector.extract %slice3A_2633[0] : f32 from vector<1xf32>
        %add3A_2635 = arith.addf %add3A_2632, %squeeze3A_2634 : f32
        %slice3A_2636 = vector.extract_strided_slice %scan3A_2620 {offsets = [5], sizes = [1], strides = [1]} : vector<16xf32> to vector<1xf32>
        %squeeze3A_2637 = vector.extract %slice3A_2636[0] : f32 from vector<1xf32>
        %add3A_2638 = arith.addf %add3A_2635, %squeeze3A_2637 : f32
        %slice3A_2639 = vector.extract_strided_slice %scan3A_2620 {offsets = [6], sizes = [1], strides = [1]} : vector<16xf32> to vector<1xf32>
        %squeeze3A_2640 = vector.extract %slice3A_2639[0] : f32 from vector<1xf32>
        %add3A_2641 = arith.addf %add3A_2638, %squeeze3A_2640 : f32
        %slice3A_2642 = vector.extract_strided_slice %scan3A_2620 {offsets = [7], sizes = [1], strides = [1]} : vector<16xf32> to vector<1xf32>
        %squeeze3A_2643 = vector.extract %slice3A_2642[0] : f32 from vector<1xf32>
        %add3A_2644 = arith.addf %add3A_2641, %squeeze3A_2643 : f32
        %slice3A_2645 = vector.extract_strided_slice %scan3A_2620 {offsets = [8], sizes = [1], strides = [1]} : vector<16xf32> to vector<1xf32>
        %squeeze3A_2646 = vector.extract %slice3A_2645[0] : f32 from vector<1xf32>
        %add3A_2647 = arith.addf %add3A_2644, %squeeze3A_2646 : f32
        %slice3A_2648 = vector.extract_strided_slice %scan3A_2620 {offsets = [9], sizes = [1], strides = [1]} : vector<16xf32> to vector<1xf32>
        %squeeze3A_2649 = vector.extract %slice3A_2648[0] : f32 from vector<1xf32>
        %add3A_2650 = arith.addf %add3A_2647, %squeeze3A_2649 : f32
        %slice3A_2651 = vector.extract_strided_slice %scan3A_2620 {offsets = [10], sizes = [1], strides = [1]} : vector<16xf32> to vector<1xf32>
        %squeeze3A_2652 = vector.extract %slice3A_2651[0] : f32 from vector<1xf32>
        %add3A_2653 = arith.addf %add3A_2650, %squeeze3A_2652 : f32
        %slice3A_2654 = vector.extract_strided_slice %scan3A_2620 {offsets = [11], sizes = [1], strides = [1]} : vector<16xf32> to vector<1xf32>
        %squeeze3A_2655 = vector.extract %slice3A_2654[0] : f32 from vector<1xf32>
        %add3A_2656 = arith.addf %add3A_2653, %squeeze3A_2655 : f32
        %slice3A_2657 = vector.extract_strided_slice %scan3A_2620 {offsets = [12], sizes = [1], strides = [1]} : vector<16xf32> to vector<1xf32>
        %squeeze3A_2658 = vector.extract %slice3A_2657[0] : f32 from vector<1xf32>
        %add3A_2659 = arith.addf %add3A_2656, %squeeze3A_2658 : f32
        %slice3A_2660 = vector.extract_strided_slice %scan3A_2620 {offsets = [13], sizes = [1], strides = [1]} : vector<16xf32> to vector<1xf32>
        %squeeze3A_2661 = vector.extract %slice3A_2660[0] : f32 from vector<1xf32>
        %add3A_2662 = arith.addf %add3A_2659, %squeeze3A_2661 : f32
        %slice3A_2663 = vector.extract_strided_slice %scan3A_2620 {offsets = [14], sizes = [1], strides = [1]} : vector<16xf32> to vector<1xf32>
        %squeeze3A_2664 = vector.extract %slice3A_2663[0] : f32 from vector<1xf32>
        %add3A_2665 = arith.addf %add3A_2662, %squeeze3A_2664 : f32
        %slice3A_2666 = vector.extract_strided_slice %scan3A_2620 {offsets = [15], sizes = [1], strides = [1]} : vector<16xf32> to vector<1xf32>
        %squeeze3A_2667 = vector.extract %slice3A_2666[0] : f32 from vector<1xf32>
        %add3A_2668 = arith.addf %add3A_2665, %squeeze3A_2667 : f32
        %le3A = arith.cmpf ole, %add3A_2668, %scan3A_2595 : f32
        %select_n3A = arith.select %le3A, %mul3A_2614, %scan3A_2610 : f32
        %select_n3A_2669 = arith.select %le3A, %scan3A_2611, %mul3A_2614 : f32
        scf.yield %select_n3A, %select_n3A_2669 : f32, f32
      }
      %scan3A_2601 = arith.constant 18 : i32
      %scan3A_2602 = arith.constant 0 : i32
      %scan3A_2603 = arith.constant 0 : i32
      %scan3A_2604 = arith.constant 24 : i32
      %scan3A_2605 = arith.addi %scan3A_2603, %scan3A_2604 : i32
      %scan3A_2606 = arith.constant 1 : i32
      %scan3A_2607 = scf.for %scan3A_2609 = %scan3A_2603 to %scan3A_2605 step %scan3A_2606 iter_args(%scan3A_2610 = %scan3A_2602) -> (i32)  : i32 {
        %mul3A_2611 = arith.constant 96 : i32
        %mul3A_2612 = arith.muli %scan3A_2609, %mul3A_2611 : i32
        %add3A_2613 = arith.constant 0 : i32
        %add3A_2614 = arith.addi %mul3A_2612, %add3A_2613 : i32
        %get3A_2615 = arith.index_cast %add3A_2614 : i32 to index
        %get3A_2616 = tpu.vector_load %arg8[%get3A_2615] {strides = array<i32>} : memref<2304xf32, #tpu.memory_space<vmem>>, vector<16xf32>,
        %get3A_2617 = vector.shape_cast %get3A_2616 : vector<16xf32> to vector<16xf32>
        %sub3A = vector.broadcast %scan3A_2600#0 : f32 to vector<16xf32>
        %sub3A_2618 = arith.subf %get3A_2617, %sub3A : vector<16xf32>
        %mul3A_2619 = arith.constant -1.000000e+01 : f32
        %mul3A_2620 = vector.broadcast %mul3A_2619 : f32 to vector<16xf32>
        %mul3A_2621 = arith.mulf %mul3A_2620, %sub3A_2618 : vector<16xf32>
        %exp3A = math.exp %mul3A_2621 : vector<16xf32>
        %add3A_2622 = arith.constant 1.000000e+00 : f32
        %add3A_2623 = vector.broadcast %add3A_2622 : f32 to vector<16xf32>
        %add3A_2624 = arith.addf %add3A_2623, %exp3A : vector<16xf32>
        %div3A = arith.constant 1.000000e+00 : f32
        %div3A_2625 = vector.broadcast %div3A : f32 to vector<16xf32>
        %div3A_2626 = arith.divf %div3A_2625, %add3A_2624 : vector<16xf32>
        %swap3A_2627 = arith.index_cast %add3A_2614 : i32 to index
        %swap3A_2628 = tpu.vector_load %arg9[%swap3A_2627] {strides = array<i32>} : memref<2304xf32, #tpu.memory_space<vmem>>, vector<16xf32>,
        %swap3A_2629 = vector.shape_cast %swap3A_2628 : vector<16xf32> to vector<16xf32>
        %swap3A_2630 = vector.shape_cast %div3A_2626 : vector<16xf32> to vector<16xf32>
        tpu.vector_store %arg9[%swap3A_2627], %swap3A_2630 {strides = array<i32>} : memref<2304xf32, #tpu.memory_space<vmem>>, vector<16xf32>,
        %mul3A_2631 = arith.constant 96 : i32
        %mul3A_2632 = arith.muli %scan3A_2609, %mul3A_2631 : i32
        %add3A_2633 = arith.constant 16 : i32
        %add3A_2634 = arith.addi %mul3A_2632, %add3A_2633 : i32
        %get3A_2635 = arith.index_cast %add3A_2634 : i32 to index
        %get3A_2636 = tpu.vector_load %arg8[%get3A_2635] {strides = array<i32>} : memref<2304xf32, #tpu.memory_space<vmem>>, vector<16xf32>,
        %get3A_2637 = vector.shape_cast %get3A_2636 : vector<16xf32> to vector<16xf32>
        %sub3A_2638 = vector.broadcast %scan3A_2600#0 : f32 to vector<16xf32>
        %sub3A_2639 = arith.subf %get3A_2637, %sub3A_2638 : vector<16xf32>
        %mul3A_2640 = arith.constant -1.000000e+01 : f32
        %mul3A_2641 = vector.broadcast %mul3A_2640 : f32 to vector<16xf32>
        %mul3A_2642 = arith.mulf %mul3A_2641, %sub3A_2639 : vector<16xf32>
        %exp3A_2643 = math.exp %mul3A_2642 : vector<16xf32>
        %add3A_2644 = arith.constant 1.000000e+00 : f32
        %add3A_2645 = vector.broadcast %add3A_2644 : f32 to vector<16xf32>
        %add3A_2646 = arith.addf %add3A_2645, %exp3A_2643 : vector<16xf32>
        %div3A_2647 = arith.constant 1.000000e+00 : f32
        %div3A_2648 = vector.broadcast %div3A_2647 : f32 to vector<16xf32>
        %div3A_2649 = arith.divf %div3A_2648, %add3A_2646 : vector<16xf32>
        %swap3A_2650 = arith.index_cast %add3A_2634 : i32 to index
        %swap3A_2651 = tpu.vector_load %arg9[%swap3A_2650] {strides = array<i32>} : memref<2304xf32, #tpu.memory_space<vmem>>, vector<16xf32>,
        %swap3A_2652 = vector.shape_cast %swap3A_2651 : vector<16xf32> to vector<16xf32>
        %swap3A_2653 = vector.shape_cast %div3A_2649 : vector<16xf32> to vector<16xf32>
        tpu.vector_store %arg9[%swap3A_2650], %swap3A_2653 {strides = array<i32>} : memref<2304xf32, #tpu.memory_space<vmem>>, vector<16xf32>,
        %mul3A_2654 = arith.constant 96 : i32
        %mul3A_2655 = arith.muli %scan3A_2609, %mul3A_2654 : i32
        %add3A_2656 = arith.constant 32 : i32
        %add3A_2657 = arith.addi %mul3A_2655, %add3A_2656 : i32
        %get3A_2658 = arith.index_cast %add3A_2657 : i32 to index
        %get3A_2659 = tpu.vector_load %arg8[%get3A_2658] {strides = array<i32>} : memref<2304xf32, #tpu.memory_space<vmem>>, vector<16xf32>,
        %get3A_2660 = vector.shape_cast %get3A_2659 : vector<16xf32> to vector<16xf32>
        %sub3A_2661 = vector.broadcast %scan3A_2600#0 : f32 to vector<16xf32>
        %sub3A_2662 = arith.subf %get3A_2660, %sub3A_2661 : vector<16xf32>
        %mul3A_2663 = arith.constant -1.000000e+01 : f32
        %mul3A_2664 = vector.broadcast %mul3A_2663 : f32 to vector<16xf32>
        %mul3A_2665 = arith.mulf %mul3A_2664, %sub3A_2662 : vector<16xf32>
        %exp3A_2666 = math.exp %mul3A_2665 : vector<16xf32>
        %add3A_2667 = arith.constant 1.000000e+00 : f32
        %add3A_2668 = vector.broadcast %add3A_2667 : f32 to vector<16xf32>
        %add3A_2669 = arith.addf %add3A_2668, %exp3A_2666 : vector<16xf32>
        %div3A_2670 = arith.constant 1.000000e+00 : f32
        %div3A_2671 = vector.broadcast %div3A_2670 : f32 to vector<16xf32>
        %div3A_2672 = arith.divf %div3A_2671, %add3A_2669 : vector<16xf32>
        %swap3A_2673 = arith.index_cast %add3A_2657 : i32 to index
        %swap3A_2674 = tpu.vector_load %arg9[%swap3A_2673] {strides = array<i32>} : memref<2304xf32, #tpu.memory_space<vmem>>, vector<16xf32>,
        %swap3A_2675 = vector.shape_cast %swap3A_2674 : vector<16xf32> to vector<16xf32>
        %swap3A_2676 = vector.shape_cast %div3A_2672 : vector<16xf32> to vector<16xf32>
        tpu.vector_store %arg9[%swap3A_2673], %swap3A_2676 {strides = array<i32>} : memref<2304xf32, #tpu.memory_space<vmem>>, vector<16xf32>,
        %mul3A_2677 = arith.constant 96 : i32
        %mul3A_2678 = arith.muli %scan3A_2609, %mul3A_2677 : i32
        %add3A_2679 = arith.constant 48 : i32
        %add3A_2680 = arith.addi %mul3A_2678, %add3A_2679 : i32
        %get3A_2681 = arith.index_cast %add3A_2680 : i32 to index
        %get3A_2682 = tpu.vector_load %arg8[%get3A_2681] {strides = array<i32>} : memref<2304xf32, #tpu.memory_space<vmem>>, vector<16xf32>,
        %get3A_2683 = vector.shape_cast %get3A_2682 : vector<16xf32> to vector<16xf32>
        %sub3A_2684 = vector.broadcast %scan3A_2600#0 : f32 to vector<16xf32>
        %sub3A_2685 = arith.subf %get3A_2683, %sub3A_2684 : vector<16xf32>
        %mul3A_2686 = arith.constant -1.000000e+01 : f32
        %mul3A_2687 = vector.broadcast %mul3A_2686 : f32 to vector<16xf32>
        %mul3A_2688 = arith.mulf %mul3A_2687, %sub3A_2685 : vector<16xf32>
        %exp3A_2689 = math.exp %mul3A_2688 : vector<16xf32>
        %add3A_2690 = arith.constant 1.000000e+00 : f32
        %add3A_2691 = vector.broadcast %add3A_2690 : f32 to vector<16xf32>
        %add3A_2692 = arith.addf %add3A_2691, %exp3A_2689 : vector<16xf32>
        %div3A_2693 = arith.constant 1.000000e+00 : f32
        %div3A_2694 = vector.broadcast %div3A_2693 : f32 to vector<16xf32>
        %div3A_2695 = arith.divf %div3A_2694, %add3A_2692 : vector<16xf32>
        %swap3A_2696 = arith.index_cast %add3A_2680 : i32 to index
        %swap3A_2697 = tpu.vector_load %arg9[%swap3A_2696] {strides = array<i32>} : memref<2304xf32, #tpu.memory_space<vmem>>, vector<16xf32>,
        %swap3A_2698 = vector.shape_cast %swap3A_2697 : vector<16xf32> to vector<16xf32>
        %swap3A_2699 = vector.shape_cast %div3A_2695 : vector<16xf32> to vector<16xf32>
        tpu.vector_store %arg9[%swap3A_2696], %swap3A_2699 {strides = array<i32>} : memref<2304xf32, #tpu.memory_space<vmem>>, vector<16xf32>,
        %mul3A_2700 = arith.constant 96 : i32
        %mul3A_2701 = arith.muli %scan3A_2609, %mul3A_2700 : i32
        %add3A_2702 = arith.constant 64 : i32
        %add3A_2703 = arith.addi %mul3A_2701, %add3A_2702 : i32
        %get3A_2704 = arith.index_cast %add3A_2703 : i32 to index
        %get3A_2705 = tpu.vector_load %arg8[%get3A_2704] {strides = array<i32>} : memref<2304xf32, #tpu.memory_space<vmem>>, vector<16xf32>,
        %get3A_2706 = vector.shape_cast %get3A_2705 : vector<16xf32> to vector<16xf32>
        %sub3A_2707 = vector.broadcast %scan3A_2600#0 : f32 to vector<16xf32>
        %sub3A_2708 = arith.subf %get3A_2706, %sub3A_2707 : vector<16xf32>
        %mul3A_2709 = arith.constant -1.000000e+01 : f32
        %mul3A_2710 = vector.broadcast %mul3A_2709 : f32 to vector<16xf32>
        %mul3A_2711 = arith.mulf %mul3A_2710, %sub3A_2708 : vector<16xf32>
        %exp3A_2712 = math.exp %mul3A_2711 : vector<16xf32>
        %add3A_2713 = arith.constant 1.000000e+00 : f32
        %add3A_2714 = vector.broadcast %add3A_2713 : f32 to vector<16xf32>
        %add3A_2715 = arith.addf %add3A_2714, %exp3A_2712 : vector<16xf32>
        %div3A_2716 = arith.constant 1.000000e+00 : f32
        %div3A_2717 = vector.broadcast %div3A_2716 : f32 to vector<16xf32>
        %div3A_2718 = arith.divf %div3A_2717, %add3A_2715 : vector<16xf32>
        %swap3A_2719 = arith.index_cast %add3A_2703 : i32 to index
        %swap3A_2720 = tpu.vector_load %arg9[%swap3A_2719] {strides = array<i32>} : memref<2304xf32, #tpu.memory_space<vmem>>, vector<16xf32>,
        %swap3A_2721 = vector.shape_cast %swap3A_2720 : vector<16xf32> to vector<16xf32>
        %swap3A_2722 = vector.shape_cast %div3A_2718 : vector<16xf32> to vector<16xf32>
        tpu.vector_store %arg9[%swap3A_2719], %swap3A_2722 {strides = array<i32>} : memref<2304xf32, #tpu.memory_space<vmem>>, vector<16xf32>,
        %mul3A_2723 = arith.constant 96 : i32
        %mul3A_2724 = arith.muli %scan3A_2609, %mul3A_2723 : i32
        %add3A_2725 = arith.constant 80 : i32
        %add3A_2726 = arith.addi %mul3A_2724, %add3A_2725 : i32
        %get3A_2727 = arith.index_cast %add3A_2726 : i32 to index
        %get3A_2728 = tpu.vector_load %arg8[%get3A_2727] {strides = array<i32>} : memref<2304xf32, #tpu.memory_space<vmem>>, vector<16xf32>,
        %get3A_2729 = vector.shape_cast %get3A_2728 : vector<16xf32> to vector<16xf32>
        %sub3A_2730 = vector.broadcast %scan3A_2600#0 : f32 to vector<16xf32>
        %sub3A_2731 = arith.subf %get3A_2729, %sub3A_2730 : vector<16xf32>
        %mul3A_2732 = arith.constant -1.000000e+01 : f32
        %mul3A_2733 = vector.broadcast %mul3A_2732 : f32 to vector<16xf32>
        %mul3A_2734 = arith.mulf %mul3A_2733, %sub3A_2731 : vector<16xf32>
        %exp3A_2735 = math.exp %mul3A_2734 : vector<16xf32>
        %add3A_2736 = arith.constant 1.000000e+00 : f32
        %add3A_2737 = vector.broadcast %add3A_2736 : f32 to vector<16xf32>
        %add3A_2738 = arith.addf %add3A_2737, %exp3A_2735 : vector<16xf32>
        %div3A_2739 = arith.constant 1.000000e+00 : f32
        %div3A_2740 = vector.broadcast %div3A_2739 : f32 to vector<16xf32>
        %div3A_2741 = arith.divf %div3A_2740, %add3A_2738 : vector<16xf32>
        %swap3A_2742 = arith.index_cast %add3A_2726 : i32 to index
        %swap3A_2743 = tpu.vector_load %arg9[%swap3A_2742] {strides = array<i32>} : memref<2304xf32, #tpu.memory_space<vmem>>, vector<16xf32>,
        %swap3A_2744 = vector.shape_cast %swap3A_2743 : vector<16xf32> to vector<16xf32>
        %swap3A_2745 = vector.shape_cast %div3A_2741 : vector<16xf32> to vector<16xf32>
        tpu.vector_store %arg9[%swap3A_2742], %swap3A_2745 {strides = array<i32>} : memref<2304xf32, #tpu.memory_space<vmem>>, vector<16xf32>,
        %scan3A_2746 = arith.constant 0 : i32
        scf.yield %scan3A_2746 : i32
      }
      %scan3A_2608 = arith.constant 24 : i32
      "tpu.region"() ({
        %run_scoped3A = tpu.sem_alloc : memref<!tpu.dma_semaphore, #tpu.memory_space<semaphore_mem>>
        %dma_start3A = arith.constant 0 : i32
        %dma_start3A_2609 = tpu.memref_slice %arg4[%add3A, %dma_start3A] : memref<16x2304xf32, #tpu.memory_space<hbm>> -> memref<1x2304xf32, #tpu.memory_space<hbm>>
        %dma_start3A_2610 = tpu.memref_squeeze %dma_start3A_2609 : memref<1x2304xf32, #tpu.memory_space<hbm>> -> memref<2304xf32, #tpu.memory_space<hbm>>
        %dma_start3A_2611 = arith.constant 0 : i32
        %dma_start3A_2612 = tpu.memref_slice %arg4[%add3A, %dma_start3A_2611] : memref<16x2304xf32, #tpu.memory_space<hbm>> -> memref<1x2304xf32, #tpu.memory_space<hbm>>
        %dma_start3A_2613 = tpu.memref_squeeze %dma_start3A_2612 : memref<1x2304xf32, #tpu.memory_space<hbm>> -> memref<2304xf32, #tpu.memory_space<hbm>>
        tpu.enqueue_dma source(%arg9 : memref<2304xf32, #tpu.memory_space<vmem>>) target(%dma_start3A_2613 : memref<2304xf32, #tpu.memory_space<hbm>>) target_semaphore(%run_scoped3A : memref<!tpu.dma_semaphore, #tpu.memory_space<semaphore_mem>>)
        %dma_wait3A = arith.constant 0 : i32
        %dma_wait3A_2614 = tpu.memref_slice %arg4[%add3A, %dma_wait3A] : memref<16x2304xf32, #tpu.memory_space<hbm>> -> memref<1x2304xf32, #tpu.memory_space<hbm>>
        %dma_wait3A_2615 = tpu.memref_squeeze %dma_wait3A_2614 : memref<1x2304xf32, #tpu.memory_space<hbm>> -> memref<2304xf32, #tpu.memory_space<hbm>>
        %dma_wait3A_2616 = arith.constant 0 : i32
        %dma_wait3A_2617 = tpu.memref_slice %arg4[%add3A, %dma_wait3A_2616] : memref<16x2304xf32, #tpu.memory_space<hbm>> -> memref<1x2304xf32, #tpu.memory_space<hbm>>
        %dma_wait3A_2618 = tpu.memref_squeeze %dma_wait3A_2617 : memref<1x2304xf32, #tpu.memory_space<hbm>> -> memref<2304xf32, #tpu.memory_space<hbm>>
        tpu.wait_dma2 semaphore(%run_scoped3A : memref<!tpu.dma_semaphore, #tpu.memory_space<semaphore_mem>>) src(%arg9 : memref<2304xf32, #tpu.memory_space<vmem>>) dst(%dma_wait3A_2618 : memref<2304xf32, #tpu.memory_space<hbm>>)
        tpu.yield
      }) : () -> ()
    } else {
    }
    return
  }
}

module attributes {stable_mosaic.version = 14 : i64} {
  func.func @_mul_kernel(%arg0: i32, %arg1: memref<1x48x48xf32, #tpu.memory_space<vmem>>, %arg2: memref<1x48x48x384xf32, #tpu.memory_space<vmem>>, %arg3: memref<1x48x48x384xf32, #tpu.memory_space<vmem>>) attributes {dimension_semantics = [#tpu.dimension_semantics<arbitrary>], iteration_bounds = array<i64: 16>, scalar_prefetch = 0 : i64, scratch_operands = 0 : i64, tpu.core_type = #tpu.core_type<tc>, window_params = [{transform_indices = @transform_0, window_bounds = array<i64: 1, 48, 48>}, {transform_indices = @transform_1, window_bounds = array<i64: 1, 48, 48, 384>}, {transform_indices = @transform_2, window_bounds = array<i64: 1, 48, 48, 384>}]} {
    %get3A = arith.constant 0 : index
    %get3A_0 = arith.constant 0 : index
    %get3A_1 = arith.constant 0 : index
    %get3A_2 = vector.load %arg1[%get3A, %get3A_0, %get3A_1] : memref<1x48x48xf32, #tpu.memory_space<vmem>>, vector<1x48x1xf32>
    %get3A_3 = vector.shape_cast %get3A_2 : vector<1x48x1xf32> to vector<48x1xf32>
    %add3A = arith.constant 1.000000e-01 : f32
    %add3A_4 = vector.broadcast %add3A : f32 to vector<48x1xf32>
    %add3A_5 = arith.addf %get3A_3, %add3A_4 : vector<48x1xf32>
    %get3A_6 = arith.constant 0 : index
    %get3A_7 = arith.constant 0 : index
    %get3A_8 = arith.constant 0 : index
    %get3A_9 = arith.constant 0 : index
    %get3A_10 = vector.load %arg2[%get3A_6, %get3A_7, %get3A_8, %get3A_9] : memref<1x48x48x384xf32, #tpu.memory_space<vmem>>, vector<1x1x48x384xf32>
    %get3A_11 = vector.shape_cast %get3A_10 : vector<1x1x48x384xf32> to vector<48x384xf32>
    %mul3A = vector.broadcast %add3A_5 : vector<48x1xf32> to vector<48x384xf32>
    %mul3A_12 = arith.mulf %get3A_11, %mul3A : vector<48x384xf32>
    %swap3A = arith.constant 0 : index
    %swap3A_13 = arith.constant 0 : index
    %swap3A_14 = arith.constant 0 : index
    %swap3A_15 = arith.constant 0 : index
    %swap3A_16 = vector.load %arg3[%swap3A, %swap3A_13, %swap3A_14, %swap3A_15] : memref<1x48x48x384xf32, #tpu.memory_space<vmem>>, vector<1x1x48x384xf32>
    %swap3A_17 = vector.shape_cast %swap3A_16 : vector<1x1x48x384xf32> to vector<48x384xf32>
    %swap3A_18 = vector.shape_cast %mul3A_12 : vector<48x384xf32> to vector<1x1x48x384xf32>
    tpu.vector_store %arg3[%swap3A, %swap3A_13, %swap3A_14, %swap3A_15], %swap3A_18 {strides = array<i32>} : memref<1x48x48x384xf32, #tpu.memory_space<vmem>>, vector<1x1x48x384xf32>,
    %get3A_19 = arith.constant 0 : index
    %get3A_20 = arith.constant 0 : index
    %get3A_21 = arith.constant 1 : index
    %get3A_22 = vector.load %arg1[%get3A_19, %get3A_20, %get3A_21] : memref<1x48x48xf32, #tpu.memory_space<vmem>>, vector<1x48x1xf32>
    %get3A_23 = vector.shape_cast %get3A_22 : vector<1x48x1xf32> to vector<48x1xf32>
    %add3A_24 = arith.constant 1.000000e-01 : f32
    %add3A_25 = vector.broadcast %add3A_24 : f32 to vector<48x1xf32>
    %add3A_26 = arith.addf %get3A_23, %add3A_25 : vector<48x1xf32>
    %get3A_27 = arith.constant 0 : index
    %get3A_28 = arith.constant 1 : index
    %get3A_29 = arith.constant 0 : index
    %get3A_30 = arith.constant 0 : index
    %get3A_31 = vector.load %arg2[%get3A_27, %get3A_28, %get3A_29, %get3A_30] : memref<1x48x48x384xf32, #tpu.memory_space<vmem>>, vector<1x1x48x384xf32>
    %get3A_32 = vector.shape_cast %get3A_31 : vector<1x1x48x384xf32> to vector<48x384xf32>
    %mul3A_33 = vector.broadcast %add3A_26 : vector<48x1xf32> to vector<48x384xf32>
    %mul3A_34 = arith.mulf %get3A_32, %mul3A_33 : vector<48x384xf32>
    %swap3A_35 = arith.constant 0 : index
    %swap3A_36 = arith.constant 1 : index
    %swap3A_37 = arith.constant 0 : index
    %swap3A_38 = arith.constant 0 : index
    %swap3A_39 = vector.load %arg3[%swap3A_35, %swap3A_36, %swap3A_37, %swap3A_38] : memref<1x48x48x384xf32, #tpu.memory_space<vmem>>, vector<1x1x48x384xf32>
    %swap3A_40 = vector.shape_cast %swap3A_39 : vector<1x1x48x384xf32> to vector<48x384xf32>
    %swap3A_41 = vector.shape_cast %mul3A_34 : vector<48x384xf32> to vector<1x1x48x384xf32>
    tpu.vector_store %arg3[%swap3A_35, %swap3A_36, %swap3A_37, %swap3A_38], %swap3A_41 {strides = array<i32>} : memref<1x48x48x384xf32, #tpu.memory_space<vmem>>, vector<1x1x48x384xf32>,
    %get3A_42 = arith.constant 0 : index
    %get3A_43 = arith.constant 0 : index
    %get3A_44 = arith.constant 2 : index
    %get3A_45 = vector.load %arg1[%get3A_42, %get3A_43, %get3A_44] : memref<1x48x48xf32, #tpu.memory_space<vmem>>, vector<1x48x1xf32>
    %get3A_46 = vector.shape_cast %get3A_45 : vector<1x48x1xf32> to vector<48x1xf32>
    %add3A_47 = arith.constant 1.000000e-01 : f32
    %add3A_48 = vector.broadcast %add3A_47 : f32 to vector<48x1xf32>
    %add3A_49 = arith.addf %get3A_46, %add3A_48 : vector<48x1xf32>
    %get3A_50 = arith.constant 0 : index
    %get3A_51 = arith.constant 2 : index
    %get3A_52 = arith.constant 0 : index
    %get3A_53 = arith.constant 0 : index
    %get3A_54 = vector.load %arg2[%get3A_50, %get3A_51, %get3A_52, %get3A_53] : memref<1x48x48x384xf32, #tpu.memory_space<vmem>>, vector<1x1x48x384xf32>
    %get3A_55 = vector.shape_cast %get3A_54 : vector<1x1x48x384xf32> to vector<48x384xf32>
    %mul3A_56 = vector.broadcast %add3A_49 : vector<48x1xf32> to vector<48x384xf32>
    %mul3A_57 = arith.mulf %get3A_55, %mul3A_56 : vector<48x384xf32>
    %swap3A_58 = arith.constant 0 : index
    %swap3A_59 = arith.constant 2 : index
    %swap3A_60 = arith.constant 0 : index
    %swap3A_61 = arith.constant 0 : index
    %swap3A_62 = vector.load %arg3[%swap3A_58, %swap3A_59, %swap3A_60, %swap3A_61] : memref<1x48x48x384xf32, #tpu.memory_space<vmem>>, vector<1x1x48x384xf32>
    %swap3A_63 = vector.shape_cast %swap3A_62 : vector<1x1x48x384xf32> to vector<48x384xf32>
    %swap3A_64 = vector.shape_cast %mul3A_57 : vector<48x384xf32> to vector<1x1x48x384xf32>
    tpu.vector_store %arg3[%swap3A_58, %swap3A_59, %swap3A_60, %swap3A_61], %swap3A_64 {strides = array<i32>} : memref<1x48x48x384xf32, #tpu.memory_space<vmem>>, vector<1x1x48x384xf32>,
    %get3A_65 = arith.constant 0 : index
    %get3A_66 = arith.constant 0 : index
    %get3A_67 = arith.constant 3 : index
    %get3A_68 = vector.load %arg1[%get3A_65, %get3A_66, %get3A_67] : memref<1x48x48xf32, #tpu.memory_space<vmem>>, vector<1x48x1xf32>
    %get3A_69 = vector.shape_cast %get3A_68 : vector<1x48x1xf32> to vector<48x1xf32>
    %add3A_70 = arith.constant 1.000000e-01 : f32
    %add3A_71 = vector.broadcast %add3A_70 : f32 to vector<48x1xf32>
    %add3A_72 = arith.addf %get3A_69, %add3A_71 : vector<48x1xf32>
    %get3A_73 = arith.constant 0 : index
    %get3A_74 = arith.constant 3 : index
    %get3A_75 = arith.constant 0 : index
    %get3A_76 = arith.constant 0 : index
    %get3A_77 = vector.load %arg2[%get3A_73, %get3A_74, %get3A_75, %get3A_76] : memref<1x48x48x384xf32, #tpu.memory_space<vmem>>, vector<1x1x48x384xf32>
    %get3A_78 = vector.shape_cast %get3A_77 : vector<1x1x48x384xf32> to vector<48x384xf32>
    %mul3A_79 = vector.broadcast %add3A_72 : vector<48x1xf32> to vector<48x384xf32>
    %mul3A_80 = arith.mulf %get3A_78, %mul3A_79 : vector<48x384xf32>
    %swap3A_81 = arith.constant 0 : index
    %swap3A_82 = arith.constant 3 : index
    %swap3A_83 = arith.constant 0 : index
    %swap3A_84 = arith.constant 0 : index
    %swap3A_85 = vector.load %arg3[%swap3A_81, %swap3A_82, %swap3A_83, %swap3A_84] : memref<1x48x48x384xf32, #tpu.memory_space<vmem>>, vector<1x1x48x384xf32>
    %swap3A_86 = vector.shape_cast %swap3A_85 : vector<1x1x48x384xf32> to vector<48x384xf32>
    %swap3A_87 = vector.shape_cast %mul3A_80 : vector<48x384xf32> to vector<1x1x48x384xf32>
    tpu.vector_store %arg3[%swap3A_81, %swap3A_82, %swap3A_83, %swap3A_84], %swap3A_87 {strides = array<i32>} : memref<1x48x48x384xf32, #tpu.memory_space<vmem>>, vector<1x1x48x384xf32>,
    %get3A_88 = arith.constant 0 : index
    %get3A_89 = arith.constant 0 : index
    %get3A_90 = arith.constant 4 : index
    %get3A_91 = vector.load %arg1[%get3A_88, %get3A_89, %get3A_90] : memref<1x48x48xf32, #tpu.memory_space<vmem>>, vector<1x48x1xf32>
    %get3A_92 = vector.shape_cast %get3A_91 : vector<1x48x1xf32> to vector<48x1xf32>
    %add3A_93 = arith.constant 1.000000e-01 : f32
    %add3A_94 = vector.broadcast %add3A_93 : f32 to vector<48x1xf32>
    %add3A_95 = arith.addf %get3A_92, %add3A_94 : vector<48x1xf32>
    %get3A_96 = arith.constant 0 : index
    %get3A_97 = arith.constant 4 : index
    %get3A_98 = arith.constant 0 : index
    %get3A_99 = arith.constant 0 : index
    %get3A_100 = vector.load %arg2[%get3A_96, %get3A_97, %get3A_98, %get3A_99] : memref<1x48x48x384xf32, #tpu.memory_space<vmem>>, vector<1x1x48x384xf32>
    %get3A_101 = vector.shape_cast %get3A_100 : vector<1x1x48x384xf32> to vector<48x384xf32>
    %mul3A_102 = vector.broadcast %add3A_95 : vector<48x1xf32> to vector<48x384xf32>
    %mul3A_103 = arith.mulf %get3A_101, %mul3A_102 : vector<48x384xf32>
    %swap3A_104 = arith.constant 0 : index
    %swap3A_105 = arith.constant 4 : index
    %swap3A_106 = arith.constant 0 : index
    %swap3A_107 = arith.constant 0 : index
    %swap3A_108 = vector.load %arg3[%swap3A_104, %swap3A_105, %swap3A_106, %swap3A_107] : memref<1x48x48x384xf32, #tpu.memory_space<vmem>>, vector<1x1x48x384xf32>
    %swap3A_109 = vector.shape_cast %swap3A_108 : vector<1x1x48x384xf32> to vector<48x384xf32>
    %swap3A_110 = vector.shape_cast %mul3A_103 : vector<48x384xf32> to vector<1x1x48x384xf32>
    tpu.vector_store %arg3[%swap3A_104, %swap3A_105, %swap3A_106, %swap3A_107], %swap3A_110 {strides = array<i32>} : memref<1x48x48x384xf32, #tpu.memory_space<vmem>>, vector<1x1x48x384xf32>,
    %get3A_111 = arith.constant 0 : index
    %get3A_112 = arith.constant 0 : index
    %get3A_113 = arith.constant 5 : index
    %get3A_114 = vector.load %arg1[%get3A_111, %get3A_112, %get3A_113] : memref<1x48x48xf32, #tpu.memory_space<vmem>>, vector<1x48x1xf32>
    %get3A_115 = vector.shape_cast %get3A_114 : vector<1x48x1xf32> to vector<48x1xf32>
    %add3A_116 = arith.constant 1.000000e-01 : f32
    %add3A_117 = vector.broadcast %add3A_116 : f32 to vector<48x1xf32>
    %add3A_118 = arith.addf %get3A_115, %add3A_117 : vector<48x1xf32>
    %get3A_119 = arith.constant 0 : index
    %get3A_120 = arith.constant 5 : index
    %get3A_121 = arith.constant 0 : index
    %get3A_122 = arith.constant 0 : index
    %get3A_123 = vector.load %arg2[%get3A_119, %get3A_120, %get3A_121, %get3A_122] : memref<1x48x48x384xf32, #tpu.memory_space<vmem>>, vector<1x1x48x384xf32>
    %get3A_124 = vector.shape_cast %get3A_123 : vector<1x1x48x384xf32> to vector<48x384xf32>
    %mul3A_125 = vector.broadcast %add3A_118 : vector<48x1xf32> to vector<48x384xf32>
    %mul3A_126 = arith.mulf %get3A_124, %mul3A_125 : vector<48x384xf32>
    %swap3A_127 = arith.constant 0 : index
    %swap3A_128 = arith.constant 5 : index
    %swap3A_129 = arith.constant 0 : index
    %swap3A_130 = arith.constant 0 : index
    %swap3A_131 = vector.load %arg3[%swap3A_127, %swap3A_128, %swap3A_129, %swap3A_130] : memref<1x48x48x384xf32, #tpu.memory_space<vmem>>, vector<1x1x48x384xf32>
    %swap3A_132 = vector.shape_cast %swap3A_131 : vector<1x1x48x384xf32> to vector<48x384xf32>
    %swap3A_133 = vector.shape_cast %mul3A_126 : vector<48x384xf32> to vector<1x1x48x384xf32>
    tpu.vector_store %arg3[%swap3A_127, %swap3A_128, %swap3A_129, %swap3A_130], %swap3A_133 {strides = array<i32>} : memref<1x48x48x384xf32, #tpu.memory_space<vmem>>, vector<1x1x48x384xf32>,
    %get3A_134 = arith.constant 0 : index
    %get3A_135 = arith.constant 0 : index
    %get3A_136 = arith.constant 6 : index
    %get3A_137 = vector.load %arg1[%get3A_134, %get3A_135, %get3A_136] : memref<1x48x48xf32, #tpu.memory_space<vmem>>, vector<1x48x1xf32>
    %get3A_138 = vector.shape_cast %get3A_137 : vector<1x48x1xf32> to vector<48x1xf32>
    %add3A_139 = arith.constant 1.000000e-01 : f32
    %add3A_140 = vector.broadcast %add3A_139 : f32 to vector<48x1xf32>
    %add3A_141 = arith.addf %get3A_138, %add3A_140 : vector<48x1xf32>
    %get3A_142 = arith.constant 0 : index
    %get3A_143 = arith.constant 6 : index
    %get3A_144 = arith.constant 0 : index
    %get3A_145 = arith.constant 0 : index
    %get3A_146 = vector.load %arg2[%get3A_142, %get3A_143, %get3A_144, %get3A_145] : memref<1x48x48x384xf32, #tpu.memory_space<vmem>>, vector<1x1x48x384xf32>
    %get3A_147 = vector.shape_cast %get3A_146 : vector<1x1x48x384xf32> to vector<48x384xf32>
    %mul3A_148 = vector.broadcast %add3A_141 : vector<48x1xf32> to vector<48x384xf32>
    %mul3A_149 = arith.mulf %get3A_147, %mul3A_148 : vector<48x384xf32>
    %swap3A_150 = arith.constant 0 : index
    %swap3A_151 = arith.constant 6 : index
    %swap3A_152 = arith.constant 0 : index
    %swap3A_153 = arith.constant 0 : index
    %swap3A_154 = vector.load %arg3[%swap3A_150, %swap3A_151, %swap3A_152, %swap3A_153] : memref<1x48x48x384xf32, #tpu.memory_space<vmem>>, vector<1x1x48x384xf32>
    %swap3A_155 = vector.shape_cast %swap3A_154 : vector<1x1x48x384xf32> to vector<48x384xf32>
    %swap3A_156 = vector.shape_cast %mul3A_149 : vector<48x384xf32> to vector<1x1x48x384xf32>
    tpu.vector_store %arg3[%swap3A_150, %swap3A_151, %swap3A_152, %swap3A_153], %swap3A_156 {strides = array<i32>} : memref<1x48x48x384xf32, #tpu.memory_space<vmem>>, vector<1x1x48x384xf32>,
    %get3A_157 = arith.constant 0 : index
    %get3A_158 = arith.constant 0 : index
    %get3A_159 = arith.constant 7 : index
    %get3A_160 = vector.load %arg1[%get3A_157, %get3A_158, %get3A_159] : memref<1x48x48xf32, #tpu.memory_space<vmem>>, vector<1x48x1xf32>
    %get3A_161 = vector.shape_cast %get3A_160 : vector<1x48x1xf32> to vector<48x1xf32>
    %add3A_162 = arith.constant 1.000000e-01 : f32
    %add3A_163 = vector.broadcast %add3A_162 : f32 to vector<48x1xf32>
    %add3A_164 = arith.addf %get3A_161, %add3A_163 : vector<48x1xf32>
    %get3A_165 = arith.constant 0 : index
    %get3A_166 = arith.constant 7 : index
    %get3A_167 = arith.constant 0 : index
    %get3A_168 = arith.constant 0 : index
    %get3A_169 = vector.load %arg2[%get3A_165, %get3A_166, %get3A_167, %get3A_168] : memref<1x48x48x384xf32, #tpu.memory_space<vmem>>, vector<1x1x48x384xf32>
    %get3A_170 = vector.shape_cast %get3A_169 : vector<1x1x48x384xf32> to vector<48x384xf32>
    %mul3A_171 = vector.broadcast %add3A_164 : vector<48x1xf32> to vector<48x384xf32>
    %mul3A_172 = arith.mulf %get3A_170, %mul3A_171 : vector<48x384xf32>
    %swap3A_173 = arith.constant 0 : index
    %swap3A_174 = arith.constant 7 : index
    %swap3A_175 = arith.constant 0 : index
    %swap3A_176 = arith.constant 0 : index
    %swap3A_177 = vector.load %arg3[%swap3A_173, %swap3A_174, %swap3A_175, %swap3A_176] : memref<1x48x48x384xf32, #tpu.memory_space<vmem>>, vector<1x1x48x384xf32>
    %swap3A_178 = vector.shape_cast %swap3A_177 : vector<1x1x48x384xf32> to vector<48x384xf32>
    %swap3A_179 = vector.shape_cast %mul3A_172 : vector<48x384xf32> to vector<1x1x48x384xf32>
    tpu.vector_store %arg3[%swap3A_173, %swap3A_174, %swap3A_175, %swap3A_176], %swap3A_179 {strides = array<i32>} : memref<1x48x48x384xf32, #tpu.memory_space<vmem>>, vector<1x1x48x384xf32>,
    %get3A_180 = arith.constant 0 : index
    %get3A_181 = arith.constant 0 : index
    %get3A_182 = arith.constant 8 : index
    %get3A_183 = vector.load %arg1[%get3A_180, %get3A_181, %get3A_182] : memref<1x48x48xf32, #tpu.memory_space<vmem>>, vector<1x48x1xf32>
    %get3A_184 = vector.shape_cast %get3A_183 : vector<1x48x1xf32> to vector<48x1xf32>
    %add3A_185 = arith.constant 1.000000e-01 : f32
    %add3A_186 = vector.broadcast %add3A_185 : f32 to vector<48x1xf32>
    %add3A_187 = arith.addf %get3A_184, %add3A_186 : vector<48x1xf32>
    %get3A_188 = arith.constant 0 : index
    %get3A_189 = arith.constant 8 : index
    %get3A_190 = arith.constant 0 : index
    %get3A_191 = arith.constant 0 : index
    %get3A_192 = vector.load %arg2[%get3A_188, %get3A_189, %get3A_190, %get3A_191] : memref<1x48x48x384xf32, #tpu.memory_space<vmem>>, vector<1x1x48x384xf32>
    %get3A_193 = vector.shape_cast %get3A_192 : vector<1x1x48x384xf32> to vector<48x384xf32>
    %mul3A_194 = vector.broadcast %add3A_187 : vector<48x1xf32> to vector<48x384xf32>
    %mul3A_195 = arith.mulf %get3A_193, %mul3A_194 : vector<48x384xf32>
    %swap3A_196 = arith.constant 0 : index
    %swap3A_197 = arith.constant 8 : index
    %swap3A_198 = arith.constant 0 : index
    %swap3A_199 = arith.constant 0 : index
    %swap3A_200 = vector.load %arg3[%swap3A_196, %swap3A_197, %swap3A_198, %swap3A_199] : memref<1x48x48x384xf32, #tpu.memory_space<vmem>>, vector<1x1x48x384xf32>
    %swap3A_201 = vector.shape_cast %swap3A_200 : vector<1x1x48x384xf32> to vector<48x384xf32>
    %swap3A_202 = vector.shape_cast %mul3A_195 : vector<48x384xf32> to vector<1x1x48x384xf32>
    tpu.vector_store %arg3[%swap3A_196, %swap3A_197, %swap3A_198, %swap3A_199], %swap3A_202 {strides = array<i32>} : memref<1x48x48x384xf32, #tpu.memory_space<vmem>>, vector<1x1x48x384xf32>,
    %get3A_203 = arith.constant 0 : index
    %get3A_204 = arith.constant 0 : index
    %get3A_205 = arith.constant 9 : index
    %get3A_206 = vector.load %arg1[%get3A_203, %get3A_204, %get3A_205] : memref<1x48x48xf32, #tpu.memory_space<vmem>>, vector<1x48x1xf32>
    %get3A_207 = vector.shape_cast %get3A_206 : vector<1x48x1xf32> to vector<48x1xf32>
    %add3A_208 = arith.constant 1.000000e-01 : f32
    %add3A_209 = vector.broadcast %add3A_208 : f32 to vector<48x1xf32>
    %add3A_210 = arith.addf %get3A_207, %add3A_209 : vector<48x1xf32>
    %get3A_211 = arith.constant 0 : index
    %get3A_212 = arith.constant 9 : index
    %get3A_213 = arith.constant 0 : index
    %get3A_214 = arith.constant 0 : index
    %get3A_215 = vector.load %arg2[%get3A_211, %get3A_212, %get3A_213, %get3A_214] : memref<1x48x48x384xf32, #tpu.memory_space<vmem>>, vector<1x1x48x384xf32>
    %get3A_216 = vector.shape_cast %get3A_215 : vector<1x1x48x384xf32> to vector<48x384xf32>
    %mul3A_217 = vector.broadcast %add3A_210 : vector<48x1xf32> to vector<48x384xf32>
    %mul3A_218 = arith.mulf %get3A_216, %mul3A_217 : vector<48x384xf32>
    %swap3A_219 = arith.constant 0 : index
    %swap3A_220 = arith.constant 9 : index
    %swap3A_221 = arith.constant 0 : index
    %swap3A_222 = arith.constant 0 : index
    %swap3A_223 = vector.load %arg3[%swap3A_219, %swap3A_220, %swap3A_221, %swap3A_222] : memref<1x48x48x384xf32, #tpu.memory_space<vmem>>, vector<1x1x48x384xf32>
    %swap3A_224 = vector.shape_cast %swap3A_223 : vector<1x1x48x384xf32> to vector<48x384xf32>
    %swap3A_225 = vector.shape_cast %mul3A_218 : vector<48x384xf32> to vector<1x1x48x384xf32>
    tpu.vector_store %arg3[%swap3A_219, %swap3A_220, %swap3A_221, %swap3A_222], %swap3A_225 {strides = array<i32>} : memref<1x48x48x384xf32, #tpu.memory_space<vmem>>, vector<1x1x48x384xf32>,
    %get3A_226 = arith.constant 0 : index
    %get3A_227 = arith.constant 0 : index
    %get3A_228 = arith.constant 10 : index
    %get3A_229 = vector.load %arg1[%get3A_226, %get3A_227, %get3A_228] : memref<1x48x48xf32, #tpu.memory_space<vmem>>, vector<1x48x1xf32>
    %get3A_230 = vector.shape_cast %get3A_229 : vector<1x48x1xf32> to vector<48x1xf32>
    %add3A_231 = arith.constant 1.000000e-01 : f32
    %add3A_232 = vector.broadcast %add3A_231 : f32 to vector<48x1xf32>
    %add3A_233 = arith.addf %get3A_230, %add3A_232 : vector<48x1xf32>
    %get3A_234 = arith.constant 0 : index
    %get3A_235 = arith.constant 10 : index
    %get3A_236 = arith.constant 0 : index
    %get3A_237 = arith.constant 0 : index
    %get3A_238 = vector.load %arg2[%get3A_234, %get3A_235, %get3A_236, %get3A_237] : memref<1x48x48x384xf32, #tpu.memory_space<vmem>>, vector<1x1x48x384xf32>
    %get3A_239 = vector.shape_cast %get3A_238 : vector<1x1x48x384xf32> to vector<48x384xf32>
    %mul3A_240 = vector.broadcast %add3A_233 : vector<48x1xf32> to vector<48x384xf32>
    %mul3A_241 = arith.mulf %get3A_239, %mul3A_240 : vector<48x384xf32>
    %swap3A_242 = arith.constant 0 : index
    %swap3A_243 = arith.constant 10 : index
    %swap3A_244 = arith.constant 0 : index
    %swap3A_245 = arith.constant 0 : index
    %swap3A_246 = vector.load %arg3[%swap3A_242, %swap3A_243, %swap3A_244, %swap3A_245] : memref<1x48x48x384xf32, #tpu.memory_space<vmem>>, vector<1x1x48x384xf32>
    %swap3A_247 = vector.shape_cast %swap3A_246 : vector<1x1x48x384xf32> to vector<48x384xf32>
    %swap3A_248 = vector.shape_cast %mul3A_241 : vector<48x384xf32> to vector<1x1x48x384xf32>
    tpu.vector_store %arg3[%swap3A_242, %swap3A_243, %swap3A_244, %swap3A_245], %swap3A_248 {strides = array<i32>} : memref<1x48x48x384xf32, #tpu.memory_space<vmem>>, vector<1x1x48x384xf32>,
    %get3A_249 = arith.constant 0 : index
    %get3A_250 = arith.constant 0 : index
    %get3A_251 = arith.constant 11 : index
    %get3A_252 = vector.load %arg1[%get3A_249, %get3A_250, %get3A_251] : memref<1x48x48xf32, #tpu.memory_space<vmem>>, vector<1x48x1xf32>
    %get3A_253 = vector.shape_cast %get3A_252 : vector<1x48x1xf32> to vector<48x1xf32>
    %add3A_254 = arith.constant 1.000000e-01 : f32
    %add3A_255 = vector.broadcast %add3A_254 : f32 to vector<48x1xf32>
    %add3A_256 = arith.addf %get3A_253, %add3A_255 : vector<48x1xf32>
    %get3A_257 = arith.constant 0 : index
    %get3A_258 = arith.constant 11 : index
    %get3A_259 = arith.constant 0 : index
    %get3A_260 = arith.constant 0 : index
    %get3A_261 = vector.load %arg2[%get3A_257, %get3A_258, %get3A_259, %get3A_260] : memref<1x48x48x384xf32, #tpu.memory_space<vmem>>, vector<1x1x48x384xf32>
    %get3A_262 = vector.shape_cast %get3A_261 : vector<1x1x48x384xf32> to vector<48x384xf32>
    %mul3A_263 = vector.broadcast %add3A_256 : vector<48x1xf32> to vector<48x384xf32>
    %mul3A_264 = arith.mulf %get3A_262, %mul3A_263 : vector<48x384xf32>
    %swap3A_265 = arith.constant 0 : index
    %swap3A_266 = arith.constant 11 : index
    %swap3A_267 = arith.constant 0 : index
    %swap3A_268 = arith.constant 0 : index
    %swap3A_269 = vector.load %arg3[%swap3A_265, %swap3A_266, %swap3A_267, %swap3A_268] : memref<1x48x48x384xf32, #tpu.memory_space<vmem>>, vector<1x1x48x384xf32>
    %swap3A_270 = vector.shape_cast %swap3A_269 : vector<1x1x48x384xf32> to vector<48x384xf32>
    %swap3A_271 = vector.shape_cast %mul3A_264 : vector<48x384xf32> to vector<1x1x48x384xf32>
    tpu.vector_store %arg3[%swap3A_265, %swap3A_266, %swap3A_267, %swap3A_268], %swap3A_271 {strides = array<i32>} : memref<1x48x48x384xf32, #tpu.memory_space<vmem>>, vector<1x1x48x384xf32>,
    %get3A_272 = arith.constant 0 : index
    %get3A_273 = arith.constant 0 : index
    %get3A_274 = arith.constant 12 : index
    %get3A_275 = vector.load %arg1[%get3A_272, %get3A_273, %get3A_274] : memref<1x48x48xf32, #tpu.memory_space<vmem>>, vector<1x48x1xf32>
    %get3A_276 = vector.shape_cast %get3A_275 : vector<1x48x1xf32> to vector<48x1xf32>
    %add3A_277 = arith.constant 1.000000e-01 : f32
    %add3A_278 = vector.broadcast %add3A_277 : f32 to vector<48x1xf32>
    %add3A_279 = arith.addf %get3A_276, %add3A_278 : vector<48x1xf32>
    %get3A_280 = arith.constant 0 : index
    %get3A_281 = arith.constant 12 : index
    %get3A_282 = arith.constant 0 : index
    %get3A_283 = arith.constant 0 : index
    %get3A_284 = vector.load %arg2[%get3A_280, %get3A_281, %get3A_282, %get3A_283] : memref<1x48x48x384xf32, #tpu.memory_space<vmem>>, vector<1x1x48x384xf32>
    %get3A_285 = vector.shape_cast %get3A_284 : vector<1x1x48x384xf32> to vector<48x384xf32>
    %mul3A_286 = vector.broadcast %add3A_279 : vector<48x1xf32> to vector<48x384xf32>
    %mul3A_287 = arith.mulf %get3A_285, %mul3A_286 : vector<48x384xf32>
    %swap3A_288 = arith.constant 0 : index
    %swap3A_289 = arith.constant 12 : index
    %swap3A_290 = arith.constant 0 : index
    %swap3A_291 = arith.constant 0 : index
    %swap3A_292 = vector.load %arg3[%swap3A_288, %swap3A_289, %swap3A_290, %swap3A_291] : memref<1x48x48x384xf32, #tpu.memory_space<vmem>>, vector<1x1x48x384xf32>
    %swap3A_293 = vector.shape_cast %swap3A_292 : vector<1x1x48x384xf32> to vector<48x384xf32>
    %swap3A_294 = vector.shape_cast %mul3A_287 : vector<48x384xf32> to vector<1x1x48x384xf32>
    tpu.vector_store %arg3[%swap3A_288, %swap3A_289, %swap3A_290, %swap3A_291], %swap3A_294 {strides = array<i32>} : memref<1x48x48x384xf32, #tpu.memory_space<vmem>>, vector<1x1x48x384xf32>,
    %get3A_295 = arith.constant 0 : index
    %get3A_296 = arith.constant 0 : index
    %get3A_297 = arith.constant 13 : index
    %get3A_298 = vector.load %arg1[%get3A_295, %get3A_296, %get3A_297] : memref<1x48x48xf32, #tpu.memory_space<vmem>>, vector<1x48x1xf32>
    %get3A_299 = vector.shape_cast %get3A_298 : vector<1x48x1xf32> to vector<48x1xf32>
    %add3A_300 = arith.constant 1.000000e-01 : f32
    %add3A_301 = vector.broadcast %add3A_300 : f32 to vector<48x1xf32>
    %add3A_302 = arith.addf %get3A_299, %add3A_301 : vector<48x1xf32>
    %get3A_303 = arith.constant 0 : index
    %get3A_304 = arith.constant 13 : index
    %get3A_305 = arith.constant 0 : index
    %get3A_306 = arith.constant 0 : index
    %get3A_307 = vector.load %arg2[%get3A_303, %get3A_304, %get3A_305, %get3A_306] : memref<1x48x48x384xf32, #tpu.memory_space<vmem>>, vector<1x1x48x384xf32>
    %get3A_308 = vector.shape_cast %get3A_307 : vector<1x1x48x384xf32> to vector<48x384xf32>
    %mul3A_309 = vector.broadcast %add3A_302 : vector<48x1xf32> to vector<48x384xf32>
    %mul3A_310 = arith.mulf %get3A_308, %mul3A_309 : vector<48x384xf32>
    %swap3A_311 = arith.constant 0 : index
    %swap3A_312 = arith.constant 13 : index
    %swap3A_313 = arith.constant 0 : index
    %swap3A_314 = arith.constant 0 : index
    %swap3A_315 = vector.load %arg3[%swap3A_311, %swap3A_312, %swap3A_313, %swap3A_314] : memref<1x48x48x384xf32, #tpu.memory_space<vmem>>, vector<1x1x48x384xf32>
    %swap3A_316 = vector.shape_cast %swap3A_315 : vector<1x1x48x384xf32> to vector<48x384xf32>
    %swap3A_317 = vector.shape_cast %mul3A_310 : vector<48x384xf32> to vector<1x1x48x384xf32>
    tpu.vector_store %arg3[%swap3A_311, %swap3A_312, %swap3A_313, %swap3A_314], %swap3A_317 {strides = array<i32>} : memref<1x48x48x384xf32, #tpu.memory_space<vmem>>, vector<1x1x48x384xf32>,
    %get3A_318 = arith.constant 0 : index
    %get3A_319 = arith.constant 0 : index
    %get3A_320 = arith.constant 14 : index
    %get3A_321 = vector.load %arg1[%get3A_318, %get3A_319, %get3A_320] : memref<1x48x48xf32, #tpu.memory_space<vmem>>, vector<1x48x1xf32>
    %get3A_322 = vector.shape_cast %get3A_321 : vector<1x48x1xf32> to vector<48x1xf32>
    %add3A_323 = arith.constant 1.000000e-01 : f32
    %add3A_324 = vector.broadcast %add3A_323 : f32 to vector<48x1xf32>
    %add3A_325 = arith.addf %get3A_322, %add3A_324 : vector<48x1xf32>
    %get3A_326 = arith.constant 0 : index
    %get3A_327 = arith.constant 14 : index
    %get3A_328 = arith.constant 0 : index
    %get3A_329 = arith.constant 0 : index
    %get3A_330 = vector.load %arg2[%get3A_326, %get3A_327, %get3A_328, %get3A_329] : memref<1x48x48x384xf32, #tpu.memory_space<vmem>>, vector<1x1x48x384xf32>
    %get3A_331 = vector.shape_cast %get3A_330 : vector<1x1x48x384xf32> to vector<48x384xf32>
    %mul3A_332 = vector.broadcast %add3A_325 : vector<48x1xf32> to vector<48x384xf32>
    %mul3A_333 = arith.mulf %get3A_331, %mul3A_332 : vector<48x384xf32>
    %swap3A_334 = arith.constant 0 : index
    %swap3A_335 = arith.constant 14 : index
    %swap3A_336 = arith.constant 0 : index
    %swap3A_337 = arith.constant 0 : index
    %swap3A_338 = vector.load %arg3[%swap3A_334, %swap3A_335, %swap3A_336, %swap3A_337] : memref<1x48x48x384xf32, #tpu.memory_space<vmem>>, vector<1x1x48x384xf32>
    %swap3A_339 = vector.shape_cast %swap3A_338 : vector<1x1x48x384xf32> to vector<48x384xf32>
    %swap3A_340 = vector.shape_cast %mul3A_333 : vector<48x384xf32> to vector<1x1x48x384xf32>
    tpu.vector_store %arg3[%swap3A_334, %swap3A_335, %swap3A_336, %swap3A_337], %swap3A_340 {strides = array<i32>} : memref<1x48x48x384xf32, #tpu.memory_space<vmem>>, vector<1x1x48x384xf32>,
    %get3A_341 = arith.constant 0 : index
    %get3A_342 = arith.constant 0 : index
    %get3A_343 = arith.constant 15 : index
    %get3A_344 = vector.load %arg1[%get3A_341, %get3A_342, %get3A_343] : memref<1x48x48xf32, #tpu.memory_space<vmem>>, vector<1x48x1xf32>
    %get3A_345 = vector.shape_cast %get3A_344 : vector<1x48x1xf32> to vector<48x1xf32>
    %add3A_346 = arith.constant 1.000000e-01 : f32
    %add3A_347 = vector.broadcast %add3A_346 : f32 to vector<48x1xf32>
    %add3A_348 = arith.addf %get3A_345, %add3A_347 : vector<48x1xf32>
    %get3A_349 = arith.constant 0 : index
    %get3A_350 = arith.constant 15 : index
    %get3A_351 = arith.constant 0 : index
    %get3A_352 = arith.constant 0 : index
    %get3A_353 = vector.load %arg2[%get3A_349, %get3A_350, %get3A_351, %get3A_352] : memref<1x48x48x384xf32, #tpu.memory_space<vmem>>, vector<1x1x48x384xf32>
    %get3A_354 = vector.shape_cast %get3A_353 : vector<1x1x48x384xf32> to vector<48x384xf32>
    %mul3A_355 = vector.broadcast %add3A_348 : vector<48x1xf32> to vector<48x384xf32>
    %mul3A_356 = arith.mulf %get3A_354, %mul3A_355 : vector<48x384xf32>
    %swap3A_357 = arith.constant 0 : index
    %swap3A_358 = arith.constant 15 : index
    %swap3A_359 = arith.constant 0 : index
    %swap3A_360 = arith.constant 0 : index
    %swap3A_361 = vector.load %arg3[%swap3A_357, %swap3A_358, %swap3A_359, %swap3A_360] : memref<1x48x48x384xf32, #tpu.memory_space<vmem>>, vector<1x1x48x384xf32>
    %swap3A_362 = vector.shape_cast %swap3A_361 : vector<1x1x48x384xf32> to vector<48x384xf32>
    %swap3A_363 = vector.shape_cast %mul3A_356 : vector<48x384xf32> to vector<1x1x48x384xf32>
    tpu.vector_store %arg3[%swap3A_357, %swap3A_358, %swap3A_359, %swap3A_360], %swap3A_363 {strides = array<i32>} : memref<1x48x48x384xf32, #tpu.memory_space<vmem>>, vector<1x1x48x384xf32>,
    %get3A_364 = arith.constant 0 : index
    %get3A_365 = arith.constant 0 : index
    %get3A_366 = arith.constant 16 : index
    %get3A_367 = vector.load %arg1[%get3A_364, %get3A_365, %get3A_366] : memref<1x48x48xf32, #tpu.memory_space<vmem>>, vector<1x48x1xf32>
    %get3A_368 = vector.shape_cast %get3A_367 : vector<1x48x1xf32> to vector<48x1xf32>
    %add3A_369 = arith.constant 1.000000e-01 : f32
    %add3A_370 = vector.broadcast %add3A_369 : f32 to vector<48x1xf32>
    %add3A_371 = arith.addf %get3A_368, %add3A_370 : vector<48x1xf32>
    %get3A_372 = arith.constant 0 : index
    %get3A_373 = arith.constant 16 : index
    %get3A_374 = arith.constant 0 : index
    %get3A_375 = arith.constant 0 : index
    %get3A_376 = vector.load %arg2[%get3A_372, %get3A_373, %get3A_374, %get3A_375] : memref<1x48x48x384xf32, #tpu.memory_space<vmem>>, vector<1x1x48x384xf32>
    %get3A_377 = vector.shape_cast %get3A_376 : vector<1x1x48x384xf32> to vector<48x384xf32>
    %mul3A_378 = vector.broadcast %add3A_371 : vector<48x1xf32> to vector<48x384xf32>
    %mul3A_379 = arith.mulf %get3A_377, %mul3A_378 : vector<48x384xf32>
    %swap3A_380 = arith.constant 0 : index
    %swap3A_381 = arith.constant 16 : index
    %swap3A_382 = arith.constant 0 : index
    %swap3A_383 = arith.constant 0 : index
    %swap3A_384 = vector.load %arg3[%swap3A_380, %swap3A_381, %swap3A_382, %swap3A_383] : memref<1x48x48x384xf32, #tpu.memory_space<vmem>>, vector<1x1x48x384xf32>
    %swap3A_385 = vector.shape_cast %swap3A_384 : vector<1x1x48x384xf32> to vector<48x384xf32>
    %swap3A_386 = vector.shape_cast %mul3A_379 : vector<48x384xf32> to vector<1x1x48x384xf32>
    tpu.vector_store %arg3[%swap3A_380, %swap3A_381, %swap3A_382, %swap3A_383], %swap3A_386 {strides = array<i32>} : memref<1x48x48x384xf32, #tpu.memory_space<vmem>>, vector<1x1x48x384xf32>,
    %get3A_387 = arith.constant 0 : index
    %get3A_388 = arith.constant 0 : index
    %get3A_389 = arith.constant 17 : index
    %get3A_390 = vector.load %arg1[%get3A_387, %get3A_388, %get3A_389] : memref<1x48x48xf32, #tpu.memory_space<vmem>>, vector<1x48x1xf32>
    %get3A_391 = vector.shape_cast %get3A_390 : vector<1x48x1xf32> to vector<48x1xf32>
    %add3A_392 = arith.constant 1.000000e-01 : f32
    %add3A_393 = vector.broadcast %add3A_392 : f32 to vector<48x1xf32>
    %add3A_394 = arith.addf %get3A_391, %add3A_393 : vector<48x1xf32>
    %get3A_395 = arith.constant 0 : index
    %get3A_396 = arith.constant 17 : index
    %get3A_397 = arith.constant 0 : index
    %get3A_398 = arith.constant 0 : index
    %get3A_399 = vector.load %arg2[%get3A_395, %get3A_396, %get3A_397, %get3A_398] : memref<1x48x48x384xf32, #tpu.memory_space<vmem>>, vector<1x1x48x384xf32>
    %get3A_400 = vector.shape_cast %get3A_399 : vector<1x1x48x384xf32> to vector<48x384xf32>
    %mul3A_401 = vector.broadcast %add3A_394 : vector<48x1xf32> to vector<48x384xf32>
    %mul3A_402 = arith.mulf %get3A_400, %mul3A_401 : vector<48x384xf32>
    %swap3A_403 = arith.constant 0 : index
    %swap3A_404 = arith.constant 17 : index
    %swap3A_405 = arith.constant 0 : index
    %swap3A_406 = arith.constant 0 : index
    %swap3A_407 = vector.load %arg3[%swap3A_403, %swap3A_404, %swap3A_405, %swap3A_406] : memref<1x48x48x384xf32, #tpu.memory_space<vmem>>, vector<1x1x48x384xf32>
    %swap3A_408 = vector.shape_cast %swap3A_407 : vector<1x1x48x384xf32> to vector<48x384xf32>
    %swap3A_409 = vector.shape_cast %mul3A_402 : vector<48x384xf32> to vector<1x1x48x384xf32>
    tpu.vector_store %arg3[%swap3A_403, %swap3A_404, %swap3A_405, %swap3A_406], %swap3A_409 {strides = array<i32>} : memref<1x48x48x384xf32, #tpu.memory_space<vmem>>, vector<1x1x48x384xf32>,
    %get3A_410 = arith.constant 0 : index
    %get3A_411 = arith.constant 0 : index
    %get3A_412 = arith.constant 18 : index
    %get3A_413 = vector.load %arg1[%get3A_410, %get3A_411, %get3A_412] : memref<1x48x48xf32, #tpu.memory_space<vmem>>, vector<1x48x1xf32>
    %get3A_414 = vector.shape_cast %get3A_413 : vector<1x48x1xf32> to vector<48x1xf32>
    %add3A_415 = arith.constant 1.000000e-01 : f32
    %add3A_416 = vector.broadcast %add3A_415 : f32 to vector<48x1xf32>
    %add3A_417 = arith.addf %get3A_414, %add3A_416 : vector<48x1xf32>
    %get3A_418 = arith.constant 0 : index
    %get3A_419 = arith.constant 18 : index
    %get3A_420 = arith.constant 0 : index
    %get3A_421 = arith.constant 0 : index
    %get3A_422 = vector.load %arg2[%get3A_418, %get3A_419, %get3A_420, %get3A_421] : memref<1x48x48x384xf32, #tpu.memory_space<vmem>>, vector<1x1x48x384xf32>
    %get3A_423 = vector.shape_cast %get3A_422 : vector<1x1x48x384xf32> to vector<48x384xf32>
    %mul3A_424 = vector.broadcast %add3A_417 : vector<48x1xf32> to vector<48x384xf32>
    %mul3A_425 = arith.mulf %get3A_423, %mul3A_424 : vector<48x384xf32>
    %swap3A_426 = arith.constant 0 : index
    %swap3A_427 = arith.constant 18 : index
    %swap3A_428 = arith.constant 0 : index
    %swap3A_429 = arith.constant 0 : index
    %swap3A_430 = vector.load %arg3[%swap3A_426, %swap3A_427, %swap3A_428, %swap3A_429] : memref<1x48x48x384xf32, #tpu.memory_space<vmem>>, vector<1x1x48x384xf32>
    %swap3A_431 = vector.shape_cast %swap3A_430 : vector<1x1x48x384xf32> to vector<48x384xf32>
    %swap3A_432 = vector.shape_cast %mul3A_425 : vector<48x384xf32> to vector<1x1x48x384xf32>
    tpu.vector_store %arg3[%swap3A_426, %swap3A_427, %swap3A_428, %swap3A_429], %swap3A_432 {strides = array<i32>} : memref<1x48x48x384xf32, #tpu.memory_space<vmem>>, vector<1x1x48x384xf32>,
    %get3A_433 = arith.constant 0 : index
    %get3A_434 = arith.constant 0 : index
    %get3A_435 = arith.constant 19 : index
    %get3A_436 = vector.load %arg1[%get3A_433, %get3A_434, %get3A_435] : memref<1x48x48xf32, #tpu.memory_space<vmem>>, vector<1x48x1xf32>
    %get3A_437 = vector.shape_cast %get3A_436 : vector<1x48x1xf32> to vector<48x1xf32>
    %add3A_438 = arith.constant 1.000000e-01 : f32
    %add3A_439 = vector.broadcast %add3A_438 : f32 to vector<48x1xf32>
    %add3A_440 = arith.addf %get3A_437, %add3A_439 : vector<48x1xf32>
    %get3A_441 = arith.constant 0 : index
    %get3A_442 = arith.constant 19 : index
    %get3A_443 = arith.constant 0 : index
    %get3A_444 = arith.constant 0 : index
    %get3A_445 = vector.load %arg2[%get3A_441, %get3A_442, %get3A_443, %get3A_444] : memref<1x48x48x384xf32, #tpu.memory_space<vmem>>, vector<1x1x48x384xf32>
    %get3A_446 = vector.shape_cast %get3A_445 : vector<1x1x48x384xf32> to vector<48x384xf32>
    %mul3A_447 = vector.broadcast %add3A_440 : vector<48x1xf32> to vector<48x384xf32>
    %mul3A_448 = arith.mulf %get3A_446, %mul3A_447 : vector<48x384xf32>
    %swap3A_449 = arith.constant 0 : index
    %swap3A_450 = arith.constant 19 : index
    %swap3A_451 = arith.constant 0 : index
    %swap3A_452 = arith.constant 0 : index
    %swap3A_453 = vector.load %arg3[%swap3A_449, %swap3A_450, %swap3A_451, %swap3A_452] : memref<1x48x48x384xf32, #tpu.memory_space<vmem>>, vector<1x1x48x384xf32>
    %swap3A_454 = vector.shape_cast %swap3A_453 : vector<1x1x48x384xf32> to vector<48x384xf32>
    %swap3A_455 = vector.shape_cast %mul3A_448 : vector<48x384xf32> to vector<1x1x48x384xf32>
    tpu.vector_store %arg3[%swap3A_449, %swap3A_450, %swap3A_451, %swap3A_452], %swap3A_455 {strides = array<i32>} : memref<1x48x48x384xf32, #tpu.memory_space<vmem>>, vector<1x1x48x384xf32>,
    %get3A_456 = arith.constant 0 : index
    %get3A_457 = arith.constant 0 : index
    %get3A_458 = arith.constant 20 : index
    %get3A_459 = vector.load %arg1[%get3A_456, %get3A_457, %get3A_458] : memref<1x48x48xf32, #tpu.memory_space<vmem>>, vector<1x48x1xf32>
    %get3A_460 = vector.shape_cast %get3A_459 : vector<1x48x1xf32> to vector<48x1xf32>
    %add3A_461 = arith.constant 1.000000e-01 : f32
    %add3A_462 = vector.broadcast %add3A_461 : f32 to vector<48x1xf32>
    %add3A_463 = arith.addf %get3A_460, %add3A_462 : vector<48x1xf32>
    %get3A_464 = arith.constant 0 : index
    %get3A_465 = arith.constant 20 : index
    %get3A_466 = arith.constant 0 : index
    %get3A_467 = arith.constant 0 : index
    %get3A_468 = vector.load %arg2[%get3A_464, %get3A_465, %get3A_466, %get3A_467] : memref<1x48x48x384xf32, #tpu.memory_space<vmem>>, vector<1x1x48x384xf32>
    %get3A_469 = vector.shape_cast %get3A_468 : vector<1x1x48x384xf32> to vector<48x384xf32>
    %mul3A_470 = vector.broadcast %add3A_463 : vector<48x1xf32> to vector<48x384xf32>
    %mul3A_471 = arith.mulf %get3A_469, %mul3A_470 : vector<48x384xf32>
    %swap3A_472 = arith.constant 0 : index
    %swap3A_473 = arith.constant 20 : index
    %swap3A_474 = arith.constant 0 : index
    %swap3A_475 = arith.constant 0 : index
    %swap3A_476 = vector.load %arg3[%swap3A_472, %swap3A_473, %swap3A_474, %swap3A_475] : memref<1x48x48x384xf32, #tpu.memory_space<vmem>>, vector<1x1x48x384xf32>
    %swap3A_477 = vector.shape_cast %swap3A_476 : vector<1x1x48x384xf32> to vector<48x384xf32>
    %swap3A_478 = vector.shape_cast %mul3A_471 : vector<48x384xf32> to vector<1x1x48x384xf32>
    tpu.vector_store %arg3[%swap3A_472, %swap3A_473, %swap3A_474, %swap3A_475], %swap3A_478 {strides = array<i32>} : memref<1x48x48x384xf32, #tpu.memory_space<vmem>>, vector<1x1x48x384xf32>,
    %get3A_479 = arith.constant 0 : index
    %get3A_480 = arith.constant 0 : index
    %get3A_481 = arith.constant 21 : index
    %get3A_482 = vector.load %arg1[%get3A_479, %get3A_480, %get3A_481] : memref<1x48x48xf32, #tpu.memory_space<vmem>>, vector<1x48x1xf32>
    %get3A_483 = vector.shape_cast %get3A_482 : vector<1x48x1xf32> to vector<48x1xf32>
    %add3A_484 = arith.constant 1.000000e-01 : f32
    %add3A_485 = vector.broadcast %add3A_484 : f32 to vector<48x1xf32>
    %add3A_486 = arith.addf %get3A_483, %add3A_485 : vector<48x1xf32>
    %get3A_487 = arith.constant 0 : index
    %get3A_488 = arith.constant 21 : index
    %get3A_489 = arith.constant 0 : index
    %get3A_490 = arith.constant 0 : index
    %get3A_491 = vector.load %arg2[%get3A_487, %get3A_488, %get3A_489, %get3A_490] : memref<1x48x48x384xf32, #tpu.memory_space<vmem>>, vector<1x1x48x384xf32>
    %get3A_492 = vector.shape_cast %get3A_491 : vector<1x1x48x384xf32> to vector<48x384xf32>
    %mul3A_493 = vector.broadcast %add3A_486 : vector<48x1xf32> to vector<48x384xf32>
    %mul3A_494 = arith.mulf %get3A_492, %mul3A_493 : vector<48x384xf32>
    %swap3A_495 = arith.constant 0 : index
    %swap3A_496 = arith.constant 21 : index
    %swap3A_497 = arith.constant 0 : index
    %swap3A_498 = arith.constant 0 : index
    %swap3A_499 = vector.load %arg3[%swap3A_495, %swap3A_496, %swap3A_497, %swap3A_498] : memref<1x48x48x384xf32, #tpu.memory_space<vmem>>, vector<1x1x48x384xf32>
    %swap3A_500 = vector.shape_cast %swap3A_499 : vector<1x1x48x384xf32> to vector<48x384xf32>
    %swap3A_501 = vector.shape_cast %mul3A_494 : vector<48x384xf32> to vector<1x1x48x384xf32>
    tpu.vector_store %arg3[%swap3A_495, %swap3A_496, %swap3A_497, %swap3A_498], %swap3A_501 {strides = array<i32>} : memref<1x48x48x384xf32, #tpu.memory_space<vmem>>, vector<1x1x48x384xf32>,
    %get3A_502 = arith.constant 0 : index
    %get3A_503 = arith.constant 0 : index
    %get3A_504 = arith.constant 22 : index
    %get3A_505 = vector.load %arg1[%get3A_502, %get3A_503, %get3A_504] : memref<1x48x48xf32, #tpu.memory_space<vmem>>, vector<1x48x1xf32>
    %get3A_506 = vector.shape_cast %get3A_505 : vector<1x48x1xf32> to vector<48x1xf32>
    %add3A_507 = arith.constant 1.000000e-01 : f32
    %add3A_508 = vector.broadcast %add3A_507 : f32 to vector<48x1xf32>
    %add3A_509 = arith.addf %get3A_506, %add3A_508 : vector<48x1xf32>
    %get3A_510 = arith.constant 0 : index
    %get3A_511 = arith.constant 22 : index
    %get3A_512 = arith.constant 0 : index
    %get3A_513 = arith.constant 0 : index
    %get3A_514 = vector.load %arg2[%get3A_510, %get3A_511, %get3A_512, %get3A_513] : memref<1x48x48x384xf32, #tpu.memory_space<vmem>>, vector<1x1x48x384xf32>
    %get3A_515 = vector.shape_cast %get3A_514 : vector<1x1x48x384xf32> to vector<48x384xf32>
    %mul3A_516 = vector.broadcast %add3A_509 : vector<48x1xf32> to vector<48x384xf32>
    %mul3A_517 = arith.mulf %get3A_515, %mul3A_516 : vector<48x384xf32>
    %swap3A_518 = arith.constant 0 : index
    %swap3A_519 = arith.constant 22 : index
    %swap3A_520 = arith.constant 0 : index
    %swap3A_521 = arith.constant 0 : index
    %swap3A_522 = vector.load %arg3[%swap3A_518, %swap3A_519, %swap3A_520, %swap3A_521] : memref<1x48x48x384xf32, #tpu.memory_space<vmem>>, vector<1x1x48x384xf32>
    %swap3A_523 = vector.shape_cast %swap3A_522 : vector<1x1x48x384xf32> to vector<48x384xf32>
    %swap3A_524 = vector.shape_cast %mul3A_517 : vector<48x384xf32> to vector<1x1x48x384xf32>
    tpu.vector_store %arg3[%swap3A_518, %swap3A_519, %swap3A_520, %swap3A_521], %swap3A_524 {strides = array<i32>} : memref<1x48x48x384xf32, #tpu.memory_space<vmem>>, vector<1x1x48x384xf32>,
    %get3A_525 = arith.constant 0 : index
    %get3A_526 = arith.constant 0 : index
    %get3A_527 = arith.constant 23 : index
    %get3A_528 = vector.load %arg1[%get3A_525, %get3A_526, %get3A_527] : memref<1x48x48xf32, #tpu.memory_space<vmem>>, vector<1x48x1xf32>
    %get3A_529 = vector.shape_cast %get3A_528 : vector<1x48x1xf32> to vector<48x1xf32>
    %add3A_530 = arith.constant 1.000000e-01 : f32
    %add3A_531 = vector.broadcast %add3A_530 : f32 to vector<48x1xf32>
    %add3A_532 = arith.addf %get3A_529, %add3A_531 : vector<48x1xf32>
    %get3A_533 = arith.constant 0 : index
    %get3A_534 = arith.constant 23 : index
    %get3A_535 = arith.constant 0 : index
    %get3A_536 = arith.constant 0 : index
    %get3A_537 = vector.load %arg2[%get3A_533, %get3A_534, %get3A_535, %get3A_536] : memref<1x48x48x384xf32, #tpu.memory_space<vmem>>, vector<1x1x48x384xf32>
    %get3A_538 = vector.shape_cast %get3A_537 : vector<1x1x48x384xf32> to vector<48x384xf32>
    %mul3A_539 = vector.broadcast %add3A_532 : vector<48x1xf32> to vector<48x384xf32>
    %mul3A_540 = arith.mulf %get3A_538, %mul3A_539 : vector<48x384xf32>
    %swap3A_541 = arith.constant 0 : index
    %swap3A_542 = arith.constant 23 : index
    %swap3A_543 = arith.constant 0 : index
    %swap3A_544 = arith.constant 0 : index
    %swap3A_545 = vector.load %arg3[%swap3A_541, %swap3A_542, %swap3A_543, %swap3A_544] : memref<1x48x48x384xf32, #tpu.memory_space<vmem>>, vector<1x1x48x384xf32>
    %swap3A_546 = vector.shape_cast %swap3A_545 : vector<1x1x48x384xf32> to vector<48x384xf32>
    %swap3A_547 = vector.shape_cast %mul3A_540 : vector<48x384xf32> to vector<1x1x48x384xf32>
    tpu.vector_store %arg3[%swap3A_541, %swap3A_542, %swap3A_543, %swap3A_544], %swap3A_547 {strides = array<i32>} : memref<1x48x48x384xf32, #tpu.memory_space<vmem>>, vector<1x1x48x384xf32>,
    %get3A_548 = arith.constant 0 : index
    %get3A_549 = arith.constant 0 : index
    %get3A_550 = arith.constant 24 : index
    %get3A_551 = vector.load %arg1[%get3A_548, %get3A_549, %get3A_550] : memref<1x48x48xf32, #tpu.memory_space<vmem>>, vector<1x48x1xf32>
    %get3A_552 = vector.shape_cast %get3A_551 : vector<1x48x1xf32> to vector<48x1xf32>
    %add3A_553 = arith.constant 1.000000e-01 : f32
    %add3A_554 = vector.broadcast %add3A_553 : f32 to vector<48x1xf32>
    %add3A_555 = arith.addf %get3A_552, %add3A_554 : vector<48x1xf32>
    %get3A_556 = arith.constant 0 : index
    %get3A_557 = arith.constant 24 : index
    %get3A_558 = arith.constant 0 : index
    %get3A_559 = arith.constant 0 : index
    %get3A_560 = vector.load %arg2[%get3A_556, %get3A_557, %get3A_558, %get3A_559] : memref<1x48x48x384xf32, #tpu.memory_space<vmem>>, vector<1x1x48x384xf32>
    %get3A_561 = vector.shape_cast %get3A_560 : vector<1x1x48x384xf32> to vector<48x384xf32>
    %mul3A_562 = vector.broadcast %add3A_555 : vector<48x1xf32> to vector<48x384xf32>
    %mul3A_563 = arith.mulf %get3A_561, %mul3A_562 : vector<48x384xf32>
    %swap3A_564 = arith.constant 0 : index
    %swap3A_565 = arith.constant 24 : index
    %swap3A_566 = arith.constant 0 : index
    %swap3A_567 = arith.constant 0 : index
    %swap3A_568 = vector.load %arg3[%swap3A_564, %swap3A_565, %swap3A_566, %swap3A_567] : memref<1x48x48x384xf32, #tpu.memory_space<vmem>>, vector<1x1x48x384xf32>
    %swap3A_569 = vector.shape_cast %swap3A_568 : vector<1x1x48x384xf32> to vector<48x384xf32>
    %swap3A_570 = vector.shape_cast %mul3A_563 : vector<48x384xf32> to vector<1x1x48x384xf32>
    tpu.vector_store %arg3[%swap3A_564, %swap3A_565, %swap3A_566, %swap3A_567], %swap3A_570 {strides = array<i32>} : memref<1x48x48x384xf32, #tpu.memory_space<vmem>>, vector<1x1x48x384xf32>,
    %get3A_571 = arith.constant 0 : index
    %get3A_572 = arith.constant 0 : index
    %get3A_573 = arith.constant 25 : index
    %get3A_574 = vector.load %arg1[%get3A_571, %get3A_572, %get3A_573] : memref<1x48x48xf32, #tpu.memory_space<vmem>>, vector<1x48x1xf32>
    %get3A_575 = vector.shape_cast %get3A_574 : vector<1x48x1xf32> to vector<48x1xf32>
    %add3A_576 = arith.constant 1.000000e-01 : f32
    %add3A_577 = vector.broadcast %add3A_576 : f32 to vector<48x1xf32>
    %add3A_578 = arith.addf %get3A_575, %add3A_577 : vector<48x1xf32>
    %get3A_579 = arith.constant 0 : index
    %get3A_580 = arith.constant 25 : index
    %get3A_581 = arith.constant 0 : index
    %get3A_582 = arith.constant 0 : index
    %get3A_583 = vector.load %arg2[%get3A_579, %get3A_580, %get3A_581, %get3A_582] : memref<1x48x48x384xf32, #tpu.memory_space<vmem>>, vector<1x1x48x384xf32>
    %get3A_584 = vector.shape_cast %get3A_583 : vector<1x1x48x384xf32> to vector<48x384xf32>
    %mul3A_585 = vector.broadcast %add3A_578 : vector<48x1xf32> to vector<48x384xf32>
    %mul3A_586 = arith.mulf %get3A_584, %mul3A_585 : vector<48x384xf32>
    %swap3A_587 = arith.constant 0 : index
    %swap3A_588 = arith.constant 25 : index
    %swap3A_589 = arith.constant 0 : index
    %swap3A_590 = arith.constant 0 : index
    %swap3A_591 = vector.load %arg3[%swap3A_587, %swap3A_588, %swap3A_589, %swap3A_590] : memref<1x48x48x384xf32, #tpu.memory_space<vmem>>, vector<1x1x48x384xf32>
    %swap3A_592 = vector.shape_cast %swap3A_591 : vector<1x1x48x384xf32> to vector<48x384xf32>
    %swap3A_593 = vector.shape_cast %mul3A_586 : vector<48x384xf32> to vector<1x1x48x384xf32>
    tpu.vector_store %arg3[%swap3A_587, %swap3A_588, %swap3A_589, %swap3A_590], %swap3A_593 {strides = array<i32>} : memref<1x48x48x384xf32, #tpu.memory_space<vmem>>, vector<1x1x48x384xf32>,
    %get3A_594 = arith.constant 0 : index
    %get3A_595 = arith.constant 0 : index
    %get3A_596 = arith.constant 26 : index
    %get3A_597 = vector.load %arg1[%get3A_594, %get3A_595, %get3A_596] : memref<1x48x48xf32, #tpu.memory_space<vmem>>, vector<1x48x1xf32>
    %get3A_598 = vector.shape_cast %get3A_597 : vector<1x48x1xf32> to vector<48x1xf32>
    %add3A_599 = arith.constant 1.000000e-01 : f32
    %add3A_600 = vector.broadcast %add3A_599 : f32 to vector<48x1xf32>
    %add3A_601 = arith.addf %get3A_598, %add3A_600 : vector<48x1xf32>
    %get3A_602 = arith.constant 0 : index
    %get3A_603 = arith.constant 26 : index
    %get3A_604 = arith.constant 0 : index
    %get3A_605 = arith.constant 0 : index
    %get3A_606 = vector.load %arg2[%get3A_602, %get3A_603, %get3A_604, %get3A_605] : memref<1x48x48x384xf32, #tpu.memory_space<vmem>>, vector<1x1x48x384xf32>
    %get3A_607 = vector.shape_cast %get3A_606 : vector<1x1x48x384xf32> to vector<48x384xf32>
    %mul3A_608 = vector.broadcast %add3A_601 : vector<48x1xf32> to vector<48x384xf32>
    %mul3A_609 = arith.mulf %get3A_607, %mul3A_608 : vector<48x384xf32>
    %swap3A_610 = arith.constant 0 : index
    %swap3A_611 = arith.constant 26 : index
    %swap3A_612 = arith.constant 0 : index
    %swap3A_613 = arith.constant 0 : index
    %swap3A_614 = vector.load %arg3[%swap3A_610, %swap3A_611, %swap3A_612, %swap3A_613] : memref<1x48x48x384xf32, #tpu.memory_space<vmem>>, vector<1x1x48x384xf32>
    %swap3A_615 = vector.shape_cast %swap3A_614 : vector<1x1x48x384xf32> to vector<48x384xf32>
    %swap3A_616 = vector.shape_cast %mul3A_609 : vector<48x384xf32> to vector<1x1x48x384xf32>
    tpu.vector_store %arg3[%swap3A_610, %swap3A_611, %swap3A_612, %swap3A_613], %swap3A_616 {strides = array<i32>} : memref<1x48x48x384xf32, #tpu.memory_space<vmem>>, vector<1x1x48x384xf32>,
    %get3A_617 = arith.constant 0 : index
    %get3A_618 = arith.constant 0 : index
    %get3A_619 = arith.constant 27 : index
    %get3A_620 = vector.load %arg1[%get3A_617, %get3A_618, %get3A_619] : memref<1x48x48xf32, #tpu.memory_space<vmem>>, vector<1x48x1xf32>
    %get3A_621 = vector.shape_cast %get3A_620 : vector<1x48x1xf32> to vector<48x1xf32>
    %add3A_622 = arith.constant 1.000000e-01 : f32
    %add3A_623 = vector.broadcast %add3A_622 : f32 to vector<48x1xf32>
    %add3A_624 = arith.addf %get3A_621, %add3A_623 : vector<48x1xf32>
    %get3A_625 = arith.constant 0 : index
    %get3A_626 = arith.constant 27 : index
    %get3A_627 = arith.constant 0 : index
    %get3A_628 = arith.constant 0 : index
    %get3A_629 = vector.load %arg2[%get3A_625, %get3A_626, %get3A_627, %get3A_628] : memref<1x48x48x384xf32, #tpu.memory_space<vmem>>, vector<1x1x48x384xf32>
    %get3A_630 = vector.shape_cast %get3A_629 : vector<1x1x48x384xf32> to vector<48x384xf32>
    %mul3A_631 = vector.broadcast %add3A_624 : vector<48x1xf32> to vector<48x384xf32>
    %mul3A_632 = arith.mulf %get3A_630, %mul3A_631 : vector<48x384xf32>
    %swap3A_633 = arith.constant 0 : index
    %swap3A_634 = arith.constant 27 : index
    %swap3A_635 = arith.constant 0 : index
    %swap3A_636 = arith.constant 0 : index
    %swap3A_637 = vector.load %arg3[%swap3A_633, %swap3A_634, %swap3A_635, %swap3A_636] : memref<1x48x48x384xf32, #tpu.memory_space<vmem>>, vector<1x1x48x384xf32>
    %swap3A_638 = vector.shape_cast %swap3A_637 : vector<1x1x48x384xf32> to vector<48x384xf32>
    %swap3A_639 = vector.shape_cast %mul3A_632 : vector<48x384xf32> to vector<1x1x48x384xf32>
    tpu.vector_store %arg3[%swap3A_633, %swap3A_634, %swap3A_635, %swap3A_636], %swap3A_639 {strides = array<i32>} : memref<1x48x48x384xf32, #tpu.memory_space<vmem>>, vector<1x1x48x384xf32>,
    %get3A_640 = arith.constant 0 : index
    %get3A_641 = arith.constant 0 : index
    %get3A_642 = arith.constant 28 : index
    %get3A_643 = vector.load %arg1[%get3A_640, %get3A_641, %get3A_642] : memref<1x48x48xf32, #tpu.memory_space<vmem>>, vector<1x48x1xf32>
    %get3A_644 = vector.shape_cast %get3A_643 : vector<1x48x1xf32> to vector<48x1xf32>
    %add3A_645 = arith.constant 1.000000e-01 : f32
    %add3A_646 = vector.broadcast %add3A_645 : f32 to vector<48x1xf32>
    %add3A_647 = arith.addf %get3A_644, %add3A_646 : vector<48x1xf32>
    %get3A_648 = arith.constant 0 : index
    %get3A_649 = arith.constant 28 : index
    %get3A_650 = arith.constant 0 : index
    %get3A_651 = arith.constant 0 : index
    %get3A_652 = vector.load %arg2[%get3A_648, %get3A_649, %get3A_650, %get3A_651] : memref<1x48x48x384xf32, #tpu.memory_space<vmem>>, vector<1x1x48x384xf32>
    %get3A_653 = vector.shape_cast %get3A_652 : vector<1x1x48x384xf32> to vector<48x384xf32>
    %mul3A_654 = vector.broadcast %add3A_647 : vector<48x1xf32> to vector<48x384xf32>
    %mul3A_655 = arith.mulf %get3A_653, %mul3A_654 : vector<48x384xf32>
    %swap3A_656 = arith.constant 0 : index
    %swap3A_657 = arith.constant 28 : index
    %swap3A_658 = arith.constant 0 : index
    %swap3A_659 = arith.constant 0 : index
    %swap3A_660 = vector.load %arg3[%swap3A_656, %swap3A_657, %swap3A_658, %swap3A_659] : memref<1x48x48x384xf32, #tpu.memory_space<vmem>>, vector<1x1x48x384xf32>
    %swap3A_661 = vector.shape_cast %swap3A_660 : vector<1x1x48x384xf32> to vector<48x384xf32>
    %swap3A_662 = vector.shape_cast %mul3A_655 : vector<48x384xf32> to vector<1x1x48x384xf32>
    tpu.vector_store %arg3[%swap3A_656, %swap3A_657, %swap3A_658, %swap3A_659], %swap3A_662 {strides = array<i32>} : memref<1x48x48x384xf32, #tpu.memory_space<vmem>>, vector<1x1x48x384xf32>,
    %get3A_663 = arith.constant 0 : index
    %get3A_664 = arith.constant 0 : index
    %get3A_665 = arith.constant 29 : index
    %get3A_666 = vector.load %arg1[%get3A_663, %get3A_664, %get3A_665] : memref<1x48x48xf32, #tpu.memory_space<vmem>>, vector<1x48x1xf32>
    %get3A_667 = vector.shape_cast %get3A_666 : vector<1x48x1xf32> to vector<48x1xf32>
    %add3A_668 = arith.constant 1.000000e-01 : f32
    %add3A_669 = vector.broadcast %add3A_668 : f32 to vector<48x1xf32>
    %add3A_670 = arith.addf %get3A_667, %add3A_669 : vector<48x1xf32>
    %get3A_671 = arith.constant 0 : index
    %get3A_672 = arith.constant 29 : index
    %get3A_673 = arith.constant 0 : index
    %get3A_674 = arith.constant 0 : index
    %get3A_675 = vector.load %arg2[%get3A_671, %get3A_672, %get3A_673, %get3A_674] : memref<1x48x48x384xf32, #tpu.memory_space<vmem>>, vector<1x1x48x384xf32>
    %get3A_676 = vector.shape_cast %get3A_675 : vector<1x1x48x384xf32> to vector<48x384xf32>
    %mul3A_677 = vector.broadcast %add3A_670 : vector<48x1xf32> to vector<48x384xf32>
    %mul3A_678 = arith.mulf %get3A_676, %mul3A_677 : vector<48x384xf32>
    %swap3A_679 = arith.constant 0 : index
    %swap3A_680 = arith.constant 29 : index
    %swap3A_681 = arith.constant 0 : index
    %swap3A_682 = arith.constant 0 : index
    %swap3A_683 = vector.load %arg3[%swap3A_679, %swap3A_680, %swap3A_681, %swap3A_682] : memref<1x48x48x384xf32, #tpu.memory_space<vmem>>, vector<1x1x48x384xf32>
    %swap3A_684 = vector.shape_cast %swap3A_683 : vector<1x1x48x384xf32> to vector<48x384xf32>
    %swap3A_685 = vector.shape_cast %mul3A_678 : vector<48x384xf32> to vector<1x1x48x384xf32>
    tpu.vector_store %arg3[%swap3A_679, %swap3A_680, %swap3A_681, %swap3A_682], %swap3A_685 {strides = array<i32>} : memref<1x48x48x384xf32, #tpu.memory_space<vmem>>, vector<1x1x48x384xf32>,
    %get3A_686 = arith.constant 0 : index
    %get3A_687 = arith.constant 0 : index
    %get3A_688 = arith.constant 30 : index
    %get3A_689 = vector.load %arg1[%get3A_686, %get3A_687, %get3A_688] : memref<1x48x48xf32, #tpu.memory_space<vmem>>, vector<1x48x1xf32>
    %get3A_690 = vector.shape_cast %get3A_689 : vector<1x48x1xf32> to vector<48x1xf32>
    %add3A_691 = arith.constant 1.000000e-01 : f32
    %add3A_692 = vector.broadcast %add3A_691 : f32 to vector<48x1xf32>
    %add3A_693 = arith.addf %get3A_690, %add3A_692 : vector<48x1xf32>
    %get3A_694 = arith.constant 0 : index
    %get3A_695 = arith.constant 30 : index
    %get3A_696 = arith.constant 0 : index
    %get3A_697 = arith.constant 0 : index
    %get3A_698 = vector.load %arg2[%get3A_694, %get3A_695, %get3A_696, %get3A_697] : memref<1x48x48x384xf32, #tpu.memory_space<vmem>>, vector<1x1x48x384xf32>
    %get3A_699 = vector.shape_cast %get3A_698 : vector<1x1x48x384xf32> to vector<48x384xf32>
    %mul3A_700 = vector.broadcast %add3A_693 : vector<48x1xf32> to vector<48x384xf32>
    %mul3A_701 = arith.mulf %get3A_699, %mul3A_700 : vector<48x384xf32>
    %swap3A_702 = arith.constant 0 : index
    %swap3A_703 = arith.constant 30 : index
    %swap3A_704 = arith.constant 0 : index
    %swap3A_705 = arith.constant 0 : index
    %swap3A_706 = vector.load %arg3[%swap3A_702, %swap3A_703, %swap3A_704, %swap3A_705] : memref<1x48x48x384xf32, #tpu.memory_space<vmem>>, vector<1x1x48x384xf32>
    %swap3A_707 = vector.shape_cast %swap3A_706 : vector<1x1x48x384xf32> to vector<48x384xf32>
    %swap3A_708 = vector.shape_cast %mul3A_701 : vector<48x384xf32> to vector<1x1x48x384xf32>
    tpu.vector_store %arg3[%swap3A_702, %swap3A_703, %swap3A_704, %swap3A_705], %swap3A_708 {strides = array<i32>} : memref<1x48x48x384xf32, #tpu.memory_space<vmem>>, vector<1x1x48x384xf32>,
    %get3A_709 = arith.constant 0 : index
    %get3A_710 = arith.constant 0 : index
    %get3A_711 = arith.constant 31 : index
    %get3A_712 = vector.load %arg1[%get3A_709, %get3A_710, %get3A_711] : memref<1x48x48xf32, #tpu.memory_space<vmem>>, vector<1x48x1xf32>
    %get3A_713 = vector.shape_cast %get3A_712 : vector<1x48x1xf32> to vector<48x1xf32>
    %add3A_714 = arith.constant 1.000000e-01 : f32
    %add3A_715 = vector.broadcast %add3A_714 : f32 to vector<48x1xf32>
    %add3A_716 = arith.addf %get3A_713, %add3A_715 : vector<48x1xf32>
    %get3A_717 = arith.constant 0 : index
    %get3A_718 = arith.constant 31 : index
    %get3A_719 = arith.constant 0 : index
    %get3A_720 = arith.constant 0 : index
    %get3A_721 = vector.load %arg2[%get3A_717, %get3A_718, %get3A_719, %get3A_720] : memref<1x48x48x384xf32, #tpu.memory_space<vmem>>, vector<1x1x48x384xf32>
    %get3A_722 = vector.shape_cast %get3A_721 : vector<1x1x48x384xf32> to vector<48x384xf32>
    %mul3A_723 = vector.broadcast %add3A_716 : vector<48x1xf32> to vector<48x384xf32>
    %mul3A_724 = arith.mulf %get3A_722, %mul3A_723 : vector<48x384xf32>
    %swap3A_725 = arith.constant 0 : index
    %swap3A_726 = arith.constant 31 : index
    %swap3A_727 = arith.constant 0 : index
    %swap3A_728 = arith.constant 0 : index
    %swap3A_729 = vector.load %arg3[%swap3A_725, %swap3A_726, %swap3A_727, %swap3A_728] : memref<1x48x48x384xf32, #tpu.memory_space<vmem>>, vector<1x1x48x384xf32>
    %swap3A_730 = vector.shape_cast %swap3A_729 : vector<1x1x48x384xf32> to vector<48x384xf32>
    %swap3A_731 = vector.shape_cast %mul3A_724 : vector<48x384xf32> to vector<1x1x48x384xf32>
    tpu.vector_store %arg3[%swap3A_725, %swap3A_726, %swap3A_727, %swap3A_728], %swap3A_731 {strides = array<i32>} : memref<1x48x48x384xf32, #tpu.memory_space<vmem>>, vector<1x1x48x384xf32>,
    %get3A_732 = arith.constant 0 : index
    %get3A_733 = arith.constant 0 : index
    %get3A_734 = arith.constant 32 : index
    %get3A_735 = vector.load %arg1[%get3A_732, %get3A_733, %get3A_734] : memref<1x48x48xf32, #tpu.memory_space<vmem>>, vector<1x48x1xf32>
    %get3A_736 = vector.shape_cast %get3A_735 : vector<1x48x1xf32> to vector<48x1xf32>
    %add3A_737 = arith.constant 1.000000e-01 : f32
    %add3A_738 = vector.broadcast %add3A_737 : f32 to vector<48x1xf32>
    %add3A_739 = arith.addf %get3A_736, %add3A_738 : vector<48x1xf32>
    %get3A_740 = arith.constant 0 : index
    %get3A_741 = arith.constant 32 : index
    %get3A_742 = arith.constant 0 : index
    %get3A_743 = arith.constant 0 : index
    %get3A_744 = vector.load %arg2[%get3A_740, %get3A_741, %get3A_742, %get3A_743] : memref<1x48x48x384xf32, #tpu.memory_space<vmem>>, vector<1x1x48x384xf32>
    %get3A_745 = vector.shape_cast %get3A_744 : vector<1x1x48x384xf32> to vector<48x384xf32>
    %mul3A_746 = vector.broadcast %add3A_739 : vector<48x1xf32> to vector<48x384xf32>
    %mul3A_747 = arith.mulf %get3A_745, %mul3A_746 : vector<48x384xf32>
    %swap3A_748 = arith.constant 0 : index
    %swap3A_749 = arith.constant 32 : index
    %swap3A_750 = arith.constant 0 : index
    %swap3A_751 = arith.constant 0 : index
    %swap3A_752 = vector.load %arg3[%swap3A_748, %swap3A_749, %swap3A_750, %swap3A_751] : memref<1x48x48x384xf32, #tpu.memory_space<vmem>>, vector<1x1x48x384xf32>
    %swap3A_753 = vector.shape_cast %swap3A_752 : vector<1x1x48x384xf32> to vector<48x384xf32>
    %swap3A_754 = vector.shape_cast %mul3A_747 : vector<48x384xf32> to vector<1x1x48x384xf32>
    tpu.vector_store %arg3[%swap3A_748, %swap3A_749, %swap3A_750, %swap3A_751], %swap3A_754 {strides = array<i32>} : memref<1x48x48x384xf32, #tpu.memory_space<vmem>>, vector<1x1x48x384xf32>,
    %get3A_755 = arith.constant 0 : index
    %get3A_756 = arith.constant 0 : index
    %get3A_757 = arith.constant 33 : index
    %get3A_758 = vector.load %arg1[%get3A_755, %get3A_756, %get3A_757] : memref<1x48x48xf32, #tpu.memory_space<vmem>>, vector<1x48x1xf32>
    %get3A_759 = vector.shape_cast %get3A_758 : vector<1x48x1xf32> to vector<48x1xf32>
    %add3A_760 = arith.constant 1.000000e-01 : f32
    %add3A_761 = vector.broadcast %add3A_760 : f32 to vector<48x1xf32>
    %add3A_762 = arith.addf %get3A_759, %add3A_761 : vector<48x1xf32>
    %get3A_763 = arith.constant 0 : index
    %get3A_764 = arith.constant 33 : index
    %get3A_765 = arith.constant 0 : index
    %get3A_766 = arith.constant 0 : index
    %get3A_767 = vector.load %arg2[%get3A_763, %get3A_764, %get3A_765, %get3A_766] : memref<1x48x48x384xf32, #tpu.memory_space<vmem>>, vector<1x1x48x384xf32>
    %get3A_768 = vector.shape_cast %get3A_767 : vector<1x1x48x384xf32> to vector<48x384xf32>
    %mul3A_769 = vector.broadcast %add3A_762 : vector<48x1xf32> to vector<48x384xf32>
    %mul3A_770 = arith.mulf %get3A_768, %mul3A_769 : vector<48x384xf32>
    %swap3A_771 = arith.constant 0 : index
    %swap3A_772 = arith.constant 33 : index
    %swap3A_773 = arith.constant 0 : index
    %swap3A_774 = arith.constant 0 : index
    %swap3A_775 = vector.load %arg3[%swap3A_771, %swap3A_772, %swap3A_773, %swap3A_774] : memref<1x48x48x384xf32, #tpu.memory_space<vmem>>, vector<1x1x48x384xf32>
    %swap3A_776 = vector.shape_cast %swap3A_775 : vector<1x1x48x384xf32> to vector<48x384xf32>
    %swap3A_777 = vector.shape_cast %mul3A_770 : vector<48x384xf32> to vector<1x1x48x384xf32>
    tpu.vector_store %arg3[%swap3A_771, %swap3A_772, %swap3A_773, %swap3A_774], %swap3A_777 {strides = array<i32>} : memref<1x48x48x384xf32, #tpu.memory_space<vmem>>, vector<1x1x48x384xf32>,
    %get3A_778 = arith.constant 0 : index
    %get3A_779 = arith.constant 0 : index
    %get3A_780 = arith.constant 34 : index
    %get3A_781 = vector.load %arg1[%get3A_778, %get3A_779, %get3A_780] : memref<1x48x48xf32, #tpu.memory_space<vmem>>, vector<1x48x1xf32>
    %get3A_782 = vector.shape_cast %get3A_781 : vector<1x48x1xf32> to vector<48x1xf32>
    %add3A_783 = arith.constant 1.000000e-01 : f32
    %add3A_784 = vector.broadcast %add3A_783 : f32 to vector<48x1xf32>
    %add3A_785 = arith.addf %get3A_782, %add3A_784 : vector<48x1xf32>
    %get3A_786 = arith.constant 0 : index
    %get3A_787 = arith.constant 34 : index
    %get3A_788 = arith.constant 0 : index
    %get3A_789 = arith.constant 0 : index
    %get3A_790 = vector.load %arg2[%get3A_786, %get3A_787, %get3A_788, %get3A_789] : memref<1x48x48x384xf32, #tpu.memory_space<vmem>>, vector<1x1x48x384xf32>
    %get3A_791 = vector.shape_cast %get3A_790 : vector<1x1x48x384xf32> to vector<48x384xf32>
    %mul3A_792 = vector.broadcast %add3A_785 : vector<48x1xf32> to vector<48x384xf32>
    %mul3A_793 = arith.mulf %get3A_791, %mul3A_792 : vector<48x384xf32>
    %swap3A_794 = arith.constant 0 : index
    %swap3A_795 = arith.constant 34 : index
    %swap3A_796 = arith.constant 0 : index
    %swap3A_797 = arith.constant 0 : index
    %swap3A_798 = vector.load %arg3[%swap3A_794, %swap3A_795, %swap3A_796, %swap3A_797] : memref<1x48x48x384xf32, #tpu.memory_space<vmem>>, vector<1x1x48x384xf32>
    %swap3A_799 = vector.shape_cast %swap3A_798 : vector<1x1x48x384xf32> to vector<48x384xf32>
    %swap3A_800 = vector.shape_cast %mul3A_793 : vector<48x384xf32> to vector<1x1x48x384xf32>
    tpu.vector_store %arg3[%swap3A_794, %swap3A_795, %swap3A_796, %swap3A_797], %swap3A_800 {strides = array<i32>} : memref<1x48x48x384xf32, #tpu.memory_space<vmem>>, vector<1x1x48x384xf32>,
    %get3A_801 = arith.constant 0 : index
    %get3A_802 = arith.constant 0 : index
    %get3A_803 = arith.constant 35 : index
    %get3A_804 = vector.load %arg1[%get3A_801, %get3A_802, %get3A_803] : memref<1x48x48xf32, #tpu.memory_space<vmem>>, vector<1x48x1xf32>
    %get3A_805 = vector.shape_cast %get3A_804 : vector<1x48x1xf32> to vector<48x1xf32>
    %add3A_806 = arith.constant 1.000000e-01 : f32
    %add3A_807 = vector.broadcast %add3A_806 : f32 to vector<48x1xf32>
    %add3A_808 = arith.addf %get3A_805, %add3A_807 : vector<48x1xf32>
    %get3A_809 = arith.constant 0 : index
    %get3A_810 = arith.constant 35 : index
    %get3A_811 = arith.constant 0 : index
    %get3A_812 = arith.constant 0 : index
    %get3A_813 = vector.load %arg2[%get3A_809, %get3A_810, %get3A_811, %get3A_812] : memref<1x48x48x384xf32, #tpu.memory_space<vmem>>, vector<1x1x48x384xf32>
    %get3A_814 = vector.shape_cast %get3A_813 : vector<1x1x48x384xf32> to vector<48x384xf32>
    %mul3A_815 = vector.broadcast %add3A_808 : vector<48x1xf32> to vector<48x384xf32>
    %mul3A_816 = arith.mulf %get3A_814, %mul3A_815 : vector<48x384xf32>
    %swap3A_817 = arith.constant 0 : index
    %swap3A_818 = arith.constant 35 : index
    %swap3A_819 = arith.constant 0 : index
    %swap3A_820 = arith.constant 0 : index
    %swap3A_821 = vector.load %arg3[%swap3A_817, %swap3A_818, %swap3A_819, %swap3A_820] : memref<1x48x48x384xf32, #tpu.memory_space<vmem>>, vector<1x1x48x384xf32>
    %swap3A_822 = vector.shape_cast %swap3A_821 : vector<1x1x48x384xf32> to vector<48x384xf32>
    %swap3A_823 = vector.shape_cast %mul3A_816 : vector<48x384xf32> to vector<1x1x48x384xf32>
    tpu.vector_store %arg3[%swap3A_817, %swap3A_818, %swap3A_819, %swap3A_820], %swap3A_823 {strides = array<i32>} : memref<1x48x48x384xf32, #tpu.memory_space<vmem>>, vector<1x1x48x384xf32>,
    %get3A_824 = arith.constant 0 : index
    %get3A_825 = arith.constant 0 : index
    %get3A_826 = arith.constant 36 : index
    %get3A_827 = vector.load %arg1[%get3A_824, %get3A_825, %get3A_826] : memref<1x48x48xf32, #tpu.memory_space<vmem>>, vector<1x48x1xf32>
    %get3A_828 = vector.shape_cast %get3A_827 : vector<1x48x1xf32> to vector<48x1xf32>
    %add3A_829 = arith.constant 1.000000e-01 : f32
    %add3A_830 = vector.broadcast %add3A_829 : f32 to vector<48x1xf32>
    %add3A_831 = arith.addf %get3A_828, %add3A_830 : vector<48x1xf32>
    %get3A_832 = arith.constant 0 : index
    %get3A_833 = arith.constant 36 : index
    %get3A_834 = arith.constant 0 : index
    %get3A_835 = arith.constant 0 : index
    %get3A_836 = vector.load %arg2[%get3A_832, %get3A_833, %get3A_834, %get3A_835] : memref<1x48x48x384xf32, #tpu.memory_space<vmem>>, vector<1x1x48x384xf32>
    %get3A_837 = vector.shape_cast %get3A_836 : vector<1x1x48x384xf32> to vector<48x384xf32>
    %mul3A_838 = vector.broadcast %add3A_831 : vector<48x1xf32> to vector<48x384xf32>
    %mul3A_839 = arith.mulf %get3A_837, %mul3A_838 : vector<48x384xf32>
    %swap3A_840 = arith.constant 0 : index
    %swap3A_841 = arith.constant 36 : index
    %swap3A_842 = arith.constant 0 : index
    %swap3A_843 = arith.constant 0 : index
    %swap3A_844 = vector.load %arg3[%swap3A_840, %swap3A_841, %swap3A_842, %swap3A_843] : memref<1x48x48x384xf32, #tpu.memory_space<vmem>>, vector<1x1x48x384xf32>
    %swap3A_845 = vector.shape_cast %swap3A_844 : vector<1x1x48x384xf32> to vector<48x384xf32>
    %swap3A_846 = vector.shape_cast %mul3A_839 : vector<48x384xf32> to vector<1x1x48x384xf32>
    tpu.vector_store %arg3[%swap3A_840, %swap3A_841, %swap3A_842, %swap3A_843], %swap3A_846 {strides = array<i32>} : memref<1x48x48x384xf32, #tpu.memory_space<vmem>>, vector<1x1x48x384xf32>,
    %get3A_847 = arith.constant 0 : index
    %get3A_848 = arith.constant 0 : index
    %get3A_849 = arith.constant 37 : index
    %get3A_850 = vector.load %arg1[%get3A_847, %get3A_848, %get3A_849] : memref<1x48x48xf32, #tpu.memory_space<vmem>>, vector<1x48x1xf32>
    %get3A_851 = vector.shape_cast %get3A_850 : vector<1x48x1xf32> to vector<48x1xf32>
    %add3A_852 = arith.constant 1.000000e-01 : f32
    %add3A_853 = vector.broadcast %add3A_852 : f32 to vector<48x1xf32>
    %add3A_854 = arith.addf %get3A_851, %add3A_853 : vector<48x1xf32>
    %get3A_855 = arith.constant 0 : index
    %get3A_856 = arith.constant 37 : index
    %get3A_857 = arith.constant 0 : index
    %get3A_858 = arith.constant 0 : index
    %get3A_859 = vector.load %arg2[%get3A_855, %get3A_856, %get3A_857, %get3A_858] : memref<1x48x48x384xf32, #tpu.memory_space<vmem>>, vector<1x1x48x384xf32>
    %get3A_860 = vector.shape_cast %get3A_859 : vector<1x1x48x384xf32> to vector<48x384xf32>
    %mul3A_861 = vector.broadcast %add3A_854 : vector<48x1xf32> to vector<48x384xf32>
    %mul3A_862 = arith.mulf %get3A_860, %mul3A_861 : vector<48x384xf32>
    %swap3A_863 = arith.constant 0 : index
    %swap3A_864 = arith.constant 37 : index
    %swap3A_865 = arith.constant 0 : index
    %swap3A_866 = arith.constant 0 : index
    %swap3A_867 = vector.load %arg3[%swap3A_863, %swap3A_864, %swap3A_865, %swap3A_866] : memref<1x48x48x384xf32, #tpu.memory_space<vmem>>, vector<1x1x48x384xf32>
    %swap3A_868 = vector.shape_cast %swap3A_867 : vector<1x1x48x384xf32> to vector<48x384xf32>
    %swap3A_869 = vector.shape_cast %mul3A_862 : vector<48x384xf32> to vector<1x1x48x384xf32>
    tpu.vector_store %arg3[%swap3A_863, %swap3A_864, %swap3A_865, %swap3A_866], %swap3A_869 {strides = array<i32>} : memref<1x48x48x384xf32, #tpu.memory_space<vmem>>, vector<1x1x48x384xf32>,
    %get3A_870 = arith.constant 0 : index
    %get3A_871 = arith.constant 0 : index
    %get3A_872 = arith.constant 38 : index
    %get3A_873 = vector.load %arg1[%get3A_870, %get3A_871, %get3A_872] : memref<1x48x48xf32, #tpu.memory_space<vmem>>, vector<1x48x1xf32>
    %get3A_874 = vector.shape_cast %get3A_873 : vector<1x48x1xf32> to vector<48x1xf32>
    %add3A_875 = arith.constant 1.000000e-01 : f32
    %add3A_876 = vector.broadcast %add3A_875 : f32 to vector<48x1xf32>
    %add3A_877 = arith.addf %get3A_874, %add3A_876 : vector<48x1xf32>
    %get3A_878 = arith.constant 0 : index
    %get3A_879 = arith.constant 38 : index
    %get3A_880 = arith.constant 0 : index
    %get3A_881 = arith.constant 0 : index
    %get3A_882 = vector.load %arg2[%get3A_878, %get3A_879, %get3A_880, %get3A_881] : memref<1x48x48x384xf32, #tpu.memory_space<vmem>>, vector<1x1x48x384xf32>
    %get3A_883 = vector.shape_cast %get3A_882 : vector<1x1x48x384xf32> to vector<48x384xf32>
    %mul3A_884 = vector.broadcast %add3A_877 : vector<48x1xf32> to vector<48x384xf32>
    %mul3A_885 = arith.mulf %get3A_883, %mul3A_884 : vector<48x384xf32>
    %swap3A_886 = arith.constant 0 : index
    %swap3A_887 = arith.constant 38 : index
    %swap3A_888 = arith.constant 0 : index
    %swap3A_889 = arith.constant 0 : index
    %swap3A_890 = vector.load %arg3[%swap3A_886, %swap3A_887, %swap3A_888, %swap3A_889] : memref<1x48x48x384xf32, #tpu.memory_space<vmem>>, vector<1x1x48x384xf32>
    %swap3A_891 = vector.shape_cast %swap3A_890 : vector<1x1x48x384xf32> to vector<48x384xf32>
    %swap3A_892 = vector.shape_cast %mul3A_885 : vector<48x384xf32> to vector<1x1x48x384xf32>
    tpu.vector_store %arg3[%swap3A_886, %swap3A_887, %swap3A_888, %swap3A_889], %swap3A_892 {strides = array<i32>} : memref<1x48x48x384xf32, #tpu.memory_space<vmem>>, vector<1x1x48x384xf32>,
    %get3A_893 = arith.constant 0 : index
    %get3A_894 = arith.constant 0 : index
    %get3A_895 = arith.constant 39 : index
    %get3A_896 = vector.load %arg1[%get3A_893, %get3A_894, %get3A_895] : memref<1x48x48xf32, #tpu.memory_space<vmem>>, vector<1x48x1xf32>
    %get3A_897 = vector.shape_cast %get3A_896 : vector<1x48x1xf32> to vector<48x1xf32>
    %add3A_898 = arith.constant 1.000000e-01 : f32
    %add3A_899 = vector.broadcast %add3A_898 : f32 to vector<48x1xf32>
    %add3A_900 = arith.addf %get3A_897, %add3A_899 : vector<48x1xf32>
    %get3A_901 = arith.constant 0 : index
    %get3A_902 = arith.constant 39 : index
    %get3A_903 = arith.constant 0 : index
    %get3A_904 = arith.constant 0 : index
    %get3A_905 = vector.load %arg2[%get3A_901, %get3A_902, %get3A_903, %get3A_904] : memref<1x48x48x384xf32, #tpu.memory_space<vmem>>, vector<1x1x48x384xf32>
    %get3A_906 = vector.shape_cast %get3A_905 : vector<1x1x48x384xf32> to vector<48x384xf32>
    %mul3A_907 = vector.broadcast %add3A_900 : vector<48x1xf32> to vector<48x384xf32>
    %mul3A_908 = arith.mulf %get3A_906, %mul3A_907 : vector<48x384xf32>
    %swap3A_909 = arith.constant 0 : index
    %swap3A_910 = arith.constant 39 : index
    %swap3A_911 = arith.constant 0 : index
    %swap3A_912 = arith.constant 0 : index
    %swap3A_913 = vector.load %arg3[%swap3A_909, %swap3A_910, %swap3A_911, %swap3A_912] : memref<1x48x48x384xf32, #tpu.memory_space<vmem>>, vector<1x1x48x384xf32>
    %swap3A_914 = vector.shape_cast %swap3A_913 : vector<1x1x48x384xf32> to vector<48x384xf32>
    %swap3A_915 = vector.shape_cast %mul3A_908 : vector<48x384xf32> to vector<1x1x48x384xf32>
    tpu.vector_store %arg3[%swap3A_909, %swap3A_910, %swap3A_911, %swap3A_912], %swap3A_915 {strides = array<i32>} : memref<1x48x48x384xf32, #tpu.memory_space<vmem>>, vector<1x1x48x384xf32>,
    %get3A_916 = arith.constant 0 : index
    %get3A_917 = arith.constant 0 : index
    %get3A_918 = arith.constant 40 : index
    %get3A_919 = vector.load %arg1[%get3A_916, %get3A_917, %get3A_918] : memref<1x48x48xf32, #tpu.memory_space<vmem>>, vector<1x48x1xf32>
    %get3A_920 = vector.shape_cast %get3A_919 : vector<1x48x1xf32> to vector<48x1xf32>
    %add3A_921 = arith.constant 1.000000e-01 : f32
    %add3A_922 = vector.broadcast %add3A_921 : f32 to vector<48x1xf32>
    %add3A_923 = arith.addf %get3A_920, %add3A_922 : vector<48x1xf32>
    %get3A_924 = arith.constant 0 : index
    %get3A_925 = arith.constant 40 : index
    %get3A_926 = arith.constant 0 : index
    %get3A_927 = arith.constant 0 : index
    %get3A_928 = vector.load %arg2[%get3A_924, %get3A_925, %get3A_926, %get3A_927] : memref<1x48x48x384xf32, #tpu.memory_space<vmem>>, vector<1x1x48x384xf32>
    %get3A_929 = vector.shape_cast %get3A_928 : vector<1x1x48x384xf32> to vector<48x384xf32>
    %mul3A_930 = vector.broadcast %add3A_923 : vector<48x1xf32> to vector<48x384xf32>
    %mul3A_931 = arith.mulf %get3A_929, %mul3A_930 : vector<48x384xf32>
    %swap3A_932 = arith.constant 0 : index
    %swap3A_933 = arith.constant 40 : index
    %swap3A_934 = arith.constant 0 : index
    %swap3A_935 = arith.constant 0 : index
    %swap3A_936 = vector.load %arg3[%swap3A_932, %swap3A_933, %swap3A_934, %swap3A_935] : memref<1x48x48x384xf32, #tpu.memory_space<vmem>>, vector<1x1x48x384xf32>
    %swap3A_937 = vector.shape_cast %swap3A_936 : vector<1x1x48x384xf32> to vector<48x384xf32>
    %swap3A_938 = vector.shape_cast %mul3A_931 : vector<48x384xf32> to vector<1x1x48x384xf32>
    tpu.vector_store %arg3[%swap3A_932, %swap3A_933, %swap3A_934, %swap3A_935], %swap3A_938 {strides = array<i32>} : memref<1x48x48x384xf32, #tpu.memory_space<vmem>>, vector<1x1x48x384xf32>,
    %get3A_939 = arith.constant 0 : index
    %get3A_940 = arith.constant 0 : index
    %get3A_941 = arith.constant 41 : index
    %get3A_942 = vector.load %arg1[%get3A_939, %get3A_940, %get3A_941] : memref<1x48x48xf32, #tpu.memory_space<vmem>>, vector<1x48x1xf32>
    %get3A_943 = vector.shape_cast %get3A_942 : vector<1x48x1xf32> to vector<48x1xf32>
    %add3A_944 = arith.constant 1.000000e-01 : f32
    %add3A_945 = vector.broadcast %add3A_944 : f32 to vector<48x1xf32>
    %add3A_946 = arith.addf %get3A_943, %add3A_945 : vector<48x1xf32>
    %get3A_947 = arith.constant 0 : index
    %get3A_948 = arith.constant 41 : index
    %get3A_949 = arith.constant 0 : index
    %get3A_950 = arith.constant 0 : index
    %get3A_951 = vector.load %arg2[%get3A_947, %get3A_948, %get3A_949, %get3A_950] : memref<1x48x48x384xf32, #tpu.memory_space<vmem>>, vector<1x1x48x384xf32>
    %get3A_952 = vector.shape_cast %get3A_951 : vector<1x1x48x384xf32> to vector<48x384xf32>
    %mul3A_953 = vector.broadcast %add3A_946 : vector<48x1xf32> to vector<48x384xf32>
    %mul3A_954 = arith.mulf %get3A_952, %mul3A_953 : vector<48x384xf32>
    %swap3A_955 = arith.constant 0 : index
    %swap3A_956 = arith.constant 41 : index
    %swap3A_957 = arith.constant 0 : index
    %swap3A_958 = arith.constant 0 : index
    %swap3A_959 = vector.load %arg3[%swap3A_955, %swap3A_956, %swap3A_957, %swap3A_958] : memref<1x48x48x384xf32, #tpu.memory_space<vmem>>, vector<1x1x48x384xf32>
    %swap3A_960 = vector.shape_cast %swap3A_959 : vector<1x1x48x384xf32> to vector<48x384xf32>
    %swap3A_961 = vector.shape_cast %mul3A_954 : vector<48x384xf32> to vector<1x1x48x384xf32>
    tpu.vector_store %arg3[%swap3A_955, %swap3A_956, %swap3A_957, %swap3A_958], %swap3A_961 {strides = array<i32>} : memref<1x48x48x384xf32, #tpu.memory_space<vmem>>, vector<1x1x48x384xf32>,
    %get3A_962 = arith.constant 0 : index
    %get3A_963 = arith.constant 0 : index
    %get3A_964 = arith.constant 42 : index
    %get3A_965 = vector.load %arg1[%get3A_962, %get3A_963, %get3A_964] : memref<1x48x48xf32, #tpu.memory_space<vmem>>, vector<1x48x1xf32>
    %get3A_966 = vector.shape_cast %get3A_965 : vector<1x48x1xf32> to vector<48x1xf32>
    %add3A_967 = arith.constant 1.000000e-01 : f32
    %add3A_968 = vector.broadcast %add3A_967 : f32 to vector<48x1xf32>
    %add3A_969 = arith.addf %get3A_966, %add3A_968 : vector<48x1xf32>
    %get3A_970 = arith.constant 0 : index
    %get3A_971 = arith.constant 42 : index
    %get3A_972 = arith.constant 0 : index
    %get3A_973 = arith.constant 0 : index
    %get3A_974 = vector.load %arg2[%get3A_970, %get3A_971, %get3A_972, %get3A_973] : memref<1x48x48x384xf32, #tpu.memory_space<vmem>>, vector<1x1x48x384xf32>
    %get3A_975 = vector.shape_cast %get3A_974 : vector<1x1x48x384xf32> to vector<48x384xf32>
    %mul3A_976 = vector.broadcast %add3A_969 : vector<48x1xf32> to vector<48x384xf32>
    %mul3A_977 = arith.mulf %get3A_975, %mul3A_976 : vector<48x384xf32>
    %swap3A_978 = arith.constant 0 : index
    %swap3A_979 = arith.constant 42 : index
    %swap3A_980 = arith.constant 0 : index
    %swap3A_981 = arith.constant 0 : index
    %swap3A_982 = vector.load %arg3[%swap3A_978, %swap3A_979, %swap3A_980, %swap3A_981] : memref<1x48x48x384xf32, #tpu.memory_space<vmem>>, vector<1x1x48x384xf32>
    %swap3A_983 = vector.shape_cast %swap3A_982 : vector<1x1x48x384xf32> to vector<48x384xf32>
    %swap3A_984 = vector.shape_cast %mul3A_977 : vector<48x384xf32> to vector<1x1x48x384xf32>
    tpu.vector_store %arg3[%swap3A_978, %swap3A_979, %swap3A_980, %swap3A_981], %swap3A_984 {strides = array<i32>} : memref<1x48x48x384xf32, #tpu.memory_space<vmem>>, vector<1x1x48x384xf32>,
    %get3A_985 = arith.constant 0 : index
    %get3A_986 = arith.constant 0 : index
    %get3A_987 = arith.constant 43 : index
    %get3A_988 = vector.load %arg1[%get3A_985, %get3A_986, %get3A_987] : memref<1x48x48xf32, #tpu.memory_space<vmem>>, vector<1x48x1xf32>
    %get3A_989 = vector.shape_cast %get3A_988 : vector<1x48x1xf32> to vector<48x1xf32>
    %add3A_990 = arith.constant 1.000000e-01 : f32
    %add3A_991 = vector.broadcast %add3A_990 : f32 to vector<48x1xf32>
    %add3A_992 = arith.addf %get3A_989, %add3A_991 : vector<48x1xf32>
    %get3A_993 = arith.constant 0 : index
    %get3A_994 = arith.constant 43 : index
    %get3A_995 = arith.constant 0 : index
    %get3A_996 = arith.constant 0 : index
    %get3A_997 = vector.load %arg2[%get3A_993, %get3A_994, %get3A_995, %get3A_996] : memref<1x48x48x384xf32, #tpu.memory_space<vmem>>, vector<1x1x48x384xf32>
    %get3A_998 = vector.shape_cast %get3A_997 : vector<1x1x48x384xf32> to vector<48x384xf32>
    %mul3A_999 = vector.broadcast %add3A_992 : vector<48x1xf32> to vector<48x384xf32>
    %mul3A_1000 = arith.mulf %get3A_998, %mul3A_999 : vector<48x384xf32>
    %swap3A_1001 = arith.constant 0 : index
    %swap3A_1002 = arith.constant 43 : index
    %swap3A_1003 = arith.constant 0 : index
    %swap3A_1004 = arith.constant 0 : index
    %swap3A_1005 = vector.load %arg3[%swap3A_1001, %swap3A_1002, %swap3A_1003, %swap3A_1004] : memref<1x48x48x384xf32, #tpu.memory_space<vmem>>, vector<1x1x48x384xf32>
    %swap3A_1006 = vector.shape_cast %swap3A_1005 : vector<1x1x48x384xf32> to vector<48x384xf32>
    %swap3A_1007 = vector.shape_cast %mul3A_1000 : vector<48x384xf32> to vector<1x1x48x384xf32>
    tpu.vector_store %arg3[%swap3A_1001, %swap3A_1002, %swap3A_1003, %swap3A_1004], %swap3A_1007 {strides = array<i32>} : memref<1x48x48x384xf32, #tpu.memory_space<vmem>>, vector<1x1x48x384xf32>,
    %get3A_1008 = arith.constant 0 : index
    %get3A_1009 = arith.constant 0 : index
    %get3A_1010 = arith.constant 44 : index
    %get3A_1011 = vector.load %arg1[%get3A_1008, %get3A_1009, %get3A_1010] : memref<1x48x48xf32, #tpu.memory_space<vmem>>, vector<1x48x1xf32>
    %get3A_1012 = vector.shape_cast %get3A_1011 : vector<1x48x1xf32> to vector<48x1xf32>
    %add3A_1013 = arith.constant 1.000000e-01 : f32
    %add3A_1014 = vector.broadcast %add3A_1013 : f32 to vector<48x1xf32>
    %add3A_1015 = arith.addf %get3A_1012, %add3A_1014 : vector<48x1xf32>
    %get3A_1016 = arith.constant 0 : index
    %get3A_1017 = arith.constant 44 : index
    %get3A_1018 = arith.constant 0 : index
    %get3A_1019 = arith.constant 0 : index
    %get3A_1020 = vector.load %arg2[%get3A_1016, %get3A_1017, %get3A_1018, %get3A_1019] : memref<1x48x48x384xf32, #tpu.memory_space<vmem>>, vector<1x1x48x384xf32>
    %get3A_1021 = vector.shape_cast %get3A_1020 : vector<1x1x48x384xf32> to vector<48x384xf32>
    %mul3A_1022 = vector.broadcast %add3A_1015 : vector<48x1xf32> to vector<48x384xf32>
    %mul3A_1023 = arith.mulf %get3A_1021, %mul3A_1022 : vector<48x384xf32>
    %swap3A_1024 = arith.constant 0 : index
    %swap3A_1025 = arith.constant 44 : index
    %swap3A_1026 = arith.constant 0 : index
    %swap3A_1027 = arith.constant 0 : index
    %swap3A_1028 = vector.load %arg3[%swap3A_1024, %swap3A_1025, %swap3A_1026, %swap3A_1027] : memref<1x48x48x384xf32, #tpu.memory_space<vmem>>, vector<1x1x48x384xf32>
    %swap3A_1029 = vector.shape_cast %swap3A_1028 : vector<1x1x48x384xf32> to vector<48x384xf32>
    %swap3A_1030 = vector.shape_cast %mul3A_1023 : vector<48x384xf32> to vector<1x1x48x384xf32>
    tpu.vector_store %arg3[%swap3A_1024, %swap3A_1025, %swap3A_1026, %swap3A_1027], %swap3A_1030 {strides = array<i32>} : memref<1x48x48x384xf32, #tpu.memory_space<vmem>>, vector<1x1x48x384xf32>,
    %get3A_1031 = arith.constant 0 : index
    %get3A_1032 = arith.constant 0 : index
    %get3A_1033 = arith.constant 45 : index
    %get3A_1034 = vector.load %arg1[%get3A_1031, %get3A_1032, %get3A_1033] : memref<1x48x48xf32, #tpu.memory_space<vmem>>, vector<1x48x1xf32>
    %get3A_1035 = vector.shape_cast %get3A_1034 : vector<1x48x1xf32> to vector<48x1xf32>
    %add3A_1036 = arith.constant 1.000000e-01 : f32
    %add3A_1037 = vector.broadcast %add3A_1036 : f32 to vector<48x1xf32>
    %add3A_1038 = arith.addf %get3A_1035, %add3A_1037 : vector<48x1xf32>
    %get3A_1039 = arith.constant 0 : index
    %get3A_1040 = arith.constant 45 : index
    %get3A_1041 = arith.constant 0 : index
    %get3A_1042 = arith.constant 0 : index
    %get3A_1043 = vector.load %arg2[%get3A_1039, %get3A_1040, %get3A_1041, %get3A_1042] : memref<1x48x48x384xf32, #tpu.memory_space<vmem>>, vector<1x1x48x384xf32>
    %get3A_1044 = vector.shape_cast %get3A_1043 : vector<1x1x48x384xf32> to vector<48x384xf32>
    %mul3A_1045 = vector.broadcast %add3A_1038 : vector<48x1xf32> to vector<48x384xf32>
    %mul3A_1046 = arith.mulf %get3A_1044, %mul3A_1045 : vector<48x384xf32>
    %swap3A_1047 = arith.constant 0 : index
    %swap3A_1048 = arith.constant 45 : index
    %swap3A_1049 = arith.constant 0 : index
    %swap3A_1050 = arith.constant 0 : index
    %swap3A_1051 = vector.load %arg3[%swap3A_1047, %swap3A_1048, %swap3A_1049, %swap3A_1050] : memref<1x48x48x384xf32, #tpu.memory_space<vmem>>, vector<1x1x48x384xf32>
    %swap3A_1052 = vector.shape_cast %swap3A_1051 : vector<1x1x48x384xf32> to vector<48x384xf32>
    %swap3A_1053 = vector.shape_cast %mul3A_1046 : vector<48x384xf32> to vector<1x1x48x384xf32>
    tpu.vector_store %arg3[%swap3A_1047, %swap3A_1048, %swap3A_1049, %swap3A_1050], %swap3A_1053 {strides = array<i32>} : memref<1x48x48x384xf32, #tpu.memory_space<vmem>>, vector<1x1x48x384xf32>,
    %get3A_1054 = arith.constant 0 : index
    %get3A_1055 = arith.constant 0 : index
    %get3A_1056 = arith.constant 46 : index
    %get3A_1057 = vector.load %arg1[%get3A_1054, %get3A_1055, %get3A_1056] : memref<1x48x48xf32, #tpu.memory_space<vmem>>, vector<1x48x1xf32>
    %get3A_1058 = vector.shape_cast %get3A_1057 : vector<1x48x1xf32> to vector<48x1xf32>
    %add3A_1059 = arith.constant 1.000000e-01 : f32
    %add3A_1060 = vector.broadcast %add3A_1059 : f32 to vector<48x1xf32>
    %add3A_1061 = arith.addf %get3A_1058, %add3A_1060 : vector<48x1xf32>
    %get3A_1062 = arith.constant 0 : index
    %get3A_1063 = arith.constant 46 : index
    %get3A_1064 = arith.constant 0 : index
    %get3A_1065 = arith.constant 0 : index
    %get3A_1066 = vector.load %arg2[%get3A_1062, %get3A_1063, %get3A_1064, %get3A_1065] : memref<1x48x48x384xf32, #tpu.memory_space<vmem>>, vector<1x1x48x384xf32>
    %get3A_1067 = vector.shape_cast %get3A_1066 : vector<1x1x48x384xf32> to vector<48x384xf32>
    %mul3A_1068 = vector.broadcast %add3A_1061 : vector<48x1xf32> to vector<48x384xf32>
    %mul3A_1069 = arith.mulf %get3A_1067, %mul3A_1068 : vector<48x384xf32>
    %swap3A_1070 = arith.constant 0 : index
    %swap3A_1071 = arith.constant 46 : index
    %swap3A_1072 = arith.constant 0 : index
    %swap3A_1073 = arith.constant 0 : index
    %swap3A_1074 = vector.load %arg3[%swap3A_1070, %swap3A_1071, %swap3A_1072, %swap3A_1073] : memref<1x48x48x384xf32, #tpu.memory_space<vmem>>, vector<1x1x48x384xf32>
    %swap3A_1075 = vector.shape_cast %swap3A_1074 : vector<1x1x48x384xf32> to vector<48x384xf32>
    %swap3A_1076 = vector.shape_cast %mul3A_1069 : vector<48x384xf32> to vector<1x1x48x384xf32>
    tpu.vector_store %arg3[%swap3A_1070, %swap3A_1071, %swap3A_1072, %swap3A_1073], %swap3A_1076 {strides = array<i32>} : memref<1x48x48x384xf32, #tpu.memory_space<vmem>>, vector<1x1x48x384xf32>,
    %get3A_1077 = arith.constant 0 : index
    %get3A_1078 = arith.constant 0 : index
    %get3A_1079 = arith.constant 47 : index
    %get3A_1080 = vector.load %arg1[%get3A_1077, %get3A_1078, %get3A_1079] : memref<1x48x48xf32, #tpu.memory_space<vmem>>, vector<1x48x1xf32>
    %get3A_1081 = vector.shape_cast %get3A_1080 : vector<1x48x1xf32> to vector<48x1xf32>
    %add3A_1082 = arith.constant 1.000000e-01 : f32
    %add3A_1083 = vector.broadcast %add3A_1082 : f32 to vector<48x1xf32>
    %add3A_1084 = arith.addf %get3A_1081, %add3A_1083 : vector<48x1xf32>
    %get3A_1085 = arith.constant 0 : index
    %get3A_1086 = arith.constant 47 : index
    %get3A_1087 = arith.constant 0 : index
    %get3A_1088 = arith.constant 0 : index
    %get3A_1089 = vector.load %arg2[%get3A_1085, %get3A_1086, %get3A_1087, %get3A_1088] : memref<1x48x48x384xf32, #tpu.memory_space<vmem>>, vector<1x1x48x384xf32>
    %get3A_1090 = vector.shape_cast %get3A_1089 : vector<1x1x48x384xf32> to vector<48x384xf32>
    %mul3A_1091 = vector.broadcast %add3A_1084 : vector<48x1xf32> to vector<48x384xf32>
    %mul3A_1092 = arith.mulf %get3A_1090, %mul3A_1091 : vector<48x384xf32>
    %swap3A_1093 = arith.constant 0 : index
    %swap3A_1094 = arith.constant 47 : index
    %swap3A_1095 = arith.constant 0 : index
    %swap3A_1096 = arith.constant 0 : index
    %swap3A_1097 = vector.load %arg3[%swap3A_1093, %swap3A_1094, %swap3A_1095, %swap3A_1096] : memref<1x48x48x384xf32, #tpu.memory_space<vmem>>, vector<1x1x48x384xf32>
    %swap3A_1098 = vector.shape_cast %swap3A_1097 : vector<1x1x48x384xf32> to vector<48x384xf32>
    %swap3A_1099 = vector.shape_cast %mul3A_1092 : vector<48x384xf32> to vector<1x1x48x384xf32>
    tpu.vector_store %arg3[%swap3A_1093, %swap3A_1094, %swap3A_1095, %swap3A_1096], %swap3A_1099 {strides = array<i32>} : memref<1x48x48x384xf32, #tpu.memory_space<vmem>>, vector<1x1x48x384xf32>,
    return
  }
  func.func @transform_0(%arg0: i32) -> (i32, i32, i32) {
    %c0_i32 = arith.constant 0 : i32
    %c0_i32_0 = arith.constant 0 : i32
    %c0_i32_1 = arith.constant 0 : i32
    return %arg0, %c0_i32, %c0_i32_0 : i32, i32, i32
  }
  func.func @transform_1(%arg0: i32) -> (i32, i32, i32, i32) {
    %c0_i32 = arith.constant 0 : i32
    %c0_i32_0 = arith.constant 0 : i32
    %c0_i32_1 = arith.constant 0 : i32
    %c0_i32_2 = arith.constant 0 : i32
    return %arg0, %c0_i32, %c0_i32_0, %c0_i32_1 : i32, i32, i32, i32
  }
  func.func @transform_2(%arg0: i32) -> (i32, i32, i32, i32) {
    %c0_i32 = arith.constant 0 : i32
    %c0_i32_0 = arith.constant 0 : i32
    %c0_i32_1 = arith.constant 0 : i32
    %c0_i32_2 = arith.constant 0 : i32
    return %arg0, %c0_i32, %c0_i32_0, %c0_i32_1 : i32, i32, i32, i32
  }
}

</mosaic_0001>

<sc_bundles>
// kernel: kernel.4.cloned.1.call-start
scs
__scs_entry_jumppad:
0x0: {  	(pc) =	sbr.rel $0x88, $3  }
0x1: {  	(tag) =	ssettag $0x0;
	lr =	simm.s32 $0x1  }
0x2: {  	[smem:$0x3F9F] =	sst lr;
	_ =	strace $0xD0000000  }
0x3: {  	_ = 	snop  }
0x4: {  	_ = 	snop  }
0x5: {  	_ = 	snop  }
0x6: {  	_ = 	snop  }
0x7: {  	_ = 	snop  }
__scs_overlays_trampoline_lowered:
0x8: {  	[smem:$0x3FAE] =	sst s0  }
0x9: {  	[smem:$0x3FAF] =	sst s1  }
0xa: {  	[smem:$0x3FB0] =	sst s2  }
0xb: {  	[smem:$0x3FB1] =	sst s3  }
0xc: {  	[smem:$0x3FB2] =	sst s4  }
0xd: {  	[smem:$0x3FB3] =	sst s5  }
0xe: {  	[smem:$0x3FB4] =	sst s6  }
0xf: {  	[smem:$0x3FB5] =	sst s7  }
0x10: {  	[smem:$0x3FB6] =	sst s8  }
0x11: {  	[smem:$0x3FB7] =	sst s9;
	s0 =	simm.s32 @!p0 $0x0  }
0x12: {  	s1 =	sld [smem:$0x3F9D];
	s0 =	simm.s32 @p0 $0x1  }
0x13: {  	[smem:$0x3FB8] =	sst s0;
	s0 =	simm.s32 @!p1 $0x0  }
0x14: {  	s2 =	sld [smem:$0x3F9C];
	s0 =	simm.s32 @p1 $0x1  }
0x15: {  	[smem:$0x3FB9] =	sst s0;
	s0 =	simm.s32 @!p2 $0x0  }
0x16: {  	s3 =	sld [smem:$0x3FDB];
	s0 =	simm.s32 @p2 $0x1  }
0x17: {  	s4 =	simm.s32 $0x1BF5;
	[smem:$0x3FBB] =	sst s0  }
0x18: {  	s0 =	sld [smem:$0x3F9E];
	_ =	swait.ge [sflag:s4], $0x0  }
0x19: {  	s7 =	sld [smem:$0x3F9F]  }
0x1a: {  	s8 =	sadd.s32 $0xFFFFE003, lr  }
0x1b: {  	s9 =	sadd.s32 $0xFFFFFEF7, lr;
	s5 =	simm.s32 $0xFFFFFFFF;
	p2 =	slt.u32 s8, $0xFFFFF086  }
0x1c: {  	p1 =	slt.u32 s9, $0xF7A;
	s5 =	simm.s32 @!p2 $0x0  }
0x1d: {  	s5 =	simm.s32 @p1 $0x1;
	p0 =	seq.s32 s7, s2  }
0x1e: {  	s7 =	smul.u32 @!p0 $0xF7A, s2;
	p2 =	seq.s32 @!p0 s5, $0x0  }
0x1f: {  	s9 =	smul.u32 $0xF7A, s1;
	s8 =	simm.s32 @!p0 $0x1BF5;
	p2 =	por !p2, p0  }
0x20: {  	[sflag:s8] =	ssyncset.s32 @!p0 $0xFFFFF086;
	s6 =	sadd.s32 @!p0 s3, s7;
	s7 =	simm.s32 @!p0 $0x108  }
0x21: {  	s3 =	sadd.s32 s3, s9;
	s6 =	sadd.s32 @!p0 $0x88, s6;
	s7 =	simm.s32 @p2 $0x1082  }
0x22: {  	[simem:s7], [sflag:s8] =	dma.local @!p0 [hbm:s6], $0xF7A  }
0x23: {  	s9 =	sor.u32 $0xD0000000, s2;
	s6 =	simm.s32 $0x108;
	_ =	swait.ge @!p0 [sflag:s8], $0x0  }
0x24: {  	s3 =	sadd.s32 $0x88, s3;
	s6 =	simm.s32 @!p1 $0x1082;
	[sflag:s4] =	ssyncset.s32 $0xFFFFF086  }
0x25: {  	[simem:s6], [sflag:s4] =	dma.local [hbm:s3], $0xF7A  }
0x26: {  	[smem:$0x3F9F] =	sst s1;
	(tag) =	ssettag s2;
	_ =	strace s9  }
0x27: {  	s1 =	sld [smem:$0x3FAF]  }
0x28: {  	s2 =	sld [smem:$0x3FB0]  }
0x29: {  	s4 =	sld [smem:$0x3FB2]  }
0x2a: {  	p0 =	seq.s32 s5, $0x0;
	s5 =	sld [smem:$0x3FB3]  }
0x2b: {  	s6 =	sld [smem:$0x3FB4]  }
0x2c: {  	s7 =	sld [smem:$0x3FB5]  }
0x2d: {  	s3 =	simm.s32 $0x108;
	s8 =	sld [smem:$0x3FB6]  }
0x2e: {  	s3 =	simm.s32 @!p0 $0x1082;
	s9 =	sld [smem:$0x3FB7]  }
0x2f: {  	lr =	sadd.s32 s0, s3;
	s0 =	sld [smem:$0x3FAE]  }
0x30: {  	s3 =	sld [smem:$0x3FB1]  }
0x31: {  	[smem:$0x3FBA] =	sst s10  }
0x32: {  	s10 =	sld [smem:$0x3FB8];
	_ =	sdelay $0x3  }
0x33: {  	p0 =	seq.s32 s10, $0x1;
	s10 =	sld [smem:$0x3FBA];
	_ =	sdelay $0x3  }
0x34: {  	[smem:$0x3FBA] =	sst s10  }
0x35: {  	s10 =	sld [smem:$0x3FB9];
	_ =	sdelay $0x3  }
0x36: {  	p1 =	seq.s32 s10, $0x1;
	s10 =	sld [smem:$0x3FBA];
	_ =	sdelay $0x3  }
0x37: {  	[smem:$0x3FBA] =	sst s10  }
0x38: {  	s10 =	sld [smem:$0x3FBB]  }
0x39: {  	_ = 	snop;
	(pc) =	sbr.ind lr, $3  }
0x3a: {  	_ = 	snop  }
0x3b: {  	_ = 	snop  }
0x3c: {  	p2 =	seq.s32 s10, $0x1;
	s10 =	sld [smem:$0x3FBA]  }
0x3d: {  	_ =	shalt  }
0x3e: {  	_ =	shalt  }
0x3f: {  	_ =	shalt  }
0x40: {  	_ =	shalt  }
0x41: {  	_ =	shalt  }
0x42: {  	_ =	shalt  }
0x43: {  	_ =	shalt  }
0x44: {  	_ =	shalt  }
0x45: {  	_ =	shalt  }
0x46: {  	_ =	shalt  }
0x47: {  	_ =	shalt  }
0x48: {  	_ =	shalt  }
0x49: {  	_ =	shalt  }
0x4a: {  	_ =	shalt  }
0x4b: {  	_ =	shalt  }
0x4c: {  	_ =	shalt  }
0x4d: {  	_ =	shalt  }
0x4e: {  	_ =	shalt  }
0x4f: {  	_ =	shalt  }
0x50: {  	_ =	shalt  }
0x51: {  	_ =	shalt  }
0x52: {  	_ =	shalt  }
0x53: {  	_ =	shalt  }
0x54: {  	_ =	shalt  }
0x55: {  	_ =	shalt  }
0x56: {  	_ =	shalt  }
0x57: {  	_ =	shalt  }
0x58: {  	_ =	shalt  }
0x59: {  	_ =	shalt  }
0x5a: {  	_ =	shalt  }
0x5b: {  	_ =	shalt  }
0x5c: {  	_ =	shalt  }
0x5d: {  	_ =	shalt  }
0x5e: {  	_ =	shalt  }
0x5f: {  	_ =	shalt  }
0x60: {  	_ =	shalt  }
0x61: {  	_ =	shalt  }
0x62: {  	_ =	shalt  }
0x63: {  	_ =	shalt  }
0x64: {  	_ =	shalt  }
0x65: {  	_ =	shalt  }
0x66: {  	_ =	shalt  }
0x67: {  	_ =	shalt  }
0x68: {  	_ =	shalt  }
0x69: {  	_ =	shalt  }
0x6a: {  	_ =	shalt  }
0x6b: {  	_ =	shalt  }
0x6c: {  	_ =	shalt  }
0x6d: {  	_ =	shalt  }
0x6e: {  	_ =	shalt  }
0x6f: {  	_ =	shalt  }
0x70: {  	_ =	shalt  }
0x71: {  	_ =	shalt  }
0x72: {  	_ =	shalt  }
0x73: {  	_ =	shalt  }
0x74: {  	_ =	shalt  }
0x75: {  	_ =	shalt  }
0x76: {  	_ =	shalt  }
0x77: {  	_ =	shalt  }
0x78: {  	_ =	shalt  }
0x79: {  	_ =	shalt  }
0x7a: {  	_ =	shalt  }
0x7b: {  	_ =	shalt  }
0x7c: {  	_ =	shalt  }
0x7d: {  	_ =	shalt  }
0x7e: {  	_ =	shalt  }
0x7f: {  	_ =	shalt  }
0x80: {  	_ =	shalt  }
0x81: {  	_ =	shalt  }
0x82: {  	_ =	shalt  }
0x83: {  	_ =	shalt  }
0x84: {  	_ =	shalt  }
0x85: {  	_ =	shalt  }
0x86: {  	_ =	shalt  }
0x87: {  	_ =	shalt  }
.Lfunc_end0:
.L_simem_size_0:
called_computation_lowered:
.L_overlay_start_0:
0x88: {  	s2 =	sld [smem:$0x3FD9]  }
0x89: {  	s3 =	sld [smem:$0x3FFE];
	_ =	sdelay $0x1  }
0x8a: {  	s1 =	srdreg.scid  }
0x8b: {  	s0 =	sand.u32 $0x1, s1  }
0x8c: {  	s14 =	sshll.u32 s0, $0xA;
	s2 =	sadd.s32 s3, s2  }
0x8d: {  	s2 =	sadd.s32 s2, s14  }
0x8e: {  	[smem:$0x3FC6] =	sst s2  }
0x8f: {  	_ = 	snop  }
0x90: {  	s2 =	sld [smem:$0x3FD0];
	_ =	sdelay $0x2  }
0x91: {  	s15 =	simm.s32 $0xA;
	s4 =	simm.s32 $0x10  }
0x92: {  	[smem:s4], [sflag:s15] =	dma.local [hbm:s2], $0x1  }
0x93: {  	_ =	swait.eq [sflag:s15], $0x1  }
0x94: {  	[sflag:s15] =	ssyncset.done $0x0  }
0x95: {  	s16 =	sld [smem:$0x10];
	[sflag:s15] =	ssyncadd.s32 $0xFFFFFFFF  }
0x96: {  	s17 =	sld [smem:$0x11];
	(tm) =	ssettm $0x1  }
0x97: {  	s18 =	sld [smem:$0x3FFB];
	_ =	sdelay $0x3  }
0x98: {  	_ =	strace s18  }
0x99: {  	s4 =	sld [smem:$0x3FFC];
	_ =	sdelay $0x3  }
0x9a: {  	_ =	strace s4  }
0x9b: {  	s4 =	sld [smem:$0x3FFD];
	_ =	sdelay $0x3  }
0x9c: {  	_ =	strace s4  }
0x9d: {  	_ =	strace $0x8FFFFFFF  }
0x9e: {  	s19 =	sld [smem:$0x3FDB];
	_ =	sdelay $0x1  }
0x9f: {  	s5 =	simm.s32 $_scs_section_size  }
0xa0: {  	s6 =	simm.s32 $_size__tile_overlayer_lowered;
	s7 =	simm.s32 $_tile_overlayer_lowered  }
0xa1: {  	s22 =	simm.s32 $0x1BFF;
	s21 =	sshll.u32 s7, $0x1;
	s4 =	sadd.s32 s5, s19  }
0xa2: {  	s8 =	simm.s32 $0x0;
	s20 =	sshll.u32 s6, $0x1;
	s6 =	sadd.s32 s21, s4  }
0xa3: {  	[timem:s8], [sflag:s22] =	dma.local [hbm:s6], s20  }
0xa4: {  	_ =	swait.ge [sflag:s22], s20  }
0xa5: {  	s5 =	ssub.s32 $0x0, s20;
	[sflag:s22] =	ssyncset.done $0x0  }
0xa6: {  	[sflag:s22] =	ssyncadd.s32 s5;
	_ =	sdelay $0x1  }
0xa7: {  	s23 =	simm.s32 $0x1B8B  }
0xa8: {  	_ =	swait.ge [sflag:s23], $0x1  }
0xa9: {  	[sflag:s23] =	ssyncset.done $0x0  }
0xaa: {  	s25 =	simm.s32 $0x1B8E;
	s24 =	sld [smem:$0x3FFE];
	[sflag:s23] =	ssyncadd.s32 $0xFFFFFFFF  }
0xab: {  	s26 =	simm.s32 $execute0_lowered;
	[smem:$0x3FD2] =	sst s25  }
0xac: {  	s6 =	sshll.u32 s26, $0x1;
	_ =	strace $0x80000046;
	[dreg:$0x1] =	wrdreg $0xFFFFFFFF  }
0xad: {  	s28 =	simm.s32 $_size_execute0_lowered;
	s4 =	sadd.s32 s4, s6;
	[dreg:$0x0] =	wrdreg $0x0  }
0xae: {  	s6 =	sshll.u32 s28, $0x1;
	[dreg:$0x2] =	wrdreg s4  }
0xaf: {  	[dreg:$0x3] =	wrdreg s6  }
0xb0: {  	[dreg:$0x4] =	wrdreg $0xC0  }
0xb1: {  	_ =	task [dreg:s8], $0x5FFFF  }
0xb2: {  	[dreg:$0x1] =	wrdreg $0xFFFFFFFF  }
0xb3: {  	[dreg:$0x0] =	wrdreg $0x60  }
0xb4: {  	[dreg:$0x2] =	wrdreg s16  }
0xb5: {  	[dreg:$0x3] =	wrdreg s24  }
0xb6: {  	[dreg:$0x4] =	wrdreg s17  }
0xb7: {  	[dreg:$0x5] =	wrdreg $0x9  }
0xb8: {  	_ =	task.clear_ibuf [dreg:s8], $0x6FFFF;
	_ =	strace $0x90000046  }
0xb9: {  	s29 =	simm.s32 $0x9;
	_ =	strace $0x80000048  }
0xba: {  	_ =	swait.ge [sflag:s29], $0x1  }
0xbb: {  	[sflag:s29] =	ssyncadd.s32 $0xFFFFFFFF  }
0xbc: {  	_ =	strace $0x90000048  }
0xbd: {  	_ =	sfence  }
0xbe: {  	s30 =	sld [smem:$0x0];
	_ =	sdelay $0x2  }
0xbf: {  	s31 =	sshll.u32 s1, $0xD;
	s1 =	sshrl.u32 s1, $0x2  }
0xc0: {  	s3 =	sand.u32 $0x4000, s31;
	s1 =	sadd.s32 s1, s30  }
0xc1: {  	s0 =	sor.u32 s3, s0;
	s1 =	sshll.u32 s1, $0x11  }
0xc2: {  	s0 =	sor.u32 s1, s0  }
0xc3: {  	s0 =	sadd.s32 $0x8F2B, s0  }
0xc4: {  	[sflag:s0] =	ssyncadd.remote.s32 $0x1  }
0xc5: {  	_ =	sfence.sel $0xFFFF  }
0xc6: {  	[dreg:$0x0] =	wrdreg $0xFFFFFFFF;
	(pc) =	sbr.abs _section_cstart, $3  }
0xc7: {  	[dreg:$0x1] =	wrdreg $0xFFFFFFFF  }
0xc8: {  	_ =	task.clear_ibuf [dreg:s8], $0x2FFFF;
	_ =	strace $0x9FFFFFFF  }
0xc9: {  	(tm) =	ssettm $0x7FFFFFFF  }
tec
execute0_lowered:
.L_overlay_start_1:
0x0: {  	(tag) =	ssettag $0x1  }
0x1: {  	s1 =	stileid.u32  }
0x2: {  	p0 =	sgt.u32 s1, $0x7  }
.Ltmp0:
0x3: {  	s5 =	rddreg [dreg:$0x0];
	(pc) =	sbr.rel @p0 .LBB2_13-.Ltmp0, $4  }
0x4: {  	s3 =	rddreg [dreg:$0x1]  }
0x5: {  	s4 =	rddreg [dreg:$0x2];
	s2 =	simm.s32 $0x0  }
0x6: {  	[smem:$0x7FF] =	sst s2  }
0x7: {  	s0 =	rddreg [dreg:$0x3];
	_ =	strace $0x80000047  }
0x8: {  	s6 =	srdreg.scid;
	s7 =	sshrl.u32 s1, $0x2;
	vm0 =	vcmask $0x300;
	v0 =	vimm.f32 $7.500000000e-01;
	v1 =	vimm.f32 $2.500000000e-01  }
0x9: {  	s8 =	sshll.u32 s1, $0x8;
	vm1 =	vcmask $0xB08;
	s6 =	sand.u32 $0x1, s6;
	s10 =	smul.u32 $0x2400, s7;
	v0 =	vsel vm0, $0x3E800000, v0;
	v1 =	vsel vm0, $0x3F400000, v1  }
0xa: {  	vm10 =	vcmask $0x1310;
	s8 =	sand.u32 $0x300, s8;
	s7 =	smul.u32 $0x4800, s7;
	s9 =	sshll.u32 s6, $0x7;
	v0 =	vsel vm1, $0x3E800000, v0;
	v1 =	vsel vm1, $0x3F400000, v1  }
0xb: {  	vm11 =	vcmask $0x1B18;
	s11 =	simm.s32 $0x1680;
	s6 =	ssub.s32 $0x2, s6;
	s8 =	sor.u32 s9, s8;
	v0 =	vsel vm10, $0x3E800000, v0;
	v1 =	vsel vm10, $0x3F400000, v1  }
0xc: {  	vm12 =	vcmask $0x2320;
	s31 =	sshrl.u32 s6, $0x1;
	s9 =	sor.u32 s10, s8;
	s7 =	sor.u32 s7, s8;
	v0 =	vsel vm11, $0x3E800000, v0;
	v1 =	vsel vm11, $0x3F400000, v1  }
0xd: {  	vm13 =	vcmask $0x2B28;
	s6 =	ssub.s32 s6, s31;
	s8 =	simm.s32 $0x400;
	s10 =	simm.s32 $0x480;
	v0 =	vsel vm12, $0x3E800000, v0;
	v1 =	vsel vm12, $0x3F400000, v1  }
0xe: {  	vm14 =	vcmask $0x3330;
	s9 =	sshrl.u32 s9, $0x3;
	s7 =	sshrl.u32 s7, $0x3;
	s6 =	smax.u32 s6, $0x1;
	v0 =	vsel vm13, $0x3E800000, v0;
	v1 =	vsel vm13, $0x3F400000, v1  }
0xf: {  	vm15 =	vcmask $0x3B38;
	s3 =	sadd.s32 s9, s3;
	s4 =	sadd.s32 s4, s7;
	s5 =	sadd.s32 s5, s9;
	v0 =	vsel vm14, $0x3E800000, v0;
	v1 =	vsel vm14, $0x3F400000, v1  }
0x10: {  	v2 =	vimm.f32 $0.0e+00;
	s7 =	simm.s32 $0x80;
	s9 =	simm.s32 $0x1;
	s3 =	sadd.s32 $0x600, s3;
	v0 =	vsel vm15, $0x3E800000, v0;
	v1 =	vsel vm15, $0x3F400000, v1  }
.LBB2_2:
0x11: {  	s12 =	simm.s32 $0x0  }
0x12: {  	[tilespmem:s12], [sflag:$0x1] =	stream.strided.gather [hbm4b:s5+s7], $0x480, s8, s7, $0x38;
	[tilespmem:$0x1F80] =	vst v63  }
0x13: {  	_ =	swait.ge [sflag:s9], $0x480  }
0x14: {  	[sflag:s9] =	ssyncset.done $0x0  }
0x15: {  	[sflag:s9] =	ssyncadd.s32 $0xFFFFFB80  }
0x16: {  	[tilespmem:s10], [sflag:$0x1] =	stream.strided.gather [hbm4b:s3+s7], $0x480, s8, s7, $0x38;
	[tilespmem:$0x1F80] =	vst v63  }
0x17: {  	_ =	swait.ge [sflag:s9], $0x480  }
0x18: {  	[sflag:s9] =	ssyncset.done $0x0  }
0x19: {  	s12 =	simm.s32 $0x0;
	[sflag:s9] =	ssyncadd.s32 $0xFFFFFB80  }
0x1a: {  	v4 =	vld [tilespmem:s12+$0x20]  }
0x1b: {  	v5 =	vld [tilespmem:s12+$0x4A0]  }
0x1c: {  	v7 =	vld [tilespmem:s12+$0x0]  }
0x1d: {  	v8 =	vld [tilespmem:s12+$0x480]  }
0x1e: {  	v9 =	vld [tilespmem:s12+$0x10]  }
0x1f: {  	s13 =	simm.s32 $0x30;
	v10 =	vld [tilespmem:s12+$0x490]  }
0x20: {  	v3 =	vld [tilespmem:s13+$0x20];
	v11 =	vmul.f32 v0, v4;
	v5 =	vmul.f32 v1, v5  }
0x21: {  	v6 =	vld [tilespmem:s13+$0x4A0]  }
0x22: {  	v4 =	vld [tilespmem:s13+$0x0];
	v12 =	vmul.f32 v0, v7;
	v13 =	vmul.f32 v1, v8;
	v11 =	vadd.f32 v5, v11  }
0x23: {  	v7 =	vld [tilespmem:s13+$0x480]  }
0x24: {  	s14 =	simm.s32 $0x180;
	v8 =	vmul.f32 v0, v9;
	v10 =	vmul.f32 v1, v10;
	v5 =	vld [tilespmem:s13+$0x10];
	v9 =	vadd.f32 v13, v12;
	[tilespmem:s12+$0x920] =	vst v11  }
.LBB2_3:
0x25: {  	s15 =	sshra.s32 s14, $0x2;
	v11 =	vld [tilespmem:s13+$0x490];
	p0 =	sne.s32 s14, $0x1140  }
.Ltmp1:
0x26: {  	s14 =	sadd.s32 $0xC0, s14;
	v12 =	vmul.f32 v0, v3;
	v3 =	vld [tilespmem:s15+$0x20];
	v13 =	vmul.f32 v1, v6;
	[tilespmem:s12+$0x900] =	vst v9;
	v8 =	vadd.f32 v10, v8;
	(pc) =	sbr.rel @p0 .LBB2_3-.Ltmp1, $4  }
0x27: {  	v6 =	vld [tilespmem:s15+$0x4A0];
	v9 =	vmul.f32 v0, v4  }
0x28: {  	v4 =	vld [tilespmem:s15+$0x0];
	v10 =	vmul.f32 v1, v7;
	v12 =	vadd.f32 v13, v12;
	[tilespmem:s12+$0x910] =	vst v8;
	s12 =	smov.u32 s13;
	s13 =	smov.u32 s15  }
0x29: {  	v7 =	vld [tilespmem:s13+$0x480];
	v8 =	vmul.f32 v0, v5  }
0x2a: {  	v5 =	vld [tilespmem:s13+$0x10];
	v9 =	vadd.f32 v10, v9;
	v10 =	vmul.f32 v1, v11;
	[tilespmem:s12+$0x920] =	vst v12  }
0x2b: {  	v11 =	vld [tilespmem:s13+$0x490];
	_ =	sdelay $0x2  }
0x2c: {  	v3 =	vmul.f32 v0, v3;
	v6 =	vmul.f32 v1, v6  }
0x2d: {  	v8 =	vadd.f32 v10, v8;
	v4 =	vmul.f32 v0, v4;
	v7 =	vmul.f32 v1, v7  }
0x2e: {  	[tilespmem:s12+$0x900] =	vst v9;
	v3 =	vadd.f32 v6, v3;
	v5 =	vmul.f32 v0, v5;
	v6 =	vmul.f32 v1, v11  }
0x2f: {  	[tilespmem:s12+$0x910] =	vst v8;
	v4 =	vadd.f32 v7, v4  }
0x30: {  	[tilespmem:s13+$0x920] =	vst v3;
	v3 =	vadd.f32 v6, v5  }
0x31: {  	[tilespmem:s13+$0x900] =	vst v4  }
0x32: {  	[tilespmem:s13+$0x910] =	vst v3  }
0x33: {  	v3 =	vld [tilespmem:$0x9F0];
	_ =	sdelay $0x4  }
0x34: {  	[tilespmem:$0x1F8E0] =	vst v3;
	v3 =	vld [tilespmem:$0x9D0];
	_ =	sdelay $0x4  }
0x35: {  	[tilespmem:$0x1F8F0] =	vst v3;
	v3 =	vld [tilespmem:$0xA00];
	_ =	sdelay $0x4  }
0x36: {  	[tilespmem:$0x1F900] =	vst v3;
	v3 =	vld [tilespmem:$0x9E0];
	_ =	sdelay $0x4  }
0x37: {  	[tilespmem:$0x1F910] =	vst v3;
	v3 =	vld [tilespmem:$0xA10];
	_ =	sdelay $0x4  }
0x38: {  	[tilespmem:$0x1F920] =	vst v3;
	v3 =	vld [tilespmem:$0x9F0];
	_ =	sdelay $0x4  }
0x39: {  	[tilespmem:$0x1F930] =	vst v3;
	v3 =	vld [tilespmem:$0xA20];
	_ =	sdelay $0x4  }
0x3a: {  	[tilespmem:$0x1F940] =	vst v3;
	v3 =	vld [tilespmem:$0xA00];
	_ =	sdelay $0x4  }
0x3b: {  	[tilespmem:$0x1F950] =	vst v3;
	v3 =	vld [tilespmem:$0xA30];
	_ =	sdelay $0x4  }
0x3c: {  	[tilespmem:$0x1F960] =	vst v3;
	v3 =	vld [tilespmem:$0xA10];
	_ =	sdelay $0x4  }
0x3d: {  	[tilespmem:$0x1F970] =	vst v3;
	v3 =	vld [tilespmem:$0xA40];
	_ =	sdelay $0x4  }
0x3e: {  	[tilespmem:$0x1F980] =	vst v3;
	v3 =	vld [tilespmem:$0x9F0];
	_ =	sdelay $0x4  }
0x3f: {  	[tilespmem:$0x1F990] =	vst v3;
	v3 =	vld [tilespmem:$0xA20];
	_ =	sdelay $0x4  }
0x40: {  	[tilespmem:$0x1F9A0] =	vst v3;
	v3 =	vld [tilespmem:$0xA00];
	_ =	sdelay $0x4  }
0x41: {  	[tilespmem:$0x1F9B0] =	vst v3;
	v3 =	vld [tilespmem:$0xA30];
	_ =	sdelay $0x4  }
0x42: {  	[tilespmem:$0x1F9C0] =	vst v3;
	v3 =	vld [tilespmem:$0xA10];
	_ =	sdelay $0x4  }
0x43: {  	[tilespmem:$0x1F9D0] =	vst v3;
	v3 =	vld [tilespmem:$0xA40];
	_ =	sdelay $0x4  }
0x44: {  	[tilespmem:$0x1F9E0] =	vst v3;
	v3 =	vld [tilespmem:$0xA20];
	_ =	sdelay $0x4  }
0x45: {  	[tilespmem:$0x1F9F0] =	vst v3;
	v3 =	vld [tilespmem:$0xA50];
	_ =	sdelay $0x4  }
0x46: {  	[tilespmem:$0x1FA00] =	vst v3;
	v3 =	vld [tilespmem:$0xA30];
	_ =	sdelay $0x4  }
0x47: {  	[tilespmem:$0x1FA10] =	vst v3;
	v3 =	vld [tilespmem:$0xA60];
	_ =	sdelay $0x4  }
0x48: {  	[tilespmem:$0x1FA20] =	vst v3;
	v3 =	vld [tilespmem:$0xA40];
	_ =	sdelay $0x4  }
0x49: {  	[tilespmem:$0x1FA30] =	vst v3;
	v3 =	vld [tilespmem:$0xA70];
	_ =	sdelay $0x4  }
0x4a: {  	[tilespmem:$0x1FA40] =	vst v3;
	v3 =	vld [tilespmem:$0xA20];
	_ =	sdelay $0x4  }
0x4b: {  	[tilespmem:$0x1FA50] =	vst v3;
	v3 =	vld [tilespmem:$0xA50];
	_ =	sdelay $0x4  }
0x4c: {  	[tilespmem:$0x1FA60] =	vst v3;
	v3 =	vld [tilespmem:$0xA30];
	_ =	sdelay $0x4  }
0x4d: {  	[tilespmem:$0x1FA70] =	vst v3;
	v3 =	vld [tilespmem:$0xA60];
	_ =	sdelay $0x4  }
0x4e: {  	[tilespmem:$0x1FA80] =	vst v3;
	v3 =	vld [tilespmem:$0xA40];
	_ =	sdelay $0x4  }
0x4f: {  	[tilespmem:$0x1FA90] =	vst v3;
	v3 =	vld [tilespmem:$0xA70];
	_ =	sdelay $0x4  }
0x50: {  	[tilespmem:$0x1FAA0] =	vst v3;
	v3 =	vld [tilespmem:$0xA50];
	_ =	sdelay $0x4  }
0x51: {  	[tilespmem:$0x1FAB0] =	vst v3;
	v3 =	vld [tilespmem:$0xA80];
	_ =	sdelay $0x4  }
0x52: {  	[tilespmem:$0x1FAC0] =	vst v3;
	v3 =	vld [tilespmem:$0xA60];
	_ =	sdelay $0x4  }
0x53: {  	[tilespmem:$0x1FAD0] =	vst v3;
	v3 =	vld [tilespmem:$0xA90];
	_ =	sdelay $0x4  }
0x54: {  	[tilespmem:$0x1FAE0] =	vst v3;
	v3 =	vld [tilespmem:$0xA70];
	_ =	sdelay $0x4  }
0x55: {  	[tilespmem:$0x1FAF0] =	vst v3;
	v3 =	vld [tilespmem:$0xAA0];
	_ =	sdelay $0x4  }
0x56: {  	[tilespmem:$0x1FB00] =	vst v3;
	v3 =	vld [tilespmem:$0xA50];
	_ =	sdelay $0x4  }
0x57: {  	[tilespmem:$0x1FB10] =	vst v3;
	v3 =	vld [tilespmem:$0xA80];
	_ =	sdelay $0x3  }
0x58: {  	v4 =	vld [tilespmem:$0x900]  }
0x59: {  	[tilespmem:$0x1FB20] =	vst v3;
	v3 =	vld [tilespmem:$0xA60]  }
0x5a: {  	v6 =	vld [tilespmem:$0x910]  }
0x5b: {  	v7 =	vld [tilespmem:$0x920]  }
0x5c: {  	v9 =	vld [tilespmem:$0x900]  }
0x5d: {  	v8 =	vld [tilespmem:$0x930]  }
0x5e: {  	[tilespmem:$0x1FB30] =	vst v3;
	v3 =	vld [tilespmem:$0xA90]  }
0x5f: {  	v11 =	vld [tilespmem:$0x910]  }
0x60: {  	v10 =	vld [tilespmem:$0x940]  }
0x61: {  	v13 =	vld [tilespmem:$0x920]  }
0x62: {  	v12 =	vld [tilespmem:$0x950]  }
0x63: {  	[tilespmem:$0x1FB40] =	vst v3;
	v3 =	vld [tilespmem:$0xA70]  }
0x64: {  	v15 =	vld [tilespmem:$0x900]  }
0x65: {  	v14 =	vld [tilespmem:$0x930]  }
0x66: {  	v17 =	vld [tilespmem:$0x910]  }
0x67: {  	v16 =	vld [tilespmem:$0x940]  }
0x68: {  	[tilespmem:$0x1FB50] =	vst v3;
	v3 =	vld [tilespmem:$0xAA0]  }
0x69: {  	v19 =	vld [tilespmem:$0x920]  }
0x6a: {  	v18 =	vld [tilespmem:$0x950]  }
0x6b: {  	v21 =	vld [tilespmem:$0x930]  }
0x6c: {  	v20 =	vld [tilespmem:$0x960]  }
0x6d: {  	[tilespmem:$0x1FB60] =	vst v3;
	v3 =	vld [tilespmem:$0xA80]  }
0x6e: {  	v23 =	vld [tilespmem:$0x940]  }
0x6f: {  	v22 =	vld [tilespmem:$0x970]  }
0x70: {  	v25 =	vld [tilespmem:$0x950]  }
0x71: {  	v24 =	vld [tilespmem:$0x980]  }
0x72: {  	[tilespmem:$0x1FB70] =	vst v3;
	v3 =	vld [tilespmem:$0xAB0]  }
0x73: {  	v27 =	vld [tilespmem:$0x930]  }
0x74: {  	v26 =	vld [tilespmem:$0x960]  }
0x75: {  	v29 =	vld [tilespmem:$0x940]  }
0x76: {  	v28 =	vld [tilespmem:$0x970]  }
0x77: {  	[tilespmem:$0x1FB80] =	vst v3;
	v3 =	vld [tilespmem:$0xA90]  }
0x78: {  	v31 =	vld [tilespmem:$0x950]  }
0x79: {  	v30 =	vld [tilespmem:$0x980]  }
0x7a: {  	v33 =	vld [tilespmem:$0x960]  }
0x7b: {  	v32 =	vld [tilespmem:$0x990]  }
0x7c: {  	[tilespmem:$0x1FB90] =	vst v3;
	v3 =	vld [tilespmem:$0xAC0]  }
0x7d: {  	v35 =	vld [tilespmem:$0x970]  }
0x7e: {  	v34 =	vld [tilespmem:$0x9A0]  }
0x7f: {  	v37 =	vld [tilespmem:$0x980]  }
0x80: {  	v36 =	vld [tilespmem:$0x9B0]  }
0x81: {  	[tilespmem:$0x1FBA0] =	vst v3;
	v3 =	vld [tilespmem:$0xAA0]  }
0x82: {  	v39 =	vld [tilespmem:$0x960]  }
0x83: {  	v38 =	vld [tilespmem:$0x990]  }
0x84: {  	v41 =	vld [tilespmem:$0x970]  }
0x85: {  	v40 =	vld [tilespmem:$0x9A0]  }
0x86: {  	[tilespmem:$0x1FBB0] =	vst v3;
	v3 =	vld [tilespmem:$0xAD0]  }
0x87: {  	v43 =	vld [tilespmem:$0x980]  }
0x88: {  	v42 =	vld [tilespmem:$0x9B0]  }
0x89: {  	v45 =	vld [tilespmem:$0x990]  }
0x8a: {  	v44 =	vld [tilespmem:$0x9C0]  }
0x8b: {  	[tilespmem:$0x1FBC0] =	vst v3;
	v3 =	vld [tilespmem:$0xA80]  }
0x8c: {  	v47 =	vld [tilespmem:$0x9A0]  }
0x8d: {  	v46 =	vld [tilespmem:$0x9D0]  }
0x8e: {  	v49 =	vld [tilespmem:$0x9B0]  }
0x8f: {  	v48 =	vld [tilespmem:$0x9E0]  }
0x90: {  	[tilespmem:$0x1FBD0] =	vst v3;
	v3 =	vld [tilespmem:$0xAB0]  }
0x91: {  	v61 =	vld [tilespmem:$0x990]  }
0x92: {  	v50 =	vld [tilespmem:$0x9C0]  }
0x93: {  	v57 =	vld [tilespmem:$0x9A0]  }
0x94: {  	v51 =	vld [tilespmem:$0x9D0]  }
0x95: {  	[tilespmem:$0x1FBE0] =	vst v3;
	v3 =	vld [tilespmem:$0xA90]  }
0x96: {  	v53 =	vld [tilespmem:$0x9B0]  }
0x97: {  	v52 =	vld [tilespmem:$0x9E0]  }
0x98: {  	v54 =	vld [tilespmem:$0x9C0]  }
0x99: {  	v55 =	vld [tilespmem:$0x9F0]  }
0x9a: {  	[tilespmem:$0x1FBF0] =	vst v3;
	v3 =	vld [tilespmem:$0xAC0]  }
0x9b: {  	v58 =	vld [tilespmem:$0x9D0]  }
0x9c: {  	v56 =	vld [tilespmem:$0xA00]  }
0x9d: {  	v59 =	vld [tilespmem:$0x9E0]  }
0x9e: {  	v60 =	vld [tilespmem:$0xA10]  }
0x9f: {  	v63 =	vld [tilespmem:$0x9C0];
	[tilespmem:$0x1FC00] =	vst v3  }
0xa0: {  	v3 =	vld [tilespmem:$0xAA0];
	_ =	sdelay $0x4  }
0xa1: {  	[tilespmem:$0x1FC10] =	vst v3;
	v3 =	vld [tilespmem:$0xAD0];
	_ =	sdelay $0x4  }
0xa2: {  	[tilespmem:$0x1FC20] =	vst v3;
	v3 =	vld [tilespmem:$0xAB0];
	_ =	sdelay $0x4  }
0xa3: {  	[tilespmem:$0x1FC30] =	vst v3;
	v3 =	vld [tilespmem:$0xAE0];
	_ =	sdelay $0x4  }
0xa4: {  	[tilespmem:$0x1FC40] =	vst v3;
	v3 =	vld [tilespmem:$0xAC0];
	_ =	sdelay $0x4  }
0xa5: {  	[tilespmem:$0x1FC50] =	vst v3;
	v3 =	vld [tilespmem:$0xAF0];
	_ =	sdelay $0x4  }
0xa6: {  	[tilespmem:$0x1FC60] =	vst v3;
	v3 =	vld [tilespmem:$0xAD0];
	_ =	sdelay $0x4  }
0xa7: {  	[tilespmem:$0x1FC70] =	vst v3;
	v3 =	vld [tilespmem:$0xB00];
	_ =	sdelay $0x4  }
0xa8: {  	[tilespmem:$0x1FC80] =	vst v3;
	v3 =	vld [tilespmem:$0xAB0];
	_ =	sdelay $0x4  }
0xa9: {  	[tilespmem:$0x1FC90] =	vst v3;
	v3 =	vld [tilespmem:$0xAE0];
	_ =	sdelay $0x4  }
0xaa: {  	[tilespmem:$0x1FCA0] =	vst v3;
	v3 =	vld [tilespmem:$0xAC0];
	_ =	sdelay $0x4  }
0xab: {  	[tilespmem:$0x1FCB0] =	vst v3;
	v3 =	vld [tilespmem:$0xAF0];
	_ =	sdelay $0x4  }
0xac: {  	[tilespmem:$0x1FCC0] =	vst v3;
	v3 =	vld [tilespmem:$0xAD0];
	_ =	sdelay $0x4  }
0xad: {  	[tilespmem:$0x1FCD0] =	vst v3;
	v3 =	vld [tilespmem:$0xB00];
	_ =	sdelay $0x4  }
0xae: {  	[tilespmem:$0x1FCE0] =	vst v3;
	v3 =	vld [tilespmem:$0xAE0];
	_ =	sdelay $0x4  }
0xaf: {  	[tilespmem:$0x1FCF0] =	vst v3;
	v3 =	vld [tilespmem:$0xB10];
	_ =	sdelay $0x4  }
0xb0: {  	[tilespmem:$0x1FD00] =	vst v3;
	v3 =	vld [tilespmem:$0xAF0];
	_ =	sdelay $0x4  }
0xb1: {  	[tilespmem:$0x1FD10] =	vst v3;
	v3 =	vld [tilespmem:$0xB20];
	_ =	sdelay $0x4  }
0xb2: {  	[tilespmem:$0x1FD20] =	vst v3;
	v3 =	vld [tilespmem:$0xB00];
	_ =	sdelay $0x4  }
0xb3: {  	[tilespmem:$0x1FD30] =	vst v3;
	v3 =	vld [tilespmem:$0xB30];
	_ =	sdelay $0x1  }
0xb4: {  	v5 =	vld [tilespmem:$0xB20];
	_ =	sdelay $0x2  }
0xb5: {  	[tilespmem:$0x1FD40] =	vst v3;
	v3 =	vld [tilespmem:$0xAE0];
	_ =	sdelay $0x1  }
0xb6: {  	[tilespmem:$0x1FE30] =	vst v5;
	v5 =	vmul.f32 $2.500000000e-01, v6;
	v6 =	vmul.f32 $7.500000000e-01, v6;
	_ =	sdelay $0x1  }
0xb7: {  	v5 =	vadd.f32 v6, v5;
	v6 =	vmul.f32 $7.500000000e-01, v9;
	v9 =	vld [tilespmem:$0xB60]  }
0xb8: {  	[tilespmem:$0x1FD50] =	vst v3;
	v3 =	vld [tilespmem:$0xB10];
	_ =	sdelay $0x3  }
0xb9: {  	[tilespmem:$0x1FE50] =	vst v9;
	v9 =	vld [tilespmem:$0xB40]  }
0xba: {  	[tilespmem:$0x1FD60] =	vst v3;
	v3 =	vld [tilespmem:$0xAF0];
	_ =	sdelay $0x3  }
0xbb: {  	[tilespmem:$0x1FE60] =	vst v9;
	v9 =	vld [tilespmem:$0xB70]  }
0xbc: {  	[tilespmem:$0x1FD70] =	vst v3;
	v3 =	vld [tilespmem:$0xB20];
	_ =	sdelay $0x3  }
0xbd: {  	[tilespmem:$0x1FE70] =	vst v9;
	v9 =	vld [tilespmem:$0xB50]  }
0xbe: {  	[tilespmem:$0x1FD80] =	vst v3;
	v3 =	vld [tilespmem:$0xB00];
	_ =	sdelay $0x3  }
0xbf: {  	[tilespmem:$0x1FE80] =	vst v9;
	v9 =	vld [tilespmem:$0xB80]  }
0xc0: {  	[tilespmem:$0x1FD90] =	vst v3;
	v3 =	vld [tilespmem:$0xB30];
	_ =	sdelay $0x3  }
0xc1: {  	[tilespmem:$0x1FE90] =	vst v9;
	v9 =	vld [tilespmem:$0xB60]  }
0xc2: {  	[tilespmem:$0x1FDA0] =	vst v3;
	v3 =	vld [tilespmem:$0xB10];
	_ =	sdelay $0x3  }
0xc3: {  	[tilespmem:$0x1FEA0] =	vst v9;
	v9 =	vld [tilespmem:$0xB90]  }
0xc4: {  	[tilespmem:$0x1FDB0] =	vst v3;
	v3 =	vld [tilespmem:$0xB40];
	_ =	sdelay $0x3  }
0xc5: {  	[tilespmem:$0x1FEB0] =	vst v9;
	v9 =	vld [tilespmem:$0xB40]  }
0xc6: {  	[tilespmem:$0x1FDC0] =	vst v3;
	v3 =	vld [tilespmem:$0xB20];
	_ =	sdelay $0x3  }
0xc7: {  	[tilespmem:$0x1FEC0] =	vst v9;
	v9 =	vld [tilespmem:$0xB70]  }
0xc8: {  	[tilespmem:$0x1FDD0] =	vst v3;
	v3 =	vld [tilespmem:$0xB50];
	_ =	sdelay $0x3  }
0xc9: {  	[tilespmem:$0x1FED0] =	vst v9;
	v9 =	vld [tilespmem:$0xB50]  }
0xca: {  	[tilespmem:$0x1FDE0] =	vst v3;
	v3 =	vld [tilespmem:$0xB30];
	_ =	sdelay $0x3  }
0xcb: {  	[tilespmem:$0x1FEE0] =	vst v9;
	v9 =	vld [tilespmem:$0xB80]  }
0xcc: {  	[tilespmem:$0x1FDF0] =	vst v3;
	v3 =	vld [tilespmem:$0xB60];
	_ =	sdelay $0x3  }
0xcd: {  	[tilespmem:$0x1FEF0] =	vst v9;
	v9 =	vld [tilespmem:$0xB60]  }
0xce: {  	[tilespmem:$0x1FE00] =	vst v3;
	v3 =	vld [tilespmem:$0xB10];
	_ =	sdelay $0x3  }
0xcf: {  	v8 =	vmul.f32 $2.500000000e-01, v8;
	[tilespmem:$0x1FF00] =	vst v9;
	v9 =	vld [tilespmem:$0xB90]  }
0xd0: {  	[tilespmem:$0x1FE10] =	vst v3;
	v3 =	vld [tilespmem:$0xB40]  }
0xd1: {  	[tilespmem:$0xD90] =	vst v5;
	v5 =	vadd.f32 v8, v6  }
0xd2: {  	v6 =	vmul.f32 $7.500000000e-01, v13;
	v8 =	vmul.f32 $2.500000000e-01, v12  }
0xd3: {  	[tilespmem:$0xDB0] =	vst v5  }
0xd4: {  	v5 =	vadd.f32 v8, v6;
	v6 =	vmul.f32 $2.500000000e-01, v17;
	v8 =	vmul.f32 $7.500000000e-01, v16;
	[tilespmem:$0x1FF10] =	vst v9  }
0xd5: {  	v9 =	vld [tilespmem:$0xB70];
	[tilespmem:$0x1FE20] =	vst v3;
	v3 =	vmul.f32 $2.500000000e-01, v4;
	v4 =	vmul.f32 $7.500000000e-01, v4  }
0xd6: {  	[tilespmem:$0xDD0] =	vst v5;
	v5 =	vadd.f32 v8, v6  }
0xd7: {  	v3 =	vadd.f32 v4, v3;
	v4 =	vmul.f32 $2.500000000e-01, v7;
	v7 =	vmul.f32 $7.500000000e-01, v7  }
0xd8: {  	v6 =	vmul.f32 $7.500000000e-01, v21;
	v8 =	vmul.f32 $2.500000000e-01, v20;
	[tilespmem:$0xDF0] =	vst v5  }
0xd9: {  	[tilespmem:$0xD80] =	vst v3;
	v3 =	vadd.f32 v7, v4;
	v4 =	vmul.f32 $7.500000000e-01, v11;
	v7 =	vmul.f32 $2.500000000e-01, v10  }
0xda: {  	v5 =	vadd.f32 v8, v6;
	v6 =	vmul.f32 $7.500000000e-01, v25;
	v8 =	vmul.f32 $2.500000000e-01, v24;
	[tilespmem:$0x1FF20] =	vst v9  }
0xdb: {  	v9 =	vld [tilespmem:$0xBA0];
	[tilespmem:$0xDA0] =	vst v3;
	v3 =	vadd.f32 v7, v4;
	v4 =	vmul.f32 $2.500000000e-01, v15;
	v7 =	vmul.f32 $7.500000000e-01, v14  }
0xdc: {  	[tilespmem:$0xE10] =	vst v5;
	v5 =	vadd.f32 v8, v6  }
0xdd: {  	[tilespmem:$0xDC0] =	vst v3;
	v3 =	vadd.f32 v7, v4;
	v4 =	vmul.f32 $2.500000000e-01, v19;
	v7 =	vmul.f32 $7.500000000e-01, v18  }
0xde: {  	v6 =	vmul.f32 $2.500000000e-01, v29;
	v8 =	vmul.f32 $7.500000000e-01, v28;
	[tilespmem:$0xE30] =	vst v5  }
0xdf: {  	[tilespmem:$0xDE0] =	vst v3;
	v3 =	vadd.f32 v7, v4;
	v4 =	vmul.f32 $7.500000000e-01, v23;
	v7 =	vmul.f32 $2.500000000e-01, v22  }
0xe0: {  	v5 =	vadd.f32 v8, v6;
	v6 =	vmul.f32 $7.500000000e-01, v33;
	v8 =	vmul.f32 $2.500000000e-01, v32;
	[tilespmem:$0x1FF30] =	vst v9  }
0xe1: {  	v9 =	vld [tilespmem:$0xB80];
	[tilespmem:$0xE00] =	vst v3;
	v3 =	vadd.f32 v7, v4;
	v4 =	vmul.f32 $2.500000000e-01, v27;
	v7 =	vmul.f32 $7.500000000e-01, v26  }
0xe2: {  	[tilespmem:$0xE50] =	vst v5;
	v5 =	vadd.f32 v8, v6  }
0xe3: {  	[tilespmem:$0xE20] =	vst v3;
	v3 =	vadd.f32 v7, v4;
	v4 =	vmul.f32 $2.500000000e-01, v31;
	v7 =	vmul.f32 $7.500000000e-01, v30  }
0xe4: {  	v6 =	vmul.f32 $7.500000000e-01, v37;
	v8 =	vmul.f32 $2.500000000e-01, v36;
	[tilespmem:$0xE70] =	vst v5  }
0xe5: {  	[tilespmem:$0xE40] =	vst v3;
	v3 =	vadd.f32 v7, v4;
	v4 =	vmul.f32 $7.500000000e-01, v35;
	v7 =	vmul.f32 $2.500000000e-01, v34  }
0xe6: {  	v5 =	vadd.f32 v8, v6;
	v6 =	vmul.f32 $2.500000000e-01, v41;
	v8 =	vmul.f32 $7.500000000e-01, v40;
	[tilespmem:$0x1FF40] =	vst v9  }
0xe7: {  	v9 =	vld [tilespmem:$0xBB0];
	[tilespmem:$0xE60] =	vst v3;
	v3 =	vadd.f32 v7, v4;
	v4 =	vmul.f32 $2.500000000e-01, v39;
	v7 =	vmul.f32 $7.500000000e-01, v38  }
0xe8: {  	[tilespmem:$0xE90] =	vst v5;
	v5 =	vadd.f32 v8, v6  }
0xe9: {  	[tilespmem:$0xE80] =	vst v3;
	v3 =	vadd.f32 v7, v4;
	v4 =	vmul.f32 $2.500000000e-01, v43;
	v7 =	vmul.f32 $7.500000000e-01, v42  }
0xea: {  	v6 =	vmul.f32 $7.500000000e-01, v45;
	v8 =	vmul.f32 $2.500000000e-01, v44;
	[tilespmem:$0xEB0] =	vst v5  }
0xeb: {  	[tilespmem:$0xEA0] =	vst v3;
	v3 =	vadd.f32 v7, v4;
	v4 =	vmul.f32 $7.500000000e-01, v47;
	v7 =	vmul.f32 $2.500000000e-01, v46  }
0xec: {  	v5 =	vadd.f32 v8, v6;
	v6 =	vmul.f32 $7.500000000e-01, v49;
	v8 =	vmul.f32 $2.500000000e-01, v48;
	[tilespmem:$0x1FF50] =	vst v9  }
0xed: {  	v9 =	vld [tilespmem:$0xB90];
	[tilespmem:$0xEC0] =	vst v3;
	v3 =	vadd.f32 v7, v4;
	v4 =	vmul.f32 $2.500000000e-01, v61;
	v7 =	vmul.f32 $7.500000000e-01, v50  }
0xee: {  	[tilespmem:$0xED0] =	vst v5;
	v5 =	vadd.f32 v8, v6  }
0xef: {  	[tilespmem:$0xEE0] =	vst v3;
	v3 =	vadd.f32 v7, v4;
	v4 =	vmul.f32 $2.500000000e-01, v53;
	v7 =	vmul.f32 $7.500000000e-01, v52  }
0xf0: {  	v6 =	vmul.f32 $2.500000000e-01, v57;
	v8 =	vmul.f32 $7.500000000e-01, v51;
	[tilespmem:$0xEF0] =	vst v5  }
0xf1: {  	[tilespmem:$0xF00] =	vst v3;
	v3 =	vadd.f32 v7, v4;
	v4 =	vmul.f32 $7.500000000e-01, v58;
	v7 =	vmul.f32 $2.500000000e-01, v56  }
0xf2: {  	v5 =	vadd.f32 v8, v6;
	v6 =	vmul.f32 $7.500000000e-01, v54;
	v8 =	vmul.f32 $2.500000000e-01, v55;
	[tilespmem:$0x1FF60] =	vst v9;
	v9 =	vld [tilespmem:$0xBC0]  }
0xf3: {  	[tilespmem:$0xF20] =	vst v3;
	v3 =	vadd.f32 v7, v4;
	v7 =	vld [tilespmem:$0x1F8E0]  }
0xf4: {  	[tilespmem:$0xF10] =	vst v5;
	v5 =	vadd.f32 v8, v6;
	v6 =	vmul.f32 $7.500000000e-01, v59;
	v8 =	vmul.f32 $2.500000000e-01, v60;
	_ =	sdelay $0x1  }
0xf5: {  	[tilespmem:$0xF30] =	vst v5;
	v5 =	vadd.f32 v8, v6;
	v6 =	vld [tilespmem:$0x1F8F0]  }
0xf6: {  	[tilespmem:$0x1FF70] =	vst v9;
	v9 =	vld [tilespmem:$0xB70]  }
0xf7: {  	v8 =	vld [tilespmem:$0x1F900];
	v4 =	vmul.f32 $2.500000000e-01, v63;
	v7 =	vmul.f32 $7.500000000e-01, v7;
	_ =	sdelay $0x1  }
0xf8: {  	[tilespmem:$0xF40] =	vst v3;
	v3 =	vadd.f32 v7, v4;
	v4 =	vld [tilespmem:$0x1F910]  }
0xf9: {  	v7 =	vld [tilespmem:$0x1F920]  }
0xfa: {  	[tilespmem:$0x1FF80] =	vst v9;
	v9 =	vld [tilespmem:$0xBA0]  }
0xfb: {  	v6 =	vmul.f32 $2.500000000e-01, v6;
	v8 =	vmul.f32 $7.500000000e-01, v8;
	_ =	sdelay $0x1  }
0xfc: {  	[tilespmem:$0xF50] =	vst v5;
	v5 =	vadd.f32 v8, v6;
	v6 =	vld [tilespmem:$0x1F930]  }
0xfd: {  	v8 =	vld [tilespmem:$0x1F940];
	v4 =	vmul.f32 $2.500000000e-01, v4;
	v7 =	vmul.f32 $7.500000000e-01, v7  }
0xfe: {  	[tilespmem:$0x1FF90] =	vst v9;
	v9 =	vld [tilespmem:$0xB80]  }
0xff: {  	[tilespmem:$0xF60] =	vst v3;
	v3 =	vadd.f32 v7, v4;
	v4 =	vld [tilespmem:$0x1F950]  }
0x100: {  	v7 =	vld [tilespmem:$0x1F960];
	_ =	sdelay $0x2  }
0x101: {  	v6 =	vmul.f32 $7.500000000e-01, v6;
	v8 =	vmul.f32 $2.500000000e-01, v8  }
0x102: {  	[tilespmem:$0x1FFA0] =	vst v9;
	v9 =	vld [tilespmem:$0xB90]  }
0x103: {  	[tilespmem:$0xF70] =	vst v5;
	v5 =	vadd.f32 v8, v6;
	v6 =	vld [tilespmem:$0x1F970];
	v4 =	vmul.f32 $7.500000000e-01, v4;
	v7 =	vmul.f32 $2.500000000e-01, v7  }
0x104: {  	v8 =	vld [tilespmem:$0x1F980]  }
0x105: {  	[tilespmem:$0xF80] =	vst v3;
	v3 =	vadd.f32 v7, v4;
	v4 =	vld [tilespmem:$0x1F990]  }
0x106: {  	v7 =	vld [tilespmem:$0x1F9A0]  }
0x107: {  	[tilespmem:$0x1FFB0] =	vst v9;
	v9 =	vld [tilespmem:$0xBA0];
	_ =	sdelay $0x2  }
0x108: {  	v6 =	vmul.f32 $7.500000000e-01, v6;
	v8 =	vmul.f32 $2.500000000e-01, v8  }
0x109: {  	[tilespmem:$0xF90] =	vst v5;
	v4 =	vmul.f32 $2.500000000e-01, v4;
	v7 =	vmul.f32 $7.500000000e-01, v7  }
0x10a: {  	v5 =	vadd.f32 v8, v6;
	v6 =	vld [tilespmem:$0x1F9B0];
	[tilespmem:$0x1FFC0] =	vst v9  }
0x10b: {  	v9 =	vld [tilespmem:$0xBB0];
	[tilespmem:$0xFA0] =	vst v3;
	v3 =	vadd.f32 v7, v4  }
0x10c: {  	v8 =	vld [tilespmem:$0x1F9C0]  }
0x10d: {  	[tilespmem:$0xFC0] =	vst v3;
	v3 =	vld [tilespmem:$0x1FA10];
	_ =	sdelay $0x1  }
0x10e: {  	[tilespmem:$0xFB0] =	vst v5;
	v5 =	vld [tilespmem:$0x1F9F0]  }
0x10f: {  	[tilespmem:$0x1FFD0] =	vst v9;
	v9 =	vld [tilespmem:$0xBC0]  }
0x110: {  	v6 =	vmul.f32 $2.500000000e-01, v6  }
0x111: {  	v8 =	vmul.f32 $7.500000000e-01, v8;
	v10 =	vmul.f32 $7.500000000e-01, v3;
	v3 =	vld [tilespmem:$0x1FA20];
	_ =	sdelay $0x1  }
0x112: {  	v6 =	vadd.f32 v8, v6;
	v8 =	vmul.f32 $7.500000000e-01, v5;
	v5 =	vld [tilespmem:$0x1FA00]  }
0x113: {  	[tilespmem:$0x1FFE0] =	vst v9;
	v9 =	vld [tilespmem:$0xBA0];
	_ =	sdelay $0x1  }
0x114: {  	v43 =	vmul.f32 $2.500000000e-01, v3;
	v3 =	vld [tilespmem:$0x1FA30];
	_ =	sdelay $0x2  }
0x115: {  	[tilespmem:$0x1FFF0] =	vst v9;
	v9 =	vmul.f32 $2.500000000e-01, v5;
	_ =	sdelay $0x1  }
0x116: {  	v8 =	vadd.f32 v9, v8;
	v9 =	vmul.f32 $7.500000000e-01, v3;
	v3 =	vld [tilespmem:$0x1FA40];
	_ =	sdelay $0x4  }
0x117: {  	v44 =	vmul.f32 $2.500000000e-01, v3;
	v3 =	vld [tilespmem:$0x1FA50];
	_ =	sdelay $0x4  }
0x118: {  	v45 =	vmul.f32 $2.500000000e-01, v3;
	v3 =	vld [tilespmem:$0x1FA60];
	_ =	sdelay $0x4  }
0x119: {  	v46 =	vmul.f32 $7.500000000e-01, v3;
	v3 =	vld [tilespmem:$0x1FA70];
	_ =	sdelay $0x4  }
0x11a: {  	v48 =	vmul.f32 $2.500000000e-01, v3;
	v3 =	vld [tilespmem:$0x1FA80];
	_ =	sdelay $0x4  }
0x11b: {  	v50 =	vmul.f32 $7.500000000e-01, v3;
	v3 =	vld [tilespmem:$0x1FA90];
	_ =	sdelay $0x4  }
0x11c: {  	v51 =	vmul.f32 $2.500000000e-01, v3;
	v3 =	vld [tilespmem:$0x1FAA0];
	_ =	sdelay $0x4  }
0x11d: {  	v52 =	vmul.f32 $7.500000000e-01, v3;
	v3 =	vld [tilespmem:$0x1FAB0];
	_ =	sdelay $0x4  }
0x11e: {  	v54 =	vmul.f32 $7.500000000e-01, v3;
	v3 =	vld [tilespmem:$0x1FAC0];
	_ =	sdelay $0x4  }
0x11f: {  	v55 =	vmul.f32 $2.500000000e-01, v3;
	v3 =	vld [tilespmem:$0x1FAD0];
	_ =	sdelay $0x4  }
0x120: {  	v56 =	vmul.f32 $7.500000000e-01, v3;
	v3 =	vld [tilespmem:$0x1FAE0];
	_ =	sdelay $0x4  }
0x121: {  	v58 =	vmul.f32 $2.500000000e-01, v3;
	v3 =	vld [tilespmem:$0x1FAF0];
	_ =	sdelay $0x4  }
0x122: {  	v59 =	vmul.f32 $7.500000000e-01, v3;
	v3 =	vld [tilespmem:$0x1FB00];
	_ =	sdelay $0x4  }
0x123: {  	v60 =	vmul.f32 $2.500000000e-01, v3;
	v3 =	vld [tilespmem:$0x1FB10];
	_ =	sdelay $0x4  }
0x124: {  	v63 =	vmul.f32 $2.500000000e-01, v3;
	v3 =	vld [tilespmem:$0x1FB20];
	_ =	sdelay $0x4  }
0x125: {  	v28 =	vmul.f32 $7.500000000e-01, v3;
	v3 =	vld [tilespmem:$0x1FB30];
	_ =	sdelay $0x4  }
0x126: {  	v29 =	vmul.f32 $2.500000000e-01, v3;
	v3 =	vld [tilespmem:$0x1FB40];
	_ =	sdelay $0x4  }
0x127: {  	v30 =	vmul.f32 $7.500000000e-01, v3;
	v3 =	vld [tilespmem:$0x1FB50];
	_ =	sdelay $0x4  }
0x128: {  	v33 =	vmul.f32 $2.500000000e-01, v3;
	v3 =	vld [tilespmem:$0x1FB60];
	_ =	sdelay $0x4  }
0x129: {  	v34 =	vmul.f32 $7.500000000e-01, v3;
	v3 =	vld [tilespmem:$0x1FB70];
	_ =	sdelay $0x4  }
0x12a: {  	v36 =	vmul.f32 $7.500000000e-01, v3;
	v3 =	vld [tilespmem:$0x1FB80];
	_ =	sdelay $0x4  }
0x12b: {  	v37 =	vmul.f32 $2.500000000e-01, v3;
	v3 =	vld [tilespmem:$0x1FB90];
	_ =	sdelay $0x4  }
0x12c: {  	v38 =	vmul.f32 $7.500000000e-01, v3;
	v3 =	vld [tilespmem:$0x1FBA0];
	_ =	sdelay $0x4  }
0x12d: {  	v40 =	vmul.f32 $2.500000000e-01, v3;
	v3 =	vld [tilespmem:$0x1FBB0];
	_ =	sdelay $0x4  }
0x12e: {  	v42 =	vmul.f32 $7.500000000e-01, v3;
	v3 =	vld [tilespmem:$0x1FBC0];
	_ =	sdelay $0x4  }
0x12f: {  	v10 =	vadd.f32 v43, v10;
	v43 =	vmul.f32 $2.500000000e-01, v3;
	v3 =	vld [tilespmem:$0x1FBD0];
	_ =	sdelay $0x4  }
0x130: {  	v9 =	vadd.f32 v44, v9;
	v44 =	vmul.f32 $2.500000000e-01, v3;
	v3 =	vld [tilespmem:$0x1FBE0];
	_ =	sdelay $0x4  }
0x131: {  	[tilespmem:$0x1000] =	vst v10;
	v10 =	vadd.f32 v46, v45;
	v45 =	vmul.f32 $7.500000000e-01, v3;
	v3 =	vld [tilespmem:$0x1FBF0];
	_ =	sdelay $0x4  }
0x132: {  	v46 =	vmul.f32 $2.500000000e-01, v3;
	v3 =	vld [tilespmem:$0x1FC00];
	_ =	sdelay $0x4  }
0x133: {  	v14 =	vadd.f32 v50, v48;
	v48 =	vmul.f32 $7.500000000e-01, v3;
	v3 =	vld [tilespmem:$0x1FC10];
	_ =	sdelay $0x4  }
0x134: {  	v15 =	vadd.f32 v52, v51;
	v51 =	vmul.f32 $2.500000000e-01, v3;
	v3 =	vld [tilespmem:$0x1FC20];
	_ =	sdelay $0x4  }
0x135: {  	v52 =	vmul.f32 $7.500000000e-01, v3;
	v3 =	vld [tilespmem:$0x1FC30];
	_ =	sdelay $0x4  }
0x136: {  	v16 =	vadd.f32 v55, v54;
	v54 =	vmul.f32 $7.500000000e-01, v3;
	v3 =	vld [tilespmem:$0x1FC40];
	_ =	sdelay $0x4  }
0x137: {  	v55 =	vmul.f32 $2.500000000e-01, v3;
	v3 =	vld [tilespmem:$0x1FC50];
	_ =	sdelay $0x4  }
0x138: {  	v19 =	vadd.f32 v58, v56;
	v56 =	vmul.f32 $7.500000000e-01, v3;
	v3 =	vld [tilespmem:$0x1FC60];
	_ =	sdelay $0x4  }
0x139: {  	v58 =	vmul.f32 $2.500000000e-01, v3;
	v3 =	vld [tilespmem:$0x1FC70];
	_ =	sdelay $0x4  }
0x13a: {  	v18 =	vadd.f32 v60, v59;
	v59 =	vmul.f32 $7.500000000e-01, v3;
	v3 =	vld [tilespmem:$0x1FC80];
	_ =	sdelay $0x4  }
0x13b: {  	v60 =	vmul.f32 $2.500000000e-01, v3;
	v3 =	vld [tilespmem:$0x1FC90];
	_ =	sdelay $0x4  }
0x13c: {  	v31 =	vadd.f32 v28, v63;
	v63 =	vmul.f32 $2.500000000e-01, v3;
	v3 =	vld [tilespmem:$0x1FCA0];
	_ =	sdelay $0x4  }
0x13d: {  	v50 =	vadd.f32 v45, v44;
	v45 =	vmul.f32 $7.500000000e-01, v3;
	v3 =	vld [tilespmem:$0x1FCB0];
	_ =	sdelay $0x4  }
0x13e: {  	v22 =	vadd.f32 v30, v29;
	v30 =	vadd.f32 v48, v46;
	v46 =	vmul.f32 $2.500000000e-01, v3;
	v3 =	vld [tilespmem:$0x1FCC0];
	_ =	sdelay $0x4  }
0x13f: {  	v48 =	vmul.f32 $7.500000000e-01, v3;
	v3 =	vld [tilespmem:$0x1FCD0];
	_ =	sdelay $0x4  }
0x140: {  	[tilespmem:$0x1080] =	vst v31;
	v31 =	vadd.f32 v52, v51;
	v51 =	vmul.f32 $2.500000000e-01, v3;
	v3 =	vld [tilespmem:$0x1FCE0];
	_ =	sdelay $0x4  }
0x141: {  	v52 =	vmul.f32 $7.500000000e-01, v3;
	v3 =	vld [tilespmem:$0x1FCF0];
	_ =	sdelay $0x4  }
0x142: {  	v23 =	vadd.f32 v34, v33;
	v33 =	vadd.f32 v55, v54;
	v54 =	vmul.f32 $7.500000000e-01, v3;
	v3 =	vld [tilespmem:$0x1FD00];
	_ =	sdelay $0x4  }
0x143: {  	v55 =	vmul.f32 $2.500000000e-01, v3;
	v3 =	vld [tilespmem:$0x1FD10];
	_ =	sdelay $0x4  }
0x144: {  	v24 =	vadd.f32 v37, v36;
	v36 =	vadd.f32 v58, v56;
	v56 =	vmul.f32 $7.500000000e-01, v3;
	v3 =	vld [tilespmem:$0x1FD20];
	_ =	sdelay $0x4  }
0x145: {  	v58 =	vmul.f32 $2.500000000e-01, v3;
	v3 =	vld [tilespmem:$0x1FD30];
	_ =	sdelay $0x4  }
0x146: {  	v34 =	vadd.f32 v60, v59;
	v59 =	vmul.f32 $7.500000000e-01, v3;
	v3 =	vld [tilespmem:$0x1FD40];
	_ =	sdelay $0x4  }
0x147: {  	v60 =	vmul.f32 $2.500000000e-01, v3;
	v3 =	vld [tilespmem:$0x1FD50];
	_ =	sdelay $0x4  }
0x148: {  	[tilespmem:$0x10E0] =	vst v50;
	v50 =	vadd.f32 v45, v63;
	v63 =	vmul.f32 $2.500000000e-01, v3;
	v3 =	vld [tilespmem:$0x1FD60];
	_ =	sdelay $0x4  }
0x149: {  	v28 =	vadd.f32 v40, v38;
	v40 =	vadd.f32 v52, v51;
	v52 =	vmul.f32 $7.500000000e-01, v3;
	v3 =	vld [tilespmem:$0x1FD70];
	_ =	sdelay $0x4  }
0x14a: {  	v26 =	vadd.f32 v43, v42;
	v42 =	vadd.f32 v55, v54;
	v54 =	vmul.f32 $2.500000000e-01, v3;
	v3 =	vld [tilespmem:$0x1FD80];
	_ =	sdelay $0x4  }
0x14b: {  	v55 =	vmul.f32 $7.500000000e-01, v3;
	v3 =	vld [tilespmem:$0x1FD90];
	_ =	sdelay $0x4  }
0x14c: {  	v43 =	vadd.f32 v60, v59;
	v59 =	vmul.f32 $2.500000000e-01, v3;
	v3 =	vld [tilespmem:$0x1FDA0];
	_ =	sdelay $0x4  }
0x14d: {  	v60 =	vmul.f32 $7.500000000e-01, v3;
	v3 =	vld [tilespmem:$0x1FDB0];
	_ =	sdelay $0x4  }
0x14e: {  	v44 =	vadd.f32 v58, v56;
	v56 =	vadd.f32 v52, v63;
	v63 =	vmul.f32 $7.500000000e-01, v3;
	v3 =	vld [tilespmem:$0x1FDC0];
	_ =	sdelay $0x4  }
0x14f: {  	v58 =	vmul.f32 $2.500000000e-01, v3;
	v3 =	vld [tilespmem:$0x1FDD0];
	_ =	sdelay $0x4  }
0x150: {  	v38 =	vadd.f32 v48, v46;
	v48 =	vadd.f32 v60, v59;
	v59 =	vmul.f32 $7.500000000e-01, v3;
	v3 =	vld [tilespmem:$0x1FDE0];
	_ =	sdelay $0x4  }
0x151: {  	v60 =	vmul.f32 $2.500000000e-01, v3;
	v3 =	vld [tilespmem:$0x1FDF0];
	_ =	sdelay $0x4  }
0x152: {  	v51 =	vmul.f32 $7.500000000e-01, v3;
	v3 =	vld [tilespmem:$0x1FE00];
	_ =	sdelay $0x4  }
0x153: {  	v46 =	vadd.f32 v55, v54;
	v55 =	vmul.f32 $2.500000000e-01, v3;
	v3 =	vld [tilespmem:$0x1FE10];
	_ =	sdelay $0x4  }
0x154: {  	[tilespmem:$0x1140] =	vst v50;
	v50 =	vadd.f32 v58, v63;
	v63 =	vmul.f32 $2.500000000e-01, v3;
	v3 =	vld [tilespmem:$0x1FE20];
	_ =	sdelay $0x3  }
0x155: {  	v62 =	vld [tilespmem:$0xB50]  }
0x156: {  	v52 =	vadd.f32 v60, v59;
	v60 =	vmul.f32 $7.500000000e-01, v3;
	v3 =	vld [tilespmem:$0x1FE30];
	_ =	sdelay $0x3  }
0x157: {  	[tilespmem:$0x1FE40] =	vst v62  }
0x158: {  	v51 =	vadd.f32 v55, v51;
	v55 =	vmul.f32 $2.500000000e-01, v3;
	v3 =	vld [tilespmem:$0x1FE40];
	_ =	sdelay $0x4  }
0x159: {  	v58 =	vmul.f32 $7.500000000e-01, v3;
	v3 =	vld [tilespmem:$0x1FE50];
	_ =	sdelay $0x4  }
0x15a: {  	[tilespmem:$0x11E0] =	vst v52;
	v52 =	vadd.f32 v60, v63;
	v60 =	vmul.f32 $7.500000000e-01, v3;
	v3 =	vld [tilespmem:$0x1FE60];
	_ =	sdelay $0x4  }
0x15b: {  	v55 =	vadd.f32 v58, v55;
	v58 =	vmul.f32 $7.500000000e-01, v3;
	v3 =	vld [tilespmem:$0x1FE70];
	_ =	sdelay $0x2  }
0x15c: {  	v62 =	vld [tilespmem:$0xB30];
	_ =	sdelay $0x1  }
0x15d: {  	v59 =	vmul.f32 $2.500000000e-01, v3;
	v3 =	vld [tilespmem:$0x1FE80]  }
0x15e: {  	v17 =	vld [tilespmem:$0xC10]  }
0x15f: {  	v25 =	vld [tilespmem:$0xBE0]  }
0x160: {  	v13 =	vld [tilespmem:$0xBE0];
	v63 =	vmul.f32 $2.500000000e-01, v62  }
0x161: {  	v12 =	vld [tilespmem:$0xC00]  }
0x162: {  	[tilespmem:$0x11A0] =	vst v56;
	v56 =	vadd.f32 v60, v63;
	v60 =	vmul.f32 $7.500000000e-01, v3;
	v3 =	vld [tilespmem:$0x1FE90]  }
0x163: {  	v20 =	vld [tilespmem:$0xBD0]  }
0x164: {  	v21 =	vld [tilespmem:$0xC30];
	v17 =	vmul.f32 $2.500000000e-01, v17;
	v25 =	vmul.f32 $7.500000000e-01, v25  }
0x165: {  	v32 =	vld [tilespmem:$0xC00]  }
0x166: {  	v17 =	vadd.f32 v17, v25;
	v25 =	vld [tilespmem:$0xCA0]  }
0x167: {  	v62 =	vmul.f32 $2.500000000e-01, v3;
	v3 =	vld [tilespmem:$0x1FEA0]  }
0x168: {  	v41 =	vld [tilespmem:$0xBD0]  }
0x169: {  	[tilespmem:$0x1360] =	vst v17;
	v17 =	vld [tilespmem:$0xCE0]  }
0x16a: {  	v49 =	vld [tilespmem:$0xBC0]  }
0x16b: {  	v57 =	vld [tilespmem:$0xBB0]  }
0x16c: {  	v58 =	vadd.f32 v59, v58;
	v59 =	vmul.f32 $7.500000000e-01, v3;
	v3 =	vld [tilespmem:$0x1FEB0]  }
0x16d: {  	[tilespmem:$0xFD0] =	vst v6;
	v6 =	vld [tilespmem:$0x1FF40]  }
0x16e: {  	[tilespmem:$0xFF0] =	vst v8;
	v8 =	vld [tilespmem:$0xC90]  }
0x16f: {  	v11 =	vld [tilespmem:$0xBF0]  }
0x170: {  	v4 =	vld [tilespmem:$0x1F9D0]  }
0x171: {  	v63 =	vmul.f32 $2.500000000e-01, v3;
	v3 =	vld [tilespmem:$0x1FEC0]  }
0x172: {  	v7 =	vld [tilespmem:$0x1F9E0]  }
0x173: {  	v27 =	vld [tilespmem:$0xBF0]  }
0x174: {  	v35 =	vld [tilespmem:$0xBE0]  }
0x175: {  	v39 =	vld [tilespmem:$0xBD0]  }
0x176: {  	v60 =	vadd.f32 v62, v60;
	v62 =	vmul.f32 $2.500000000e-01, v3;
	v3 =	vld [tilespmem:$0x1FED0]  }
0x177: {  	v47 =	vld [tilespmem:$0xBF0];
	v4 =	vmul.f32 $2.500000000e-01, v4;
	v7 =	vmul.f32 $7.500000000e-01, v7  }
0x178: {  	v61 =	vld [tilespmem:$0xBB0]  }
0x179: {  	v53 =	vld [tilespmem:$0xBC0];
	v7 =	vadd.f32 v7, v4  }
0x17a: {  	v4 =	vld [tilespmem:$0x1FEE0]  }
0x17b: {  	[tilespmem:$0xFE0] =	vst v7;
	v7 =	vld [tilespmem:$0x1FF50];
	v3 =	vmul.f32 $7.500000000e-01, v3  }
0x17c: {  	[tilespmem:$0x1010] =	vst v9;
	v9 =	vld [tilespmem:$0xC20]  }
0x17d: {  	v5 =	vadd.f32 v3, v62;
	v3 =	vld [tilespmem:$0x1FF00]  }
0x17e: {  	[tilespmem:$0x1020] =	vst v10;
	v10 =	vld [tilespmem:$0xBD0]  }
0x17f: {  	[tilespmem:$0x1030] =	vst v14;
	v14 =	vld [tilespmem:$0xBE0]  }
0x180: {  	[tilespmem:$0x1040] =	vst v15;
	v15 =	vld [tilespmem:$0xC10]  }
0x181: {  	[tilespmem:$0x1050] =	vst v16;
	v16 =	vld [tilespmem:$0xBF0]  }
0x182: {  	[tilespmem:$0x1240] =	vst v60;
	v60 =	vmul.f32 $2.500000000e-01, v3;
	v3 =	vld [tilespmem:$0x1FF10]  }
0x183: {  	[tilespmem:$0x1060] =	vst v19;
	v19 =	vld [tilespmem:$0xC00]  }
0x184: {  	[tilespmem:$0x1070] =	vst v18;
	v18 =	vld [tilespmem:$0xC20]  }
0x185: {  	v59 =	vadd.f32 v63, v59;
	v63 =	vmul.f32 $2.500000000e-01, v4;
	v4 =	vld [tilespmem:$0x1FEF0]  }
0x186: {  	v29 =	vld [tilespmem:$0xC30]  }
0x187: {  	v62 =	vmul.f32 $7.500000000e-01, v3;
	v3 =	vld [tilespmem:$0x1FF20]  }
0x188: {  	[tilespmem:$0x1090] =	vst v22;
	v22 =	vld [tilespmem:$0xC10]  }
0x189: {  	[tilespmem:$0x10A0] =	vst v23;
	v23 =	vld [tilespmem:$0xC40]  }
0x18a: {  	v37 =	vld [tilespmem:$0xC60];
	v4 =	vmul.f32 $7.500000000e-01, v4  }
0x18b: {  	[tilespmem:$0x10B0] =	vst v24;
	v24 =	vld [tilespmem:$0xC20]  }
0x18c: {  	v4 =	vadd.f32 v4, v63;
	v63 =	vmul.f32 $7.500000000e-01, v3;
	v3 =	vld [tilespmem:$0x1FF30]  }
0x18d: {  	[tilespmem:$0x10C0] =	vst v28;
	v28 =	vld [tilespmem:$0xC00]  }
0x18e: {  	[tilespmem:$0x10D0] =	vst v26;
	v26 =	vld [tilespmem:$0xC50]  }
0x18f: {  	[tilespmem:$0x10F0] =	vst v30;
	v30 =	vld [tilespmem:$0xC10]  }
0x190: {  	[tilespmem:$0x1100] =	vst v31;
	v31 =	vld [tilespmem:$0xC40]  }
0x191: {  	[tilespmem:$0x1110] =	vst v33;
	v33 =	vld [tilespmem:$0xC20];
	v3 =	vmul.f32 $2.500000000e-01, v3  }
0x192: {  	[tilespmem:$0x1120] =	vst v36;
	v36 =	vld [tilespmem:$0xC30]  }
0x193: {  	[tilespmem:$0x1260] =	vst v5;
	v5 =	vadd.f32 v62, v60;
	v62 =	vmul.f32 $2.500000000e-01, v7;
	v7 =	vadd.f32 v3, v63;
	v3 =	vld [tilespmem:$0x1FF60]  }
0x194: {  	[tilespmem:$0x1130] =	vst v34;
	v34 =	vld [tilespmem:$0xC50]  }
0x195: {  	v45 =	vld [tilespmem:$0xC60]  }
0x196: {  	[tilespmem:$0x1150] =	vst v38;
	v38 =	vld [tilespmem:$0xC40]  }
0x197: {  	[tilespmem:$0x1160] =	vst v40;
	v40 =	vld [tilespmem:$0xC70]  }
0x198: {  	[tilespmem:$0x1270] =	vst v4;
	v4 =	vmul.f32 $7.500000000e-01, v3;
	v3 =	vld [tilespmem:$0x1FF70]  }
0x199: {  	[tilespmem:$0x1170] =	vst v42;
	v42 =	vld [tilespmem:$0xC50]  }
0x19a: {  	[tilespmem:$0x1180] =	vst v44;
	v44 =	vld [tilespmem:$0xC30]  }
0x19b: {  	[tilespmem:$0x1190] =	vst v43;
	v43 =	vld [tilespmem:$0xC80]  }
0x19c: {  	[tilespmem:$0x1290] =	vst v7;
	v7 =	vld [tilespmem:$0x1FFA0]  }
0x19d: {  	v63 =	vmul.f32 $2.500000000e-01, v3;
	v3 =	vld [tilespmem:$0x1FF80]  }
0x19e: {  	v54 =	vld [tilespmem:$0xC90]  }
0x19f: {  	[tilespmem:$0x11B0] =	vst v46;
	v46 =	vld [tilespmem:$0xC40]  }
0x1a0: {  	v6 =	vmul.f32 $7.500000000e-01, v6;
	[tilespmem:$0x11C0] =	vst v48;
	v48 =	vld [tilespmem:$0xC70]  }
0x1a1: {  	[tilespmem:$0x11D0] =	vst v50;
	v50 =	vld [tilespmem:$0xC50];
	v7 =	vmul.f32 $2.500000000e-01, v7;
	v4 =	vadd.f32 v63, v4;
	v63 =	vmul.f32 $7.500000000e-01, v57  }
0x1a2: {  	[tilespmem:$0x1280] =	vst v5;
	v5 =	vadd.f32 v62, v6;
	v62 =	vmul.f32 $2.500000000e-01, v3;
	v3 =	vld [tilespmem:$0x1FF90]  }
0x1a3: {  	[tilespmem:$0x12B0] =	vst v4;
	v4 =	vadd.f32 v63, v7;
	v7 =	vld [tilespmem:$0x1FFC0]  }
0x1a4: {  	[tilespmem:$0x12A0] =	vst v5;
	v5 =	vld [tilespmem:$0x1FFB0]  }
0x1a5: {  	[tilespmem:$0x11F0] =	vst v51;
	v51 =	vld [tilespmem:$0xC80]  }
0x1a6: {  	[tilespmem:$0x1200] =	vst v52;
	v52 =	vld [tilespmem:$0xC60]  }
0x1a7: {  	[tilespmem:$0x1210] =	vst v55;
	v55 =	vld [tilespmem:$0xC70];
	v3 =	vmul.f32 $7.500000000e-01, v3  }
0x1a8: {  	[tilespmem:$0x1220] =	vst v56;
	v56 =	vld [tilespmem:$0xCA0];
	v63 =	vmul.f32 $2.500000000e-01, v41;
	v7 =	vmul.f32 $7.500000000e-01, v7  }
0x1a9: {  	[tilespmem:$0x1230] =	vst v58;
	v58 =	vld [tilespmem:$0xC80];
	v5 =	vmul.f32 $2.500000000e-01, v5;
	v3 =	vadd.f32 v3, v62;
	v62 =	vmul.f32 $7.500000000e-01, v49  }
0x1aa: {  	[tilespmem:$0x12D0] =	vst v4;
	v4 =	vadd.f32 v63, v7;
	v7 =	vld [tilespmem:$0x1FFE0]  }
0x1ab: {  	[tilespmem:$0x12C0] =	vst v3;
	v3 =	vadd.f32 v62, v5;
	v5 =	vld [tilespmem:$0x1FFD0]  }
0x1ac: {  	[tilespmem:$0x1250] =	vst v59;
	v59 =	vld [tilespmem:$0xCB0]  }
0x1ad: {  	v60 =	vld [tilespmem:$0xC60]  }
0x1ae: {  	v12 =	vmul.f32 $7.500000000e-01, v12;
	v6 =	vld [tilespmem:$0xC70]  }
0x1af: {  	v57 =	vld [tilespmem:$0xCA0];
	v63 =	vmul.f32 $2.500000000e-01, v27;
	v7 =	vmul.f32 $7.500000000e-01, v7  }
0x1b0: {  	v41 =	vld [tilespmem:$0xCB0];
	v62 =	vmul.f32 $2.500000000e-01, v35;
	v5 =	vmul.f32 $7.500000000e-01, v5  }
0x1b1: {  	v32 =	vmul.f32 $2.500000000e-01, v32;
	v47 =	vmul.f32 $7.500000000e-01, v47;
	v27 =	vld [tilespmem:$0xCC0];
	[tilespmem:$0x12F0] =	vst v4;
	v4 =	vadd.f32 v63, v7  }
0x1b2: {  	[tilespmem:$0x12E0] =	vst v3;
	v7 =	vmul.f32 $2.500000000e-01, v61;
	v61 =	vmul.f32 $7.500000000e-01, v13;
	v3 =	vadd.f32 v62, v5;
	v5 =	vld [tilespmem:$0x1FFF0]  }
0x1b3: {  	v53 =	vmul.f32 $2.500000000e-01, v53;
	v10 =	vmul.f32 $2.500000000e-01, v10;
	v49 =	vld [tilespmem:$0xC80]  }
0x1b4: {  	v9 =	vmul.f32 $2.500000000e-01, v9;
	v35 =	vld [tilespmem:$0xC90];
	[tilespmem:$0x1310] =	vst v4;
	v4 =	vadd.f32 v61, v7;
	v7 =	vmul.f32 $7.500000000e-01, v39  }
0x1b5: {  	v10 =	vadd.f32 v12, v10;
	v13 =	vld [tilespmem:$0xCD0];
	v63 =	vmul.f32 $7.500000000e-01, v18;
	v61 =	vadd.f32 v47, v53  }
0x1b6: {  	v18 =	vld [tilespmem:$0xCC0];
	v53 =	vmul.f32 $7.500000000e-01, v51;
	[tilespmem:$0x1330] =	vst v4;
	v4 =	vadd.f32 v32, v7;
	v7 =	vmul.f32 $7.500000000e-01, v11  }
0x1b7: {  	[tilespmem:$0x1380] =	vst v10;
	v47 =	vld [tilespmem:$0xC90];
	v62 =	vmul.f32 $7.500000000e-01, v20;
	v5 =	vmul.f32 $2.500000000e-01, v5  }
0x1b8: {  	v51 =	vld [tilespmem:$0xD10];
	[tilespmem:$0x1350] =	vst v4;
	v4 =	vadd.f32 v9, v7;
	v7 =	vmul.f32 $2.500000000e-01, v14;
	v9 =	vmul.f32 $7.500000000e-01, v15  }
0x1b9: {  	v20 =	vld [tilespmem:$0xCA0];
	[tilespmem:$0x1340] =	vst v61;
	v32 =	vmul.f32 $7.500000000e-01, v29;
	v62 =	vadd.f32 v62, v5  }
0x1ba: {  	v11 =	vld [tilespmem:$0xCC0];
	[tilespmem:$0x1370] =	vst v4;
	v4 =	vadd.f32 v9, v7;
	v7 =	vmul.f32 $7.500000000e-01, v19;
	v9 =	vmul.f32 $2.500000000e-01, v21  }
0x1bb: {  	v29 =	vld [tilespmem:$0xCD0];
	v61 =	vmul.f32 $7.500000000e-01, v55;
	[tilespmem:$0x1320] =	vst v62;
	v62 =	vmul.f32 $2.500000000e-01, v16  }
0x1bc: {  	v55 =	vld [tilespmem:$0xD30];
	[tilespmem:$0x1390] =	vst v4;
	v4 =	vadd.f32 v9, v7;
	v7 =	vmul.f32 $7.500000000e-01, v24;
	v9 =	vmul.f32 $2.500000000e-01, v26  }
0x1bd: {  	v22 =	vmul.f32 $7.500000000e-01, v22;
	v23 =	vmul.f32 $2.500000000e-01, v23;
	[tilespmem:$0x1300] =	vst v3;
	v3 =	vld [tilespmem:$0xCE0];
	v10 =	vadd.f32 v63, v62  }
0x1be: {  	v14 =	vld [tilespmem:$0xCD0];
	[tilespmem:$0x13B0] =	vst v4;
	v4 =	vadd.f32 v9, v7;
	v7 =	vmul.f32 $2.500000000e-01, v30;
	v9 =	vmul.f32 $7.500000000e-01, v31  }
0x1bf: {  	v28 =	vmul.f32 $2.500000000e-01, v28;
	v19 =	vld [tilespmem:$0xCF0];
	[tilespmem:$0x13A0] =	vst v10;
	v10 =	vadd.f32 v23, v22  }
0x1c0: {  	v21 =	vld [tilespmem:$0xCD0];
	[tilespmem:$0x13D0] =	vst v4;
	v4 =	vadd.f32 v9, v7;
	v7 =	vmul.f32 $7.500000000e-01, v36;
	v9 =	vmul.f32 $2.500000000e-01, v37  }
0x1c1: {  	v33 =	vmul.f32 $2.500000000e-01, v33;
	v34 =	vmul.f32 $7.500000000e-01, v34;
	v5 =	vld [tilespmem:$0xCB0];
	[tilespmem:$0x13C0] =	vst v10;
	v10 =	vadd.f32 v32, v28  }
0x1c2: {  	v24 =	vld [tilespmem:$0xD10];
	[tilespmem:$0x13F0] =	vst v4;
	v4 =	vadd.f32 v9, v7;
	v7 =	vmul.f32 $7.500000000e-01, v42;
	v9 =	vmul.f32 $2.500000000e-01, v43  }
0x1c3: {  	v40 =	vmul.f32 $2.500000000e-01, v40;
	v39 =	vmul.f32 $7.500000000e-01, v38;
	v26 =	vld [tilespmem:$0xCC0];
	[tilespmem:$0x13E0] =	vst v10;
	v10 =	vadd.f32 v34, v33  }
0x1c4: {  	v16 =	vld [tilespmem:$0xCB0];
	[tilespmem:$0x1410] =	vst v4;
	v4 =	vadd.f32 v9, v7;
	v7 =	vmul.f32 $2.500000000e-01, v46;
	v9 =	vmul.f32 $7.500000000e-01, v48  }
0x1c5: {  	v45 =	vmul.f32 $7.500000000e-01, v45;
	v44 =	vmul.f32 $2.500000000e-01, v44;
	v30 =	vld [tilespmem:$0xD00];
	[tilespmem:$0x1400] =	vst v10;
	v10 =	vadd.f32 v40, v39  }
0x1c6: {  	v31 =	vld [tilespmem:$0xCE0];
	[tilespmem:$0x1430] =	vst v4;
	v4 =	vadd.f32 v9, v7;
	v7 =	vmul.f32 $7.500000000e-01, v52;
	v9 =	vmul.f32 $2.500000000e-01, v54  }
0x1c7: {  	v50 =	vmul.f32 $2.500000000e-01, v50;
	v62 =	vmul.f32 $2.500000000e-01, v56;
	v63 =	vld [tilespmem:$0xCF0];
	[tilespmem:$0x1420] =	vst v10;
	v10 =	vadd.f32 v45, v44  }
0x1c8: {  	v56 =	vld [tilespmem:$0xD60];
	[tilespmem:$0x1450] =	vst v4;
	v4 =	vadd.f32 v9, v7;
	v7 =	vmul.f32 $7.500000000e-01, v58;
	v9 =	vmul.f32 $2.500000000e-01, v59  }
0x1c9: {  	v22 =	vld [tilespmem:$0xD00];
	[tilespmem:$0x1440] =	vst v10;
	v10 =	vadd.f32 v53, v50  }
0x1ca: {  	v6 =	vmul.f32 $2.500000000e-01, v6;
	v23 =	vld [tilespmem:$0xCE0];
	[tilespmem:$0x1470] =	vst v4;
	v4 =	vadd.f32 v9, v7;
	v7 =	vmul.f32 $7.500000000e-01, v57  }
0x1cb: {  	v8 =	vmul.f32 $7.500000000e-01, v8;
	v42 =	vmul.f32 $2.500000000e-01, v60;
	v43 =	vld [tilespmem:$0xD00];
	[tilespmem:$0x1460] =	vst v10;
	v10 =	vadd.f32 v62, v61  }
0x1cc: {  	v60 =	vld [tilespmem:$0xD40];
	[tilespmem:$0x1490] =	vst v4;
	v4 =	vadd.f32 v7, v6;
	v6 =	vmul.f32 $7.500000000e-01, v35;
	v7 =	vmul.f32 $2.500000000e-01, v27  }
0x1cd: {  	v28 =	vld [tilespmem:$0xCF0];
	v8 =	vadd.f32 v8, v42;
	v44 =	vmul.f32 $7.500000000e-01, v41;
	[tilespmem:$0x1480] =	vst v10;
	v10 =	vmul.f32 $2.500000000e-01, v49  }
0x1ce: {  	v3 =	vmul.f32 $2.500000000e-01, v3;
	v5 =	vmul.f32 $7.500000000e-01, v5;
	v32 =	vld [tilespmem:$0xD10];
	[tilespmem:$0x14B0] =	vst v4;
	v4 =	vadd.f32 v7, v6  }
0x1cf: {  	v46 =	vld [tilespmem:$0xD40];
	v48 =	vmul.f32 $2.500000000e-01, v13;
	[tilespmem:$0x14A0] =	vst v8;
	v8 =	vadd.f32 v44, v10;
	v10 =	vmul.f32 $7.500000000e-01, v20  }
0x1d0: {  	v3 =	vadd.f32 v3, v5;
	v5 =	vmul.f32 $7.500000000e-01, v14;
	v52 =	vld [tilespmem:$0xD40];
	[tilespmem:$0x14D0] =	vst v4;
	v4 =	vmul.f32 $2.500000000e-01, v25  }
0x1d1: {  	v54 =	vld [tilespmem:$0xD50];
	[tilespmem:$0x14C0] =	vst v8;
	v7 =	vadd.f32 v48, v10;
	v8 =	vmul.f32 $2.500000000e-01, v47;
	v10 =	vmul.f32 $7.500000000e-01, v11  }
0x1d2: {  	[tilespmem:$0x14F0] =	vst v3;
	v40 =	vld [tilespmem:$0xD20];
	v3 =	vadd.f32 v5, v4;
	v4 =	vmul.f32 $7.500000000e-01, v18;
	v5 =	vmul.f32 $2.500000000e-01, v19  }
0x1d3: {  	v58 =	vld [tilespmem:$0xD70];
	[tilespmem:$0x14E0] =	vst v7;
	v7 =	vadd.f32 v10, v8;
	v8 =	vmul.f32 $2.500000000e-01, v16;
	v10 =	vmul.f32 $7.500000000e-01, v17  }
0x1d4: {  	v9 =	vld [tilespmem:$0xD30];
	[tilespmem:$0x1510] =	vst v3;
	v3 =	vadd.f32 v5, v4;
	v4 =	vmul.f32 $7.500000000e-01, v23;
	v5 =	vmul.f32 $2.500000000e-01, v24  }
0x1d5: {  	v45 =	vld [tilespmem:$0xD10];
	[tilespmem:$0x1500] =	vst v7;
	v7 =	vadd.f32 v10, v8;
	v8 =	vmul.f32 $7.500000000e-01, v21;
	v10 =	vmul.f32 $2.500000000e-01, v22  }
0x1d6: {  	v6 =	vld [tilespmem:$0xD20];
	[tilespmem:$0x1530] =	vst v3;
	v3 =	vadd.f32 v5, v4;
	v4 =	vmul.f32 $2.500000000e-01, v29;
	v5 =	vmul.f32 $7.500000000e-01, v30  }
0x1d7: {  	v49 =	vld [tilespmem:$0xCF0];
	[tilespmem:$0x1520] =	vst v7;
	v7 =	vadd.f32 v10, v8;
	v8 =	vmul.f32 $2.500000000e-01, v26;
	v10 =	vmul.f32 $7.500000000e-01, v28  }
0x1d8: {  	v11 =	vld [tilespmem:$0xD00];
	[tilespmem:$0x1550] =	vst v3;
	v3 =	vadd.f32 v5, v4;
	v4 =	vmul.f32 $7.500000000e-01, v63;
	v5 =	vmul.f32 $2.500000000e-01, v40  }
0x1d9: {  	v50 =	vld [tilespmem:$0xD30];
	[tilespmem:$0x1540] =	vst v7;
	v7 =	vadd.f32 v10, v8;
	v8 =	vmul.f32 $2.500000000e-01, v31;
	v10 =	vmul.f32 $7.500000000e-01, v32  }
0x1da: {  	v59 =	vld [tilespmem:$0xD50];
	[tilespmem:$0x1570] =	vst v3;
	v3 =	vadd.f32 v5, v4;
	v4 =	vmul.f32 $7.500000000e-01, v45;
	v5 =	vmul.f32 $2.500000000e-01, v46  }
0x1db: {  	v53 =	vld [tilespmem:$0xD20];
	v9 =	vmul.f32 $2.500000000e-01, v9;
	[tilespmem:$0x1560] =	vst v7;
	v7 =	vadd.f32 v10, v8;
	v8 =	vmul.f32 $7.500000000e-01, v43  }
0x1dc: {  	v57 =	vld [tilespmem:$0xD40];
	v6 =	vmul.f32 $7.500000000e-01, v6;
	[tilespmem:$0x1590] =	vst v3;
	v3 =	vadd.f32 v5, v4  }
0x1dd: {  	v4 =	vmul.f32 $2.500000000e-01, v11;
	v11 =	vld [tilespmem:$0xD60];
	[tilespmem:$0x1580] =	vst v7;
	v7 =	vadd.f32 v9, v8;
	v8 =	vmul.f32 $2.500000000e-01, v49  }
0x1de: {  	v5 =	vmul.f32 $7.500000000e-01, v50;
	v10 =	vld [tilespmem:$0xD20]  }
0x1df: {  	v9 =	vld [tilespmem:$0xD30];
	[tilespmem:$0x15A0] =	vst v7;
	v6 =	vadd.f32 v6, v8;
	v7 =	vmul.f32 $2.500000000e-01, v51;
	v8 =	vmul.f32 $7.500000000e-01, v52  }
0x1e0: {  	v61 =	vld [tilespmem:$0xD70];
	[tilespmem:$0x15B0] =	vst v3;
	v3 =	vadd.f32 v5, v4;
	v4 =	vmul.f32 $7.500000000e-01, v53;
	v5 =	vmul.f32 $2.500000000e-01, v54  }
0x1e1: {  	v62 =	vld [tilespmem:$0xD50];
	[tilespmem:$0x15C0] =	vst v6;
	v6 =	vadd.f32 v8, v7;
	v7 =	vmul.f32 $7.500000000e-01, v55;
	v8 =	vmul.f32 $2.500000000e-01, v56  }
0x1e2: {  	v63 =	vld [tilespmem:$0xD60];
	[tilespmem:$0x15D0] =	vst v3;
	v3 =	vadd.f32 v5, v4;
	v4 =	vmul.f32 $7.500000000e-01, v57;
	v5 =	vmul.f32 $2.500000000e-01, v58  }
0x1e3: {  	[tilespmem:$0x15E0] =	vst v6;
	v6 =	vadd.f32 v8, v7;
	v7 =	vmul.f32 $2.500000000e-01, v10;
	v8 =	vmul.f32 $7.500000000e-01, v59;
	v10 =	vld [tilespmem:$0xD70]  }
0x1e4: {  	[tilespmem:$0x15F0] =	vst v3;
	v3 =	vadd.f32 v5, v4;
	v5 =	vmul.f32 $7.500000000e-01, v11;
	v4 =	vmul.f32 $2.500000000e-01, v9  }
0x1e5: {  	[tilespmem:$0x1600] =	vst v6;
	v6 =	vadd.f32 v8, v7;
	v7 =	vmul.f32 $2.500000000e-01, v60;
	v8 =	vmul.f32 $7.500000000e-01, v61  }
0x1e6: {  	[tilespmem:$0x1610] =	vst v3;
	v3 =	vadd.f32 v5, v4;
	v4 =	vmul.f32 $7.500000000e-01, v62;
	v5 =	vmul.f32 $2.500000000e-01, v62  }
0x1e7: {  	[tilespmem:$0x1620] =	vst v6;
	v6 =	vadd.f32 v8, v7;
	v7 =	vmul.f32 $7.500000000e-01, v63;
	v8 =	vmul.f32 $2.500000000e-01, v63  }
0x1e8: {  	[tilespmem:$0x1630] =	vst v3;
	v3 =	vadd.f32 v5, v4;
	v4 =	vmul.f32 $7.500000000e-01, v10;
	v5 =	vmul.f32 $2.500000000e-01, v10  }
0x1e9: {  	[tilespmem:$0x1640] =	vst v6;
	v6 =	vadd.f32 v8, v7  }
0x1ea: {  	[tilespmem:$0x1650] =	vst v3;
	v3 =	vadd.f32 v5, v4  }
0x1eb: {  	[tilespmem:$0x1660] =	vst v6  }
0x1ec: {  	s12 =	simm.s32 $0x0;
	v8 =	vld [tilespmem:$0xD80];
	[tilespmem:$0x1670] =	vst v3  }
0x1ed: {  	v7 =	vld [tilespmem:s12+$0xD80]  }
0x1ee: {  	v6 =	vld [tilespmem:s12+$0xD90]  }
0x1ef: {  	v5 =	vld [tilespmem:s12+$0xDA0]  }
0x1f0: {  	v3 =	vld [tilespmem:s12+$0xDB0]  }
0x1f1: {  	s13 =	simm.s32 $0x180;
	v4 =	vld [tilespmem:s12+$0xDC0];
	v9 =	vmov v8  }
.LBB2_5:
0x1f2: {  	p0 =	sne.s32 s13, $0x2280;
	v8 =	vmin.f32 v8, v7;
	v9 =	vmax.f32 v9, v7;
	v10 =	vld [tilespmem:s12+$0xDD0];
	s12 =	sshra.s32 s13, $0x2;
	s13 =	sadd.s32 $0x180, s13  }
.Ltmp2:
0x1f3: {  	v7 =	vld [tilespmem:s12+$0xD80];
	v8 =	vmin.f32 v8, v6;
	v9 =	vmax.f32 v9, v6;
	(pc) =	sbr.rel @p0 .LBB2_5-.Ltmp2, $4  }
0x1f4: {  	v6 =	vld [tilespmem:s12+$0xD90];
	v8 =	vmin.f32 v8, v5;
	v9 =	vmax.f32 v9, v5  }
0x1f5: {  	v5 =	vld [tilespmem:s12+$0xDA0];
	v8 =	vmin.f32 v8, v3;
	v9 =	vmax.f32 v9, v3  }
0x1f6: {  	v3 =	vld [tilespmem:s12+$0xDB0];
	v8 =	vmin.f32 v8, v4;
	v9 =	vmax.f32 v9, v4  }
0x1f7: {  	v4 =	vld [tilespmem:s12+$0xDC0];
	v8 =	vmin.f32 v8, v10;
	v9 =	vmax.f32 v9, v10  }
0x1f8: {  	v8 =	vmin.f32 v8, v7;
	v10 =	vld [tilespmem:s12+$0xDD0]  }
0x1f9: {  	v57 =	vmax.f32 v9, v7;
	v8 =	vmin.f32 v8, v6  }
0x1fa: {  	v58 =	vmax.f32 v57, v6;
	v59 =	vmin.f32 v8, v5  }
0x1fb: {  	v60 =	vmax.f32 v58, v5;
	v61 =	vmin.f32 v59, v3  }
0x1fc: {  	v3 =	vmax.f32 v60, v3;
	v62 =	vmin.f32 v61, v4  }
0x1fd: {  	v3 =	vmax.f32 v3, v4;
	v63 =	vmin.f32 v62, v10  }
0x1fe: {  	v3 =	vmax.f32 v3, v10;
	(v2sf) =	vpush v63, $0x0  }
0x1ff: {  	(v2sf) =	vpush v3, $0x0  }
0x200: {  	(v2sf) =	vpush v63, $0x1  }
0x201: {  	(v2sf) =	vpush v3, $0x1  }
0x202: {  	(v2sf) =	vpush v63, $0x2  }
0x203: {  	(v2sf) =	vpush v3, $0x2  }
0x204: {  	(v2sf) =	vpush v63, $0x3  }
0x205: {  	(v2sf) =	vpush v3, $0x3  }
0x206: {  	(v2sf) =	vpush v63, $0x4  }
0x207: {  	(v2sf) =	vpush v3, $0x4  }
0x208: {  	(v2sf) =	vpush v63, $0x5  }
0x209: {  	(v2sf) =	vpush v3, $0x5  }
0x20a: {  	(v2sf) =	vpush v63, $0x6  }
0x20b: {  	(v2sf) =	vpush v3, $0x6  }
0x20c: {  	(v2sf) =	vpush v63, $0x7  }
0x20d: {  	s18 =	spop (v2sf);
	(v2sf) =	vpush v3, $0x7  }
0x20e: {  	s13 =	spop (v2sf);
	(v2sf) =	vpush v63, $0x8  }
0x20f: {  	s14 =	spop (v2sf);
	(v2sf) =	vpush v3, $0x8  }
0x210: {  	s19 =	spop (v2sf);
	(v2sf) =	vpush v63, $0x9  }
0x211: {  	s12 =	smin.f32 s18, s14;
	s20 =	spop (v2sf);
	(v2sf) =	vpush v3, $0x9  }
0x212: {  	s13 =	smax.f32 s13, s19;
	s21 =	spop (v2sf);
	(v2sf) =	vpush v63, $0xA  }
0x213: {  	s12 =	smin.f32 s12, s20;
	s22 =	spop (v2sf);
	(v2sf) =	vpush v3, $0xA  }
0x214: {  	s13 =	smax.f32 s13, s21;
	s23 =	spop (v2sf);
	(v2sf) =	vpush v63, $0xB  }
0x215: {  	s12 =	smin.f32 s12, s22;
	s24 =	spop (v2sf);
	(v2sf) =	vpush v3, $0xB  }
0x216: {  	s13 =	smax.f32 s13, s23;
	s25 =	spop (v2sf);
	(v2sf) =	vpush v63, $0xC  }
0x217: {  	s12 =	smin.f32 s12, s24;
	s26 =	spop (v2sf);
	(v2sf) =	vpush v3, $0xC  }
0x218: {  	s13 =	smax.f32 s13, s25;
	s28 =	spop (v2sf);
	(v2sf) =	vpush v63, $0xD  }
0x219: {  	s12 =	smin.f32 s12, s26;
	s29 =	spop (v2sf);
	(v2sf) =	vpush v3, $0xD  }
0x21a: {  	s13 =	smax.f32 s13, s28;
	s30 =	spop (v2sf);
	(v2sf) =	vpush v63, $0xE  }
0x21b: {  	s12 =	smin.f32 s12, s29;
	s31 =	spop (v2sf);
	(v2sf) =	vpush v3, $0xE  }
0x21c: {  	s13 =	smax.f32 s13, s30;
	s15 =	spop (v2sf);
	(v2sf) =	vpush v63, $0xF  }
0x21d: {  	s12 =	smin.f32 s12, s31;
	s16 =	spop (v2sf);
	(v2sf) =	vpush v3, $0xF  }
0x21e: {  	s13 =	smax.f32 s13, s15;
	s15 =	spop (v2sf)  }
0x21f: {  	s12 =	smin.f32 s12, s16;
	s17 =	spop (v2sf)  }
0x220: {  	s13 =	smax.f32 s13, s15;
	s18 =	spop (v2sf)  }
0x221: {  	s12 =	smin.f32 s12, s17;
	s19 =	spop (v2sf)  }
0x222: {  	s13 =	smax.f32 s13, s18;
	s20 =	spop (v2sf)  }
0x223: {  	s12 =	smin.f32 s12, s19;
	s21 =	spop (v2sf)  }
0x224: {  	s13 =	smax.f32 s13, s20;
	s22 =	spop (v2sf)  }
0x225: {  	s12 =	smin.f32 s12, s21;
	s23 =	spop (v2sf)  }
0x226: {  	s13 =	smax.f32 s13, s22;
	s24 =	spop (v2sf)  }
0x227: {  	s12 =	smin.f32 s12, s23;
	s25 =	spop (v2sf)  }
0x228: {  	s13 =	smax.f32 s13, s24;
	s26 =	spop (v2sf)  }
0x229: {  	s12 =	smin.f32 s12, s25;
	s28 =	spop (v2sf)  }
0x22a: {  	s13 =	smax.f32 s13, s26;
	s29 =	spop (v2sf)  }
0x22b: {  	s12 =	smin.f32 s12, s28;
	s30 =	spop (v2sf)  }
0x22c: {  	s15 =	simm.s32 $0x0;
	s13 =	smax.f32 s13, s29;
	s31 =	spop (v2sf)  }
0x22d: {  	s12 =	smin.f32 s12, s30;
	s14 =	smax.f32 s13, s31;
	s13 =	simm.s32 $0x0  }
.LBB2_7:
0x22e: {  	s17 =	simm.s32 $0xDE0  }
0x22f: {  	s16 =	sadd.f32 s14, s12;
	v4 =	vld [tilespmem:s17+$0xFFFFFFA0];
	_ =	sdelay $0x1  }
0x230: {  	v5 =	vld [tilespmem:s17+$0xFFFFFFB0];
	s16 =	smul.f32 $5.000000000e-01, s16;
	_ =	sdelay $0x1  }
0x231: {  	v6 =	vld [tilespmem:s17+$0xFFFFFFC0];
	v3 =	vmov s16  }
0x232: {  	vm0 =	vlt.f32 v4, v3  }
0x233: {  	v8 =	vld [tilespmem:s17+$0xFFFFFFD0];
	v4 =	vimm.f32 $0.0e+00;
	v7 =	vsel vm0, $0x3F800000, v2  }
0x234: {  	vm7 =	vlt.f32 v5, v3;
	v4 =	vadd.f32 v7, v4  }
0x235: {  	v5 =	vsel vm7, $0x3F800000, v2;
	v7 =	vld [tilespmem:s17+$0xFFFFFFE0]  }
0x236: {  	vm8 =	vlt.f32 v6, v3;
	v4 =	vadd.f32 v5, v4  }
0x237: {  	v6 =	vld [tilespmem:s17+$0xFFFFFFF0];
	v5 =	vsel vm8, $0x3F800000, v2  }
0x238: {  	vm9 =	vlt.f32 v8, v3;
	v4 =	vadd.f32 v5, v4  }
0x239: {  	v8 =	vld [tilespmem:s17+$0x0];
	v5 =	vsel vm9, $0x3F800000, v2  }
0x23a: {  	vm10 =	vlt.f32 v7, v3;
	v4 =	vadd.f32 v5, v4  }
0x23b: {  	v7 =	vld [tilespmem:s17+$0x10];
	v5 =	vsel vm10, $0x3F800000, v2  }
0x23c: {  	s18 =	sand.u32 $0xFC0, s13;
	vm11 =	vlt.f32 v6, v3;
	v4 =	vadd.f32 v5, v4  }
0x23d: {  	v6 =	vld [tilespmem:s18+$0xE00];
	v5 =	vsel vm11, $0x3F800000, v2  }
0x23e: {  	vm12 =	vlt.f32 v8, v3;
	v4 =	vadd.f32 v5, v4  }
0x23f: {  	v8 =	vld [tilespmem:s17+$0x30];
	v5 =	vsel vm12, $0x3F800000, v2  }
0x240: {  	vm13 =	vlt.f32 v7, v3;
	v5 =	vadd.f32 v5, v4  }
0x241: {  	v7 =	vsel vm13, $0x3F800000, v2;
	v4 =	vld [tilespmem:s17+$0x40]  }
0x242: {  	vm14 =	vlt.f32 v6, v3;
	v7 =	vadd.f32 v7, v5  }
0x243: {  	v6 =	vsel vm14, $0x3F800000, v2;
	v5 =	vld [tilespmem:s17+$0x50]  }
0x244: {  	vm15 =	vlt.f32 v8, v3;
	s17 =	simm.s32 $0xEA0;
	v7 =	vadd.f32 v6, v7  }
0x245: {  	s19 =	simm.s32 $0x180;
	s18 =	simm.s32 $0xC0;
	v8 =	vsel vm15, $0x3F800000, v2;
	v6 =	vld [tilespmem:s17+$0xFFFFFFA0]  }
.LBB2_8:
0x246: {  	p0 =	sne.s32 s19, $0x840;
	v7 =	vadd.f32 v8, v7;
	vm0 =	vlt.f32 v4, v3  }
0x247: {  	v4 =	vld [tilespmem:s17+$0xFFFFFFB0];
	v8 =	vsel vm0, $0x3F800000, v2  }
0x248: {  	v7 =	vadd.f32 v8, v7;
	vm0 =	vlt.f32 v5, v3  }
0x249: {  	v5 =	vld [tilespmem:s17+$0xFFFFFFC0];
	v8 =	vsel vm0, $0x3F800000, v2  }
0x24a: {  	vm0 =	vlt.f32 v6, v3;
	v6 =	vadd.f32 v8, v7  }
0x24b: {  	v7 =	vsel vm0, $0x3F800000, v2;
	v8 =	vld [tilespmem:s17+$0xFFFFFFD0]  }
0x24c: {  	v6 =	vadd.f32 v7, v6;
	vm0 =	vlt.f32 v4, v3  }
0x24d: {  	v4 =	vsel vm0, $0x3F800000, v2;
	v7 =	vld [tilespmem:s17+$0xFFFFFFE0]  }
0x24e: {  	v4 =	vadd.f32 v4, v6;
	vm0 =	vlt.f32 v5, v3  }
0x24f: {  	v5 =	vsel vm0, $0x3F800000, v2;
	v6 =	vld [tilespmem:s17+$0xFFFFFFF0]  }
0x250: {  	v4 =	vadd.f32 v5, v4;
	vm0 =	vlt.f32 v8, v3  }
0x251: {  	v5 =	vsel vm0, $0x3F800000, v2;
	v8 =	vld [tilespmem:s17+$0x0]  }
0x252: {  	v4 =	vadd.f32 v5, v4;
	vm0 =	vlt.f32 v7, v3  }
0x253: {  	v5 =	vsel vm0, $0x3F800000, v2;
	v7 =	vld [tilespmem:s17+$0x10]  }
0x254: {  	s20 =	sand.u32 $0xFC0, s18;
	s18 =	smov.u32 s19;
	v4 =	vadd.f32 v5, v4;
	vm0 =	vlt.f32 v6, v3  }
0x255: {  	v5 =	vsel vm0, $0x3F800000, v2;
	v6 =	vld [tilespmem:s20+$0xE00]  }
0x256: {  	v4 =	vadd.f32 v5, v4;
	vm0 =	vlt.f32 v8, v3  }
0x257: {  	v5 =	vsel vm0, $0x3F800000, v2;
	v8 =	vld [tilespmem:s17+$0x30]  }
0x258: {  	v5 =	vadd.f32 v5, v4;
	vm0 =	vlt.f32 v7, v3  }
.Ltmp3:
0x259: {  	v7 =	vsel vm0, $0x3F800000, v2;
	v4 =	vld [tilespmem:s17+$0x40];
	(pc) =	sbr.rel @p0 .LBB2_8-.Ltmp3, $4  }
0x25a: {  	v7 =	vadd.f32 v7, v5;
	vm0 =	vlt.f32 v6, v3  }
0x25b: {  	v6 =	vsel vm0, $0x3F800000, v2;
	v5 =	vld [tilespmem:s17+$0x50]  }
0x25c: {  	s17 =	sadd.s32 $0xC0, s17;
	v7 =	vadd.f32 v6, v7;
	vm0 =	vlt.f32 v8, v3  }
0x25d: {  	s19 =	sadd.s32 $0xC0, s19;
	v6 =	vld [tilespmem:s17+$0xFFFFFFA0];
	v8 =	vsel vm0, $0x3F800000, v2  }
0x25e: {  	v7 =	vadd.f32 v8, v7;
	vm0 =	vlt.f32 v4, v3  }
0x25f: {  	v41 =	vld [tilespmem:s17+$0xFFFFFFB0];
	v42 =	vsel vm0, $0x3F800000, v2  }
0x260: {  	v7 =	vadd.f32 v42, v7;
	vm15 =	vlt.f32 v5, v3  }
0x261: {  	v43 =	vld [tilespmem:s17+$0xFFFFFFC0];
	v44 =	vsel vm15, $0x3F800000, v2  }
0x262: {  	vm4 =	vlt.f32 v6, v3;
	v45 =	vadd.f32 v44, v7  }
0x263: {  	v47 =	vld [tilespmem:s17+$0xFFFFFFD0];
	v46 =	vsel vm4, $0x3F800000, v2  }
0x264: {  	vm5 =	vlt.f32 v41, v3;
	v6 =	vadd.f32 v46, v45  }
0x265: {  	v48 =	vld [tilespmem:s17+$0xFFFFFFE0];
	v4 =	vsel vm5, $0x3F800000, v2  }
0x266: {  	vm6 =	vlt.f32 v43, v3;
	v4 =	vadd.f32 v4, v6  }
0x267: {  	v49 =	vld [tilespmem:s17+$0xFFFFFFF0];
	v5 =	vsel vm6, $0x3F800000, v2  }
0x268: {  	vm7 =	vlt.f32 v47, v3;
	v4 =	vadd.f32 v5, v4  }
0x269: {  	v51 =	vld [tilespmem:s17+$0x0];
	v50 =	vsel vm7, $0x3F800000, v2  }
0x26a: {  	vm8 =	vlt.f32 v48, v3;
	v4 =	vadd.f32 v50, v4  }
0x26b: {  	v53 =	vld [tilespmem:s17+$0x10];
	v52 =	vsel vm8, $0x3F800000, v2  }
0x26c: {  	s18 =	sand.u32 $0xFC0, s18;
	vm9 =	vlt.f32 v49, v3;
	v4 =	vadd.f32 v52, v4  }
0x26d: {  	v55 =	vld [tilespmem:s18+$0xE00];
	v54 =	vsel vm9, $0x3F800000, v2  }
0x26e: {  	vm10 =	vlt.f32 v51, v3;
	v4 =	vadd.f32 v54, v4  }
0x26f: {  	v57 =	vld [tilespmem:s17+$0x30];
	v56 =	vsel vm10, $0x3F800000, v2  }
0x270: {  	vm11 =	vlt.f32 v53, v3;
	v4 =	vadd.f32 v56, v4  }
0x271: {  	v59 =	vld [tilespmem:s17+$0x40];
	v58 =	vsel vm11, $0x3F800000, v2  }
0x272: {  	vm12 =	vlt.f32 v55, v3;
	v4 =	vadd.f32 v58, v4  }
0x273: {  	v61 =	vld [tilespmem:s17+$0x50];
	v60 =	vsel vm12, $0x3F800000, v2  }
0x274: {  	vm13 =	vlt.f32 v57, v3;
	v4 =	vadd.f32 v60, v4  }
0x275: {  	v62 =	vsel vm13, $0x3F800000, v2  }
0x276: {  	vm14 =	vlt.f32 v59, v3;
	v4 =	vadd.f32 v62, v4  }
0x277: {  	v63 =	vsel vm14, $0x3F800000, v2  }
0x278: {  	vm15 =	vlt.f32 v61, v3;
	v4 =	vadd.f32 v63, v4  }
0x279: {  	v3 =	vsel vm15, $0x3F800000, v2  }
0x27a: {  	v3 =	vadd.f32 v3, v4;
	_ =	sdelay $0x1  }
0x27b: {  	(v2sf) =	vpush v3, $0x0  }
0x27c: {  	(v2sf) =	vpush v3, $0x1;
	_ =	sdelay $0x1  }
0x27d: {  	(v2sf) =	vpush v3, $0x2;
	_ =	sdelay $0x1  }
0x27e: {  	(v2sf) =	vpush v3, $0x3;
	_ =	sdelay $0x1  }
0x27f: {  	(v2sf) =	vpush v3, $0x4;
	_ =	sdelay $0x1  }
0x280: {  	(v2sf) =	vpush v3, $0x5;
	_ =	sdelay $0x1  }
0x281: {  	(v2sf) =	vpush v3, $0x6;
	_ =	sdelay $0x1  }
0x282: {  	(v2sf) =	vpush v3, $0x7;
	_ =	sdelay $0x1  }
0x283: {  	s28 =	spop (v2sf);
	(v2sf) =	vpush v3, $0x8  }
0x284: {  	s29 =	spop (v2sf)  }
0x285: {  	(v2sf) =	vpush v3, $0x9;
	s17 =	sadd.f32 s29, s28  }
0x286: {  	s30 =	spop (v2sf)  }
0x287: {  	(v2sf) =	vpush v3, $0xA;
	s17 =	sadd.f32 s17, s30  }
0x288: {  	s31 =	spop (v2sf)  }
0x289: {  	(v2sf) =	vpush v3, $0xB;
	s17 =	sadd.f32 s17, s31  }
0x28a: {  	s19 =	spop (v2sf)  }
0x28b: {  	(v2sf) =	vpush v3, $0xC;
	s17 =	sadd.f32 s17, s19  }
0x28c: {  	s20 =	spop (v2sf)  }
0x28d: {  	(v2sf) =	vpush v3, $0xD;
	s17 =	sadd.f32 s17, s20  }
0x28e: {  	s21 =	spop (v2sf)  }
0x28f: {  	(v2sf) =	vpush v3, $0xE;
	s17 =	sadd.f32 s17, s21  }
0x290: {  	s22 =	spop (v2sf)  }
0x291: {  	(v2sf) =	vpush v3, $0xF;
	s17 =	sadd.f32 s17, s22  }
0x292: {  	s23 =	spop (v2sf)  }
0x293: {  	s17 =	sadd.f32 s17, s23  }
0x294: {  	s24 =	spop (v2sf)  }
0x295: {  	s17 =	sadd.f32 s17, s24  }
0x296: {  	s25 =	spop (v2sf)  }
0x297: {  	s17 =	sadd.f32 s17, s25  }
0x298: {  	s26 =	spop (v2sf)  }
0x299: {  	s17 =	sadd.f32 s17, s26  }
0x29a: {  	s28 =	spop (v2sf)  }
0x29b: {  	s17 =	sadd.f32 s17, s28  }
0x29c: {  	s29 =	spop (v2sf)  }
0x29d: {  	s17 =	sadd.f32 s17, s29  }
0x29e: {  	s30 =	spop (v2sf)  }
0x29f: {  	s17 =	sadd.f32 s17, s30  }
0x2a0: {  	s31 =	spop (v2sf)  }
0x2a1: {  	s17 =	sadd.f32 s17, s31;
	_ =	sdelay $0x1  }
0x2a2: {  	p0 =	sle.f32 s17, $1.612000000e+03  }
0x2a3: {  	s15 =	sadd.s32 $0x1, s15  }
0x2a4: {  	s12 =	smov.u32 @p0 s16;
	s16 =	smov.u32 @p0 s14;
	p0 =	seq.s32 s15, $0x12  }
.Ltmp4:
0x2a5: {  	_ = 	snop;
	(pc) =	sbr.rel @!p0 .LBB2_7-.Ltmp4, $2  }
0x2a6: {  	_ =	sdelay $0x2  }
0x2a7: {  	s14 =	smov.u32 s16  }
0x2a8: {  	s13 =	simm.s32 $0x0  }
0x2a9: {  	v4 =	vld [tilespmem:s13+$0xDC0];
	_ =	sdelay $0x3  }
0x2aa: {  	v3 =	vmov s12;
	v5 =	vld [tilespmem:s13+$0xD90]  }
0x2ab: {  	v4 =	vsub.f32 v4, v3  }
0x2ac: {  	v6 =	vld [tilespmem:s13+$0xDB0]  }
0x2ad: {  	v7 =	vld [tilespmem:s13+$0xDD0];
	v4 =	vmul.f32 $-1.000000000e+01, v4;
	_ =	sdelay $0x1  }
0x2ae: {  	v8 =	vld [tilespmem:s13+$0xDA0];
	v5 =	vsub.f32 v5, v3;
	v4 =	vmul.f32 $1.442695020e+00, v4  }
0x2af: {  	s12 =	simm.s32 $0x60;
	v9 =	vld [tilespmem:s13+$0xD80]  }
0x2b0: {  	v6 =	vsub.f32 v6, v3;
	v5 =	vmul.f32 $-1.000000000e+01, v5;
	(erf) = vpow2.f32 v4;
	v4 =	vld [tilespmem:s12+$0xDC0]  }
0x2b1: {  	v10 =	vld [tilespmem:s12+$0xDD0];
	v7 =	vsub.f32 v7, v3  }
0x2b2: {  	v6 =	vmul.f32 $-1.000000000e+01, v6;
	v5 =	vmul.f32 $1.442695020e+00, v5  }
0x2b3: {  	v11 =	vld [tilespmem:s12+$0xDA0];
	v8 =	vsub.f32 v8, v3;
	v7 =	vmul.f32 $-1.000000000e+01, v7  }
0x2b4: {  	v6 =	vmul.f32 $1.442695020e+00, v6;
	(erf) = vpow2.f32 v5;
	v5 =	vsub.f32 v9, v3  }
0x2b5: {  	v8 =	vmul.f32 $-1.000000000e+01, v8;
	v7 =	vmul.f32 $1.442695020e+00, v7;
	v4 =	vsub.f32 v4, v3  }
0x2b6: {  	v10 =	vsub.f32 v10, v3;
	v9 =	vld [tilespmem:s12+$0xD90];
	(erf) = vpow2.f32 v6;
	v5 =	vmul.f32 $-1.000000000e+01, v5  }
0x2b7: {  	v6 =	vld [tilespmem:s12+$0xDB0];
	(erf) = vpow2.f32 v7;
	v4 =	vmul.f32 $-1.000000000e+01, v4  }
0x2b8: {  	v11 =	vsub.f32 v11, v3;
	v10 =	vmul.f32 $-1.000000000e+01, v10;
	v7 =	vmul.f32 $1.442695020e+00, v8;
	v8 =	vld [tilespmem:s12+$0xD80]  }
0x2b9: {  	v5 =	vmul.f32 $1.442695020e+00, v5;
	v4 =	vmul.f32 $1.442695020e+00, v4  }
0x2ba: {  	v11 =	vmul.f32 $-1.000000000e+01, v11  }
0x2bb: {  	v10 =	vmul.f32 $1.442695020e+00, v10;
	v9 =	vsub.f32 v9, v3;
	(erf) = vpow2.f32 v5;
	v12 =	vpop (erf)  }
0x2bc: {  	s14 =	simm.s32 $0xC0;
	v5 =	vsub.f32 v6, v3;
	(erf) = vpow2.f32 v7;
	v6 =	vadd.f32 $1.000000000e+00, v12  }
0x2bd: {  	v7 =	vsub.f32 v8, v3;
	v8 =	vmul.f32 $-1.000000000e+01, v9;
	v12 =	vld [tilespmem:s14+$0xDC0];
	(erf) = vpow2.f32 v4;
	v4 =	vpop (erf)  }
0x2be: {  	v13 =	vld [tilespmem:s14+$0xDA0];
	v5 =	vmul.f32 $-1.000000000e+01, v5;
	(erf) = vrcp.f32 v6;
	v4 =	vadd.f32 $1.000000000e+00, v4  }
0x2bf: {  	v9 =	vld [tilespmem:s14+$0xDD0];
	v8 =	vmul.f32 $1.442695020e+00, v8;
	v6 =	vmul.f32 $1.442695020e+00, v11;
	v11 =	vpop (erf)  }
0x2c0: {  	v14 =	vld [tilespmem:s14+$0xD90];
	v15 =	vpop (erf);
	(erf) = vrcp.f32 v4;
	v4 =	vmul.f32 $1.442695020e+00, v5  }
0x2c1: {  	v7 =	vmul.f32 $-1.000000000e+01, v7;
	v5 =	vadd.f32 $1.000000000e+00, v15;
	(erf) = vpow2.f32 v8;
	v8 =	vld [tilespmem:s14+$0xDB0]  }
0x2c2: {  	(erf) = vpow2.f32 v4;
	v4 =	vadd.f32 $1.000000000e+00, v11;
	v11 =	vsub.f32 v12, v3  }
0x2c3: {  	v7 =	vmul.f32 $1.442695020e+00, v7;
	v12 =	vsub.f32 v13, v3  }
0x2c4: {  	v9 =	vsub.f32 v9, v3;
	(erf) = vpow2.f32 v10;
	v10 =	vpop (erf);
	v11 =	vmul.f32 $-1.000000000e+01, v11  }
0x2c5: {  	v13 =	vsub.f32 v14, v3;
	v14 =	vpop (erf);
	(erf) = vrcp.f32 v5;
	v12 =	vmul.f32 $-1.000000000e+01, v12  }
0x2c6: {  	v15 =	vld [tilespmem:s14+$0xD80];
	v5 =	vpop (erf);
	(erf) = vrcp.f32 v4;
	v4 =	vsub.f32 v8, v3;
	v8 =	vmul.f32 $1.442695020e+00, v11  }
0x2c7: {  	s15 =	simm.s32 $0x120;
	v13 =	vmul.f32 $-1.000000000e+01, v13;
	(erf) = vpow2.f32 v7;
	v7 =	vpop (erf)  }
0x2c8: {  	v9 =	vmul.f32 $-1.000000000e+01, v9;
	v10 =	vadd.f32 $1.000000000e+00, v10;
	v11 =	vld [tilespmem:s15+$0xDD0];
	[tilespmem:s13+$0x16C0] =	vst v7  }
0x2c9: {  	v13 =	vmul.f32 $1.442695020e+00, v13;
	(erf) = vpow2.f32 v6;
	v6 =	vadd.f32 $1.000000000e+00, v14;
	v14 =	vld [tilespmem:s15+$0xDC0]  }
0x2ca: {  	v5 =	vadd.f32 $1.000000000e+00, v5;
	v7 =	vmul.f32 $-1.000000000e+01, v4;
	(erf) = vpow2.f32 v8;
	v8 =	vpop (erf)  }
0x2cb: {  	v15 =	vsub.f32 v15, v3;
	v4 =	vmul.f32 $1.442695020e+00, v12;
	(erf) = vrcp.f32 v10;
	v12 =	vpop (erf);
	[tilespmem:s13+$0x1690] =	vst v8  }
0x2cc: {  	v7 =	vmul.f32 $1.442695020e+00, v7;
	(erf) = vrcp.f32 v6;
	v8 =	vld [tilespmem:s15+$0xD90];
	v12 =	vadd.f32 $1.000000000e+00, v12  }
0x2cd: {  	v10 =	vmul.f32 $-1.000000000e+01, v15;
	v11 =	vsub.f32 v11, v3;
	v6 =	vpop (erf);
	v15 =	vld [tilespmem:s15+$0xDA0];
	(erf) = vrcp.f32 v5  }
0x2ce: {  	v18 =	vld [tilespmem:s15+$0xD80];
	v5 =	vpop (erf);
	v20 =	vadd.f32 $1.000000000e+00, v6;
	v6 =	vsub.f32 v14, v3;
	(erf) = vrcp.f32 v12  }
0x2cf: {  	v17 =	vadd.f32 $1.000000000e+00, v5;
	v5 =	vmul.f32 $1.442695020e+00, v9;
	v9 =	vpop (erf);
	(erf) = vpow2.f32 v13  }
0x2d0: {  	v16 =	vld [tilespmem:s15+$0xDB0];
	(erf) = vpow2.f32 v7;
	v7 =	vpop (erf)  }
0x2d1: {  	[tilespmem:s13+$0x16D0] =	vst v9;
	v9 =	vmul.f32 $-1.000000000e+01, v6;
	(erf) = vpow2.f32 v5;
	v13 =	vpop (erf)  }
0x2d2: {  	v19 =	vmul.f32 $1.442695020e+00, v10;
	v10 =	vsub.f32 v8, v3;
	v14 =	vsub.f32 v15, v3;
	v12 =	vpop (erf)  }
0x2d3: {  	v5 =	vmul.f32 $-1.000000000e+01, v11;
	[tilespmem:s13+$0x16B0] =	vst v7;
	v7 =	vsub.f32 v18, v3;
	(erf) = vrcp.f32 v17;
	v11 =	vpop (erf)  }
0x2d4: {  	v8 =	vadd.f32 $1.000000000e+00, v13;
	v6 =	vmul.f32 $-1.000000000e+01, v14;
	(erf) = vrcp.f32 v20;
	v15 =	vpop (erf)  }
0x2d5: {  	s16 =	simm.s32 $0x600;
	v13 =	vsub.f32 v16, v3;
	v14 =	vmul.f32 $1.442695020e+00, v9;
	(erf) = vpow2.f32 v19;
	[tilespmem:s13+$0x1680] =	vst v15;
	v9 =	vpop (erf)  }
.LBB2_11:
0x2d6: {  	s17 =	sshra.s32 s16, $0x2;
	p0 =	sne.s32 s16, $0x2280;
	s16 =	sadd.s32 $0x180, s16;
	v10 =	vmul.f32 $-1.000000000e+01, v10;
	(erf) = vpow2.f32 v4;
	v12 =	vadd.f32 $1.000000000e+00, v12;
	v4 =	vpop (erf);
	[tilespmem:s13+$0x16A0] =	vst v9  }
0x2d7: {  	v13 =	vmul.f32 $-1.000000000e+01, v13;
	v16 =	vadd.f32 $1.000000000e+00, v11;
	s13 =	smov.u32 s12;
	v9 =	vld [tilespmem:s17+$0xDD0];
	(erf) = vpow2.f32 v14;
	[tilespmem:s12+$0x16C0] =	vst v4;
	v14 =	vpop (erf);
	s12 =	smov.u32 s14;
	s14 =	smov.u32 s15  }
0x2d8: {  	v4 =	vmul.f32 $1.442695020e+00, v6;
	s15 =	smov.u32 s17;
	v15 =	vld [tilespmem:s17+$0xDC0];
	v6 =	vpop (erf);
	[tilespmem:s13+$0x1690] =	vst v14;
	(erf) = vrcp.f32 v8  }
0x2d9: {  	v7 =	vmul.f32 $-1.000000000e+01, v7;
	v8 =	vld [tilespmem:s15+$0xD90];
	v6 =	vadd.f32 $1.000000000e+00, v6;
	v14 =	vpop (erf);
	(erf) = vrcp.f32 v12  }
0x2da: {  	v10 =	vmul.f32 $1.442695020e+00, v10;
	v12 =	vld [tilespmem:s15+$0xDA0];
	(erf) = vrcp.f32 v16;
	v11 =	vpop (erf)  }
0x2db: {  	v20 =	vmul.f32 $1.442695020e+00, v13;
	v16 =	vld [tilespmem:s15+$0xDB0];
	v17 =	vadd.f32 $1.000000000e+00, v11;
	(erf) = vrcp.f32 v6  }
0x2dc: {  	v5 =	vmul.f32 $1.442695020e+00, v5;
	v18 =	vld [tilespmem:s15+$0xD80];
	v6 =	vsub.f32 v9, v3;
	(erf) = vpow2.f32 v10;
	v9 =	vpop (erf)  }
0x2dd: {  	v19 =	vmul.f32 $1.442695020e+00, v7;
	v7 =	vadd.f32 $1.000000000e+00, v14;
	(erf) = vpow2.f32 v20;
	[tilespmem:s13+$0x16D0] =	vst v9;
	v9 =	vpop (erf)  }
.Ltmp5:
0x2de: {  	v15 =	vsub.f32 v15, v3;
	(erf) = vpow2.f32 v5;
	v13 =	vpop (erf);
	[tilespmem:s13+$0x16B0] =	vst v9;
	(pc) =	sbr.rel @p0 .LBB2_11-.Ltmp5, $4  }
0x2df: {  	v10 =	vsub.f32 v8, v3;
	v5 =	vmul.f32 $-1.000000000e+01, v6;
	v20 =	vsub.f32 v12, v3;
	v12 =	vpop (erf)  }
0x2e0: {  	v14 =	vmul.f32 $-1.000000000e+01, v15;
	v8 =	vadd.f32 $1.000000000e+00, v13;
	v11 =	vpop (erf);
	(erf) = vrcp.f32 v17  }
0x2e1: {  	v13 =	vsub.f32 v16, v3;
	v6 =	vmul.f32 $-1.000000000e+01, v20;
	(erf) = vrcp.f32 v7;
	v9 =	vpop (erf)  }
0x2e2: {  	v7 =	vsub.f32 v18, v3;
	v14 =	vmul.f32 $1.442695020e+00, v14;
	(erf) = vpow2.f32 v19;
	[tilespmem:s13+$0x1680] =	vst v9;
	v9 =	vpop (erf)  }
0x2e3: {  	(erf) = vpow2.f32 v4;
	v3 =	vpop (erf)  }
0x2e4: {  	v38 =	vadd.f32 $1.000000000e+00, v12;
	(erf) = vpow2.f32 v14;
	v39 =	vpop (erf)  }
0x2e5: {  	v10 =	vmul.f32 $-1.000000000e+01, v10;
	v11 =	vadd.f32 $1.000000000e+00, v11;
	v40 =	vpop (erf);
	(erf) = vrcp.f32 v8  }
0x2e6: {  	v41 =	vmul.f32 $-1.000000000e+01, v13;
	v42 =	vadd.f32 $1.000000000e+00, v40;
	(erf) = vrcp.f32 v38  }
0x2e7: {  	v10 =	vmul.f32 $1.442695020e+00, v10;
	v43 =	vpop (erf);
	(erf) = vrcp.f32 v11  }
0x2e8: {  	v8 =	vmul.f32 $1.442695020e+00, v41;
	v44 =	vpop (erf);
	(erf) = vrcp.f32 v42  }
0x2e9: {  	v5 =	vmul.f32 $1.442695020e+00, v5;
	(erf) = vpow2.f32 v10;
	v45 =	vpop (erf)  }
0x2ea: {  	v7 =	vmul.f32 $-1.000000000e+01, v7;
	v11 =	vadd.f32 $1.000000000e+00, v44;
	(erf) = vpow2.f32 v8;
	v46 =	vpop (erf)  }
0x2eb: {  	v4 =	vadd.f32 $1.000000000e+00, v43;
	(erf) = vpow2.f32 v5;
	v47 =	vpop (erf)  }
0x2ec: {  	v7 =	vmul.f32 $1.442695020e+00, v7;
	v48 =	vpop (erf);
	(erf) = vrcp.f32 v11  }
0x2ed: {  	v6 =	vmul.f32 $1.442695020e+00, v6;
	v49 =	vpop (erf);
	(erf) = vrcp.f32 v4  }
0x2ee: {  	v50 =	vpop (erf);
	(erf) = vpow2.f32 v7  }
0x2ef: {  	v51 =	vpop (erf);
	(erf) = vpow2.f32 v6  }
0x2f0: {  	v52 =	vpop (erf)  }
0x2f1: {  	v53 =	vpop (erf)  }
0x2f2: {  	v5 =	vadd.f32 $1.000000000e+00, v47;
	v15 =	vpop (erf)  }
0x2f3: {  	[tilespmem:s13+$0x16A0] =	vst v9;
	v54 =	vadd.f32 $1.000000000e+00, v48;
	v55 =	vpop (erf)  }
0x2f4: {  	[tilespmem:s12+$0x16C0] =	vst v3;
	v3 =	vadd.f32 $1.000000000e+00, v49;
	(erf) = vrcp.f32 v5;
	v56 =	vpop (erf)  }
0x2f5: {  	[tilespmem:s12+$0x1690] =	vst v39;
	(erf) = vrcp.f32 v54;
	v57 =	vadd.f32 $1.000000000e+00, v15;
	v58 =	vpop (erf)  }
0x2f6: {  	[tilespmem:s12+$0x16D0] =	vst v45;
	(erf) = vrcp.f32 v3;
	v3 =	vadd.f32 $1.000000000e+00, v56;
	v59 =	vpop (erf)  }
0x2f7: {  	[tilespmem:s12+$0x16B0] =	vst v46;
	v60 =	vadd.f32 $1.000000000e+00, v55;
	(erf) = vrcp.f32 v57;
	v61 =	vpop (erf)  }
0x2f8: {  	[tilespmem:s12+$0x1680] =	vst v50;
	(erf) = vrcp.f32 v3;
	v62 =	vpop (erf);
	v10 =	vadd.f32 $1.000000000e+00, v61  }
0x2f9: {  	[tilespmem:s12+$0x16A0] =	vst v51;
	(erf) = vrcp.f32 v60;
	v3 =	vadd.f32 $1.000000000e+00, v62  }
0x2fa: {  	[tilespmem:s14+$0x16C0] =	vst v52;
	(erf) = vrcp.f32 v10  }
0x2fb: {  	[tilespmem:s14+$0x1690] =	vst v53;
	(erf) = vrcp.f32 v3  }
0x2fc: {  	[tilespmem:s14+$0x16D0] =	vst v58  }
0x2fd: {  	[tilespmem:s14+$0x16B0] =	vst v59;
	v3 =	vpop (erf)  }
0x2fe: {  	[tilespmem:s14+$0x1680] =	vst v3;
	v3 =	vpop (erf)  }
0x2ff: {  	v63 =	vpop (erf);
	[tilespmem:s14+$0x16A0] =	vst v3  }
0x300: {  	[tilespmem:s15+$0x16C0] =	vst v63;
	v3 =	vpop (erf)  }
0x301: {  	[tilespmem:s15+$0x1690] =	vst v3;
	v3 =	vpop (erf)  }
0x302: {  	[tilespmem:s15+$0x16D0] =	vst v3;
	v3 =	vpop (erf)  }
0x303: {  	s2 =	sadd.s32 $0x1, s2;
	[tilespmem:s15+$0x16B0] =	vst v3;
	v3 =	vpop (erf)  }
0x304: {  	p0 =	sne.s32 s2, s6;
	[tilespmem:s15+$0x1680] =	vst v3;
	v3 =	vpop (erf)  }
.Ltmp6:
0x305: {  	[tilespmem:s15+$0x16A0] =	vst v3;
	(pc) =	sbr.rel @p0 .LBB2_2-.Ltmp6, $4  }
0x306: {  	[hbm4b:s4+s7] =	stream.strided.scatter [tilespmem:s11], [sflag:$0x1], $0x900, s8, s7, $0x38;
	[tilespmem:$0x1F80] =	vst v63  }
0x307: {  	_ =	swait.ge [sflag:s9], $0x900  }
0x308: {  	[sflag:s9] =	ssyncset.done $0x0  }
0x309: {  	[sflag:s9] =	ssyncadd.s32 $0xFFFFF700  }
.LBB2_13:
0x30a: {  	_ =	sfence.sel $0x180000  }
0x30b: {  	[bflag:$0x0] =	sbarrier.arrive $0xFFFF  }
0x30c: {  	p0 =	sne.s32 s1, $0x0;
	_ =	strace $0x90000047  }
0x30d: {  	s0 =	sadd.s32 @!p0 $0x100000, s0;
	[bflag:$0x2] =	sbarrier.arrive $0xFFFF  }
0x30e: {  	[sflag:s0] =	ssyncadd.tile.s32 @!p0 $0x1;
	_ =	shalt  }
.Lfunc_end2:
_tile_overlayer_lowered:
.L_overlay_start_2:
0x30f: {  	(tag) =	ssettag $0x2  }
0x310: {  	s0 =	rddreg [dreg:$0x0];
	s2 =	stileid.u32  }
0x311: {  	s1 =	rddreg [dreg:$0x1];
	p0 =	sne.s32 s2, $0x0  }
0x312: {  	s3 =	rddreg [dreg:$0x2];
	[bflag:$0x3] =	sbarrier.arrive $0xFFFF;
	s2 =	simm.s32 @!p0 $0x1C01  }
0x313: {  	[timem:s3], [sflag:s2] =	dma.local @!p0 [hbm:s0], s1  }
0x314: {  	s0 =	simm.s32 @!p0 $0x1  }
0x315: {  	_ =	swait.ge @!p0 [sflag:s0], s1  }
0x316: {  	s1 =	ssub.s32 @!p0 $0x0, s1;
	[sflag:s0] =	ssyncset.done @!p0 $0x0  }
0x317: {  	[sflag:s0] =	ssyncadd.s32 @!p0 s1  }
0x318: {  	[bflag:$0x3] =	sbarrier.arrive $0xFFFF  }
0x319: {  	_ =	shalt  }

</sc_bundles>
